<compile_context>
chip_gen: v7x
topology: tpu7x:2x2x1
jax: 0.10.2.dev20260603
libtpu: 0.0.44.dev20260713+nightly
codegen_flags: <defaults>
</compile_context>

<pallas_src>
import functools

import jax
import jax.numpy as jnp
from jax import lax
from jax.experimental import pallas as pl
from jax.experimental.pallas import tpu as pltpu
from jax.experimental.pallas import tpu_sc as plsc

_W = 4
_K = 12
_TW = 253
_T = 256
_IMIN = -2147483648
_NEG = float("-inf")

_NBC = 1024
_NBC_SC = 288
_NW = 32
_ROWS_SC = _NBC_SC * 128
_RPW = _ROWS_SC // _NW
_RC = 128
_NCH = _RPW // _RC

_R = 1024
_TILES0 = _ROWS_SC // _R


def _tc_body(x_ref, o_ref):
    xv = x_ref[...].reshape(_R, _T)
    w = xv
    w += jnp.concatenate([xv[:, 1:], xv[:, :1]], axis=1)
    w += jnp.concatenate([xv[:, 2:], xv[:, :2]], axis=1)
    w += jnp.concatenate([xv[:, 3:], xv[:, :3]], axis=1)
    bits = jax.lax.bitcast_convert_type(w, jnp.int32)
    key = jnp.where(bits < 0, bits ^ 0x7FFFFFFF, bits)
    t = jax.lax.broadcasted_iota(jnp.int32, (_R, _T), 1)
    key = (key & -256) | t
    key = jnp.where(t < _TW, key, _IMIN)
    kt = key.T

    v = kt.reshape(16, 2, 8, _R)
    a, b = v[:, 0], v[:, 1]
    p = jnp.maximum(a, b)
    mn = jnp.minimum(a, b)
    acc = jnp.zeros((1, 1, _R), jnp.float32)
    for _ in range(_K):
        m = jnp.max(p, axis=(0, 1), keepdims=True)
        kv = m & -256
        vbits = jnp.where(kv < 0, kv ^ 0x7FFFFFFF, kv)
        acc += jax.lax.bitcast_convert_type(vbits, jnp.float32)
        eq = p == m
        p = jnp.where(eq, mn, p)
        mn = jnp.where(eq, _IMIN, mn)
    zz = jnp.mean(acc.reshape(_R // 128, 128), axis=1) * (1.0 / (_K * _W))
    o_ref[0] = jnp.broadcast_to(zz[:, None], (_R // 128, 128))


def _tc_call(x):
    ntc = _NBC - _NBC_SC
    xr = x.reshape(_NBC * 128 // _R, _R, _T)
    grid = ntc * 128 // _R
    out = pl.pallas_call(
        _tc_body,
        grid=(grid,),
        in_specs=[pl.BlockSpec((1, _R, _T), lambda i: (i + _TILES0, 0, 0))],
        out_specs=pl.BlockSpec((1, _R // 128, 128), lambda i: (i, 0, 0)),
        out_shape=jax.ShapeDtypeStruct((grid, _R // 128, 128), jnp.float32),
    )(xr)
    return out[:, :, 0].reshape(ntc)


def _sc_insert(s, w):
    out = []
    for i in range(_K):
        hi = jnp.maximum(s[i], w)
        w = jnp.minimum(s[i], w)
        out.append(hi)
    return out


def _sc_body(x_hbm, o_hbm, buf, obuf):
    wid = lax.axis_index("s") * 2 + lax.axis_index("c")

    def chunk(ci, _):
        base = wid * _RPW + ci * _RC
        pltpu.sync_copy(x_hbm.at[pl.ds(base * _T, _RC * _T)], buf)
        psum = jnp.zeros((16,), jnp.float32)
        for g in range(_RC // 16):
            rowv = (g * 16 + lax.iota(jnp.int32, 16)) * _T
            a = [plsc.load_gather(buf, [rowv + t]) for t in range(4)]
            w = a[0] + a[1] + a[2] + a[3]
            s = [jnp.full((16,), _NEG, jnp.float32) for _ in range(_K)]
            s = _sc_insert(s, w)

            def tstep(j, carry):
                w, a0, a1, a2, a3, tv, *s = carry
                aa = [a0, a1, a2, a3]
                nw = []
                for u in range(4):
                    xn = plsc.load_gather(buf, [rowv + tv])
                    tv = tv + 1
                    w = w + xn - aa[u]
                    s = _sc_insert(s, w)
                    nw.append(xn)
                return (w, nw[0], nw[1], nw[2], nw[3], tv, *s)

            tv0 = jnp.full((16,), 4, jnp.int32)
            carry = (w, a[0], a[1], a[2], a[3], tv0, *s)
            carry = lax.fori_loop(0, 63, tstep, carry)
            s = list(carry[6:])
            z = s[0]
            for i in range(1, _K):
                z = z + s[i]
            psum = psum + z
        obuf[pl.ds(pl.multiple_of(ci * 16, 8), 16)] = psum
        return 0

    lax.fori_loop(0, _NCH, chunk, 0)
    pltpu.sync_copy(obuf, o_hbm.at[pl.ds(wid * _NCH * 16, _NCH * 16)])


def _sc_call(x):
    xs = x.reshape(_NBC * 128, _T)[:_ROWS_SC]
    x2 = xs.reshape(_ROWS_SC * _T)
    mesh = plsc.VectorSubcoreMesh(core_axis_name="c", subcore_axis_name="s")
    k = functools.partial(
        pl.kernel,
        out_type=jax.ShapeDtypeStruct((_NBC_SC * 16,), jnp.float32),
        mesh=mesh,
        scratch_types=[
            pltpu.VMEM((_RC * _T,), jnp.float32),
            pltpu.VMEM((_NCH * 16,), jnp.float32),
        ],
        compiler_params=pltpu.CompilerParams(
            use_tc_tiling_on_sc=False, needs_layout_passes=False),
    )(_sc_body)
    out = k(x2)
    return jnp.sum(out.reshape(_NBC_SC, 16), axis=1) * (1.0 / (128 * _K * _W))


@jax.jit
def kernel(x):
    B, C, F, T = x.shape
    z_sc = _sc_call(x)
    z_tc = _tc_call(x)
    return jnp.concatenate([z_sc, z_tc]).reshape(B, C)

# --- scband reference (transcript-rebuilt; emitter-appended) ---
"""Pipeline reference for scband-ssrp-t-68032281968787 (READ-ONLY COPY).

The authoritative reference and input builder live on the scoring server;
editing this copy changes nothing except your own understanding.
"""

import jax, jax.numpy as jnp
import numpy as np

W = 4
K = 12


def setup_inputs(seed: int = 0) -> dict:
    key = jax.random.key(seed)
    x = jax.random.normal(key, (8, 128, 128, 256), dtype=jnp.float32)
    return {"x": x}


def reference(x):
    # x: (B, C, F, T)
    B, C, Freq, T = x.shape
    # Step 1: moving mean over time with window W (avg_pool1d kernel=W stride=1, VALID)
    wmean = jax.lax.reduce_window(
        x, 0.0, jax.lax.add,
        window_dimensions=(1, 1, 1, W),
        window_strides=(1, 1, 1, 1),
        padding='VALID',
    ) / float(W)
    Tw = wmean.shape[-1]
    # Step 2: top-K window means along time
    k_eff = min(K, Tw)
    topk_vals, _ = jax.lax.top_k(wmean, k_eff)
    # Step 3: average the top-K values -> z_cf: (B, C, F)
    z_cf = jnp.mean(topk_vals, axis=-1)
    # out_mode == 'mean' -> reduce frequency axis -> (B, C)
    return jnp.mean(z_cf, axis=2)

if __name__ == "__main__":
    import jax
    _d = setup_inputs()
    print(jax.jit(kernel)(*tuple(_d.values())))

</pallas_src>

<mosaic_0001>
#map = affine_map<(d0, d1) -> (0)>
module attributes {stable_mosaic.version = 14 : i64} {
  func.func @_sc_body(%arg0: i32, %arg1: i32, %arg2: memref<9437184xf32, #tpu.memory_space<hbm>>, %arg3: memref<4608xf32, #tpu.memory_space<hbm>>, %arg4: memref<32768xf32, #tpu.memory_space<vmem>>, %arg5: memref<144xf32, #tpu.memory_space<vmem>>) attributes {dimension_semantics = [#tpu.dimension_semantics<core_parallel>, #tpu.dimension_semantics<subcore_parallel>], iteration_bounds = array<i64: 2, 16>, scalar_prefetch = 0 : i64, scratch_operands = 2 : i64, tpu.core_type = #tpu.core_type<sc_vector_subcore>, window_params = [{transform_indices = #map}, {transform_indices = #map}]} {
    %mul3A = arith.constant 2 : i32
    %mul3A_0 = arith.muli %arg1, %mul3A : i32
    %add3A = arith.addi %mul3A_0, %arg0 : i32
    %scan3A = arith.constant 0 : i32
    %scan3A_1 = arith.constant 0 : i32
    %scan3A_2 = arith.constant 9 : i32
    %scan3A_3 = arith.addi %scan3A_1, %scan3A_2 : i32
    %scan3A_4 = arith.constant 1 : i32
    %scan3A_5 = scf.for %scan3A_11 = %scan3A_1 to %scan3A_3 step %scan3A_4 iter_args(%scan3A_12 = %scan3A) -> (i32)  : i32 {
      %mul3A_13 = arith.constant 1152 : i32
      %mul3A_14 = arith.muli %add3A, %mul3A_13 : i32
      %mul3A_15 = arith.constant 128 : i32
      %mul3A_16 = arith.muli %scan3A_11, %mul3A_15 : i32
      %add3A_17 = arith.addi %mul3A_14, %mul3A_16 : i32
      %mul3A_18 = arith.constant 256 : i32
      %mul3A_19 = arith.muli %add3A_17, %mul3A_18 : i32
      "tpu.region"() ({
        %run_scoped3A = tpu.sem_alloc : memref<!tpu.dma_semaphore, #tpu.memory_space<semaphore_mem>>
        %dma_start3A = tpu.memref_slice %arg2[%mul3A_19] : memref<9437184xf32, #tpu.memory_space<hbm>> -> memref<32768xf32, #tpu.memory_space<hbm>>
        %dma_start3A_773 = tpu.memref_slice %arg2[%mul3A_19] : memref<9437184xf32, #tpu.memory_space<hbm>> -> memref<32768xf32, #tpu.memory_space<hbm>>
        tpu.enqueue_dma source(%dma_start3A_773 : memref<32768xf32, #tpu.memory_space<hbm>>) target(%arg4 : memref<32768xf32, #tpu.memory_space<vmem>>) target_semaphore(%run_scoped3A : memref<!tpu.dma_semaphore, #tpu.memory_space<semaphore_mem>>)
        %dma_wait3A = tpu.memref_slice %arg2[%mul3A_19] : memref<9437184xf32, #tpu.memory_space<hbm>> -> memref<32768xf32, #tpu.memory_space<hbm>>
        %dma_wait3A_774 = tpu.memref_slice %arg2[%mul3A_19] : memref<9437184xf32, #tpu.memory_space<hbm>> -> memref<32768xf32, #tpu.memory_space<hbm>>
        tpu.wait_dma2 semaphore(%run_scoped3A : memref<!tpu.dma_semaphore, #tpu.memory_space<semaphore_mem>>) src(%dma_wait3A_774 : memref<32768xf32, #tpu.memory_space<hbm>>) dst(%arg4 : memref<32768xf32, #tpu.memory_space<vmem>>)
        tpu.yield
      }) : () -> ()
      %broadcast_in_dim3A = arith.constant 0.000000e+00 : f32
      %broadcast_in_dim3A_20 = vector.broadcast %broadcast_in_dim3A : f32 to vector<16xf32>
      %iota3A = tpu.iota {dimensions = array<i32: 0>} : vector<16xi32>
      %add3A_21 = arith.constant 0 : i32
      %add3A_22 = vector.broadcast %add3A_21 : i32 to vector<16xi32>
      %add3A_23 = arith.addi %add3A_22, %iota3A : vector<16xi32>
      %mul3A_24 = arith.constant 256 : i32
      %mul3A_25 = vector.broadcast %mul3A_24 : i32 to vector<16xi32>
      %mul3A_26 = arith.muli %add3A_23, %mul3A_25 : vector<16xi32>
      %add3A_27 = arith.constant 0 : i32
      %add3A_28 = vector.broadcast %add3A_27 : i32 to vector<16xi32>
      %add3A_29 = arith.addi %mul3A_26, %add3A_28 : vector<16xi32>
      %gather3A = tpu.vector_load_idx %arg4[%add3A_29] : memref<32768xf32, #tpu.memory_space<vmem>>[vector<16xi32>], vector<16xf32>,
      %add3A_30 = arith.constant 1 : i32
      %add3A_31 = vector.broadcast %add3A_30 : i32 to vector<16xi32>
      %add3A_32 = arith.addi %mul3A_26, %add3A_31 : vector<16xi32>
      %gather3A_33 = tpu.vector_load_idx %arg4[%add3A_32] : memref<32768xf32, #tpu.memory_space<vmem>>[vector<16xi32>], vector<16xf32>,
      %add3A_34 = arith.constant 2 : i32
      %add3A_35 = vector.broadcast %add3A_34 : i32 to vector<16xi32>
      %add3A_36 = arith.addi %mul3A_26, %add3A_35 : vector<16xi32>
      %gather3A_37 = tpu.vector_load_idx %arg4[%add3A_36] : memref<32768xf32, #tpu.memory_space<vmem>>[vector<16xi32>], vector<16xf32>,
      %add3A_38 = arith.constant 3 : i32
      %add3A_39 = vector.broadcast %add3A_38 : i32 to vector<16xi32>
      %add3A_40 = arith.addi %mul3A_26, %add3A_39 : vector<16xi32>
      %gather3A_41 = tpu.vector_load_idx %arg4[%add3A_40] : memref<32768xf32, #tpu.memory_space<vmem>>[vector<16xi32>], vector<16xf32>,
      %add3A_42 = arith.addf %gather3A, %gather3A_33 : vector<16xf32>
      %add3A_43 = arith.addf %add3A_42, %gather3A_37 : vector<16xf32>
      %add3A_44 = arith.addf %add3A_43, %gather3A_41 : vector<16xf32>
      %broadcast_in_dim3A_45 = arith.constant 0xFF800000 : f32
      %broadcast_in_dim3A_46 = vector.broadcast %broadcast_in_dim3A_45 : f32 to vector<16xf32>
      %broadcast_in_dim3A_47 = arith.constant 0xFF800000 : f32
      %broadcast_in_dim3A_48 = vector.broadcast %broadcast_in_dim3A_47 : f32 to vector<16xf32>
      %broadcast_in_dim3A_49 = arith.constant 0xFF800000 : f32
      %broadcast_in_dim3A_50 = vector.broadcast %broadcast_in_dim3A_49 : f32 to vector<16xf32>
      %broadcast_in_dim3A_51 = arith.constant 0xFF800000 : f32
      %broadcast_in_dim3A_52 = vector.broadcast %broadcast_in_dim3A_51 : f32 to vector<16xf32>
      %broadcast_in_dim3A_53 = arith.constant 0xFF800000 : f32
      %broadcast_in_dim3A_54 = vector.broadcast %broadcast_in_dim3A_53 : f32 to vector<16xf32>
      %broadcast_in_dim3A_55 = arith.constant 0xFF800000 : f32
      %broadcast_in_dim3A_56 = vector.broadcast %broadcast_in_dim3A_55 : f32 to vector<16xf32>
      %broadcast_in_dim3A_57 = arith.constant 0xFF800000 : f32
      %broadcast_in_dim3A_58 = vector.broadcast %broadcast_in_dim3A_57 : f32 to vector<16xf32>
      %broadcast_in_dim3A_59 = arith.constant 0xFF800000 : f32
      %broadcast_in_dim3A_60 = vector.broadcast %broadcast_in_dim3A_59 : f32 to vector<16xf32>
      %broadcast_in_dim3A_61 = arith.constant 0xFF800000 : f32
      %broadcast_in_dim3A_62 = vector.broadcast %broadcast_in_dim3A_61 : f32 to vector<16xf32>
      %broadcast_in_dim3A_63 = arith.constant 0xFF800000 : f32
      %broadcast_in_dim3A_64 = vector.broadcast %broadcast_in_dim3A_63 : f32 to vector<16xf32>
      %broadcast_in_dim3A_65 = arith.constant 0xFF800000 : f32
      %broadcast_in_dim3A_66 = vector.broadcast %broadcast_in_dim3A_65 : f32 to vector<16xf32>
      %broadcast_in_dim3A_67 = arith.constant 0xFF800000 : f32
      %broadcast_in_dim3A_68 = vector.broadcast %broadcast_in_dim3A_67 : f32 to vector<16xf32>
      %max3A = arith.maximumf %broadcast_in_dim3A_46, %add3A_44 : vector<16xf32>
      %min3A = arith.minimumf %broadcast_in_dim3A_46, %add3A_44 : vector<16xf32>
      %max3A_69 = arith.maximumf %broadcast_in_dim3A_48, %min3A : vector<16xf32>
      %min3A_70 = arith.minimumf %broadcast_in_dim3A_48, %min3A : vector<16xf32>
      %max3A_71 = arith.maximumf %broadcast_in_dim3A_50, %min3A_70 : vector<16xf32>
      %min3A_72 = arith.minimumf %broadcast_in_dim3A_50, %min3A_70 : vector<16xf32>
      %max3A_73 = arith.maximumf %broadcast_in_dim3A_52, %min3A_72 : vector<16xf32>
      %min3A_74 = arith.minimumf %broadcast_in_dim3A_52, %min3A_72 : vector<16xf32>
      %max3A_75 = arith.maximumf %broadcast_in_dim3A_54, %min3A_74 : vector<16xf32>
      %min3A_76 = arith.minimumf %broadcast_in_dim3A_54, %min3A_74 : vector<16xf32>
      %max3A_77 = arith.maximumf %broadcast_in_dim3A_56, %min3A_76 : vector<16xf32>
      %min3A_78 = arith.minimumf %broadcast_in_dim3A_56, %min3A_76 : vector<16xf32>
      %max3A_79 = arith.maximumf %broadcast_in_dim3A_58, %min3A_78 : vector<16xf32>
      %min3A_80 = arith.minimumf %broadcast_in_dim3A_58, %min3A_78 : vector<16xf32>
      %max3A_81 = arith.maximumf %broadcast_in_dim3A_60, %min3A_80 : vector<16xf32>
      %min3A_82 = arith.minimumf %broadcast_in_dim3A_60, %min3A_80 : vector<16xf32>
      %max3A_83 = arith.maximumf %broadcast_in_dim3A_62, %min3A_82 : vector<16xf32>
      %min3A_84 = arith.minimumf %broadcast_in_dim3A_62, %min3A_82 : vector<16xf32>
      %max3A_85 = arith.maximumf %broadcast_in_dim3A_64, %min3A_84 : vector<16xf32>
      %min3A_86 = arith.minimumf %broadcast_in_dim3A_64, %min3A_84 : vector<16xf32>
      %max3A_87 = arith.maximumf %broadcast_in_dim3A_66, %min3A_86 : vector<16xf32>
      %min3A_88 = arith.minimumf %broadcast_in_dim3A_66, %min3A_86 : vector<16xf32>
      %max3A_89 = arith.maximumf %broadcast_in_dim3A_68, %min3A_88 : vector<16xf32>
      %min3A_90 = arith.minimumf %broadcast_in_dim3A_68, %min3A_88 : vector<16xf32>
      %broadcast_in_dim3A_91 = arith.constant 4 : i32
      %broadcast_in_dim3A_92 = vector.broadcast %broadcast_in_dim3A_91 : i32 to vector<16xi32>
      %scan3A_93 = arith.constant 0 : i32
      %scan3A_94 = arith.constant 63 : i32
      %scan3A_95 = arith.addi %scan3A_93, %scan3A_94 : i32
      %scan3A_96 = arith.constant 1 : i32
      %scan3A_97:18 = scf.for %scan3A_773 = %scan3A_93 to %scan3A_95 step %scan3A_96 iter_args(%scan3A_774 = %add3A_44, %scan3A_775 = %gather3A, %scan3A_776 = %gather3A_33, %scan3A_777 = %gather3A_37, %scan3A_778 = %gather3A_41, %scan3A_779 = %broadcast_in_dim3A_92, %scan3A_780 = %max3A, %scan3A_781 = %max3A_69, %scan3A_782 = %max3A_71, %scan3A_783 = %max3A_73, %scan3A_784 = %max3A_75, %scan3A_785 = %max3A_77, %scan3A_786 = %max3A_79, %scan3A_787 = %max3A_81, %scan3A_788 = %max3A_83, %scan3A_789 = %max3A_85, %scan3A_790 = %max3A_87, %scan3A_791 = %max3A_89) -> (vector<16xf32>, vector<16xf32>, vector<16xf32>, vector<16xf32>, vector<16xf32>, vector<16xi32>, vector<16xf32>, vector<16xf32>, vector<16xf32>, vector<16xf32>, vector<16xf32>, vector<16xf32>, vector<16xf32>, vector<16xf32>, vector<16xf32>, vector<16xf32>, vector<16xf32>, vector<16xf32>)  : i32 {
        %add3A_792 = arith.addi %mul3A_26, %scan3A_779 : vector<16xi32>
        %gather3A_793 = tpu.vector_load_idx %arg4[%add3A_792] : memref<32768xf32, #tpu.memory_space<vmem>>[vector<16xi32>], vector<16xf32>,
        %add3A_794 = arith.constant 1 : i32
        %add3A_795 = vector.broadcast %add3A_794 : i32 to vector<16xi32>
        %add3A_796 = arith.addi %scan3A_779, %add3A_795 : vector<16xi32>
        %add3A_797 = arith.addf %scan3A_774, %gather3A_793 : vector<16xf32>
        %sub3A = arith.subf %add3A_797, %scan3A_775 : vector<16xf32>
        %max3A_798 = arith.maximumf %scan3A_780, %sub3A : vector<16xf32>
        %min3A_799 = arith.minimumf %scan3A_780, %sub3A : vector<16xf32>
        %max3A_800 = arith.maximumf %scan3A_781, %min3A_799 : vector<16xf32>
        %min3A_801 = arith.minimumf %scan3A_781, %min3A_799 : vector<16xf32>
        %max3A_802 = arith.maximumf %scan3A_782, %min3A_801 : vector<16xf32>
        %min3A_803 = arith.minimumf %scan3A_782, %min3A_801 : vector<16xf32>
        %max3A_804 = arith.maximumf %scan3A_783, %min3A_803 : vector<16xf32>
        %min3A_805 = arith.minimumf %scan3A_783, %min3A_803 : vector<16xf32>
        %max3A_806 = arith.maximumf %scan3A_784, %min3A_805 : vector<16xf32>
        %min3A_807 = arith.minimumf %scan3A_784, %min3A_805 : vector<16xf32>
        %max3A_808 = arith.maximumf %scan3A_785, %min3A_807 : vector<16xf32>
        %min3A_809 = arith.minimumf %scan3A_785, %min3A_807 : vector<16xf32>
        %max3A_810 = arith.maximumf %scan3A_786, %min3A_809 : vector<16xf32>
        %min3A_811 = arith.minimumf %scan3A_786, %min3A_809 : vector<16xf32>
        %max3A_812 = arith.maximumf %scan3A_787, %min3A_811 : vector<16xf32>
        %min3A_813 = arith.minimumf %scan3A_787, %min3A_811 : vector<16xf32>
        %max3A_814 = arith.maximumf %scan3A_788, %min3A_813 : vector<16xf32>
        %min3A_815 = arith.minimumf %scan3A_788, %min3A_813 : vector<16xf32>
        %max3A_816 = arith.maximumf %scan3A_789, %min3A_815 : vector<16xf32>
        %min3A_817 = arith.minimumf %scan3A_789, %min3A_815 : vector<16xf32>
        %max3A_818 = arith.maximumf %scan3A_790, %min3A_817 : vector<16xf32>
        %min3A_819 = arith.minimumf %scan3A_790, %min3A_817 : vector<16xf32>
        %max3A_820 = arith.maximumf %scan3A_791, %min3A_819 : vector<16xf32>
        %min3A_821 = arith.minimumf %scan3A_791, %min3A_819 : vector<16xf32>
        %add3A_822 = arith.addi %mul3A_26, %add3A_796 : vector<16xi32>
        %gather3A_823 = tpu.vector_load_idx %arg4[%add3A_822] : memref<32768xf32, #tpu.memory_space<vmem>>[vector<16xi32>], vector<16xf32>,
        %add3A_824 = arith.constant 1 : i32
        %add3A_825 = vector.broadcast %add3A_824 : i32 to vector<16xi32>
        %add3A_826 = arith.addi %add3A_796, %add3A_825 : vector<16xi32>
        %add3A_827 = arith.addf %sub3A, %gather3A_823 : vector<16xf32>
        %sub3A_828 = arith.subf %add3A_827, %scan3A_776 : vector<16xf32>
        %max3A_829 = arith.maximumf %max3A_798, %sub3A_828 : vector<16xf32>
        %min3A_830 = arith.minimumf %max3A_798, %sub3A_828 : vector<16xf32>
        %max3A_831 = arith.maximumf %max3A_800, %min3A_830 : vector<16xf32>
        %min3A_832 = arith.minimumf %max3A_800, %min3A_830 : vector<16xf32>
        %max3A_833 = arith.maximumf %max3A_802, %min3A_832 : vector<16xf32>
        %min3A_834 = arith.minimumf %max3A_802, %min3A_832 : vector<16xf32>
        %max3A_835 = arith.maximumf %max3A_804, %min3A_834 : vector<16xf32>
        %min3A_836 = arith.minimumf %max3A_804, %min3A_834 : vector<16xf32>
        %max3A_837 = arith.maximumf %max3A_806, %min3A_836 : vector<16xf32>
        %min3A_838 = arith.minimumf %max3A_806, %min3A_836 : vector<16xf32>
        %max3A_839 = arith.maximumf %max3A_808, %min3A_838 : vector<16xf32>
        %min3A_840 = arith.minimumf %max3A_808, %min3A_838 : vector<16xf32>
        %max3A_841 = arith.maximumf %max3A_810, %min3A_840 : vector<16xf32>
        %min3A_842 = arith.minimumf %max3A_810, %min3A_840 : vector<16xf32>
        %max3A_843 = arith.maximumf %max3A_812, %min3A_842 : vector<16xf32>
        %min3A_844 = arith.minimumf %max3A_812, %min3A_842 : vector<16xf32>
        %max3A_845 = arith.maximumf %max3A_814, %min3A_844 : vector<16xf32>
        %min3A_846 = arith.minimumf %max3A_814, %min3A_844 : vector<16xf32>
        %max3A_847 = arith.maximumf %max3A_816, %min3A_846 : vector<16xf32>
        %min3A_848 = arith.minimumf %max3A_816, %min3A_846 : vector<16xf32>
        %max3A_849 = arith.maximumf %max3A_818, %min3A_848 : vector<16xf32>
        %min3A_850 = arith.minimumf %max3A_818, %min3A_848 : vector<16xf32>
        %max3A_851 = arith.maximumf %max3A_820, %min3A_850 : vector<16xf32>
        %min3A_852 = arith.minimumf %max3A_820, %min3A_850 : vector<16xf32>
        %add3A_853 = arith.addi %mul3A_26, %add3A_826 : vector<16xi32>
        %gather3A_854 = tpu.vector_load_idx %arg4[%add3A_853] : memref<32768xf32, #tpu.memory_space<vmem>>[vector<16xi32>], vector<16xf32>,
        %add3A_855 = arith.constant 1 : i32
        %add3A_856 = vector.broadcast %add3A_855 : i32 to vector<16xi32>
        %add3A_857 = arith.addi %add3A_826, %add3A_856 : vector<16xi32>
        %add3A_858 = arith.addf %sub3A_828, %gather3A_854 : vector<16xf32>
        %sub3A_859 = arith.subf %add3A_858, %scan3A_777 : vector<16xf32>
        %max3A_860 = arith.maximumf %max3A_829, %sub3A_859 : vector<16xf32>
        %min3A_861 = arith.minimumf %max3A_829, %sub3A_859 : vector<16xf32>
        %max3A_862 = arith.maximumf %max3A_831, %min3A_861 : vector<16xf32>
        %min3A_863 = arith.minimumf %max3A_831, %min3A_861 : vector<16xf32>
        %max3A_864 = arith.maximumf %max3A_833, %min3A_863 : vector<16xf32>
        %min3A_865 = arith.minimumf %max3A_833, %min3A_863 : vector<16xf32>
        %max3A_866 = arith.maximumf %max3A_835, %min3A_865 : vector<16xf32>
        %min3A_867 = arith.minimumf %max3A_835, %min3A_865 : vector<16xf32>
        %max3A_868 = arith.maximumf %max3A_837, %min3A_867 : vector<16xf32>
        %min3A_869 = arith.minimumf %max3A_837, %min3A_867 : vector<16xf32>
        %max3A_870 = arith.maximumf %max3A_839, %min3A_869 : vector<16xf32>
        %min3A_871 = arith.minimumf %max3A_839, %min3A_869 : vector<16xf32>
        %max3A_872 = arith.maximumf %max3A_841, %min3A_871 : vector<16xf32>
        %min3A_873 = arith.minimumf %max3A_841, %min3A_871 : vector<16xf32>
        %max3A_874 = arith.maximumf %max3A_843, %min3A_873 : vector<16xf32>
        %min3A_875 = arith.minimumf %max3A_843, %min3A_873 : vector<16xf32>
        %max3A_876 = arith.maximumf %max3A_845, %min3A_875 : vector<16xf32>
        %min3A_877 = arith.minimumf %max3A_845, %min3A_875 : vector<16xf32>
        %max3A_878 = arith.maximumf %max3A_847, %min3A_877 : vector<16xf32>
        %min3A_879 = arith.minimumf %max3A_847, %min3A_877 : vector<16xf32>
        %max3A_880 = arith.maximumf %max3A_849, %min3A_879 : vector<16xf32>
        %min3A_881 = arith.minimumf %max3A_849, %min3A_879 : vector<16xf32>
        %max3A_882 = arith.maximumf %max3A_851, %min3A_881 : vector<16xf32>
        %min3A_883 = arith.minimumf %max3A_851, %min3A_881 : vector<16xf32>
        %add3A_884 = arith.addi %mul3A_26, %add3A_857 : vector<16xi32>
        %gather3A_885 = tpu.vector_load_idx %arg4[%add3A_884] : memref<32768xf32, #tpu.memory_space<vmem>>[vector<16xi32>], vector<16xf32>,
        %add3A_886 = arith.constant 1 : i32
        %add3A_887 = vector.broadcast %add3A_886 : i32 to vector<16xi32>
        %add3A_888 = arith.addi %add3A_857, %add3A_887 : vector<16xi32>
        %add3A_889 = arith.addf %sub3A_859, %gather3A_885 : vector<16xf32>
        %sub3A_890 = arith.subf %add3A_889, %scan3A_778 : vector<16xf32>
        %max3A_891 = arith.maximumf %max3A_860, %sub3A_890 : vector<16xf32>
        %min3A_892 = arith.minimumf %max3A_860, %sub3A_890 : vector<16xf32>
        %max3A_893 = arith.maximumf %max3A_862, %min3A_892 : vector<16xf32>
        %min3A_894 = arith.minimumf %max3A_862, %min3A_892 : vector<16xf32>
        %max3A_895 = arith.maximumf %max3A_864, %min3A_894 : vector<16xf32>
        %min3A_896 = arith.minimumf %max3A_864, %min3A_894 : vector<16xf32>
        %max3A_897 = arith.maximumf %max3A_866, %min3A_896 : vector<16xf32>
        %min3A_898 = arith.minimumf %max3A_866, %min3A_896 : vector<16xf32>
        %max3A_899 = arith.maximumf %max3A_868, %min3A_898 : vector<16xf32>
        %min3A_900 = arith.minimumf %max3A_868, %min3A_898 : vector<16xf32>
        %max3A_901 = arith.maximumf %max3A_870, %min3A_900 : vector<16xf32>
        %min3A_902 = arith.minimumf %max3A_870, %min3A_900 : vector<16xf32>
        %max3A_903 = arith.maximumf %max3A_872, %min3A_902 : vector<16xf32>
        %min3A_904 = arith.minimumf %max3A_872, %min3A_902 : vector<16xf32>
        %max3A_905 = arith.maximumf %max3A_874, %min3A_904 : vector<16xf32>
        %min3A_906 = arith.minimumf %max3A_874, %min3A_904 : vector<16xf32>
        %max3A_907 = arith.maximumf %max3A_876, %min3A_906 : vector<16xf32>
        %min3A_908 = arith.minimumf %max3A_876, %min3A_906 : vector<16xf32>
        %max3A_909 = arith.maximumf %max3A_878, %min3A_908 : vector<16xf32>
        %min3A_910 = arith.minimumf %max3A_878, %min3A_908 : vector<16xf32>
        %max3A_911 = arith.maximumf %max3A_880, %min3A_910 : vector<16xf32>
        %min3A_912 = arith.minimumf %max3A_880, %min3A_910 : vector<16xf32>
        %max3A_913 = arith.maximumf %max3A_882, %min3A_912 : vector<16xf32>
        %min3A_914 = arith.minimumf %max3A_882, %min3A_912 : vector<16xf32>
        scf.yield %sub3A_890, %gather3A_793, %gather3A_823, %gather3A_854, %gather3A_885, %add3A_888, %max3A_891, %max3A_893, %max3A_895, %max3A_897, %max3A_899, %max3A_901, %max3A_903, %max3A_905, %max3A_907, %max3A_909, %max3A_911, %max3A_913 : vector<16xf32>, vector<16xf32>, vector<16xf32>, vector<16xf32>, vector<16xf32>, vector<16xi32>, vector<16xf32>, vector<16xf32>, vector<16xf32>, vector<16xf32>, vector<16xf32>, vector<16xf32>, vector<16xf32>, vector<16xf32>, vector<16xf32>, vector<16xf32>, vector<16xf32>, vector<16xf32>
      }
      %scan3A_98 = arith.constant 63 : i32
      %add3A_99 = arith.addf %scan3A_97#6, %scan3A_97#7 : vector<16xf32>
      %add3A_100 = arith.addf %add3A_99, %scan3A_97#8 : vector<16xf32>
      %add3A_101 = arith.addf %add3A_100, %scan3A_97#9 : vector<16xf32>
      %add3A_102 = arith.addf %add3A_101, %scan3A_97#10 : vector<16xf32>
      %add3A_103 = arith.addf %add3A_102, %scan3A_97#11 : vector<16xf32>
      %add3A_104 = arith.addf %add3A_103, %scan3A_97#12 : vector<16xf32>
      %add3A_105 = arith.addf %add3A_104, %scan3A_97#13 : vector<16xf32>
      %add3A_106 = arith.addf %add3A_105, %scan3A_97#14 : vector<16xf32>
      %add3A_107 = arith.addf %add3A_106, %scan3A_97#15 : vector<16xf32>
      %add3A_108 = arith.addf %add3A_107, %scan3A_97#16 : vector<16xf32>
      %add3A_109 = arith.addf %add3A_108, %scan3A_97#17 : vector<16xf32>
      %add3A_110 = arith.addf %broadcast_in_dim3A_20, %add3A_109 : vector<16xf32>
      %iota3A_111 = tpu.iota {dimensions = array<i32: 0>} : vector<16xi32>
      %add3A_112 = arith.constant 16 : i32
      %add3A_113 = vector.broadcast %add3A_112 : i32 to vector<16xi32>
      %add3A_114 = arith.addi %add3A_113, %iota3A_111 : vector<16xi32>
      %mul3A_115 = arith.constant 256 : i32
      %mul3A_116 = vector.broadcast %mul3A_115 : i32 to vector<16xi32>
      %mul3A_117 = arith.muli %add3A_114, %mul3A_116 : vector<16xi32>
      %add3A_118 = arith.constant 0 : i32
      %add3A_119 = vector.broadcast %add3A_118 : i32 to vector<16xi32>
      %add3A_120 = arith.addi %mul3A_117, %add3A_119 : vector<16xi32>
      %gather3A_121 = tpu.vector_load_idx %arg4[%add3A_120] : memref<32768xf32, #tpu.memory_space<vmem>>[vector<16xi32>], vector<16xf32>,
      %add3A_122 = arith.constant 1 : i32
      %add3A_123 = vector.broadcast %add3A_122 : i32 to vector<16xi32>
      %add3A_124 = arith.addi %mul3A_117, %add3A_123 : vector<16xi32>
      %gather3A_125 = tpu.vector_load_idx %arg4[%add3A_124] : memref<32768xf32, #tpu.memory_space<vmem>>[vector<16xi32>], vector<16xf32>,
      %add3A_126 = arith.constant 2 : i32
      %add3A_127 = vector.broadcast %add3A_126 : i32 to vector<16xi32>
      %add3A_128 = arith.addi %mul3A_117, %add3A_127 : vector<16xi32>
      %gather3A_129 = tpu.vector_load_idx %arg4[%add3A_128] : memref<32768xf32, #tpu.memory_space<vmem>>[vector<16xi32>], vector<16xf32>,
      %add3A_130 = arith.constant 3 : i32
      %add3A_131 = vector.broadcast %add3A_130 : i32 to vector<16xi32>
      %add3A_132 = arith.addi %mul3A_117, %add3A_131 : vector<16xi32>
      %gather3A_133 = tpu.vector_load_idx %arg4[%add3A_132] : memref<32768xf32, #tpu.memory_space<vmem>>[vector<16xi32>], vector<16xf32>,
      %add3A_134 = arith.addf %gather3A_121, %gather3A_125 : vector<16xf32>
      %add3A_135 = arith.addf %add3A_134, %gather3A_129 : vector<16xf32>
      %add3A_136 = arith.addf %add3A_135, %gather3A_133 : vector<16xf32>
      %broadcast_in_dim3A_137 = arith.constant 0xFF800000 : f32
      %broadcast_in_dim3A_138 = vector.broadcast %broadcast_in_dim3A_137 : f32 to vector<16xf32>
      %broadcast_in_dim3A_139 = arith.constant 0xFF800000 : f32
      %broadcast_in_dim3A_140 = vector.broadcast %broadcast_in_dim3A_139 : f32 to vector<16xf32>
      %broadcast_in_dim3A_141 = arith.constant 0xFF800000 : f32
      %broadcast_in_dim3A_142 = vector.broadcast %broadcast_in_dim3A_141 : f32 to vector<16xf32>
      %broadcast_in_dim3A_143 = arith.constant 0xFF800000 : f32
      %broadcast_in_dim3A_144 = vector.broadcast %broadcast_in_dim3A_143 : f32 to vector<16xf32>
      %broadcast_in_dim3A_145 = arith.constant 0xFF800000 : f32
      %broadcast_in_dim3A_146 = vector.broadcast %broadcast_in_dim3A_145 : f32 to vector<16xf32>
      %broadcast_in_dim3A_147 = arith.constant 0xFF800000 : f32
      %broadcast_in_dim3A_148 = vector.broadcast %broadcast_in_dim3A_147 : f32 to vector<16xf32>
      %broadcast_in_dim3A_149 = arith.constant 0xFF800000 : f32
      %broadcast_in_dim3A_150 = vector.broadcast %broadcast_in_dim3A_149 : f32 to vector<16xf32>
      %broadcast_in_dim3A_151 = arith.constant 0xFF800000 : f32
      %broadcast_in_dim3A_152 = vector.broadcast %broadcast_in_dim3A_151 : f32 to vector<16xf32>
      %broadcast_in_dim3A_153 = arith.constant 0xFF800000 : f32
      %broadcast_in_dim3A_154 = vector.broadcast %broadcast_in_dim3A_153 : f32 to vector<16xf32>
      %broadcast_in_dim3A_155 = arith.constant 0xFF800000 : f32
      %broadcast_in_dim3A_156 = vector.broadcast %broadcast_in_dim3A_155 : f32 to vector<16xf32>
      %broadcast_in_dim3A_157 = arith.constant 0xFF800000 : f32
      %broadcast_in_dim3A_158 = vector.broadcast %broadcast_in_dim3A_157 : f32 to vector<16xf32>
      %broadcast_in_dim3A_159 = arith.constant 0xFF800000 : f32
      %broadcast_in_dim3A_160 = vector.broadcast %broadcast_in_dim3A_159 : f32 to vector<16xf32>
      %max3A_161 = arith.maximumf %broadcast_in_dim3A_138, %add3A_136 : vector<16xf32>
      %min3A_162 = arith.minimumf %broadcast_in_dim3A_138, %add3A_136 : vector<16xf32>
      %max3A_163 = arith.maximumf %broadcast_in_dim3A_140, %min3A_162 : vector<16xf32>
      %min3A_164 = arith.minimumf %broadcast_in_dim3A_140, %min3A_162 : vector<16xf32>
      %max3A_165 = arith.maximumf %broadcast_in_dim3A_142, %min3A_164 : vector<16xf32>
      %min3A_166 = arith.minimumf %broadcast_in_dim3A_142, %min3A_164 : vector<16xf32>
      %max3A_167 = arith.maximumf %broadcast_in_dim3A_144, %min3A_166 : vector<16xf32>
      %min3A_168 = arith.minimumf %broadcast_in_dim3A_144, %min3A_166 : vector<16xf32>
      %max3A_169 = arith.maximumf %broadcast_in_dim3A_146, %min3A_168 : vector<16xf32>
      %min3A_170 = arith.minimumf %broadcast_in_dim3A_146, %min3A_168 : vector<16xf32>
      %max3A_171 = arith.maximumf %broadcast_in_dim3A_148, %min3A_170 : vector<16xf32>
      %min3A_172 = arith.minimumf %broadcast_in_dim3A_148, %min3A_170 : vector<16xf32>
      %max3A_173 = arith.maximumf %broadcast_in_dim3A_150, %min3A_172 : vector<16xf32>
      %min3A_174 = arith.minimumf %broadcast_in_dim3A_150, %min3A_172 : vector<16xf32>
      %max3A_175 = arith.maximumf %broadcast_in_dim3A_152, %min3A_174 : vector<16xf32>
      %min3A_176 = arith.minimumf %broadcast_in_dim3A_152, %min3A_174 : vector<16xf32>
      %max3A_177 = arith.maximumf %broadcast_in_dim3A_154, %min3A_176 : vector<16xf32>
      %min3A_178 = arith.minimumf %broadcast_in_dim3A_154, %min3A_176 : vector<16xf32>
      %max3A_179 = arith.maximumf %broadcast_in_dim3A_156, %min3A_178 : vector<16xf32>
      %min3A_180 = arith.minimumf %broadcast_in_dim3A_156, %min3A_178 : vector<16xf32>
      %max3A_181 = arith.maximumf %broadcast_in_dim3A_158, %min3A_180 : vector<16xf32>
      %min3A_182 = arith.minimumf %broadcast_in_dim3A_158, %min3A_180 : vector<16xf32>
      %max3A_183 = arith.maximumf %broadcast_in_dim3A_160, %min3A_182 : vector<16xf32>
      %min3A_184 = arith.minimumf %broadcast_in_dim3A_160, %min3A_182 : vector<16xf32>
      %broadcast_in_dim3A_185 = arith.constant 4 : i32
      %broadcast_in_dim3A_186 = vector.broadcast %broadcast_in_dim3A_185 : i32 to vector<16xi32>
      %scan3A_187 = arith.constant 0 : i32
      %scan3A_188 = arith.constant 63 : i32
      %scan3A_189 = arith.addi %scan3A_187, %scan3A_188 : i32
      %scan3A_190 = arith.constant 1 : i32
      %scan3A_191:18 = scf.for %scan3A_773 = %scan3A_187 to %scan3A_189 step %scan3A_190 iter_args(%scan3A_774 = %add3A_136, %scan3A_775 = %gather3A_121, %scan3A_776 = %gather3A_125, %scan3A_777 = %gather3A_129, %scan3A_778 = %gather3A_133, %scan3A_779 = %broadcast_in_dim3A_186, %scan3A_780 = %max3A_161, %scan3A_781 = %max3A_163, %scan3A_782 = %max3A_165, %scan3A_783 = %max3A_167, %scan3A_784 = %max3A_169, %scan3A_785 = %max3A_171, %scan3A_786 = %max3A_173, %scan3A_787 = %max3A_175, %scan3A_788 = %max3A_177, %scan3A_789 = %max3A_179, %scan3A_790 = %max3A_181, %scan3A_791 = %max3A_183) -> (vector<16xf32>, vector<16xf32>, vector<16xf32>, vector<16xf32>, vector<16xf32>, vector<16xi32>, vector<16xf32>, vector<16xf32>, vector<16xf32>, vector<16xf32>, vector<16xf32>, vector<16xf32>, vector<16xf32>, vector<16xf32>, vector<16xf32>, vector<16xf32>, vector<16xf32>, vector<16xf32>)  : i32 {
        %add3A_792 = arith.addi %mul3A_117, %scan3A_779 : vector<16xi32>
        %gather3A_793 = tpu.vector_load_idx %arg4[%add3A_792] : memref<32768xf32, #tpu.memory_space<vmem>>[vector<16xi32>], vector<16xf32>,
        %add3A_794 = arith.constant 1 : i32
        %add3A_795 = vector.broadcast %add3A_794 : i32 to vector<16xi32>
        %add3A_796 = arith.addi %scan3A_779, %add3A_795 : vector<16xi32>
        %add3A_797 = arith.addf %scan3A_774, %gather3A_793 : vector<16xf32>
        %sub3A = arith.subf %add3A_797, %scan3A_775 : vector<16xf32>
        %max3A_798 = arith.maximumf %scan3A_780, %sub3A : vector<16xf32>
        %min3A_799 = arith.minimumf %scan3A_780, %sub3A : vector<16xf32>
        %max3A_800 = arith.maximumf %scan3A_781, %min3A_799 : vector<16xf32>
        %min3A_801 = arith.minimumf %scan3A_781, %min3A_799 : vector<16xf32>
        %max3A_802 = arith.maximumf %scan3A_782, %min3A_801 : vector<16xf32>
        %min3A_803 = arith.minimumf %scan3A_782, %min3A_801 : vector<16xf32>
        %max3A_804 = arith.maximumf %scan3A_783, %min3A_803 : vector<16xf32>
        %min3A_805 = arith.minimumf %scan3A_783, %min3A_803 : vector<16xf32>
        %max3A_806 = arith.maximumf %scan3A_784, %min3A_805 : vector<16xf32>
        %min3A_807 = arith.minimumf %scan3A_784, %min3A_805 : vector<16xf32>
        %max3A_808 = arith.maximumf %scan3A_785, %min3A_807 : vector<16xf32>
        %min3A_809 = arith.minimumf %scan3A_785, %min3A_807 : vector<16xf32>
        %max3A_810 = arith.maximumf %scan3A_786, %min3A_809 : vector<16xf32>
        %min3A_811 = arith.minimumf %scan3A_786, %min3A_809 : vector<16xf32>
        %max3A_812 = arith.maximumf %scan3A_787, %min3A_811 : vector<16xf32>
        %min3A_813 = arith.minimumf %scan3A_787, %min3A_811 : vector<16xf32>
        %max3A_814 = arith.maximumf %scan3A_788, %min3A_813 : vector<16xf32>
        %min3A_815 = arith.minimumf %scan3A_788, %min3A_813 : vector<16xf32>
        %max3A_816 = arith.maximumf %scan3A_789, %min3A_815 : vector<16xf32>
        %min3A_817 = arith.minimumf %scan3A_789, %min3A_815 : vector<16xf32>
        %max3A_818 = arith.maximumf %scan3A_790, %min3A_817 : vector<16xf32>
        %min3A_819 = arith.minimumf %scan3A_790, %min3A_817 : vector<16xf32>
        %max3A_820 = arith.maximumf %scan3A_791, %min3A_819 : vector<16xf32>
        %min3A_821 = arith.minimumf %scan3A_791, %min3A_819 : vector<16xf32>
        %add3A_822 = arith.addi %mul3A_117, %add3A_796 : vector<16xi32>
        %gather3A_823 = tpu.vector_load_idx %arg4[%add3A_822] : memref<32768xf32, #tpu.memory_space<vmem>>[vector<16xi32>], vector<16xf32>,
        %add3A_824 = arith.constant 1 : i32
        %add3A_825 = vector.broadcast %add3A_824 : i32 to vector<16xi32>
        %add3A_826 = arith.addi %add3A_796, %add3A_825 : vector<16xi32>
        %add3A_827 = arith.addf %sub3A, %gather3A_823 : vector<16xf32>
        %sub3A_828 = arith.subf %add3A_827, %scan3A_776 : vector<16xf32>
        %max3A_829 = arith.maximumf %max3A_798, %sub3A_828 : vector<16xf32>
        %min3A_830 = arith.minimumf %max3A_798, %sub3A_828 : vector<16xf32>
        %max3A_831 = arith.maximumf %max3A_800, %min3A_830 : vector<16xf32>
        %min3A_832 = arith.minimumf %max3A_800, %min3A_830 : vector<16xf32>
        %max3A_833 = arith.maximumf %max3A_802, %min3A_832 : vector<16xf32>
        %min3A_834 = arith.minimumf %max3A_802, %min3A_832 : vector<16xf32>
        %max3A_835 = arith.maximumf %max3A_804, %min3A_834 : vector<16xf32>
        %min3A_836 = arith.minimumf %max3A_804, %min3A_834 : vector<16xf32>
        %max3A_837 = arith.maximumf %max3A_806, %min3A_836 : vector<16xf32>
        %min3A_838 = arith.minimumf %max3A_806, %min3A_836 : vector<16xf32>
        %max3A_839 = arith.maximumf %max3A_808, %min3A_838 : vector<16xf32>
        %min3A_840 = arith.minimumf %max3A_808, %min3A_838 : vector<16xf32>
        %max3A_841 = arith.maximumf %max3A_810, %min3A_840 : vector<16xf32>
        %min3A_842 = arith.minimumf %max3A_810, %min3A_840 : vector<16xf32>
        %max3A_843 = arith.maximumf %max3A_812, %min3A_842 : vector<16xf32>
        %min3A_844 = arith.minimumf %max3A_812, %min3A_842 : vector<16xf32>
        %max3A_845 = arith.maximumf %max3A_814, %min3A_844 : vector<16xf32>
        %min3A_846 = arith.minimumf %max3A_814, %min3A_844 : vector<16xf32>
        %max3A_847 = arith.maximumf %max3A_816, %min3A_846 : vector<16xf32>
        %min3A_848 = arith.minimumf %max3A_816, %min3A_846 : vector<16xf32>
        %max3A_849 = arith.maximumf %max3A_818, %min3A_848 : vector<16xf32>
        %min3A_850 = arith.minimumf %max3A_818, %min3A_848 : vector<16xf32>
        %max3A_851 = arith.maximumf %max3A_820, %min3A_850 : vector<16xf32>
        %min3A_852 = arith.minimumf %max3A_820, %min3A_850 : vector<16xf32>
        %add3A_853 = arith.addi %mul3A_117, %add3A_826 : vector<16xi32>
        %gather3A_854 = tpu.vector_load_idx %arg4[%add3A_853] : memref<32768xf32, #tpu.memory_space<vmem>>[vector<16xi32>], vector<16xf32>,
        %add3A_855 = arith.constant 1 : i32
        %add3A_856 = vector.broadcast %add3A_855 : i32 to vector<16xi32>
        %add3A_857 = arith.addi %add3A_826, %add3A_856 : vector<16xi32>
        %add3A_858 = arith.addf %sub3A_828, %gather3A_854 : vector<16xf32>
        %sub3A_859 = arith.subf %add3A_858, %scan3A_777 : vector<16xf32>
        %max3A_860 = arith.maximumf %max3A_829, %sub3A_859 : vector<16xf32>
        %min3A_861 = arith.minimumf %max3A_829, %sub3A_859 : vector<16xf32>
        %max3A_862 = arith.maximumf %max3A_831, %min3A_861 : vector<16xf32>
        %min3A_863 = arith.minimumf %max3A_831, %min3A_861 : vector<16xf32>
        %max3A_864 = arith.maximumf %max3A_833, %min3A_863 : vector<16xf32>
        %min3A_865 = arith.minimumf %max3A_833, %min3A_863 : vector<16xf32>
        %max3A_866 = arith.maximumf %max3A_835, %min3A_865 : vector<16xf32>
        %min3A_867 = arith.minimumf %max3A_835, %min3A_865 : vector<16xf32>
        %max3A_868 = arith.maximumf %max3A_837, %min3A_867 : vector<16xf32>
        %min3A_869 = arith.minimumf %max3A_837, %min3A_867 : vector<16xf32>
        %max3A_870 = arith.maximumf %max3A_839, %min3A_869 : vector<16xf32>
        %min3A_871 = arith.minimumf %max3A_839, %min3A_869 : vector<16xf32>
        %max3A_872 = arith.maximumf %max3A_841, %min3A_871 : vector<16xf32>
        %min3A_873 = arith.minimumf %max3A_841, %min3A_871 : vector<16xf32>
        %max3A_874 = arith.maximumf %max3A_843, %min3A_873 : vector<16xf32>
        %min3A_875 = arith.minimumf %max3A_843, %min3A_873 : vector<16xf32>
        %max3A_876 = arith.maximumf %max3A_845, %min3A_875 : vector<16xf32>
        %min3A_877 = arith.minimumf %max3A_845, %min3A_875 : vector<16xf32>
        %max3A_878 = arith.maximumf %max3A_847, %min3A_877 : vector<16xf32>
        %min3A_879 = arith.minimumf %max3A_847, %min3A_877 : vector<16xf32>
        %max3A_880 = arith.maximumf %max3A_849, %min3A_879 : vector<16xf32>
        %min3A_881 = arith.minimumf %max3A_849, %min3A_879 : vector<16xf32>
        %max3A_882 = arith.maximumf %max3A_851, %min3A_881 : vector<16xf32>
        %min3A_883 = arith.minimumf %max3A_851, %min3A_881 : vector<16xf32>
        %add3A_884 = arith.addi %mul3A_117, %add3A_857 : vector<16xi32>
        %gather3A_885 = tpu.vector_load_idx %arg4[%add3A_884] : memref<32768xf32, #tpu.memory_space<vmem>>[vector<16xi32>], vector<16xf32>,
        %add3A_886 = arith.constant 1 : i32
        %add3A_887 = vector.broadcast %add3A_886 : i32 to vector<16xi32>
        %add3A_888 = arith.addi %add3A_857, %add3A_887 : vector<16xi32>
        %add3A_889 = arith.addf %sub3A_859, %gather3A_885 : vector<16xf32>
        %sub3A_890 = arith.subf %add3A_889, %scan3A_778 : vector<16xf32>
        %max3A_891 = arith.maximumf %max3A_860, %sub3A_890 : vector<16xf32>
        %min3A_892 = arith.minimumf %max3A_860, %sub3A_890 : vector<16xf32>
        %max3A_893 = arith.maximumf %max3A_862, %min3A_892 : vector<16xf32>
        %min3A_894 = arith.minimumf %max3A_862, %min3A_892 : vector<16xf32>
        %max3A_895 = arith.maximumf %max3A_864, %min3A_894 : vector<16xf32>
        %min3A_896 = arith.minimumf %max3A_864, %min3A_894 : vector<16xf32>
        %max3A_897 = arith.maximumf %max3A_866, %min3A_896 : vector<16xf32>
        %min3A_898 = arith.minimumf %max3A_866, %min3A_896 : vector<16xf32>
        %max3A_899 = arith.maximumf %max3A_868, %min3A_898 : vector<16xf32>
        %min3A_900 = arith.minimumf %max3A_868, %min3A_898 : vector<16xf32>
        %max3A_901 = arith.maximumf %max3A_870, %min3A_900 : vector<16xf32>
        %min3A_902 = arith.minimumf %max3A_870, %min3A_900 : vector<16xf32>
        %max3A_903 = arith.maximumf %max3A_872, %min3A_902 : vector<16xf32>
        %min3A_904 = arith.minimumf %max3A_872, %min3A_902 : vector<16xf32>
        %max3A_905 = arith.maximumf %max3A_874, %min3A_904 : vector<16xf32>
        %min3A_906 = arith.minimumf %max3A_874, %min3A_904 : vector<16xf32>
        %max3A_907 = arith.maximumf %max3A_876, %min3A_906 : vector<16xf32>
        %min3A_908 = arith.minimumf %max3A_876, %min3A_906 : vector<16xf32>
        %max3A_909 = arith.maximumf %max3A_878, %min3A_908 : vector<16xf32>
        %min3A_910 = arith.minimumf %max3A_878, %min3A_908 : vector<16xf32>
        %max3A_911 = arith.maximumf %max3A_880, %min3A_910 : vector<16xf32>
        %min3A_912 = arith.minimumf %max3A_880, %min3A_910 : vector<16xf32>
        %max3A_913 = arith.maximumf %max3A_882, %min3A_912 : vector<16xf32>
        %min3A_914 = arith.minimumf %max3A_882, %min3A_912 : vector<16xf32>
        scf.yield %sub3A_890, %gather3A_793, %gather3A_823, %gather3A_854, %gather3A_885, %add3A_888, %max3A_891, %max3A_893, %max3A_895, %max3A_897, %max3A_899, %max3A_901, %max3A_903, %max3A_905, %max3A_907, %max3A_909, %max3A_911, %max3A_913 : vector<16xf32>, vector<16xf32>, vector<16xf32>, vector<16xf32>, vector<16xf32>, vector<16xi32>, vector<16xf32>, vector<16xf32>, vector<16xf32>, vector<16xf32>, vector<16xf32>, vector<16xf32>, vector<16xf32>, vector<16xf32>, vector<16xf32>, vector<16xf32>, vector<16xf32>, vector<16xf32>
      }
      %scan3A_192 = arith.constant 63 : i32
      %add3A_193 = arith.addf %scan3A_191#6, %scan3A_191#7 : vector<16xf32>
      %add3A_194 = arith.addf %add3A_193, %scan3A_191#8 : vector<16xf32>
      %add3A_195 = arith.addf %add3A_194, %scan3A_191#9 : vector<16xf32>
      %add3A_196 = arith.addf %add3A_195, %scan3A_191#10 : vector<16xf32>
      %add3A_197 = arith.addf %add3A_196, %scan3A_191#11 : vector<16xf32>
      %add3A_198 = arith.addf %add3A_197, %scan3A_191#12 : vector<16xf32>
      %add3A_199 = arith.addf %add3A_198, %scan3A_191#13 : vector<16xf32>
      %add3A_200 = arith.addf %add3A_199, %scan3A_191#14 : vector<16xf32>
      %add3A_201 = arith.addf %add3A_200, %scan3A_191#15 : vector<16xf32>
      %add3A_202 = arith.addf %add3A_201, %scan3A_191#16 : vector<16xf32>
      %add3A_203 = arith.addf %add3A_202, %scan3A_191#17 : vector<16xf32>
      %add3A_204 = arith.addf %add3A_110, %add3A_203 : vector<16xf32>
      %iota3A_205 = tpu.iota {dimensions = array<i32: 0>} : vector<16xi32>
      %add3A_206 = arith.constant 32 : i32
      %add3A_207 = vector.broadcast %add3A_206 : i32 to vector<16xi32>
      %add3A_208 = arith.addi %add3A_207, %iota3A_205 : vector<16xi32>
      %mul3A_209 = arith.constant 256 : i32
      %mul3A_210 = vector.broadcast %mul3A_209 : i32 to vector<16xi32>
      %mul3A_211 = arith.muli %add3A_208, %mul3A_210 : vector<16xi32>
      %add3A_212 = arith.constant 0 : i32
      %add3A_213 = vector.broadcast %add3A_212 : i32 to vector<16xi32>
      %add3A_214 = arith.addi %mul3A_211, %add3A_213 : vector<16xi32>
      %gather3A_215 = tpu.vector_load_idx %arg4[%add3A_214] : memref<32768xf32, #tpu.memory_space<vmem>>[vector<16xi32>], vector<16xf32>,
      %add3A_216 = arith.constant 1 : i32
      %add3A_217 = vector.broadcast %add3A_216 : i32 to vector<16xi32>
      %add3A_218 = arith.addi %mul3A_211, %add3A_217 : vector<16xi32>
      %gather3A_219 = tpu.vector_load_idx %arg4[%add3A_218] : memref<32768xf32, #tpu.memory_space<vmem>>[vector<16xi32>], vector<16xf32>,
      %add3A_220 = arith.constant 2 : i32
      %add3A_221 = vector.broadcast %add3A_220 : i32 to vector<16xi32>
      %add3A_222 = arith.addi %mul3A_211, %add3A_221 : vector<16xi32>
      %gather3A_223 = tpu.vector_load_idx %arg4[%add3A_222] : memref<32768xf32, #tpu.memory_space<vmem>>[vector<16xi32>], vector<16xf32>,
      %add3A_224 = arith.constant 3 : i32
      %add3A_225 = vector.broadcast %add3A_224 : i32 to vector<16xi32>
      %add3A_226 = arith.addi %mul3A_211, %add3A_225 : vector<16xi32>
      %gather3A_227 = tpu.vector_load_idx %arg4[%add3A_226] : memref<32768xf32, #tpu.memory_space<vmem>>[vector<16xi32>], vector<16xf32>,
      %add3A_228 = arith.addf %gather3A_215, %gather3A_219 : vector<16xf32>
      %add3A_229 = arith.addf %add3A_228, %gather3A_223 : vector<16xf32>
      %add3A_230 = arith.addf %add3A_229, %gather3A_227 : vector<16xf32>
      %broadcast_in_dim3A_231 = arith.constant 0xFF800000 : f32
      %broadcast_in_dim3A_232 = vector.broadcast %broadcast_in_dim3A_231 : f32 to vector<16xf32>
      %broadcast_in_dim3A_233 = arith.constant 0xFF800000 : f32
      %broadcast_in_dim3A_234 = vector.broadcast %broadcast_in_dim3A_233 : f32 to vector<16xf32>
      %broadcast_in_dim3A_235 = arith.constant 0xFF800000 : f32
      %broadcast_in_dim3A_236 = vector.broadcast %broadcast_in_dim3A_235 : f32 to vector<16xf32>
      %broadcast_in_dim3A_237 = arith.constant 0xFF800000 : f32
      %broadcast_in_dim3A_238 = vector.broadcast %broadcast_in_dim3A_237 : f32 to vector<16xf32>
      %broadcast_in_dim3A_239 = arith.constant 0xFF800000 : f32
      %broadcast_in_dim3A_240 = vector.broadcast %broadcast_in_dim3A_239 : f32 to vector<16xf32>
      %broadcast_in_dim3A_241 = arith.constant 0xFF800000 : f32
      %broadcast_in_dim3A_242 = vector.broadcast %broadcast_in_dim3A_241 : f32 to vector<16xf32>
      %broadcast_in_dim3A_243 = arith.constant 0xFF800000 : f32
      %broadcast_in_dim3A_244 = vector.broadcast %broadcast_in_dim3A_243 : f32 to vector<16xf32>
      %broadcast_in_dim3A_245 = arith.constant 0xFF800000 : f32
      %broadcast_in_dim3A_246 = vector.broadcast %broadcast_in_dim3A_245 : f32 to vector<16xf32>
      %broadcast_in_dim3A_247 = arith.constant 0xFF800000 : f32
      %broadcast_in_dim3A_248 = vector.broadcast %broadcast_in_dim3A_247 : f32 to vector<16xf32>
      %broadcast_in_dim3A_249 = arith.constant 0xFF800000 : f32
      %broadcast_in_dim3A_250 = vector.broadcast %broadcast_in_dim3A_249 : f32 to vector<16xf32>
      %broadcast_in_dim3A_251 = arith.constant 0xFF800000 : f32
      %broadcast_in_dim3A_252 = vector.broadcast %broadcast_in_dim3A_251 : f32 to vector<16xf32>
      %broadcast_in_dim3A_253 = arith.constant 0xFF800000 : f32
      %broadcast_in_dim3A_254 = vector.broadcast %broadcast_in_dim3A_253 : f32 to vector<16xf32>
      %max3A_255 = arith.maximumf %broadcast_in_dim3A_232, %add3A_230 : vector<16xf32>
      %min3A_256 = arith.minimumf %broadcast_in_dim3A_232, %add3A_230 : vector<16xf32>
      %max3A_257 = arith.maximumf %broadcast_in_dim3A_234, %min3A_256 : vector<16xf32>
      %min3A_258 = arith.minimumf %broadcast_in_dim3A_234, %min3A_256 : vector<16xf32>
      %max3A_259 = arith.maximumf %broadcast_in_dim3A_236, %min3A_258 : vector<16xf32>
      %min3A_260 = arith.minimumf %broadcast_in_dim3A_236, %min3A_258 : vector<16xf32>
      %max3A_261 = arith.maximumf %broadcast_in_dim3A_238, %min3A_260 : vector<16xf32>
      %min3A_262 = arith.minimumf %broadcast_in_dim3A_238, %min3A_260 : vector<16xf32>
      %max3A_263 = arith.maximumf %broadcast_in_dim3A_240, %min3A_262 : vector<16xf32>
      %min3A_264 = arith.minimumf %broadcast_in_dim3A_240, %min3A_262 : vector<16xf32>
      %max3A_265 = arith.maximumf %broadcast_in_dim3A_242, %min3A_264 : vector<16xf32>
      %min3A_266 = arith.minimumf %broadcast_in_dim3A_242, %min3A_264 : vector<16xf32>
      %max3A_267 = arith.maximumf %broadcast_in_dim3A_244, %min3A_266 : vector<16xf32>
      %min3A_268 = arith.minimumf %broadcast_in_dim3A_244, %min3A_266 : vector<16xf32>
      %max3A_269 = arith.maximumf %broadcast_in_dim3A_246, %min3A_268 : vector<16xf32>
      %min3A_270 = arith.minimumf %broadcast_in_dim3A_246, %min3A_268 : vector<16xf32>
      %max3A_271 = arith.maximumf %broadcast_in_dim3A_248, %min3A_270 : vector<16xf32>
      %min3A_272 = arith.minimumf %broadcast_in_dim3A_248, %min3A_270 : vector<16xf32>
      %max3A_273 = arith.maximumf %broadcast_in_dim3A_250, %min3A_272 : vector<16xf32>
      %min3A_274 = arith.minimumf %broadcast_in_dim3A_250, %min3A_272 : vector<16xf32>
      %max3A_275 = arith.maximumf %broadcast_in_dim3A_252, %min3A_274 : vector<16xf32>
      %min3A_276 = arith.minimumf %broadcast_in_dim3A_252, %min3A_274 : vector<16xf32>
      %max3A_277 = arith.maximumf %broadcast_in_dim3A_254, %min3A_276 : vector<16xf32>
      %min3A_278 = arith.minimumf %broadcast_in_dim3A_254, %min3A_276 : vector<16xf32>
      %broadcast_in_dim3A_279 = arith.constant 4 : i32
      %broadcast_in_dim3A_280 = vector.broadcast %broadcast_in_dim3A_279 : i32 to vector<16xi32>
      %scan3A_281 = arith.constant 0 : i32
      %scan3A_282 = arith.constant 63 : i32
      %scan3A_283 = arith.addi %scan3A_281, %scan3A_282 : i32
      %scan3A_284 = arith.constant 1 : i32
      %scan3A_285:18 = scf.for %scan3A_773 = %scan3A_281 to %scan3A_283 step %scan3A_284 iter_args(%scan3A_774 = %add3A_230, %scan3A_775 = %gather3A_215, %scan3A_776 = %gather3A_219, %scan3A_777 = %gather3A_223, %scan3A_778 = %gather3A_227, %scan3A_779 = %broadcast_in_dim3A_280, %scan3A_780 = %max3A_255, %scan3A_781 = %max3A_257, %scan3A_782 = %max3A_259, %scan3A_783 = %max3A_261, %scan3A_784 = %max3A_263, %scan3A_785 = %max3A_265, %scan3A_786 = %max3A_267, %scan3A_787 = %max3A_269, %scan3A_788 = %max3A_271, %scan3A_789 = %max3A_273, %scan3A_790 = %max3A_275, %scan3A_791 = %max3A_277) -> (vector<16xf32>, vector<16xf32>, vector<16xf32>, vector<16xf32>, vector<16xf32>, vector<16xi32>, vector<16xf32>, vector<16xf32>, vector<16xf32>, vector<16xf32>, vector<16xf32>, vector<16xf32>, vector<16xf32>, vector<16xf32>, vector<16xf32>, vector<16xf32>, vector<16xf32>, vector<16xf32>)  : i32 {
        %add3A_792 = arith.addi %mul3A_211, %scan3A_779 : vector<16xi32>
        %gather3A_793 = tpu.vector_load_idx %arg4[%add3A_792] : memref<32768xf32, #tpu.memory_space<vmem>>[vector<16xi32>], vector<16xf32>,
        %add3A_794 = arith.constant 1 : i32
        %add3A_795 = vector.broadcast %add3A_794 : i32 to vector<16xi32>
        %add3A_796 = arith.addi %scan3A_779, %add3A_795 : vector<16xi32>
        %add3A_797 = arith.addf %scan3A_774, %gather3A_793 : vector<16xf32>
        %sub3A = arith.subf %add3A_797, %scan3A_775 : vector<16xf32>
        %max3A_798 = arith.maximumf %scan3A_780, %sub3A : vector<16xf32>
        %min3A_799 = arith.minimumf %scan3A_780, %sub3A : vector<16xf32>
        %max3A_800 = arith.maximumf %scan3A_781, %min3A_799 : vector<16xf32>
        %min3A_801 = arith.minimumf %scan3A_781, %min3A_799 : vector<16xf32>
        %max3A_802 = arith.maximumf %scan3A_782, %min3A_801 : vector<16xf32>
        %min3A_803 = arith.minimumf %scan3A_782, %min3A_801 : vector<16xf32>
        %max3A_804 = arith.maximumf %scan3A_783, %min3A_803 : vector<16xf32>
        %min3A_805 = arith.minimumf %scan3A_783, %min3A_803 : vector<16xf32>
        %max3A_806 = arith.maximumf %scan3A_784, %min3A_805 : vector<16xf32>
        %min3A_807 = arith.minimumf %scan3A_784, %min3A_805 : vector<16xf32>
        %max3A_808 = arith.maximumf %scan3A_785, %min3A_807 : vector<16xf32>
        %min3A_809 = arith.minimumf %scan3A_785, %min3A_807 : vector<16xf32>
        %max3A_810 = arith.maximumf %scan3A_786, %min3A_809 : vector<16xf32>
        %min3A_811 = arith.minimumf %scan3A_786, %min3A_809 : vector<16xf32>
        %max3A_812 = arith.maximumf %scan3A_787, %min3A_811 : vector<16xf32>
        %min3A_813 = arith.minimumf %scan3A_787, %min3A_811 : vector<16xf32>
        %max3A_814 = arith.maximumf %scan3A_788, %min3A_813 : vector<16xf32>
        %min3A_815 = arith.minimumf %scan3A_788, %min3A_813 : vector<16xf32>
        %max3A_816 = arith.maximumf %scan3A_789, %min3A_815 : vector<16xf32>
        %min3A_817 = arith.minimumf %scan3A_789, %min3A_815 : vector<16xf32>
        %max3A_818 = arith.maximumf %scan3A_790, %min3A_817 : vector<16xf32>
        %min3A_819 = arith.minimumf %scan3A_790, %min3A_817 : vector<16xf32>
        %max3A_820 = arith.maximumf %scan3A_791, %min3A_819 : vector<16xf32>
        %min3A_821 = arith.minimumf %scan3A_791, %min3A_819 : vector<16xf32>
        %add3A_822 = arith.addi %mul3A_211, %add3A_796 : vector<16xi32>
        %gather3A_823 = tpu.vector_load_idx %arg4[%add3A_822] : memref<32768xf32, #tpu.memory_space<vmem>>[vector<16xi32>], vector<16xf32>,
        %add3A_824 = arith.constant 1 : i32
        %add3A_825 = vector.broadcast %add3A_824 : i32 to vector<16xi32>
        %add3A_826 = arith.addi %add3A_796, %add3A_825 : vector<16xi32>
        %add3A_827 = arith.addf %sub3A, %gather3A_823 : vector<16xf32>
        %sub3A_828 = arith.subf %add3A_827, %scan3A_776 : vector<16xf32>
        %max3A_829 = arith.maximumf %max3A_798, %sub3A_828 : vector<16xf32>
        %min3A_830 = arith.minimumf %max3A_798, %sub3A_828 : vector<16xf32>
        %max3A_831 = arith.maximumf %max3A_800, %min3A_830 : vector<16xf32>
        %min3A_832 = arith.minimumf %max3A_800, %min3A_830 : vector<16xf32>
        %max3A_833 = arith.maximumf %max3A_802, %min3A_832 : vector<16xf32>
        %min3A_834 = arith.minimumf %max3A_802, %min3A_832 : vector<16xf32>
        %max3A_835 = arith.maximumf %max3A_804, %min3A_834 : vector<16xf32>
        %min3A_836 = arith.minimumf %max3A_804, %min3A_834 : vector<16xf32>
        %max3A_837 = arith.maximumf %max3A_806, %min3A_836 : vector<16xf32>
        %min3A_838 = arith.minimumf %max3A_806, %min3A_836 : vector<16xf32>
        %max3A_839 = arith.maximumf %max3A_808, %min3A_838 : vector<16xf32>
        %min3A_840 = arith.minimumf %max3A_808, %min3A_838 : vector<16xf32>
        %max3A_841 = arith.maximumf %max3A_810, %min3A_840 : vector<16xf32>
        %min3A_842 = arith.minimumf %max3A_810, %min3A_840 : vector<16xf32>
        %max3A_843 = arith.maximumf %max3A_812, %min3A_842 : vector<16xf32>
        %min3A_844 = arith.minimumf %max3A_812, %min3A_842 : vector<16xf32>
        %max3A_845 = arith.maximumf %max3A_814, %min3A_844 : vector<16xf32>
        %min3A_846 = arith.minimumf %max3A_814, %min3A_844 : vector<16xf32>
        %max3A_847 = arith.maximumf %max3A_816, %min3A_846 : vector<16xf32>
        %min3A_848 = arith.minimumf %max3A_816, %min3A_846 : vector<16xf32>
        %max3A_849 = arith.maximumf %max3A_818, %min3A_848 : vector<16xf32>
        %min3A_850 = arith.minimumf %max3A_818, %min3A_848 : vector<16xf32>
        %max3A_851 = arith.maximumf %max3A_820, %min3A_850 : vector<16xf32>
        %min3A_852 = arith.minimumf %max3A_820, %min3A_850 : vector<16xf32>
        %add3A_853 = arith.addi %mul3A_211, %add3A_826 : vector<16xi32>
        %gather3A_854 = tpu.vector_load_idx %arg4[%add3A_853] : memref<32768xf32, #tpu.memory_space<vmem>>[vector<16xi32>], vector<16xf32>,
        %add3A_855 = arith.constant 1 : i32
        %add3A_856 = vector.broadcast %add3A_855 : i32 to vector<16xi32>
        %add3A_857 = arith.addi %add3A_826, %add3A_856 : vector<16xi32>
        %add3A_858 = arith.addf %sub3A_828, %gather3A_854 : vector<16xf32>
        %sub3A_859 = arith.subf %add3A_858, %scan3A_777 : vector<16xf32>
        %max3A_860 = arith.maximumf %max3A_829, %sub3A_859 : vector<16xf32>
        %min3A_861 = arith.minimumf %max3A_829, %sub3A_859 : vector<16xf32>
        %max3A_862 = arith.maximumf %max3A_831, %min3A_861 : vector<16xf32>
        %min3A_863 = arith.minimumf %max3A_831, %min3A_861 : vector<16xf32>
        %max3A_864 = arith.maximumf %max3A_833, %min3A_863 : vector<16xf32>
        %min3A_865 = arith.minimumf %max3A_833, %min3A_863 : vector<16xf32>
        %max3A_866 = arith.maximumf %max3A_835, %min3A_865 : vector<16xf32>
        %min3A_867 = arith.minimumf %max3A_835, %min3A_865 : vector<16xf32>
        %max3A_868 = arith.maximumf %max3A_837, %min3A_867 : vector<16xf32>
        %min3A_869 = arith.minimumf %max3A_837, %min3A_867 : vector<16xf32>
        %max3A_870 = arith.maximumf %max3A_839, %min3A_869 : vector<16xf32>
        %min3A_871 = arith.minimumf %max3A_839, %min3A_869 : vector<16xf32>
        %max3A_872 = arith.maximumf %max3A_841, %min3A_871 : vector<16xf32>
        %min3A_873 = arith.minimumf %max3A_841, %min3A_871 : vector<16xf32>
        %max3A_874 = arith.maximumf %max3A_843, %min3A_873 : vector<16xf32>
        %min3A_875 = arith.minimumf %max3A_843, %min3A_873 : vector<16xf32>
        %max3A_876 = arith.maximumf %max3A_845, %min3A_875 : vector<16xf32>
        %min3A_877 = arith.minimumf %max3A_845, %min3A_875 : vector<16xf32>
        %max3A_878 = arith.maximumf %max3A_847, %min3A_877 : vector<16xf32>
        %min3A_879 = arith.minimumf %max3A_847, %min3A_877 : vector<16xf32>
        %max3A_880 = arith.maximumf %max3A_849, %min3A_879 : vector<16xf32>
        %min3A_881 = arith.minimumf %max3A_849, %min3A_879 : vector<16xf32>
        %max3A_882 = arith.maximumf %max3A_851, %min3A_881 : vector<16xf32>
        %min3A_883 = arith.minimumf %max3A_851, %min3A_881 : vector<16xf32>
        %add3A_884 = arith.addi %mul3A_211, %add3A_857 : vector<16xi32>
        %gather3A_885 = tpu.vector_load_idx %arg4[%add3A_884] : memref<32768xf32, #tpu.memory_space<vmem>>[vector<16xi32>], vector<16xf32>,
        %add3A_886 = arith.constant 1 : i32
        %add3A_887 = vector.broadcast %add3A_886 : i32 to vector<16xi32>
        %add3A_888 = arith.addi %add3A_857, %add3A_887 : vector<16xi32>
        %add3A_889 = arith.addf %sub3A_859, %gather3A_885 : vector<16xf32>
        %sub3A_890 = arith.subf %add3A_889, %scan3A_778 : vector<16xf32>
        %max3A_891 = arith.maximumf %max3A_860, %sub3A_890 : vector<16xf32>
        %min3A_892 = arith.minimumf %max3A_860, %sub3A_890 : vector<16xf32>
        %max3A_893 = arith.maximumf %max3A_862, %min3A_892 : vector<16xf32>
        %min3A_894 = arith.minimumf %max3A_862, %min3A_892 : vector<16xf32>
        %max3A_895 = arith.maximumf %max3A_864, %min3A_894 : vector<16xf32>
        %min3A_896 = arith.minimumf %max3A_864, %min3A_894 : vector<16xf32>
        %max3A_897 = arith.maximumf %max3A_866, %min3A_896 : vector<16xf32>
        %min3A_898 = arith.minimumf %max3A_866, %min3A_896 : vector<16xf32>
        %max3A_899 = arith.maximumf %max3A_868, %min3A_898 : vector<16xf32>
        %min3A_900 = arith.minimumf %max3A_868, %min3A_898 : vector<16xf32>
        %max3A_901 = arith.maximumf %max3A_870, %min3A_900 : vector<16xf32>
        %min3A_902 = arith.minimumf %max3A_870, %min3A_900 : vector<16xf32>
        %max3A_903 = arith.maximumf %max3A_872, %min3A_902 : vector<16xf32>
        %min3A_904 = arith.minimumf %max3A_872, %min3A_902 : vector<16xf32>
        %max3A_905 = arith.maximumf %max3A_874, %min3A_904 : vector<16xf32>
        %min3A_906 = arith.minimumf %max3A_874, %min3A_904 : vector<16xf32>
        %max3A_907 = arith.maximumf %max3A_876, %min3A_906 : vector<16xf32>
        %min3A_908 = arith.minimumf %max3A_876, %min3A_906 : vector<16xf32>
        %max3A_909 = arith.maximumf %max3A_878, %min3A_908 : vector<16xf32>
        %min3A_910 = arith.minimumf %max3A_878, %min3A_908 : vector<16xf32>
        %max3A_911 = arith.maximumf %max3A_880, %min3A_910 : vector<16xf32>
        %min3A_912 = arith.minimumf %max3A_880, %min3A_910 : vector<16xf32>
        %max3A_913 = arith.maximumf %max3A_882, %min3A_912 : vector<16xf32>
        %min3A_914 = arith.minimumf %max3A_882, %min3A_912 : vector<16xf32>
        scf.yield %sub3A_890, %gather3A_793, %gather3A_823, %gather3A_854, %gather3A_885, %add3A_888, %max3A_891, %max3A_893, %max3A_895, %max3A_897, %max3A_899, %max3A_901, %max3A_903, %max3A_905, %max3A_907, %max3A_909, %max3A_911, %max3A_913 : vector<16xf32>, vector<16xf32>, vector<16xf32>, vector<16xf32>, vector<16xf32>, vector<16xi32>, vector<16xf32>, vector<16xf32>, vector<16xf32>, vector<16xf32>, vector<16xf32>, vector<16xf32>, vector<16xf32>, vector<16xf32>, vector<16xf32>, vector<16xf32>, vector<16xf32>, vector<16xf32>
      }
      %scan3A_286 = arith.constant 63 : i32
      %add3A_287 = arith.addf %scan3A_285#6, %scan3A_285#7 : vector<16xf32>
      %add3A_288 = arith.addf %add3A_287, %scan3A_285#8 : vector<16xf32>
      %add3A_289 = arith.addf %add3A_288, %scan3A_285#9 : vector<16xf32>
      %add3A_290 = arith.addf %add3A_289, %scan3A_285#10 : vector<16xf32>
      %add3A_291 = arith.addf %add3A_290, %scan3A_285#11 : vector<16xf32>
      %add3A_292 = arith.addf %add3A_291, %scan3A_285#12 : vector<16xf32>
      %add3A_293 = arith.addf %add3A_292, %scan3A_285#13 : vector<16xf32>
      %add3A_294 = arith.addf %add3A_293, %scan3A_285#14 : vector<16xf32>
      %add3A_295 = arith.addf %add3A_294, %scan3A_285#15 : vector<16xf32>
      %add3A_296 = arith.addf %add3A_295, %scan3A_285#16 : vector<16xf32>
      %add3A_297 = arith.addf %add3A_296, %scan3A_285#17 : vector<16xf32>
      %add3A_298 = arith.addf %add3A_204, %add3A_297 : vector<16xf32>
      %iota3A_299 = tpu.iota {dimensions = array<i32: 0>} : vector<16xi32>
      %add3A_300 = arith.constant 48 : i32
      %add3A_301 = vector.broadcast %add3A_300 : i32 to vector<16xi32>
      %add3A_302 = arith.addi %add3A_301, %iota3A_299 : vector<16xi32>
      %mul3A_303 = arith.constant 256 : i32
      %mul3A_304 = vector.broadcast %mul3A_303 : i32 to vector<16xi32>
      %mul3A_305 = arith.muli %add3A_302, %mul3A_304 : vector<16xi32>
      %add3A_306 = arith.constant 0 : i32
      %add3A_307 = vector.broadcast %add3A_306 : i32 to vector<16xi32>
      %add3A_308 = arith.addi %mul3A_305, %add3A_307 : vector<16xi32>
      %gather3A_309 = tpu.vector_load_idx %arg4[%add3A_308] : memref<32768xf32, #tpu.memory_space<vmem>>[vector<16xi32>], vector<16xf32>,
      %add3A_310 = arith.constant 1 : i32
      %add3A_311 = vector.broadcast %add3A_310 : i32 to vector<16xi32>
      %add3A_312 = arith.addi %mul3A_305, %add3A_311 : vector<16xi32>
      %gather3A_313 = tpu.vector_load_idx %arg4[%add3A_312] : memref<32768xf32, #tpu.memory_space<vmem>>[vector<16xi32>], vector<16xf32>,
      %add3A_314 = arith.constant 2 : i32
      %add3A_315 = vector.broadcast %add3A_314 : i32 to vector<16xi32>
      %add3A_316 = arith.addi %mul3A_305, %add3A_315 : vector<16xi32>
      %gather3A_317 = tpu.vector_load_idx %arg4[%add3A_316] : memref<32768xf32, #tpu.memory_space<vmem>>[vector<16xi32>], vector<16xf32>,
      %add3A_318 = arith.constant 3 : i32
      %add3A_319 = vector.broadcast %add3A_318 : i32 to vector<16xi32>
      %add3A_320 = arith.addi %mul3A_305, %add3A_319 : vector<16xi32>
      %gather3A_321 = tpu.vector_load_idx %arg4[%add3A_320] : memref<32768xf32, #tpu.memory_space<vmem>>[vector<16xi32>], vector<16xf32>,
      %add3A_322 = arith.addf %gather3A_309, %gather3A_313 : vector<16xf32>
      %add3A_323 = arith.addf %add3A_322, %gather3A_317 : vector<16xf32>
      %add3A_324 = arith.addf %add3A_323, %gather3A_321 : vector<16xf32>
      %broadcast_in_dim3A_325 = arith.constant 0xFF800000 : f32
      %broadcast_in_dim3A_326 = vector.broadcast %broadcast_in_dim3A_325 : f32 to vector<16xf32>
      %broadcast_in_dim3A_327 = arith.constant 0xFF800000 : f32
      %broadcast_in_dim3A_328 = vector.broadcast %broadcast_in_dim3A_327 : f32 to vector<16xf32>
      %broadcast_in_dim3A_329 = arith.constant 0xFF800000 : f32
      %broadcast_in_dim3A_330 = vector.broadcast %broadcast_in_dim3A_329 : f32 to vector<16xf32>
      %broadcast_in_dim3A_331 = arith.constant 0xFF800000 : f32
      %broadcast_in_dim3A_332 = vector.broadcast %broadcast_in_dim3A_331 : f32 to vector<16xf32>
      %broadcast_in_dim3A_333 = arith.constant 0xFF800000 : f32
      %broadcast_in_dim3A_334 = vector.broadcast %broadcast_in_dim3A_333 : f32 to vector<16xf32>
      %broadcast_in_dim3A_335 = arith.constant 0xFF800000 : f32
      %broadcast_in_dim3A_336 = vector.broadcast %broadcast_in_dim3A_335 : f32 to vector<16xf32>
      %broadcast_in_dim3A_337 = arith.constant 0xFF800000 : f32
      %broadcast_in_dim3A_338 = vector.broadcast %broadcast_in_dim3A_337 : f32 to vector<16xf32>
      %broadcast_in_dim3A_339 = arith.constant 0xFF800000 : f32
      %broadcast_in_dim3A_340 = vector.broadcast %broadcast_in_dim3A_339 : f32 to vector<16xf32>
      %broadcast_in_dim3A_341 = arith.constant 0xFF800000 : f32
      %broadcast_in_dim3A_342 = vector.broadcast %broadcast_in_dim3A_341 : f32 to vector<16xf32>
      %broadcast_in_dim3A_343 = arith.constant 0xFF800000 : f32
      %broadcast_in_dim3A_344 = vector.broadcast %broadcast_in_dim3A_343 : f32 to vector<16xf32>
      %broadcast_in_dim3A_345 = arith.constant 0xFF800000 : f32
      %broadcast_in_dim3A_346 = vector.broadcast %broadcast_in_dim3A_345 : f32 to vector<16xf32>
      %broadcast_in_dim3A_347 = arith.constant 0xFF800000 : f32
      %broadcast_in_dim3A_348 = vector.broadcast %broadcast_in_dim3A_347 : f32 to vector<16xf32>
      %max3A_349 = arith.maximumf %broadcast_in_dim3A_326, %add3A_324 : vector<16xf32>
      %min3A_350 = arith.minimumf %broadcast_in_dim3A_326, %add3A_324 : vector<16xf32>
      %max3A_351 = arith.maximumf %broadcast_in_dim3A_328, %min3A_350 : vector<16xf32>
      %min3A_352 = arith.minimumf %broadcast_in_dim3A_328, %min3A_350 : vector<16xf32>
      %max3A_353 = arith.maximumf %broadcast_in_dim3A_330, %min3A_352 : vector<16xf32>
      %min3A_354 = arith.minimumf %broadcast_in_dim3A_330, %min3A_352 : vector<16xf32>
      %max3A_355 = arith.maximumf %broadcast_in_dim3A_332, %min3A_354 : vector<16xf32>
      %min3A_356 = arith.minimumf %broadcast_in_dim3A_332, %min3A_354 : vector<16xf32>
      %max3A_357 = arith.maximumf %broadcast_in_dim3A_334, %min3A_356 : vector<16xf32>
      %min3A_358 = arith.minimumf %broadcast_in_dim3A_334, %min3A_356 : vector<16xf32>
      %max3A_359 = arith.maximumf %broadcast_in_dim3A_336, %min3A_358 : vector<16xf32>
      %min3A_360 = arith.minimumf %broadcast_in_dim3A_336, %min3A_358 : vector<16xf32>
      %max3A_361 = arith.maximumf %broadcast_in_dim3A_338, %min3A_360 : vector<16xf32>
      %min3A_362 = arith.minimumf %broadcast_in_dim3A_338, %min3A_360 : vector<16xf32>
      %max3A_363 = arith.maximumf %broadcast_in_dim3A_340, %min3A_362 : vector<16xf32>
      %min3A_364 = arith.minimumf %broadcast_in_dim3A_340, %min3A_362 : vector<16xf32>
      %max3A_365 = arith.maximumf %broadcast_in_dim3A_342, %min3A_364 : vector<16xf32>
      %min3A_366 = arith.minimumf %broadcast_in_dim3A_342, %min3A_364 : vector<16xf32>
      %max3A_367 = arith.maximumf %broadcast_in_dim3A_344, %min3A_366 : vector<16xf32>
      %min3A_368 = arith.minimumf %broadcast_in_dim3A_344, %min3A_366 : vector<16xf32>
      %max3A_369 = arith.maximumf %broadcast_in_dim3A_346, %min3A_368 : vector<16xf32>
      %min3A_370 = arith.minimumf %broadcast_in_dim3A_346, %min3A_368 : vector<16xf32>
      %max3A_371 = arith.maximumf %broadcast_in_dim3A_348, %min3A_370 : vector<16xf32>
      %min3A_372 = arith.minimumf %broadcast_in_dim3A_348, %min3A_370 : vector<16xf32>
      %broadcast_in_dim3A_373 = arith.constant 4 : i32
      %broadcast_in_dim3A_374 = vector.broadcast %broadcast_in_dim3A_373 : i32 to vector<16xi32>
      %scan3A_375 = arith.constant 0 : i32
      %scan3A_376 = arith.constant 63 : i32
      %scan3A_377 = arith.addi %scan3A_375, %scan3A_376 : i32
      %scan3A_378 = arith.constant 1 : i32
      %scan3A_379:18 = scf.for %scan3A_773 = %scan3A_375 to %scan3A_377 step %scan3A_378 iter_args(%scan3A_774 = %add3A_324, %scan3A_775 = %gather3A_309, %scan3A_776 = %gather3A_313, %scan3A_777 = %gather3A_317, %scan3A_778 = %gather3A_321, %scan3A_779 = %broadcast_in_dim3A_374, %scan3A_780 = %max3A_349, %scan3A_781 = %max3A_351, %scan3A_782 = %max3A_353, %scan3A_783 = %max3A_355, %scan3A_784 = %max3A_357, %scan3A_785 = %max3A_359, %scan3A_786 = %max3A_361, %scan3A_787 = %max3A_363, %scan3A_788 = %max3A_365, %scan3A_789 = %max3A_367, %scan3A_790 = %max3A_369, %scan3A_791 = %max3A_371) -> (vector<16xf32>, vector<16xf32>, vector<16xf32>, vector<16xf32>, vector<16xf32>, vector<16xi32>, vector<16xf32>, vector<16xf32>, vector<16xf32>, vector<16xf32>, vector<16xf32>, vector<16xf32>, vector<16xf32>, vector<16xf32>, vector<16xf32>, vector<16xf32>, vector<16xf32>, vector<16xf32>)  : i32 {
        %add3A_792 = arith.addi %mul3A_305, %scan3A_779 : vector<16xi32>
        %gather3A_793 = tpu.vector_load_idx %arg4[%add3A_792] : memref<32768xf32, #tpu.memory_space<vmem>>[vector<16xi32>], vector<16xf32>,
        %add3A_794 = arith.constant 1 : i32
        %add3A_795 = vector.broadcast %add3A_794 : i32 to vector<16xi32>
        %add3A_796 = arith.addi %scan3A_779, %add3A_795 : vector<16xi32>
        %add3A_797 = arith.addf %scan3A_774, %gather3A_793 : vector<16xf32>
        %sub3A = arith.subf %add3A_797, %scan3A_775 : vector<16xf32>
        %max3A_798 = arith.maximumf %scan3A_780, %sub3A : vector<16xf32>
        %min3A_799 = arith.minimumf %scan3A_780, %sub3A : vector<16xf32>
        %max3A_800 = arith.maximumf %scan3A_781, %min3A_799 : vector<16xf32>
        %min3A_801 = arith.minimumf %scan3A_781, %min3A_799 : vector<16xf32>
        %max3A_802 = arith.maximumf %scan3A_782, %min3A_801 : vector<16xf32>
        %min3A_803 = arith.minimumf %scan3A_782, %min3A_801 : vector<16xf32>
        %max3A_804 = arith.maximumf %scan3A_783, %min3A_803 : vector<16xf32>
        %min3A_805 = arith.minimumf %scan3A_783, %min3A_803 : vector<16xf32>
        %max3A_806 = arith.maximumf %scan3A_784, %min3A_805 : vector<16xf32>
        %min3A_807 = arith.minimumf %scan3A_784, %min3A_805 : vector<16xf32>
        %max3A_808 = arith.maximumf %scan3A_785, %min3A_807 : vector<16xf32>
        %min3A_809 = arith.minimumf %scan3A_785, %min3A_807 : vector<16xf32>
        %max3A_810 = arith.maximumf %scan3A_786, %min3A_809 : vector<16xf32>
        %min3A_811 = arith.minimumf %scan3A_786, %min3A_809 : vector<16xf32>
        %max3A_812 = arith.maximumf %scan3A_787, %min3A_811 : vector<16xf32>
        %min3A_813 = arith.minimumf %scan3A_787, %min3A_811 : vector<16xf32>
        %max3A_814 = arith.maximumf %scan3A_788, %min3A_813 : vector<16xf32>
        %min3A_815 = arith.minimumf %scan3A_788, %min3A_813 : vector<16xf32>
        %max3A_816 = arith.maximumf %scan3A_789, %min3A_815 : vector<16xf32>
        %min3A_817 = arith.minimumf %scan3A_789, %min3A_815 : vector<16xf32>
        %max3A_818 = arith.maximumf %scan3A_790, %min3A_817 : vector<16xf32>
        %min3A_819 = arith.minimumf %scan3A_790, %min3A_817 : vector<16xf32>
        %max3A_820 = arith.maximumf %scan3A_791, %min3A_819 : vector<16xf32>
        %min3A_821 = arith.minimumf %scan3A_791, %min3A_819 : vector<16xf32>
        %add3A_822 = arith.addi %mul3A_305, %add3A_796 : vector<16xi32>
        %gather3A_823 = tpu.vector_load_idx %arg4[%add3A_822] : memref<32768xf32, #tpu.memory_space<vmem>>[vector<16xi32>], vector<16xf32>,
        %add3A_824 = arith.constant 1 : i32
        %add3A_825 = vector.broadcast %add3A_824 : i32 to vector<16xi32>
        %add3A_826 = arith.addi %add3A_796, %add3A_825 : vector<16xi32>
        %add3A_827 = arith.addf %sub3A, %gather3A_823 : vector<16xf32>
        %sub3A_828 = arith.subf %add3A_827, %scan3A_776 : vector<16xf32>
        %max3A_829 = arith.maximumf %max3A_798, %sub3A_828 : vector<16xf32>
        %min3A_830 = arith.minimumf %max3A_798, %sub3A_828 : vector<16xf32>
        %max3A_831 = arith.maximumf %max3A_800, %min3A_830 : vector<16xf32>
        %min3A_832 = arith.minimumf %max3A_800, %min3A_830 : vector<16xf32>
        %max3A_833 = arith.maximumf %max3A_802, %min3A_832 : vector<16xf32>
        %min3A_834 = arith.minimumf %max3A_802, %min3A_832 : vector<16xf32>
        %max3A_835 = arith.maximumf %max3A_804, %min3A_834 : vector<16xf32>
        %min3A_836 = arith.minimumf %max3A_804, %min3A_834 : vector<16xf32>
        %max3A_837 = arith.maximumf %max3A_806, %min3A_836 : vector<16xf32>
        %min3A_838 = arith.minimumf %max3A_806, %min3A_836 : vector<16xf32>
        %max3A_839 = arith.maximumf %max3A_808, %min3A_838 : vector<16xf32>
        %min3A_840 = arith.minimumf %max3A_808, %min3A_838 : vector<16xf32>
        %max3A_841 = arith.maximumf %max3A_810, %min3A_840 : vector<16xf32>
        %min3A_842 = arith.minimumf %max3A_810, %min3A_840 : vector<16xf32>
        %max3A_843 = arith.maximumf %max3A_812, %min3A_842 : vector<16xf32>
        %min3A_844 = arith.minimumf %max3A_812, %min3A_842 : vector<16xf32>
        %max3A_845 = arith.maximumf %max3A_814, %min3A_844 : vector<16xf32>
        %min3A_846 = arith.minimumf %max3A_814, %min3A_844 : vector<16xf32>
        %max3A_847 = arith.maximumf %max3A_816, %min3A_846 : vector<16xf32>
        %min3A_848 = arith.minimumf %max3A_816, %min3A_846 : vector<16xf32>
        %max3A_849 = arith.maximumf %max3A_818, %min3A_848 : vector<16xf32>
        %min3A_850 = arith.minimumf %max3A_818, %min3A_848 : vector<16xf32>
        %max3A_851 = arith.maximumf %max3A_820, %min3A_850 : vector<16xf32>
        %min3A_852 = arith.minimumf %max3A_820, %min3A_850 : vector<16xf32>
        %add3A_853 = arith.addi %mul3A_305, %add3A_826 : vector<16xi32>
        %gather3A_854 = tpu.vector_load_idx %arg4[%add3A_853] : memref<32768xf32, #tpu.memory_space<vmem>>[vector<16xi32>], vector<16xf32>,
        %add3A_855 = arith.constant 1 : i32
        %add3A_856 = vector.broadcast %add3A_855 : i32 to vector<16xi32>
        %add3A_857 = arith.addi %add3A_826, %add3A_856 : vector<16xi32>
        %add3A_858 = arith.addf %sub3A_828, %gather3A_854 : vector<16xf32>
        %sub3A_859 = arith.subf %add3A_858, %scan3A_777 : vector<16xf32>
        %max3A_860 = arith.maximumf %max3A_829, %sub3A_859 : vector<16xf32>
        %min3A_861 = arith.minimumf %max3A_829, %sub3A_859 : vector<16xf32>
        %max3A_862 = arith.maximumf %max3A_831, %min3A_861 : vector<16xf32>
        %min3A_863 = arith.minimumf %max3A_831, %min3A_861 : vector<16xf32>
        %max3A_864 = arith.maximumf %max3A_833, %min3A_863 : vector<16xf32>
        %min3A_865 = arith.minimumf %max3A_833, %min3A_863 : vector<16xf32>
        %max3A_866 = arith.maximumf %max3A_835, %min3A_865 : vector<16xf32>
        %min3A_867 = arith.minimumf %max3A_835, %min3A_865 : vector<16xf32>
        %max3A_868 = arith.maximumf %max3A_837, %min3A_867 : vector<16xf32>
        %min3A_869 = arith.minimumf %max3A_837, %min3A_867 : vector<16xf32>
        %max3A_870 = arith.maximumf %max3A_839, %min3A_869 : vector<16xf32>
        %min3A_871 = arith.minimumf %max3A_839, %min3A_869 : vector<16xf32>
        %max3A_872 = arith.maximumf %max3A_841, %min3A_871 : vector<16xf32>
        %min3A_873 = arith.minimumf %max3A_841, %min3A_871 : vector<16xf32>
        %max3A_874 = arith.maximumf %max3A_843, %min3A_873 : vector<16xf32>
        %min3A_875 = arith.minimumf %max3A_843, %min3A_873 : vector<16xf32>
        %max3A_876 = arith.maximumf %max3A_845, %min3A_875 : vector<16xf32>
        %min3A_877 = arith.minimumf %max3A_845, %min3A_875 : vector<16xf32>
        %max3A_878 = arith.maximumf %max3A_847, %min3A_877 : vector<16xf32>
        %min3A_879 = arith.minimumf %max3A_847, %min3A_877 : vector<16xf32>
        %max3A_880 = arith.maximumf %max3A_849, %min3A_879 : vector<16xf32>
        %min3A_881 = arith.minimumf %max3A_849, %min3A_879 : vector<16xf32>
        %max3A_882 = arith.maximumf %max3A_851, %min3A_881 : vector<16xf32>
        %min3A_883 = arith.minimumf %max3A_851, %min3A_881 : vector<16xf32>
        %add3A_884 = arith.addi %mul3A_305, %add3A_857 : vector<16xi32>
        %gather3A_885 = tpu.vector_load_idx %arg4[%add3A_884] : memref<32768xf32, #tpu.memory_space<vmem>>[vector<16xi32>], vector<16xf32>,
        %add3A_886 = arith.constant 1 : i32
        %add3A_887 = vector.broadcast %add3A_886 : i32 to vector<16xi32>
        %add3A_888 = arith.addi %add3A_857, %add3A_887 : vector<16xi32>
        %add3A_889 = arith.addf %sub3A_859, %gather3A_885 : vector<16xf32>
        %sub3A_890 = arith.subf %add3A_889, %scan3A_778 : vector<16xf32>
        %max3A_891 = arith.maximumf %max3A_860, %sub3A_890 : vector<16xf32>
        %min3A_892 = arith.minimumf %max3A_860, %sub3A_890 : vector<16xf32>
        %max3A_893 = arith.maximumf %max3A_862, %min3A_892 : vector<16xf32>
        %min3A_894 = arith.minimumf %max3A_862, %min3A_892 : vector<16xf32>
        %max3A_895 = arith.maximumf %max3A_864, %min3A_894 : vector<16xf32>
        %min3A_896 = arith.minimumf %max3A_864, %min3A_894 : vector<16xf32>
        %max3A_897 = arith.maximumf %max3A_866, %min3A_896 : vector<16xf32>
        %min3A_898 = arith.minimumf %max3A_866, %min3A_896 : vector<16xf32>
        %max3A_899 = arith.maximumf %max3A_868, %min3A_898 : vector<16xf32>
        %min3A_900 = arith.minimumf %max3A_868, %min3A_898 : vector<16xf32>
        %max3A_901 = arith.maximumf %max3A_870, %min3A_900 : vector<16xf32>
        %min3A_902 = arith.minimumf %max3A_870, %min3A_900 : vector<16xf32>
        %max3A_903 = arith.maximumf %max3A_872, %min3A_902 : vector<16xf32>
        %min3A_904 = arith.minimumf %max3A_872, %min3A_902 : vector<16xf32>
        %max3A_905 = arith.maximumf %max3A_874, %min3A_904 : vector<16xf32>
        %min3A_906 = arith.minimumf %max3A_874, %min3A_904 : vector<16xf32>
        %max3A_907 = arith.maximumf %max3A_876, %min3A_906 : vector<16xf32>
        %min3A_908 = arith.minimumf %max3A_876, %min3A_906 : vector<16xf32>
        %max3A_909 = arith.maximumf %max3A_878, %min3A_908 : vector<16xf32>
        %min3A_910 = arith.minimumf %max3A_878, %min3A_908 : vector<16xf32>
        %max3A_911 = arith.maximumf %max3A_880, %min3A_910 : vector<16xf32>
        %min3A_912 = arith.minimumf %max3A_880, %min3A_910 : vector<16xf32>
        %max3A_913 = arith.maximumf %max3A_882, %min3A_912 : vector<16xf32>
        %min3A_914 = arith.minimumf %max3A_882, %min3A_912 : vector<16xf32>
        scf.yield %sub3A_890, %gather3A_793, %gather3A_823, %gather3A_854, %gather3A_885, %add3A_888, %max3A_891, %max3A_893, %max3A_895, %max3A_897, %max3A_899, %max3A_901, %max3A_903, %max3A_905, %max3A_907, %max3A_909, %max3A_911, %max3A_913 : vector<16xf32>, vector<16xf32>, vector<16xf32>, vector<16xf32>, vector<16xf32>, vector<16xi32>, vector<16xf32>, vector<16xf32>, vector<16xf32>, vector<16xf32>, vector<16xf32>, vector<16xf32>, vector<16xf32>, vector<16xf32>, vector<16xf32>, vector<16xf32>, vector<16xf32>, vector<16xf32>
      }
      %scan3A_380 = arith.constant 63 : i32
      %add3A_381 = arith.addf %scan3A_379#6, %scan3A_379#7 : vector<16xf32>
      %add3A_382 = arith.addf %add3A_381, %scan3A_379#8 : vector<16xf32>
      %add3A_383 = arith.addf %add3A_382, %scan3A_379#9 : vector<16xf32>
      %add3A_384 = arith.addf %add3A_383, %scan3A_379#10 : vector<16xf32>
      %add3A_385 = arith.addf %add3A_384, %scan3A_379#11 : vector<16xf32>
      %add3A_386 = arith.addf %add3A_385, %scan3A_379#12 : vector<16xf32>
      %add3A_387 = arith.addf %add3A_386, %scan3A_379#13 : vector<16xf32>
      %add3A_388 = arith.addf %add3A_387, %scan3A_379#14 : vector<16xf32>
      %add3A_389 = arith.addf %add3A_388, %scan3A_379#15 : vector<16xf32>
      %add3A_390 = arith.addf %add3A_389, %scan3A_379#16 : vector<16xf32>
      %add3A_391 = arith.addf %add3A_390, %scan3A_379#17 : vector<16xf32>
      %add3A_392 = arith.addf %add3A_298, %add3A_391 : vector<16xf32>
      %iota3A_393 = tpu.iota {dimensions = array<i32: 0>} : vector<16xi32>
      %add3A_394 = arith.constant 64 : i32
      %add3A_395 = vector.broadcast %add3A_394 : i32 to vector<16xi32>
      %add3A_396 = arith.addi %add3A_395, %iota3A_393 : vector<16xi32>
      %mul3A_397 = arith.constant 256 : i32
      %mul3A_398 = vector.broadcast %mul3A_397 : i32 to vector<16xi32>
      %mul3A_399 = arith.muli %add3A_396, %mul3A_398 : vector<16xi32>
      %add3A_400 = arith.constant 0 : i32
      %add3A_401 = vector.broadcast %add3A_400 : i32 to vector<16xi32>
      %add3A_402 = arith.addi %mul3A_399, %add3A_401 : vector<16xi32>
      %gather3A_403 = tpu.vector_load_idx %arg4[%add3A_402] : memref<32768xf32, #tpu.memory_space<vmem>>[vector<16xi32>], vector<16xf32>,
      %add3A_404 = arith.constant 1 : i32
      %add3A_405 = vector.broadcast %add3A_404 : i32 to vector<16xi32>
      %add3A_406 = arith.addi %mul3A_399, %add3A_405 : vector<16xi32>
      %gather3A_407 = tpu.vector_load_idx %arg4[%add3A_406] : memref<32768xf32, #tpu.memory_space<vmem>>[vector<16xi32>], vector<16xf32>,
      %add3A_408 = arith.constant 2 : i32
      %add3A_409 = vector.broadcast %add3A_408 : i32 to vector<16xi32>
      %add3A_410 = arith.addi %mul3A_399, %add3A_409 : vector<16xi32>
      %gather3A_411 = tpu.vector_load_idx %arg4[%add3A_410] : memref<32768xf32, #tpu.memory_space<vmem>>[vector<16xi32>], vector<16xf32>,
      %add3A_412 = arith.constant 3 : i32
      %add3A_413 = vector.broadcast %add3A_412 : i32 to vector<16xi32>
      %add3A_414 = arith.addi %mul3A_399, %add3A_413 : vector<16xi32>
      %gather3A_415 = tpu.vector_load_idx %arg4[%add3A_414] : memref<32768xf32, #tpu.memory_space<vmem>>[vector<16xi32>], vector<16xf32>,
      %add3A_416 = arith.addf %gather3A_403, %gather3A_407 : vector<16xf32>
      %add3A_417 = arith.addf %add3A_416, %gather3A_411 : vector<16xf32>
      %add3A_418 = arith.addf %add3A_417, %gather3A_415 : vector<16xf32>
      %broadcast_in_dim3A_419 = arith.constant 0xFF800000 : f32
      %broadcast_in_dim3A_420 = vector.broadcast %broadcast_in_dim3A_419 : f32 to vector<16xf32>
      %broadcast_in_dim3A_421 = arith.constant 0xFF800000 : f32
      %broadcast_in_dim3A_422 = vector.broadcast %broadcast_in_dim3A_421 : f32 to vector<16xf32>
      %broadcast_in_dim3A_423 = arith.constant 0xFF800000 : f32
      %broadcast_in_dim3A_424 = vector.broadcast %broadcast_in_dim3A_423 : f32 to vector<16xf32>
      %broadcast_in_dim3A_425 = arith.constant 0xFF800000 : f32
      %broadcast_in_dim3A_426 = vector.broadcast %broadcast_in_dim3A_425 : f32 to vector<16xf32>
      %broadcast_in_dim3A_427 = arith.constant 0xFF800000 : f32
      %broadcast_in_dim3A_428 = vector.broadcast %broadcast_in_dim3A_427 : f32 to vector<16xf32>
      %broadcast_in_dim3A_429 = arith.constant 0xFF800000 : f32
      %broadcast_in_dim3A_430 = vector.broadcast %broadcast_in_dim3A_429 : f32 to vector<16xf32>
      %broadcast_in_dim3A_431 = arith.constant 0xFF800000 : f32
      %broadcast_in_dim3A_432 = vector.broadcast %broadcast_in_dim3A_431 : f32 to vector<16xf32>
      %broadcast_in_dim3A_433 = arith.constant 0xFF800000 : f32
      %broadcast_in_dim3A_434 = vector.broadcast %broadcast_in_dim3A_433 : f32 to vector<16xf32>
      %broadcast_in_dim3A_435 = arith.constant 0xFF800000 : f32
      %broadcast_in_dim3A_436 = vector.broadcast %broadcast_in_dim3A_435 : f32 to vector<16xf32>
      %broadcast_in_dim3A_437 = arith.constant 0xFF800000 : f32
      %broadcast_in_dim3A_438 = vector.broadcast %broadcast_in_dim3A_437 : f32 to vector<16xf32>
      %broadcast_in_dim3A_439 = arith.constant 0xFF800000 : f32
      %broadcast_in_dim3A_440 = vector.broadcast %broadcast_in_dim3A_439 : f32 to vector<16xf32>
      %broadcast_in_dim3A_441 = arith.constant 0xFF800000 : f32
      %broadcast_in_dim3A_442 = vector.broadcast %broadcast_in_dim3A_441 : f32 to vector<16xf32>
      %max3A_443 = arith.maximumf %broadcast_in_dim3A_420, %add3A_418 : vector<16xf32>
      %min3A_444 = arith.minimumf %broadcast_in_dim3A_420, %add3A_418 : vector<16xf32>
      %max3A_445 = arith.maximumf %broadcast_in_dim3A_422, %min3A_444 : vector<16xf32>
      %min3A_446 = arith.minimumf %broadcast_in_dim3A_422, %min3A_444 : vector<16xf32>
      %max3A_447 = arith.maximumf %broadcast_in_dim3A_424, %min3A_446 : vector<16xf32>
      %min3A_448 = arith.minimumf %broadcast_in_dim3A_424, %min3A_446 : vector<16xf32>
      %max3A_449 = arith.maximumf %broadcast_in_dim3A_426, %min3A_448 : vector<16xf32>
      %min3A_450 = arith.minimumf %broadcast_in_dim3A_426, %min3A_448 : vector<16xf32>
      %max3A_451 = arith.maximumf %broadcast_in_dim3A_428, %min3A_450 : vector<16xf32>
      %min3A_452 = arith.minimumf %broadcast_in_dim3A_428, %min3A_450 : vector<16xf32>
      %max3A_453 = arith.maximumf %broadcast_in_dim3A_430, %min3A_452 : vector<16xf32>
      %min3A_454 = arith.minimumf %broadcast_in_dim3A_430, %min3A_452 : vector<16xf32>
      %max3A_455 = arith.maximumf %broadcast_in_dim3A_432, %min3A_454 : vector<16xf32>
      %min3A_456 = arith.minimumf %broadcast_in_dim3A_432, %min3A_454 : vector<16xf32>
      %max3A_457 = arith.maximumf %broadcast_in_dim3A_434, %min3A_456 : vector<16xf32>
      %min3A_458 = arith.minimumf %broadcast_in_dim3A_434, %min3A_456 : vector<16xf32>
      %max3A_459 = arith.maximumf %broadcast_in_dim3A_436, %min3A_458 : vector<16xf32>
      %min3A_460 = arith.minimumf %broadcast_in_dim3A_436, %min3A_458 : vector<16xf32>
      %max3A_461 = arith.maximumf %broadcast_in_dim3A_438, %min3A_460 : vector<16xf32>
      %min3A_462 = arith.minimumf %broadcast_in_dim3A_438, %min3A_460 : vector<16xf32>
      %max3A_463 = arith.maximumf %broadcast_in_dim3A_440, %min3A_462 : vector<16xf32>
      %min3A_464 = arith.minimumf %broadcast_in_dim3A_440, %min3A_462 : vector<16xf32>
      %max3A_465 = arith.maximumf %broadcast_in_dim3A_442, %min3A_464 : vector<16xf32>
      %min3A_466 = arith.minimumf %broadcast_in_dim3A_442, %min3A_464 : vector<16xf32>
      %broadcast_in_dim3A_467 = arith.constant 4 : i32
      %broadcast_in_dim3A_468 = vector.broadcast %broadcast_in_dim3A_467 : i32 to vector<16xi32>
      %scan3A_469 = arith.constant 0 : i32
      %scan3A_470 = arith.constant 63 : i32
      %scan3A_471 = arith.addi %scan3A_469, %scan3A_470 : i32
      %scan3A_472 = arith.constant 1 : i32
      %scan3A_473:18 = scf.for %scan3A_773 = %scan3A_469 to %scan3A_471 step %scan3A_472 iter_args(%scan3A_774 = %add3A_418, %scan3A_775 = %gather3A_403, %scan3A_776 = %gather3A_407, %scan3A_777 = %gather3A_411, %scan3A_778 = %gather3A_415, %scan3A_779 = %broadcast_in_dim3A_468, %scan3A_780 = %max3A_443, %scan3A_781 = %max3A_445, %scan3A_782 = %max3A_447, %scan3A_783 = %max3A_449, %scan3A_784 = %max3A_451, %scan3A_785 = %max3A_453, %scan3A_786 = %max3A_455, %scan3A_787 = %max3A_457, %scan3A_788 = %max3A_459, %scan3A_789 = %max3A_461, %scan3A_790 = %max3A_463, %scan3A_791 = %max3A_465) -> (vector<16xf32>, vector<16xf32>, vector<16xf32>, vector<16xf32>, vector<16xf32>, vector<16xi32>, vector<16xf32>, vector<16xf32>, vector<16xf32>, vector<16xf32>, vector<16xf32>, vector<16xf32>, vector<16xf32>, vector<16xf32>, vector<16xf32>, vector<16xf32>, vector<16xf32>, vector<16xf32>)  : i32 {
        %add3A_792 = arith.addi %mul3A_399, %scan3A_779 : vector<16xi32>
        %gather3A_793 = tpu.vector_load_idx %arg4[%add3A_792] : memref<32768xf32, #tpu.memory_space<vmem>>[vector<16xi32>], vector<16xf32>,
        %add3A_794 = arith.constant 1 : i32
        %add3A_795 = vector.broadcast %add3A_794 : i32 to vector<16xi32>
        %add3A_796 = arith.addi %scan3A_779, %add3A_795 : vector<16xi32>
        %add3A_797 = arith.addf %scan3A_774, %gather3A_793 : vector<16xf32>
        %sub3A = arith.subf %add3A_797, %scan3A_775 : vector<16xf32>
        %max3A_798 = arith.maximumf %scan3A_780, %sub3A : vector<16xf32>
        %min3A_799 = arith.minimumf %scan3A_780, %sub3A : vector<16xf32>
        %max3A_800 = arith.maximumf %scan3A_781, %min3A_799 : vector<16xf32>
        %min3A_801 = arith.minimumf %scan3A_781, %min3A_799 : vector<16xf32>
        %max3A_802 = arith.maximumf %scan3A_782, %min3A_801 : vector<16xf32>
        %min3A_803 = arith.minimumf %scan3A_782, %min3A_801 : vector<16xf32>
        %max3A_804 = arith.maximumf %scan3A_783, %min3A_803 : vector<16xf32>
        %min3A_805 = arith.minimumf %scan3A_783, %min3A_803 : vector<16xf32>
        %max3A_806 = arith.maximumf %scan3A_784, %min3A_805 : vector<16xf32>
        %min3A_807 = arith.minimumf %scan3A_784, %min3A_805 : vector<16xf32>
        %max3A_808 = arith.maximumf %scan3A_785, %min3A_807 : vector<16xf32>
        %min3A_809 = arith.minimumf %scan3A_785, %min3A_807 : vector<16xf32>
        %max3A_810 = arith.maximumf %scan3A_786, %min3A_809 : vector<16xf32>
        %min3A_811 = arith.minimumf %scan3A_786, %min3A_809 : vector<16xf32>
        %max3A_812 = arith.maximumf %scan3A_787, %min3A_811 : vector<16xf32>
        %min3A_813 = arith.minimumf %scan3A_787, %min3A_811 : vector<16xf32>
        %max3A_814 = arith.maximumf %scan3A_788, %min3A_813 : vector<16xf32>
        %min3A_815 = arith.minimumf %scan3A_788, %min3A_813 : vector<16xf32>
        %max3A_816 = arith.maximumf %scan3A_789, %min3A_815 : vector<16xf32>
        %min3A_817 = arith.minimumf %scan3A_789, %min3A_815 : vector<16xf32>
        %max3A_818 = arith.maximumf %scan3A_790, %min3A_817 : vector<16xf32>
        %min3A_819 = arith.minimumf %scan3A_790, %min3A_817 : vector<16xf32>
        %max3A_820 = arith.maximumf %scan3A_791, %min3A_819 : vector<16xf32>
        %min3A_821 = arith.minimumf %scan3A_791, %min3A_819 : vector<16xf32>
        %add3A_822 = arith.addi %mul3A_399, %add3A_796 : vector<16xi32>
        %gather3A_823 = tpu.vector_load_idx %arg4[%add3A_822] : memref<32768xf32, #tpu.memory_space<vmem>>[vector<16xi32>], vector<16xf32>,
        %add3A_824 = arith.constant 1 : i32
        %add3A_825 = vector.broadcast %add3A_824 : i32 to vector<16xi32>
        %add3A_826 = arith.addi %add3A_796, %add3A_825 : vector<16xi32>
        %add3A_827 = arith.addf %sub3A, %gather3A_823 : vector<16xf32>
        %sub3A_828 = arith.subf %add3A_827, %scan3A_776 : vector<16xf32>
        %max3A_829 = arith.maximumf %max3A_798, %sub3A_828 : vector<16xf32>
        %min3A_830 = arith.minimumf %max3A_798, %sub3A_828 : vector<16xf32>
        %max3A_831 = arith.maximumf %max3A_800, %min3A_830 : vector<16xf32>
        %min3A_832 = arith.minimumf %max3A_800, %min3A_830 : vector<16xf32>
        %max3A_833 = arith.maximumf %max3A_802, %min3A_832 : vector<16xf32>
        %min3A_834 = arith.minimumf %max3A_802, %min3A_832 : vector<16xf32>
        %max3A_835 = arith.maximumf %max3A_804, %min3A_834 : vector<16xf32>
        %min3A_836 = arith.minimumf %max3A_804, %min3A_834 : vector<16xf32>
        %max3A_837 = arith.maximumf %max3A_806, %min3A_836 : vector<16xf32>
        %min3A_838 = arith.minimumf %max3A_806, %min3A_836 : vector<16xf32>
        %max3A_839 = arith.maximumf %max3A_808, %min3A_838 : vector<16xf32>
        %min3A_840 = arith.minimumf %max3A_808, %min3A_838 : vector<16xf32>
        %max3A_841 = arith.maximumf %max3A_810, %min3A_840 : vector<16xf32>
        %min3A_842 = arith.minimumf %max3A_810, %min3A_840 : vector<16xf32>
        %max3A_843 = arith.maximumf %max3A_812, %min3A_842 : vector<16xf32>
        %min3A_844 = arith.minimumf %max3A_812, %min3A_842 : vector<16xf32>
        %max3A_845 = arith.maximumf %max3A_814, %min3A_844 : vector<16xf32>
        %min3A_846 = arith.minimumf %max3A_814, %min3A_844 : vector<16xf32>
        %max3A_847 = arith.maximumf %max3A_816, %min3A_846 : vector<16xf32>
        %min3A_848 = arith.minimumf %max3A_816, %min3A_846 : vector<16xf32>
        %max3A_849 = arith.maximumf %max3A_818, %min3A_848 : vector<16xf32>
        %min3A_850 = arith.minimumf %max3A_818, %min3A_848 : vector<16xf32>
        %max3A_851 = arith.maximumf %max3A_820, %min3A_850 : vector<16xf32>
        %min3A_852 = arith.minimumf %max3A_820, %min3A_850 : vector<16xf32>
        %add3A_853 = arith.addi %mul3A_399, %add3A_826 : vector<16xi32>
        %gather3A_854 = tpu.vector_load_idx %arg4[%add3A_853] : memref<32768xf32, #tpu.memory_space<vmem>>[vector<16xi32>], vector<16xf32>,
        %add3A_855 = arith.constant 1 : i32
        %add3A_856 = vector.broadcast %add3A_855 : i32 to vector<16xi32>
        %add3A_857 = arith.addi %add3A_826, %add3A_856 : vector<16xi32>
        %add3A_858 = arith.addf %sub3A_828, %gather3A_854 : vector<16xf32>
        %sub3A_859 = arith.subf %add3A_858, %scan3A_777 : vector<16xf32>
        %max3A_860 = arith.maximumf %max3A_829, %sub3A_859 : vector<16xf32>
        %min3A_861 = arith.minimumf %max3A_829, %sub3A_859 : vector<16xf32>
        %max3A_862 = arith.maximumf %max3A_831, %min3A_861 : vector<16xf32>
        %min3A_863 = arith.minimumf %max3A_831, %min3A_861 : vector<16xf32>
        %max3A_864 = arith.maximumf %max3A_833, %min3A_863 : vector<16xf32>
        %min3A_865 = arith.minimumf %max3A_833, %min3A_863 : vector<16xf32>
        %max3A_866 = arith.maximumf %max3A_835, %min3A_865 : vector<16xf32>
        %min3A_867 = arith.minimumf %max3A_835, %min3A_865 : vector<16xf32>
        %max3A_868 = arith.maximumf %max3A_837, %min3A_867 : vector<16xf32>
        %min3A_869 = arith.minimumf %max3A_837, %min3A_867 : vector<16xf32>
        %max3A_870 = arith.maximumf %max3A_839, %min3A_869 : vector<16xf32>
        %min3A_871 = arith.minimumf %max3A_839, %min3A_869 : vector<16xf32>
        %max3A_872 = arith.maximumf %max3A_841, %min3A_871 : vector<16xf32>
        %min3A_873 = arith.minimumf %max3A_841, %min3A_871 : vector<16xf32>
        %max3A_874 = arith.maximumf %max3A_843, %min3A_873 : vector<16xf32>
        %min3A_875 = arith.minimumf %max3A_843, %min3A_873 : vector<16xf32>
        %max3A_876 = arith.maximumf %max3A_845, %min3A_875 : vector<16xf32>
        %min3A_877 = arith.minimumf %max3A_845, %min3A_875 : vector<16xf32>
        %max3A_878 = arith.maximumf %max3A_847, %min3A_877 : vector<16xf32>
        %min3A_879 = arith.minimumf %max3A_847, %min3A_877 : vector<16xf32>
        %max3A_880 = arith.maximumf %max3A_849, %min3A_879 : vector<16xf32>
        %min3A_881 = arith.minimumf %max3A_849, %min3A_879 : vector<16xf32>
        %max3A_882 = arith.maximumf %max3A_851, %min3A_881 : vector<16xf32>
        %min3A_883 = arith.minimumf %max3A_851, %min3A_881 : vector<16xf32>
        %add3A_884 = arith.addi %mul3A_399, %add3A_857 : vector<16xi32>
        %gather3A_885 = tpu.vector_load_idx %arg4[%add3A_884] : memref<32768xf32, #tpu.memory_space<vmem>>[vector<16xi32>], vector<16xf32>,
        %add3A_886 = arith.constant 1 : i32
        %add3A_887 = vector.broadcast %add3A_886 : i32 to vector<16xi32>
        %add3A_888 = arith.addi %add3A_857, %add3A_887 : vector<16xi32>
        %add3A_889 = arith.addf %sub3A_859, %gather3A_885 : vector<16xf32>
        %sub3A_890 = arith.subf %add3A_889, %scan3A_778 : vector<16xf32>
        %max3A_891 = arith.maximumf %max3A_860, %sub3A_890 : vector<16xf32>
        %min3A_892 = arith.minimumf %max3A_860, %sub3A_890 : vector<16xf32>
        %max3A_893 = arith.maximumf %max3A_862, %min3A_892 : vector<16xf32>
        %min3A_894 = arith.minimumf %max3A_862, %min3A_892 : vector<16xf32>
        %max3A_895 = arith.maximumf %max3A_864, %min3A_894 : vector<16xf32>
        %min3A_896 = arith.minimumf %max3A_864, %min3A_894 : vector<16xf32>
        %max3A_897 = arith.maximumf %max3A_866, %min3A_896 : vector<16xf32>
        %min3A_898 = arith.minimumf %max3A_866, %min3A_896 : vector<16xf32>
        %max3A_899 = arith.maximumf %max3A_868, %min3A_898 : vector<16xf32>
        %min3A_900 = arith.minimumf %max3A_868, %min3A_898 : vector<16xf32>
        %max3A_901 = arith.maximumf %max3A_870, %min3A_900 : vector<16xf32>
        %min3A_902 = arith.minimumf %max3A_870, %min3A_900 : vector<16xf32>
        %max3A_903 = arith.maximumf %max3A_872, %min3A_902 : vector<16xf32>
        %min3A_904 = arith.minimumf %max3A_872, %min3A_902 : vector<16xf32>
        %max3A_905 = arith.maximumf %max3A_874, %min3A_904 : vector<16xf32>
        %min3A_906 = arith.minimumf %max3A_874, %min3A_904 : vector<16xf32>
        %max3A_907 = arith.maximumf %max3A_876, %min3A_906 : vector<16xf32>
        %min3A_908 = arith.minimumf %max3A_876, %min3A_906 : vector<16xf32>
        %max3A_909 = arith.maximumf %max3A_878, %min3A_908 : vector<16xf32>
        %min3A_910 = arith.minimumf %max3A_878, %min3A_908 : vector<16xf32>
        %max3A_911 = arith.maximumf %max3A_880, %min3A_910 : vector<16xf32>
        %min3A_912 = arith.minimumf %max3A_880, %min3A_910 : vector<16xf32>
        %max3A_913 = arith.maximumf %max3A_882, %min3A_912 : vector<16xf32>
        %min3A_914 = arith.minimumf %max3A_882, %min3A_912 : vector<16xf32>
        scf.yield %sub3A_890, %gather3A_793, %gather3A_823, %gather3A_854, %gather3A_885, %add3A_888, %max3A_891, %max3A_893, %max3A_895, %max3A_897, %max3A_899, %max3A_901, %max3A_903, %max3A_905, %max3A_907, %max3A_909, %max3A_911, %max3A_913 : vector<16xf32>, vector<16xf32>, vector<16xf32>, vector<16xf32>, vector<16xf32>, vector<16xi32>, vector<16xf32>, vector<16xf32>, vector<16xf32>, vector<16xf32>, vector<16xf32>, vector<16xf32>, vector<16xf32>, vector<16xf32>, vector<16xf32>, vector<16xf32>, vector<16xf32>, vector<16xf32>
      }
      %scan3A_474 = arith.constant 63 : i32
      %add3A_475 = arith.addf %scan3A_473#6, %scan3A_473#7 : vector<16xf32>
      %add3A_476 = arith.addf %add3A_475, %scan3A_473#8 : vector<16xf32>
      %add3A_477 = arith.addf %add3A_476, %scan3A_473#9 : vector<16xf32>
      %add3A_478 = arith.addf %add3A_477, %scan3A_473#10 : vector<16xf32>
      %add3A_479 = arith.addf %add3A_478, %scan3A_473#11 : vector<16xf32>
      %add3A_480 = arith.addf %add3A_479, %scan3A_473#12 : vector<16xf32>
      %add3A_481 = arith.addf %add3A_480, %scan3A_473#13 : vector<16xf32>
      %add3A_482 = arith.addf %add3A_481, %scan3A_473#14 : vector<16xf32>
      %add3A_483 = arith.addf %add3A_482, %scan3A_473#15 : vector<16xf32>
      %add3A_484 = arith.addf %add3A_483, %scan3A_473#16 : vector<16xf32>
      %add3A_485 = arith.addf %add3A_484, %scan3A_473#17 : vector<16xf32>
      %add3A_486 = arith.addf %add3A_392, %add3A_485 : vector<16xf32>
      %iota3A_487 = tpu.iota {dimensions = array<i32: 0>} : vector<16xi32>
      %add3A_488 = arith.constant 80 : i32
      %add3A_489 = vector.broadcast %add3A_488 : i32 to vector<16xi32>
      %add3A_490 = arith.addi %add3A_489, %iota3A_487 : vector<16xi32>
      %mul3A_491 = arith.constant 256 : i32
      %mul3A_492 = vector.broadcast %mul3A_491 : i32 to vector<16xi32>
      %mul3A_493 = arith.muli %add3A_490, %mul3A_492 : vector<16xi32>
      %add3A_494 = arith.constant 0 : i32
      %add3A_495 = vector.broadcast %add3A_494 : i32 to vector<16xi32>
      %add3A_496 = arith.addi %mul3A_493, %add3A_495 : vector<16xi32>
      %gather3A_497 = tpu.vector_load_idx %arg4[%add3A_496] : memref<32768xf32, #tpu.memory_space<vmem>>[vector<16xi32>], vector<16xf32>,
      %add3A_498 = arith.constant 1 : i32
      %add3A_499 = vector.broadcast %add3A_498 : i32 to vector<16xi32>
      %add3A_500 = arith.addi %mul3A_493, %add3A_499 : vector<16xi32>
      %gather3A_501 = tpu.vector_load_idx %arg4[%add3A_500] : memref<32768xf32, #tpu.memory_space<vmem>>[vector<16xi32>], vector<16xf32>,
      %add3A_502 = arith.constant 2 : i32
      %add3A_503 = vector.broadcast %add3A_502 : i32 to vector<16xi32>
      %add3A_504 = arith.addi %mul3A_493, %add3A_503 : vector<16xi32>
      %gather3A_505 = tpu.vector_load_idx %arg4[%add3A_504] : memref<32768xf32, #tpu.memory_space<vmem>>[vector<16xi32>], vector<16xf32>,
      %add3A_506 = arith.constant 3 : i32
      %add3A_507 = vector.broadcast %add3A_506 : i32 to vector<16xi32>
      %add3A_508 = arith.addi %mul3A_493, %add3A_507 : vector<16xi32>
      %gather3A_509 = tpu.vector_load_idx %arg4[%add3A_508] : memref<32768xf32, #tpu.memory_space<vmem>>[vector<16xi32>], vector<16xf32>,
      %add3A_510 = arith.addf %gather3A_497, %gather3A_501 : vector<16xf32>
      %add3A_511 = arith.addf %add3A_510, %gather3A_505 : vector<16xf32>
      %add3A_512 = arith.addf %add3A_511, %gather3A_509 : vector<16xf32>
      %broadcast_in_dim3A_513 = arith.constant 0xFF800000 : f32
      %broadcast_in_dim3A_514 = vector.broadcast %broadcast_in_dim3A_513 : f32 to vector<16xf32>
      %broadcast_in_dim3A_515 = arith.constant 0xFF800000 : f32
      %broadcast_in_dim3A_516 = vector.broadcast %broadcast_in_dim3A_515 : f32 to vector<16xf32>
      %broadcast_in_dim3A_517 = arith.constant 0xFF800000 : f32
      %broadcast_in_dim3A_518 = vector.broadcast %broadcast_in_dim3A_517 : f32 to vector<16xf32>
      %broadcast_in_dim3A_519 = arith.constant 0xFF800000 : f32
      %broadcast_in_dim3A_520 = vector.broadcast %broadcast_in_dim3A_519 : f32 to vector<16xf32>
      %broadcast_in_dim3A_521 = arith.constant 0xFF800000 : f32
      %broadcast_in_dim3A_522 = vector.broadcast %broadcast_in_dim3A_521 : f32 to vector<16xf32>
      %broadcast_in_dim3A_523 = arith.constant 0xFF800000 : f32
      %broadcast_in_dim3A_524 = vector.broadcast %broadcast_in_dim3A_523 : f32 to vector<16xf32>
      %broadcast_in_dim3A_525 = arith.constant 0xFF800000 : f32
      %broadcast_in_dim3A_526 = vector.broadcast %broadcast_in_dim3A_525 : f32 to vector<16xf32>
      %broadcast_in_dim3A_527 = arith.constant 0xFF800000 : f32
      %broadcast_in_dim3A_528 = vector.broadcast %broadcast_in_dim3A_527 : f32 to vector<16xf32>
      %broadcast_in_dim3A_529 = arith.constant 0xFF800000 : f32
      %broadcast_in_dim3A_530 = vector.broadcast %broadcast_in_dim3A_529 : f32 to vector<16xf32>
      %broadcast_in_dim3A_531 = arith.constant 0xFF800000 : f32
      %broadcast_in_dim3A_532 = vector.broadcast %broadcast_in_dim3A_531 : f32 to vector<16xf32>
      %broadcast_in_dim3A_533 = arith.constant 0xFF800000 : f32
      %broadcast_in_dim3A_534 = vector.broadcast %broadcast_in_dim3A_533 : f32 to vector<16xf32>
      %broadcast_in_dim3A_535 = arith.constant 0xFF800000 : f32
      %broadcast_in_dim3A_536 = vector.broadcast %broadcast_in_dim3A_535 : f32 to vector<16xf32>
      %max3A_537 = arith.maximumf %broadcast_in_dim3A_514, %add3A_512 : vector<16xf32>
      %min3A_538 = arith.minimumf %broadcast_in_dim3A_514, %add3A_512 : vector<16xf32>
      %max3A_539 = arith.maximumf %broadcast_in_dim3A_516, %min3A_538 : vector<16xf32>
      %min3A_540 = arith.minimumf %broadcast_in_dim3A_516, %min3A_538 : vector<16xf32>
      %max3A_541 = arith.maximumf %broadcast_in_dim3A_518, %min3A_540 : vector<16xf32>
      %min3A_542 = arith.minimumf %broadcast_in_dim3A_518, %min3A_540 : vector<16xf32>
      %max3A_543 = arith.maximumf %broadcast_in_dim3A_520, %min3A_542 : vector<16xf32>
      %min3A_544 = arith.minimumf %broadcast_in_dim3A_520, %min3A_542 : vector<16xf32>
      %max3A_545 = arith.maximumf %broadcast_in_dim3A_522, %min3A_544 : vector<16xf32>
      %min3A_546 = arith.minimumf %broadcast_in_dim3A_522, %min3A_544 : vector<16xf32>
      %max3A_547 = arith.maximumf %broadcast_in_dim3A_524, %min3A_546 : vector<16xf32>
      %min3A_548 = arith.minimumf %broadcast_in_dim3A_524, %min3A_546 : vector<16xf32>
      %max3A_549 = arith.maximumf %broadcast_in_dim3A_526, %min3A_548 : vector<16xf32>
      %min3A_550 = arith.minimumf %broadcast_in_dim3A_526, %min3A_548 : vector<16xf32>
      %max3A_551 = arith.maximumf %broadcast_in_dim3A_528, %min3A_550 : vector<16xf32>
      %min3A_552 = arith.minimumf %broadcast_in_dim3A_528, %min3A_550 : vector<16xf32>
      %max3A_553 = arith.maximumf %broadcast_in_dim3A_530, %min3A_552 : vector<16xf32>
      %min3A_554 = arith.minimumf %broadcast_in_dim3A_530, %min3A_552 : vector<16xf32>
      %max3A_555 = arith.maximumf %broadcast_in_dim3A_532, %min3A_554 : vector<16xf32>
      %min3A_556 = arith.minimumf %broadcast_in_dim3A_532, %min3A_554 : vector<16xf32>
      %max3A_557 = arith.maximumf %broadcast_in_dim3A_534, %min3A_556 : vector<16xf32>
      %min3A_558 = arith.minimumf %broadcast_in_dim3A_534, %min3A_556 : vector<16xf32>
      %max3A_559 = arith.maximumf %broadcast_in_dim3A_536, %min3A_558 : vector<16xf32>
      %min3A_560 = arith.minimumf %broadcast_in_dim3A_536, %min3A_558 : vector<16xf32>
      %broadcast_in_dim3A_561 = arith.constant 4 : i32
      %broadcast_in_dim3A_562 = vector.broadcast %broadcast_in_dim3A_561 : i32 to vector<16xi32>
      %scan3A_563 = arith.constant 0 : i32
      %scan3A_564 = arith.constant 63 : i32
      %scan3A_565 = arith.addi %scan3A_563, %scan3A_564 : i32
      %scan3A_566 = arith.constant 1 : i32
      %scan3A_567:18 = scf.for %scan3A_773 = %scan3A_563 to %scan3A_565 step %scan3A_566 iter_args(%scan3A_774 = %add3A_512, %scan3A_775 = %gather3A_497, %scan3A_776 = %gather3A_501, %scan3A_777 = %gather3A_505, %scan3A_778 = %gather3A_509, %scan3A_779 = %broadcast_in_dim3A_562, %scan3A_780 = %max3A_537, %scan3A_781 = %max3A_539, %scan3A_782 = %max3A_541, %scan3A_783 = %max3A_543, %scan3A_784 = %max3A_545, %scan3A_785 = %max3A_547, %scan3A_786 = %max3A_549, %scan3A_787 = %max3A_551, %scan3A_788 = %max3A_553, %scan3A_789 = %max3A_555, %scan3A_790 = %max3A_557, %scan3A_791 = %max3A_559) -> (vector<16xf32>, vector<16xf32>, vector<16xf32>, vector<16xf32>, vector<16xf32>, vector<16xi32>, vector<16xf32>, vector<16xf32>, vector<16xf32>, vector<16xf32>, vector<16xf32>, vector<16xf32>, vector<16xf32>, vector<16xf32>, vector<16xf32>, vector<16xf32>, vector<16xf32>, vector<16xf32>)  : i32 {
        %add3A_792 = arith.addi %mul3A_493, %scan3A_779 : vector<16xi32>
        %gather3A_793 = tpu.vector_load_idx %arg4[%add3A_792] : memref<32768xf32, #tpu.memory_space<vmem>>[vector<16xi32>], vector<16xf32>,
        %add3A_794 = arith.constant 1 : i32
        %add3A_795 = vector.broadcast %add3A_794 : i32 to vector<16xi32>
        %add3A_796 = arith.addi %scan3A_779, %add3A_795 : vector<16xi32>
        %add3A_797 = arith.addf %scan3A_774, %gather3A_793 : vector<16xf32>
        %sub3A = arith.subf %add3A_797, %scan3A_775 : vector<16xf32>
        %max3A_798 = arith.maximumf %scan3A_780, %sub3A : vector<16xf32>
        %min3A_799 = arith.minimumf %scan3A_780, %sub3A : vector<16xf32>
        %max3A_800 = arith.maximumf %scan3A_781, %min3A_799 : vector<16xf32>
        %min3A_801 = arith.minimumf %scan3A_781, %min3A_799 : vector<16xf32>
        %max3A_802 = arith.maximumf %scan3A_782, %min3A_801 : vector<16xf32>
        %min3A_803 = arith.minimumf %scan3A_782, %min3A_801 : vector<16xf32>
        %max3A_804 = arith.maximumf %scan3A_783, %min3A_803 : vector<16xf32>
        %min3A_805 = arith.minimumf %scan3A_783, %min3A_803 : vector<16xf32>
        %max3A_806 = arith.maximumf %scan3A_784, %min3A_805 : vector<16xf32>
        %min3A_807 = arith.minimumf %scan3A_784, %min3A_805 : vector<16xf32>
        %max3A_808 = arith.maximumf %scan3A_785, %min3A_807 : vector<16xf32>
        %min3A_809 = arith.minimumf %scan3A_785, %min3A_807 : vector<16xf32>
        %max3A_810 = arith.maximumf %scan3A_786, %min3A_809 : vector<16xf32>
        %min3A_811 = arith.minimumf %scan3A_786, %min3A_809 : vector<16xf32>
        %max3A_812 = arith.maximumf %scan3A_787, %min3A_811 : vector<16xf32>
        %min3A_813 = arith.minimumf %scan3A_787, %min3A_811 : vector<16xf32>
        %max3A_814 = arith.maximumf %scan3A_788, %min3A_813 : vector<16xf32>
        %min3A_815 = arith.minimumf %scan3A_788, %min3A_813 : vector<16xf32>
        %max3A_816 = arith.maximumf %scan3A_789, %min3A_815 : vector<16xf32>
        %min3A_817 = arith.minimumf %scan3A_789, %min3A_815 : vector<16xf32>
        %max3A_818 = arith.maximumf %scan3A_790, %min3A_817 : vector<16xf32>
        %min3A_819 = arith.minimumf %scan3A_790, %min3A_817 : vector<16xf32>
        %max3A_820 = arith.maximumf %scan3A_791, %min3A_819 : vector<16xf32>
        %min3A_821 = arith.minimumf %scan3A_791, %min3A_819 : vector<16xf32>
        %add3A_822 = arith.addi %mul3A_493, %add3A_796 : vector<16xi32>
        %gather3A_823 = tpu.vector_load_idx %arg4[%add3A_822] : memref<32768xf32, #tpu.memory_space<vmem>>[vector<16xi32>], vector<16xf32>,
        %add3A_824 = arith.constant 1 : i32
        %add3A_825 = vector.broadcast %add3A_824 : i32 to vector<16xi32>
        %add3A_826 = arith.addi %add3A_796, %add3A_825 : vector<16xi32>
        %add3A_827 = arith.addf %sub3A, %gather3A_823 : vector<16xf32>
        %sub3A_828 = arith.subf %add3A_827, %scan3A_776 : vector<16xf32>
        %max3A_829 = arith.maximumf %max3A_798, %sub3A_828 : vector<16xf32>
        %min3A_830 = arith.minimumf %max3A_798, %sub3A_828 : vector<16xf32>
        %max3A_831 = arith.maximumf %max3A_800, %min3A_830 : vector<16xf32>
        %min3A_832 = arith.minimumf %max3A_800, %min3A_830 : vector<16xf32>
        %max3A_833 = arith.maximumf %max3A_802, %min3A_832 : vector<16xf32>
        %min3A_834 = arith.minimumf %max3A_802, %min3A_832 : vector<16xf32>
        %max3A_835 = arith.maximumf %max3A_804, %min3A_834 : vector<16xf32>
        %min3A_836 = arith.minimumf %max3A_804, %min3A_834 : vector<16xf32>
        %max3A_837 = arith.maximumf %max3A_806, %min3A_836 : vector<16xf32>
        %min3A_838 = arith.minimumf %max3A_806, %min3A_836 : vector<16xf32>
        %max3A_839 = arith.maximumf %max3A_808, %min3A_838 : vector<16xf32>
        %min3A_840 = arith.minimumf %max3A_808, %min3A_838 : vector<16xf32>
        %max3A_841 = arith.maximumf %max3A_810, %min3A_840 : vector<16xf32>
        %min3A_842 = arith.minimumf %max3A_810, %min3A_840 : vector<16xf32>
        %max3A_843 = arith.maximumf %max3A_812, %min3A_842 : vector<16xf32>
        %min3A_844 = arith.minimumf %max3A_812, %min3A_842 : vector<16xf32>
        %max3A_845 = arith.maximumf %max3A_814, %min3A_844 : vector<16xf32>
        %min3A_846 = arith.minimumf %max3A_814, %min3A_844 : vector<16xf32>
        %max3A_847 = arith.maximumf %max3A_816, %min3A_846 : vector<16xf32>
        %min3A_848 = arith.minimumf %max3A_816, %min3A_846 : vector<16xf32>
        %max3A_849 = arith.maximumf %max3A_818, %min3A_848 : vector<16xf32>
        %min3A_850 = arith.minimumf %max3A_818, %min3A_848 : vector<16xf32>
        %max3A_851 = arith.maximumf %max3A_820, %min3A_850 : vector<16xf32>
        %min3A_852 = arith.minimumf %max3A_820, %min3A_850 : vector<16xf32>
        %add3A_853 = arith.addi %mul3A_493, %add3A_826 : vector<16xi32>
        %gather3A_854 = tpu.vector_load_idx %arg4[%add3A_853] : memref<32768xf32, #tpu.memory_space<vmem>>[vector<16xi32>], vector<16xf32>,
        %add3A_855 = arith.constant 1 : i32
        %add3A_856 = vector.broadcast %add3A_855 : i32 to vector<16xi32>
        %add3A_857 = arith.addi %add3A_826, %add3A_856 : vector<16xi32>
        %add3A_858 = arith.addf %sub3A_828, %gather3A_854 : vector<16xf32>
        %sub3A_859 = arith.subf %add3A_858, %scan3A_777 : vector<16xf32>
        %max3A_860 = arith.maximumf %max3A_829, %sub3A_859 : vector<16xf32>
        %min3A_861 = arith.minimumf %max3A_829, %sub3A_859 : vector<16xf32>
        %max3A_862 = arith.maximumf %max3A_831, %min3A_861 : vector<16xf32>
        %min3A_863 = arith.minimumf %max3A_831, %min3A_861 : vector<16xf32>
        %max3A_864 = arith.maximumf %max3A_833, %min3A_863 : vector<16xf32>
        %min3A_865 = arith.minimumf %max3A_833, %min3A_863 : vector<16xf32>
        %max3A_866 = arith.maximumf %max3A_835, %min3A_865 : vector<16xf32>
        %min3A_867 = arith.minimumf %max3A_835, %min3A_865 : vector<16xf32>
        %max3A_868 = arith.maximumf %max3A_837, %min3A_867 : vector<16xf32>
        %min3A_869 = arith.minimumf %max3A_837, %min3A_867 : vector<16xf32>
        %max3A_870 = arith.maximumf %max3A_839, %min3A_869 : vector<16xf32>
        %min3A_871 = arith.minimumf %max3A_839, %min3A_869 : vector<16xf32>
        %max3A_872 = arith.maximumf %max3A_841, %min3A_871 : vector<16xf32>
        %min3A_873 = arith.minimumf %max3A_841, %min3A_871 : vector<16xf32>
        %max3A_874 = arith.maximumf %max3A_843, %min3A_873 : vector<16xf32>
        %min3A_875 = arith.minimumf %max3A_843, %min3A_873 : vector<16xf32>
        %max3A_876 = arith.maximumf %max3A_845, %min3A_875 : vector<16xf32>
        %min3A_877 = arith.minimumf %max3A_845, %min3A_875 : vector<16xf32>
        %max3A_878 = arith.maximumf %max3A_847, %min3A_877 : vector<16xf32>
        %min3A_879 = arith.minimumf %max3A_847, %min3A_877 : vector<16xf32>
        %max3A_880 = arith.maximumf %max3A_849, %min3A_879 : vector<16xf32>
        %min3A_881 = arith.minimumf %max3A_849, %min3A_879 : vector<16xf32>
        %max3A_882 = arith.maximumf %max3A_851, %min3A_881 : vector<16xf32>
        %min3A_883 = arith.minimumf %max3A_851, %min3A_881 : vector<16xf32>
        %add3A_884 = arith.addi %mul3A_493, %add3A_857 : vector<16xi32>
        %gather3A_885 = tpu.vector_load_idx %arg4[%add3A_884] : memref<32768xf32, #tpu.memory_space<vmem>>[vector<16xi32>], vector<16xf32>,
        %add3A_886 = arith.constant 1 : i32
        %add3A_887 = vector.broadcast %add3A_886 : i32 to vector<16xi32>
        %add3A_888 = arith.addi %add3A_857, %add3A_887 : vector<16xi32>
        %add3A_889 = arith.addf %sub3A_859, %gather3A_885 : vector<16xf32>
        %sub3A_890 = arith.subf %add3A_889, %scan3A_778 : vector<16xf32>
        %max3A_891 = arith.maximumf %max3A_860, %sub3A_890 : vector<16xf32>
        %min3A_892 = arith.minimumf %max3A_860, %sub3A_890 : vector<16xf32>
        %max3A_893 = arith.maximumf %max3A_862, %min3A_892 : vector<16xf32>
        %min3A_894 = arith.minimumf %max3A_862, %min3A_892 : vector<16xf32>
        %max3A_895 = arith.maximumf %max3A_864, %min3A_894 : vector<16xf32>
        %min3A_896 = arith.minimumf %max3A_864, %min3A_894 : vector<16xf32>
        %max3A_897 = arith.maximumf %max3A_866, %min3A_896 : vector<16xf32>
        %min3A_898 = arith.minimumf %max3A_866, %min3A_896 : vector<16xf32>
        %max3A_899 = arith.maximumf %max3A_868, %min3A_898 : vector<16xf32>
        %min3A_900 = arith.minimumf %max3A_868, %min3A_898 : vector<16xf32>
        %max3A_901 = arith.maximumf %max3A_870, %min3A_900 : vector<16xf32>
        %min3A_902 = arith.minimumf %max3A_870, %min3A_900 : vector<16xf32>
        %max3A_903 = arith.maximumf %max3A_872, %min3A_902 : vector<16xf32>
        %min3A_904 = arith.minimumf %max3A_872, %min3A_902 : vector<16xf32>
        %max3A_905 = arith.maximumf %max3A_874, %min3A_904 : vector<16xf32>
        %min3A_906 = arith.minimumf %max3A_874, %min3A_904 : vector<16xf32>
        %max3A_907 = arith.maximumf %max3A_876, %min3A_906 : vector<16xf32>
        %min3A_908 = arith.minimumf %max3A_876, %min3A_906 : vector<16xf32>
        %max3A_909 = arith.maximumf %max3A_878, %min3A_908 : vector<16xf32>
        %min3A_910 = arith.minimumf %max3A_878, %min3A_908 : vector<16xf32>
        %max3A_911 = arith.maximumf %max3A_880, %min3A_910 : vector<16xf32>
        %min3A_912 = arith.minimumf %max3A_880, %min3A_910 : vector<16xf32>
        %max3A_913 = arith.maximumf %max3A_882, %min3A_912 : vector<16xf32>
        %min3A_914 = arith.minimumf %max3A_882, %min3A_912 : vector<16xf32>
        scf.yield %sub3A_890, %gather3A_793, %gather3A_823, %gather3A_854, %gather3A_885, %add3A_888, %max3A_891, %max3A_893, %max3A_895, %max3A_897, %max3A_899, %max3A_901, %max3A_903, %max3A_905, %max3A_907, %max3A_909, %max3A_911, %max3A_913 : vector<16xf32>, vector<16xf32>, vector<16xf32>, vector<16xf32>, vector<16xf32>, vector<16xi32>, vector<16xf32>, vector<16xf32>, vector<16xf32>, vector<16xf32>, vector<16xf32>, vector<16xf32>, vector<16xf32>, vector<16xf32>, vector<16xf32>, vector<16xf32>, vector<16xf32>, vector<16xf32>
      }
      %scan3A_568 = arith.constant 63 : i32
      %add3A_569 = arith.addf %scan3A_567#6, %scan3A_567#7 : vector<16xf32>
      %add3A_570 = arith.addf %add3A_569, %scan3A_567#8 : vector<16xf32>
      %add3A_571 = arith.addf %add3A_570, %scan3A_567#9 : vector<16xf32>
      %add3A_572 = arith.addf %add3A_571, %scan3A_567#10 : vector<16xf32>
      %add3A_573 = arith.addf %add3A_572, %scan3A_567#11 : vector<16xf32>
      %add3A_574 = arith.addf %add3A_573, %scan3A_567#12 : vector<16xf32>
      %add3A_575 = arith.addf %add3A_574, %scan3A_567#13 : vector<16xf32>
      %add3A_576 = arith.addf %add3A_575, %scan3A_567#14 : vector<16xf32>
      %add3A_577 = arith.addf %add3A_576, %scan3A_567#15 : vector<16xf32>
      %add3A_578 = arith.addf %add3A_577, %scan3A_567#16 : vector<16xf32>
      %add3A_579 = arith.addf %add3A_578, %scan3A_567#17 : vector<16xf32>
      %add3A_580 = arith.addf %add3A_486, %add3A_579 : vector<16xf32>
      %iota3A_581 = tpu.iota {dimensions = array<i32: 0>} : vector<16xi32>
      %add3A_582 = arith.constant 96 : i32
      %add3A_583 = vector.broadcast %add3A_582 : i32 to vector<16xi32>
      %add3A_584 = arith.addi %add3A_583, %iota3A_581 : vector<16xi32>
      %mul3A_585 = arith.constant 256 : i32
      %mul3A_586 = vector.broadcast %mul3A_585 : i32 to vector<16xi32>
      %mul3A_587 = arith.muli %add3A_584, %mul3A_586 : vector<16xi32>
      %add3A_588 = arith.constant 0 : i32
      %add3A_589 = vector.broadcast %add3A_588 : i32 to vector<16xi32>
      %add3A_590 = arith.addi %mul3A_587, %add3A_589 : vector<16xi32>
      %gather3A_591 = tpu.vector_load_idx %arg4[%add3A_590] : memref<32768xf32, #tpu.memory_space<vmem>>[vector<16xi32>], vector<16xf32>,
      %add3A_592 = arith.constant 1 : i32
      %add3A_593 = vector.broadcast %add3A_592 : i32 to vector<16xi32>
      %add3A_594 = arith.addi %mul3A_587, %add3A_593 : vector<16xi32>
      %gather3A_595 = tpu.vector_load_idx %arg4[%add3A_594] : memref<32768xf32, #tpu.memory_space<vmem>>[vector<16xi32>], vector<16xf32>,
      %add3A_596 = arith.constant 2 : i32
      %add3A_597 = vector.broadcast %add3A_596 : i32 to vector<16xi32>
      %add3A_598 = arith.addi %mul3A_587, %add3A_597 : vector<16xi32>
      %gather3A_599 = tpu.vector_load_idx %arg4[%add3A_598] : memref<32768xf32, #tpu.memory_space<vmem>>[vector<16xi32>], vector<16xf32>,
      %add3A_600 = arith.constant 3 : i32
      %add3A_601 = vector.broadcast %add3A_600 : i32 to vector<16xi32>
      %add3A_602 = arith.addi %mul3A_587, %add3A_601 : vector<16xi32>
      %gather3A_603 = tpu.vector_load_idx %arg4[%add3A_602] : memref<32768xf32, #tpu.memory_space<vmem>>[vector<16xi32>], vector<16xf32>,
      %add3A_604 = arith.addf %gather3A_591, %gather3A_595 : vector<16xf32>
      %add3A_605 = arith.addf %add3A_604, %gather3A_599 : vector<16xf32>
      %add3A_606 = arith.addf %add3A_605, %gather3A_603 : vector<16xf32>
      %broadcast_in_dim3A_607 = arith.constant 0xFF800000 : f32
      %broadcast_in_dim3A_608 = vector.broadcast %broadcast_in_dim3A_607 : f32 to vector<16xf32>
      %broadcast_in_dim3A_609 = arith.constant 0xFF800000 : f32
      %broadcast_in_dim3A_610 = vector.broadcast %broadcast_in_dim3A_609 : f32 to vector<16xf32>
      %broadcast_in_dim3A_611 = arith.constant 0xFF800000 : f32
      %broadcast_in_dim3A_612 = vector.broadcast %broadcast_in_dim3A_611 : f32 to vector<16xf32>
      %broadcast_in_dim3A_613 = arith.constant 0xFF800000 : f32
      %broadcast_in_dim3A_614 = vector.broadcast %broadcast_in_dim3A_613 : f32 to vector<16xf32>
      %broadcast_in_dim3A_615 = arith.constant 0xFF800000 : f32
      %broadcast_in_dim3A_616 = vector.broadcast %broadcast_in_dim3A_615 : f32 to vector<16xf32>
      %broadcast_in_dim3A_617 = arith.constant 0xFF800000 : f32
      %broadcast_in_dim3A_618 = vector.broadcast %broadcast_in_dim3A_617 : f32 to vector<16xf32>
      %broadcast_in_dim3A_619 = arith.constant 0xFF800000 : f32
      %broadcast_in_dim3A_620 = vector.broadcast %broadcast_in_dim3A_619 : f32 to vector<16xf32>
      %broadcast_in_dim3A_621 = arith.constant 0xFF800000 : f32
      %broadcast_in_dim3A_622 = vector.broadcast %broadcast_in_dim3A_621 : f32 to vector<16xf32>
      %broadcast_in_dim3A_623 = arith.constant 0xFF800000 : f32
      %broadcast_in_dim3A_624 = vector.broadcast %broadcast_in_dim3A_623 : f32 to vector<16xf32>
      %broadcast_in_dim3A_625 = arith.constant 0xFF800000 : f32
      %broadcast_in_dim3A_626 = vector.broadcast %broadcast_in_dim3A_625 : f32 to vector<16xf32>
      %broadcast_in_dim3A_627 = arith.constant 0xFF800000 : f32
      %broadcast_in_dim3A_628 = vector.broadcast %broadcast_in_dim3A_627 : f32 to vector<16xf32>
      %broadcast_in_dim3A_629 = arith.constant 0xFF800000 : f32
      %broadcast_in_dim3A_630 = vector.broadcast %broadcast_in_dim3A_629 : f32 to vector<16xf32>
      %max3A_631 = arith.maximumf %broadcast_in_dim3A_608, %add3A_606 : vector<16xf32>
      %min3A_632 = arith.minimumf %broadcast_in_dim3A_608, %add3A_606 : vector<16xf32>
      %max3A_633 = arith.maximumf %broadcast_in_dim3A_610, %min3A_632 : vector<16xf32>
      %min3A_634 = arith.minimumf %broadcast_in_dim3A_610, %min3A_632 : vector<16xf32>
      %max3A_635 = arith.maximumf %broadcast_in_dim3A_612, %min3A_634 : vector<16xf32>
      %min3A_636 = arith.minimumf %broadcast_in_dim3A_612, %min3A_634 : vector<16xf32>
      %max3A_637 = arith.maximumf %broadcast_in_dim3A_614, %min3A_636 : vector<16xf32>
      %min3A_638 = arith.minimumf %broadcast_in_dim3A_614, %min3A_636 : vector<16xf32>
      %max3A_639 = arith.maximumf %broadcast_in_dim3A_616, %min3A_638 : vector<16xf32>
      %min3A_640 = arith.minimumf %broadcast_in_dim3A_616, %min3A_638 : vector<16xf32>
      %max3A_641 = arith.maximumf %broadcast_in_dim3A_618, %min3A_640 : vector<16xf32>
      %min3A_642 = arith.minimumf %broadcast_in_dim3A_618, %min3A_640 : vector<16xf32>
      %max3A_643 = arith.maximumf %broadcast_in_dim3A_620, %min3A_642 : vector<16xf32>
      %min3A_644 = arith.minimumf %broadcast_in_dim3A_620, %min3A_642 : vector<16xf32>
      %max3A_645 = arith.maximumf %broadcast_in_dim3A_622, %min3A_644 : vector<16xf32>
      %min3A_646 = arith.minimumf %broadcast_in_dim3A_622, %min3A_644 : vector<16xf32>
      %max3A_647 = arith.maximumf %broadcast_in_dim3A_624, %min3A_646 : vector<16xf32>
      %min3A_648 = arith.minimumf %broadcast_in_dim3A_624, %min3A_646 : vector<16xf32>
      %max3A_649 = arith.maximumf %broadcast_in_dim3A_626, %min3A_648 : vector<16xf32>
      %min3A_650 = arith.minimumf %broadcast_in_dim3A_626, %min3A_648 : vector<16xf32>
      %max3A_651 = arith.maximumf %broadcast_in_dim3A_628, %min3A_650 : vector<16xf32>
      %min3A_652 = arith.minimumf %broadcast_in_dim3A_628, %min3A_650 : vector<16xf32>
      %max3A_653 = arith.maximumf %broadcast_in_dim3A_630, %min3A_652 : vector<16xf32>
      %min3A_654 = arith.minimumf %broadcast_in_dim3A_630, %min3A_652 : vector<16xf32>
      %broadcast_in_dim3A_655 = arith.constant 4 : i32
      %broadcast_in_dim3A_656 = vector.broadcast %broadcast_in_dim3A_655 : i32 to vector<16xi32>
      %scan3A_657 = arith.constant 0 : i32
      %scan3A_658 = arith.constant 63 : i32
      %scan3A_659 = arith.addi %scan3A_657, %scan3A_658 : i32
      %scan3A_660 = arith.constant 1 : i32
      %scan3A_661:18 = scf.for %scan3A_773 = %scan3A_657 to %scan3A_659 step %scan3A_660 iter_args(%scan3A_774 = %add3A_606, %scan3A_775 = %gather3A_591, %scan3A_776 = %gather3A_595, %scan3A_777 = %gather3A_599, %scan3A_778 = %gather3A_603, %scan3A_779 = %broadcast_in_dim3A_656, %scan3A_780 = %max3A_631, %scan3A_781 = %max3A_633, %scan3A_782 = %max3A_635, %scan3A_783 = %max3A_637, %scan3A_784 = %max3A_639, %scan3A_785 = %max3A_641, %scan3A_786 = %max3A_643, %scan3A_787 = %max3A_645, %scan3A_788 = %max3A_647, %scan3A_789 = %max3A_649, %scan3A_790 = %max3A_651, %scan3A_791 = %max3A_653) -> (vector<16xf32>, vector<16xf32>, vector<16xf32>, vector<16xf32>, vector<16xf32>, vector<16xi32>, vector<16xf32>, vector<16xf32>, vector<16xf32>, vector<16xf32>, vector<16xf32>, vector<16xf32>, vector<16xf32>, vector<16xf32>, vector<16xf32>, vector<16xf32>, vector<16xf32>, vector<16xf32>)  : i32 {
        %add3A_792 = arith.addi %mul3A_587, %scan3A_779 : vector<16xi32>
        %gather3A_793 = tpu.vector_load_idx %arg4[%add3A_792] : memref<32768xf32, #tpu.memory_space<vmem>>[vector<16xi32>], vector<16xf32>,
        %add3A_794 = arith.constant 1 : i32
        %add3A_795 = vector.broadcast %add3A_794 : i32 to vector<16xi32>
        %add3A_796 = arith.addi %scan3A_779, %add3A_795 : vector<16xi32>
        %add3A_797 = arith.addf %scan3A_774, %gather3A_793 : vector<16xf32>
        %sub3A = arith.subf %add3A_797, %scan3A_775 : vector<16xf32>
        %max3A_798 = arith.maximumf %scan3A_780, %sub3A : vector<16xf32>
        %min3A_799 = arith.minimumf %scan3A_780, %sub3A : vector<16xf32>
        %max3A_800 = arith.maximumf %scan3A_781, %min3A_799 : vector<16xf32>
        %min3A_801 = arith.minimumf %scan3A_781, %min3A_799 : vector<16xf32>
        %max3A_802 = arith.maximumf %scan3A_782, %min3A_801 : vector<16xf32>
        %min3A_803 = arith.minimumf %scan3A_782, %min3A_801 : vector<16xf32>
        %max3A_804 = arith.maximumf %scan3A_783, %min3A_803 : vector<16xf32>
        %min3A_805 = arith.minimumf %scan3A_783, %min3A_803 : vector<16xf32>
        %max3A_806 = arith.maximumf %scan3A_784, %min3A_805 : vector<16xf32>
        %min3A_807 = arith.minimumf %scan3A_784, %min3A_805 : vector<16xf32>
        %max3A_808 = arith.maximumf %scan3A_785, %min3A_807 : vector<16xf32>
        %min3A_809 = arith.minimumf %scan3A_785, %min3A_807 : vector<16xf32>
        %max3A_810 = arith.maximumf %scan3A_786, %min3A_809 : vector<16xf32>
        %min3A_811 = arith.minimumf %scan3A_786, %min3A_809 : vector<16xf32>
        %max3A_812 = arith.maximumf %scan3A_787, %min3A_811 : vector<16xf32>
        %min3A_813 = arith.minimumf %scan3A_787, %min3A_811 : vector<16xf32>
        %max3A_814 = arith.maximumf %scan3A_788, %min3A_813 : vector<16xf32>
        %min3A_815 = arith.minimumf %scan3A_788, %min3A_813 : vector<16xf32>
        %max3A_816 = arith.maximumf %scan3A_789, %min3A_815 : vector<16xf32>
        %min3A_817 = arith.minimumf %scan3A_789, %min3A_815 : vector<16xf32>
        %max3A_818 = arith.maximumf %scan3A_790, %min3A_817 : vector<16xf32>
        %min3A_819 = arith.minimumf %scan3A_790, %min3A_817 : vector<16xf32>
        %max3A_820 = arith.maximumf %scan3A_791, %min3A_819 : vector<16xf32>
        %min3A_821 = arith.minimumf %scan3A_791, %min3A_819 : vector<16xf32>
        %add3A_822 = arith.addi %mul3A_587, %add3A_796 : vector<16xi32>
        %gather3A_823 = tpu.vector_load_idx %arg4[%add3A_822] : memref<32768xf32, #tpu.memory_space<vmem>>[vector<16xi32>], vector<16xf32>,
        %add3A_824 = arith.constant 1 : i32
        %add3A_825 = vector.broadcast %add3A_824 : i32 to vector<16xi32>
        %add3A_826 = arith.addi %add3A_796, %add3A_825 : vector<16xi32>
        %add3A_827 = arith.addf %sub3A, %gather3A_823 : vector<16xf32>
        %sub3A_828 = arith.subf %add3A_827, %scan3A_776 : vector<16xf32>
        %max3A_829 = arith.maximumf %max3A_798, %sub3A_828 : vector<16xf32>
        %min3A_830 = arith.minimumf %max3A_798, %sub3A_828 : vector<16xf32>
        %max3A_831 = arith.maximumf %max3A_800, %min3A_830 : vector<16xf32>
        %min3A_832 = arith.minimumf %max3A_800, %min3A_830 : vector<16xf32>
        %max3A_833 = arith.maximumf %max3A_802, %min3A_832 : vector<16xf32>
        %min3A_834 = arith.minimumf %max3A_802, %min3A_832 : vector<16xf32>
        %max3A_835 = arith.maximumf %max3A_804, %min3A_834 : vector<16xf32>
        %min3A_836 = arith.minimumf %max3A_804, %min3A_834 : vector<16xf32>
        %max3A_837 = arith.maximumf %max3A_806, %min3A_836 : vector<16xf32>
        %min3A_838 = arith.minimumf %max3A_806, %min3A_836 : vector<16xf32>
        %max3A_839 = arith.maximumf %max3A_808, %min3A_838 : vector<16xf32>
        %min3A_840 = arith.minimumf %max3A_808, %min3A_838 : vector<16xf32>
        %max3A_841 = arith.maximumf %max3A_810, %min3A_840 : vector<16xf32>
        %min3A_842 = arith.minimumf %max3A_810, %min3A_840 : vector<16xf32>
        %max3A_843 = arith.maximumf %max3A_812, %min3A_842 : vector<16xf32>
        %min3A_844 = arith.minimumf %max3A_812, %min3A_842 : vector<16xf32>
        %max3A_845 = arith.maximumf %max3A_814, %min3A_844 : vector<16xf32>
        %min3A_846 = arith.minimumf %max3A_814, %min3A_844 : vector<16xf32>
        %max3A_847 = arith.maximumf %max3A_816, %min3A_846 : vector<16xf32>
        %min3A_848 = arith.minimumf %max3A_816, %min3A_846 : vector<16xf32>
        %max3A_849 = arith.maximumf %max3A_818, %min3A_848 : vector<16xf32>
        %min3A_850 = arith.minimumf %max3A_818, %min3A_848 : vector<16xf32>
        %max3A_851 = arith.maximumf %max3A_820, %min3A_850 : vector<16xf32>
        %min3A_852 = arith.minimumf %max3A_820, %min3A_850 : vector<16xf32>
        %add3A_853 = arith.addi %mul3A_587, %add3A_826 : vector<16xi32>
        %gather3A_854 = tpu.vector_load_idx %arg4[%add3A_853] : memref<32768xf32, #tpu.memory_space<vmem>>[vector<16xi32>], vector<16xf32>,
        %add3A_855 = arith.constant 1 : i32
        %add3A_856 = vector.broadcast %add3A_855 : i32 to vector<16xi32>
        %add3A_857 = arith.addi %add3A_826, %add3A_856 : vector<16xi32>
        %add3A_858 = arith.addf %sub3A_828, %gather3A_854 : vector<16xf32>
        %sub3A_859 = arith.subf %add3A_858, %scan3A_777 : vector<16xf32>
        %max3A_860 = arith.maximumf %max3A_829, %sub3A_859 : vector<16xf32>
        %min3A_861 = arith.minimumf %max3A_829, %sub3A_859 : vector<16xf32>
        %max3A_862 = arith.maximumf %max3A_831, %min3A_861 : vector<16xf32>
        %min3A_863 = arith.minimumf %max3A_831, %min3A_861 : vector<16xf32>
        %max3A_864 = arith.maximumf %max3A_833, %min3A_863 : vector<16xf32>
        %min3A_865 = arith.minimumf %max3A_833, %min3A_863 : vector<16xf32>
        %max3A_866 = arith.maximumf %max3A_835, %min3A_865 : vector<16xf32>
        %min3A_867 = arith.minimumf %max3A_835, %min3A_865 : vector<16xf32>
        %max3A_868 = arith.maximumf %max3A_837, %min3A_867 : vector<16xf32>
        %min3A_869 = arith.minimumf %max3A_837, %min3A_867 : vector<16xf32>
        %max3A_870 = arith.maximumf %max3A_839, %min3A_869 : vector<16xf32>
        %min3A_871 = arith.minimumf %max3A_839, %min3A_869 : vector<16xf32>
        %max3A_872 = arith.maximumf %max3A_841, %min3A_871 : vector<16xf32>
        %min3A_873 = arith.minimumf %max3A_841, %min3A_871 : vector<16xf32>
        %max3A_874 = arith.maximumf %max3A_843, %min3A_873 : vector<16xf32>
        %min3A_875 = arith.minimumf %max3A_843, %min3A_873 : vector<16xf32>
        %max3A_876 = arith.maximumf %max3A_845, %min3A_875 : vector<16xf32>
        %min3A_877 = arith.minimumf %max3A_845, %min3A_875 : vector<16xf32>
        %max3A_878 = arith.maximumf %max3A_847, %min3A_877 : vector<16xf32>
        %min3A_879 = arith.minimumf %max3A_847, %min3A_877 : vector<16xf32>
        %max3A_880 = arith.maximumf %max3A_849, %min3A_879 : vector<16xf32>
        %min3A_881 = arith.minimumf %max3A_849, %min3A_879 : vector<16xf32>
        %max3A_882 = arith.maximumf %max3A_851, %min3A_881 : vector<16xf32>
        %min3A_883 = arith.minimumf %max3A_851, %min3A_881 : vector<16xf32>
        %add3A_884 = arith.addi %mul3A_587, %add3A_857 : vector<16xi32>
        %gather3A_885 = tpu.vector_load_idx %arg4[%add3A_884] : memref<32768xf32, #tpu.memory_space<vmem>>[vector<16xi32>], vector<16xf32>,
        %add3A_886 = arith.constant 1 : i32
        %add3A_887 = vector.broadcast %add3A_886 : i32 to vector<16xi32>
        %add3A_888 = arith.addi %add3A_857, %add3A_887 : vector<16xi32>
        %add3A_889 = arith.addf %sub3A_859, %gather3A_885 : vector<16xf32>
        %sub3A_890 = arith.subf %add3A_889, %scan3A_778 : vector<16xf32>
        %max3A_891 = arith.maximumf %max3A_860, %sub3A_890 : vector<16xf32>
        %min3A_892 = arith.minimumf %max3A_860, %sub3A_890 : vector<16xf32>
        %max3A_893 = arith.maximumf %max3A_862, %min3A_892 : vector<16xf32>
        %min3A_894 = arith.minimumf %max3A_862, %min3A_892 : vector<16xf32>
        %max3A_895 = arith.maximumf %max3A_864, %min3A_894 : vector<16xf32>
        %min3A_896 = arith.minimumf %max3A_864, %min3A_894 : vector<16xf32>
        %max3A_897 = arith.maximumf %max3A_866, %min3A_896 : vector<16xf32>
        %min3A_898 = arith.minimumf %max3A_866, %min3A_896 : vector<16xf32>
        %max3A_899 = arith.maximumf %max3A_868, %min3A_898 : vector<16xf32>
        %min3A_900 = arith.minimumf %max3A_868, %min3A_898 : vector<16xf32>
        %max3A_901 = arith.maximumf %max3A_870, %min3A_900 : vector<16xf32>
        %min3A_902 = arith.minimumf %max3A_870, %min3A_900 : vector<16xf32>
        %max3A_903 = arith.maximumf %max3A_872, %min3A_902 : vector<16xf32>
        %min3A_904 = arith.minimumf %max3A_872, %min3A_902 : vector<16xf32>
        %max3A_905 = arith.maximumf %max3A_874, %min3A_904 : vector<16xf32>
        %min3A_906 = arith.minimumf %max3A_874, %min3A_904 : vector<16xf32>
        %max3A_907 = arith.maximumf %max3A_876, %min3A_906 : vector<16xf32>
        %min3A_908 = arith.minimumf %max3A_876, %min3A_906 : vector<16xf32>
        %max3A_909 = arith.maximumf %max3A_878, %min3A_908 : vector<16xf32>
        %min3A_910 = arith.minimumf %max3A_878, %min3A_908 : vector<16xf32>
        %max3A_911 = arith.maximumf %max3A_880, %min3A_910 : vector<16xf32>
        %min3A_912 = arith.minimumf %max3A_880, %min3A_910 : vector<16xf32>
        %max3A_913 = arith.maximumf %max3A_882, %min3A_912 : vector<16xf32>
        %min3A_914 = arith.minimumf %max3A_882, %min3A_912 : vector<16xf32>
        scf.yield %sub3A_890, %gather3A_793, %gather3A_823, %gather3A_854, %gather3A_885, %add3A_888, %max3A_891, %max3A_893, %max3A_895, %max3A_897, %max3A_899, %max3A_901, %max3A_903, %max3A_905, %max3A_907, %max3A_909, %max3A_911, %max3A_913 : vector<16xf32>, vector<16xf32>, vector<16xf32>, vector<16xf32>, vector<16xf32>, vector<16xi32>, vector<16xf32>, vector<16xf32>, vector<16xf32>, vector<16xf32>, vector<16xf32>, vector<16xf32>, vector<16xf32>, vector<16xf32>, vector<16xf32>, vector<16xf32>, vector<16xf32>, vector<16xf32>
      }
      %scan3A_662 = arith.constant 63 : i32
      %add3A_663 = arith.addf %scan3A_661#6, %scan3A_661#7 : vector<16xf32>
      %add3A_664 = arith.addf %add3A_663, %scan3A_661#8 : vector<16xf32>
      %add3A_665 = arith.addf %add3A_664, %scan3A_661#9 : vector<16xf32>
      %add3A_666 = arith.addf %add3A_665, %scan3A_661#10 : vector<16xf32>
      %add3A_667 = arith.addf %add3A_666, %scan3A_661#11 : vector<16xf32>
      %add3A_668 = arith.addf %add3A_667, %scan3A_661#12 : vector<16xf32>
      %add3A_669 = arith.addf %add3A_668, %scan3A_661#13 : vector<16xf32>
      %add3A_670 = arith.addf %add3A_669, %scan3A_661#14 : vector<16xf32>
      %add3A_671 = arith.addf %add3A_670, %scan3A_661#15 : vector<16xf32>
      %add3A_672 = arith.addf %add3A_671, %scan3A_661#16 : vector<16xf32>
      %add3A_673 = arith.addf %add3A_672, %scan3A_661#17 : vector<16xf32>
      %add3A_674 = arith.addf %add3A_580, %add3A_673 : vector<16xf32>
      %iota3A_675 = tpu.iota {dimensions = array<i32: 0>} : vector<16xi32>
      %add3A_676 = arith.constant 112 : i32
      %add3A_677 = vector.broadcast %add3A_676 : i32 to vector<16xi32>
      %add3A_678 = arith.addi %add3A_677, %iota3A_675 : vector<16xi32>
      %mul3A_679 = arith.constant 256 : i32
      %mul3A_680 = vector.broadcast %mul3A_679 : i32 to vector<16xi32>
      %mul3A_681 = arith.muli %add3A_678, %mul3A_680 : vector<16xi32>
      %add3A_682 = arith.constant 0 : i32
      %add3A_683 = vector.broadcast %add3A_682 : i32 to vector<16xi32>
      %add3A_684 = arith.addi %mul3A_681, %add3A_683 : vector<16xi32>
      %gather3A_685 = tpu.vector_load_idx %arg4[%add3A_684] : memref<32768xf32, #tpu.memory_space<vmem>>[vector<16xi32>], vector<16xf32>,
      %add3A_686 = arith.constant 1 : i32
      %add3A_687 = vector.broadcast %add3A_686 : i32 to vector<16xi32>
      %add3A_688 = arith.addi %mul3A_681, %add3A_687 : vector<16xi32>
      %gather3A_689 = tpu.vector_load_idx %arg4[%add3A_688] : memref<32768xf32, #tpu.memory_space<vmem>>[vector<16xi32>], vector<16xf32>,
      %add3A_690 = arith.constant 2 : i32
      %add3A_691 = vector.broadcast %add3A_690 : i32 to vector<16xi32>
      %add3A_692 = arith.addi %mul3A_681, %add3A_691 : vector<16xi32>
      %gather3A_693 = tpu.vector_load_idx %arg4[%add3A_692] : memref<32768xf32, #tpu.memory_space<vmem>>[vector<16xi32>], vector<16xf32>,
      %add3A_694 = arith.constant 3 : i32
      %add3A_695 = vector.broadcast %add3A_694 : i32 to vector<16xi32>
      %add3A_696 = arith.addi %mul3A_681, %add3A_695 : vector<16xi32>
      %gather3A_697 = tpu.vector_load_idx %arg4[%add3A_696] : memref<32768xf32, #tpu.memory_space<vmem>>[vector<16xi32>], vector<16xf32>,
      %add3A_698 = arith.addf %gather3A_685, %gather3A_689 : vector<16xf32>
      %add3A_699 = arith.addf %add3A_698, %gather3A_693 : vector<16xf32>
      %add3A_700 = arith.addf %add3A_699, %gather3A_697 : vector<16xf32>
      %broadcast_in_dim3A_701 = arith.constant 0xFF800000 : f32
      %broadcast_in_dim3A_702 = vector.broadcast %broadcast_in_dim3A_701 : f32 to vector<16xf32>
      %broadcast_in_dim3A_703 = arith.constant 0xFF800000 : f32
      %broadcast_in_dim3A_704 = vector.broadcast %broadcast_in_dim3A_703 : f32 to vector<16xf32>
      %broadcast_in_dim3A_705 = arith.constant 0xFF800000 : f32
      %broadcast_in_dim3A_706 = vector.broadcast %broadcast_in_dim3A_705 : f32 to vector<16xf32>
      %broadcast_in_dim3A_707 = arith.constant 0xFF800000 : f32
      %broadcast_in_dim3A_708 = vector.broadcast %broadcast_in_dim3A_707 : f32 to vector<16xf32>
      %broadcast_in_dim3A_709 = arith.constant 0xFF800000 : f32
      %broadcast_in_dim3A_710 = vector.broadcast %broadcast_in_dim3A_709 : f32 to vector<16xf32>
      %broadcast_in_dim3A_711 = arith.constant 0xFF800000 : f32
      %broadcast_in_dim3A_712 = vector.broadcast %broadcast_in_dim3A_711 : f32 to vector<16xf32>
      %broadcast_in_dim3A_713 = arith.constant 0xFF800000 : f32
      %broadcast_in_dim3A_714 = vector.broadcast %broadcast_in_dim3A_713 : f32 to vector<16xf32>
      %broadcast_in_dim3A_715 = arith.constant 0xFF800000 : f32
      %broadcast_in_dim3A_716 = vector.broadcast %broadcast_in_dim3A_715 : f32 to vector<16xf32>
      %broadcast_in_dim3A_717 = arith.constant 0xFF800000 : f32
      %broadcast_in_dim3A_718 = vector.broadcast %broadcast_in_dim3A_717 : f32 to vector<16xf32>
      %broadcast_in_dim3A_719 = arith.constant 0xFF800000 : f32
      %broadcast_in_dim3A_720 = vector.broadcast %broadcast_in_dim3A_719 : f32 to vector<16xf32>
      %broadcast_in_dim3A_721 = arith.constant 0xFF800000 : f32
      %broadcast_in_dim3A_722 = vector.broadcast %broadcast_in_dim3A_721 : f32 to vector<16xf32>
      %broadcast_in_dim3A_723 = arith.constant 0xFF800000 : f32
      %broadcast_in_dim3A_724 = vector.broadcast %broadcast_in_dim3A_723 : f32 to vector<16xf32>
      %max3A_725 = arith.maximumf %broadcast_in_dim3A_702, %add3A_700 : vector<16xf32>
      %min3A_726 = arith.minimumf %broadcast_in_dim3A_702, %add3A_700 : vector<16xf32>
      %max3A_727 = arith.maximumf %broadcast_in_dim3A_704, %min3A_726 : vector<16xf32>
      %min3A_728 = arith.minimumf %broadcast_in_dim3A_704, %min3A_726 : vector<16xf32>
      %max3A_729 = arith.maximumf %broadcast_in_dim3A_706, %min3A_728 : vector<16xf32>
      %min3A_730 = arith.minimumf %broadcast_in_dim3A_706, %min3A_728 : vector<16xf32>
      %max3A_731 = arith.maximumf %broadcast_in_dim3A_708, %min3A_730 : vector<16xf32>
      %min3A_732 = arith.minimumf %broadcast_in_dim3A_708, %min3A_730 : vector<16xf32>
      %max3A_733 = arith.maximumf %broadcast_in_dim3A_710, %min3A_732 : vector<16xf32>
      %min3A_734 = arith.minimumf %broadcast_in_dim3A_710, %min3A_732 : vector<16xf32>
      %max3A_735 = arith.maximumf %broadcast_in_dim3A_712, %min3A_734 : vector<16xf32>
      %min3A_736 = arith.minimumf %broadcast_in_dim3A_712, %min3A_734 : vector<16xf32>
      %max3A_737 = arith.maximumf %broadcast_in_dim3A_714, %min3A_736 : vector<16xf32>
      %min3A_738 = arith.minimumf %broadcast_in_dim3A_714, %min3A_736 : vector<16xf32>
      %max3A_739 = arith.maximumf %broadcast_in_dim3A_716, %min3A_738 : vector<16xf32>
      %min3A_740 = arith.minimumf %broadcast_in_dim3A_716, %min3A_738 : vector<16xf32>
      %max3A_741 = arith.maximumf %broadcast_in_dim3A_718, %min3A_740 : vector<16xf32>
      %min3A_742 = arith.minimumf %broadcast_in_dim3A_718, %min3A_740 : vector<16xf32>
      %max3A_743 = arith.maximumf %broadcast_in_dim3A_720, %min3A_742 : vector<16xf32>
      %min3A_744 = arith.minimumf %broadcast_in_dim3A_720, %min3A_742 : vector<16xf32>
      %max3A_745 = arith.maximumf %broadcast_in_dim3A_722, %min3A_744 : vector<16xf32>
      %min3A_746 = arith.minimumf %broadcast_in_dim3A_722, %min3A_744 : vector<16xf32>
      %max3A_747 = arith.maximumf %broadcast_in_dim3A_724, %min3A_746 : vector<16xf32>
      %min3A_748 = arith.minimumf %broadcast_in_dim3A_724, %min3A_746 : vector<16xf32>
      %broadcast_in_dim3A_749 = arith.constant 4 : i32
      %broadcast_in_dim3A_750 = vector.broadcast %broadcast_in_dim3A_749 : i32 to vector<16xi32>
      %scan3A_751 = arith.constant 0 : i32
      %scan3A_752 = arith.constant 63 : i32
      %scan3A_753 = arith.addi %scan3A_751, %scan3A_752 : i32
      %scan3A_754 = arith.constant 1 : i32
      %scan3A_755:18 = scf.for %scan3A_773 = %scan3A_751 to %scan3A_753 step %scan3A_754 iter_args(%scan3A_774 = %add3A_700, %scan3A_775 = %gather3A_685, %scan3A_776 = %gather3A_689, %scan3A_777 = %gather3A_693, %scan3A_778 = %gather3A_697, %scan3A_779 = %broadcast_in_dim3A_750, %scan3A_780 = %max3A_725, %scan3A_781 = %max3A_727, %scan3A_782 = %max3A_729, %scan3A_783 = %max3A_731, %scan3A_784 = %max3A_733, %scan3A_785 = %max3A_735, %scan3A_786 = %max3A_737, %scan3A_787 = %max3A_739, %scan3A_788 = %max3A_741, %scan3A_789 = %max3A_743, %scan3A_790 = %max3A_745, %scan3A_791 = %max3A_747) -> (vector<16xf32>, vector<16xf32>, vector<16xf32>, vector<16xf32>, vector<16xf32>, vector<16xi32>, vector<16xf32>, vector<16xf32>, vector<16xf32>, vector<16xf32>, vector<16xf32>, vector<16xf32>, vector<16xf32>, vector<16xf32>, vector<16xf32>, vector<16xf32>, vector<16xf32>, vector<16xf32>)  : i32 {
        %add3A_792 = arith.addi %mul3A_681, %scan3A_779 : vector<16xi32>
        %gather3A_793 = tpu.vector_load_idx %arg4[%add3A_792] : memref<32768xf32, #tpu.memory_space<vmem>>[vector<16xi32>], vector<16xf32>,
        %add3A_794 = arith.constant 1 : i32
        %add3A_795 = vector.broadcast %add3A_794 : i32 to vector<16xi32>
        %add3A_796 = arith.addi %scan3A_779, %add3A_795 : vector<16xi32>
        %add3A_797 = arith.addf %scan3A_774, %gather3A_793 : vector<16xf32>
        %sub3A = arith.subf %add3A_797, %scan3A_775 : vector<16xf32>
        %max3A_798 = arith.maximumf %scan3A_780, %sub3A : vector<16xf32>
        %min3A_799 = arith.minimumf %scan3A_780, %sub3A : vector<16xf32>
        %max3A_800 = arith.maximumf %scan3A_781, %min3A_799 : vector<16xf32>
        %min3A_801 = arith.minimumf %scan3A_781, %min3A_799 : vector<16xf32>
        %max3A_802 = arith.maximumf %scan3A_782, %min3A_801 : vector<16xf32>
        %min3A_803 = arith.minimumf %scan3A_782, %min3A_801 : vector<16xf32>
        %max3A_804 = arith.maximumf %scan3A_783, %min3A_803 : vector<16xf32>
        %min3A_805 = arith.minimumf %scan3A_783, %min3A_803 : vector<16xf32>
        %max3A_806 = arith.maximumf %scan3A_784, %min3A_805 : vector<16xf32>
        %min3A_807 = arith.minimumf %scan3A_784, %min3A_805 : vector<16xf32>
        %max3A_808 = arith.maximumf %scan3A_785, %min3A_807 : vector<16xf32>
        %min3A_809 = arith.minimumf %scan3A_785, %min3A_807 : vector<16xf32>
        %max3A_810 = arith.maximumf %scan3A_786, %min3A_809 : vector<16xf32>
        %min3A_811 = arith.minimumf %scan3A_786, %min3A_809 : vector<16xf32>
        %max3A_812 = arith.maximumf %scan3A_787, %min3A_811 : vector<16xf32>
        %min3A_813 = arith.minimumf %scan3A_787, %min3A_811 : vector<16xf32>
        %max3A_814 = arith.maximumf %scan3A_788, %min3A_813 : vector<16xf32>
        %min3A_815 = arith.minimumf %scan3A_788, %min3A_813 : vector<16xf32>
        %max3A_816 = arith.maximumf %scan3A_789, %min3A_815 : vector<16xf32>
        %min3A_817 = arith.minimumf %scan3A_789, %min3A_815 : vector<16xf32>
        %max3A_818 = arith.maximumf %scan3A_790, %min3A_817 : vector<16xf32>
        %min3A_819 = arith.minimumf %scan3A_790, %min3A_817 : vector<16xf32>
        %max3A_820 = arith.maximumf %scan3A_791, %min3A_819 : vector<16xf32>
        %min3A_821 = arith.minimumf %scan3A_791, %min3A_819 : vector<16xf32>
        %add3A_822 = arith.addi %mul3A_681, %add3A_796 : vector<16xi32>
        %gather3A_823 = tpu.vector_load_idx %arg4[%add3A_822] : memref<32768xf32, #tpu.memory_space<vmem>>[vector<16xi32>], vector<16xf32>,
        %add3A_824 = arith.constant 1 : i32
        %add3A_825 = vector.broadcast %add3A_824 : i32 to vector<16xi32>
        %add3A_826 = arith.addi %add3A_796, %add3A_825 : vector<16xi32>
        %add3A_827 = arith.addf %sub3A, %gather3A_823 : vector<16xf32>
        %sub3A_828 = arith.subf %add3A_827, %scan3A_776 : vector<16xf32>
        %max3A_829 = arith.maximumf %max3A_798, %sub3A_828 : vector<16xf32>
        %min3A_830 = arith.minimumf %max3A_798, %sub3A_828 : vector<16xf32>
        %max3A_831 = arith.maximumf %max3A_800, %min3A_830 : vector<16xf32>
        %min3A_832 = arith.minimumf %max3A_800, %min3A_830 : vector<16xf32>
        %max3A_833 = arith.maximumf %max3A_802, %min3A_832 : vector<16xf32>
        %min3A_834 = arith.minimumf %max3A_802, %min3A_832 : vector<16xf32>
        %max3A_835 = arith.maximumf %max3A_804, %min3A_834 : vector<16xf32>
        %min3A_836 = arith.minimumf %max3A_804, %min3A_834 : vector<16xf32>
        %max3A_837 = arith.maximumf %max3A_806, %min3A_836 : vector<16xf32>
        %min3A_838 = arith.minimumf %max3A_806, %min3A_836 : vector<16xf32>
        %max3A_839 = arith.maximumf %max3A_808, %min3A_838 : vector<16xf32>
        %min3A_840 = arith.minimumf %max3A_808, %min3A_838 : vector<16xf32>
        %max3A_841 = arith.maximumf %max3A_810, %min3A_840 : vector<16xf32>
        %min3A_842 = arith.minimumf %max3A_810, %min3A_840 : vector<16xf32>
        %max3A_843 = arith.maximumf %max3A_812, %min3A_842 : vector<16xf32>
        %min3A_844 = arith.minimumf %max3A_812, %min3A_842 : vector<16xf32>
        %max3A_845 = arith.maximumf %max3A_814, %min3A_844 : vector<16xf32>
        %min3A_846 = arith.minimumf %max3A_814, %min3A_844 : vector<16xf32>
        %max3A_847 = arith.maximumf %max3A_816, %min3A_846 : vector<16xf32>
        %min3A_848 = arith.minimumf %max3A_816, %min3A_846 : vector<16xf32>
        %max3A_849 = arith.maximumf %max3A_818, %min3A_848 : vector<16xf32>
        %min3A_850 = arith.minimumf %max3A_818, %min3A_848 : vector<16xf32>
        %max3A_851 = arith.maximumf %max3A_820, %min3A_850 : vector<16xf32>
        %min3A_852 = arith.minimumf %max3A_820, %min3A_850 : vector<16xf32>
        %add3A_853 = arith.addi %mul3A_681, %add3A_826 : vector<16xi32>
        %gather3A_854 = tpu.vector_load_idx %arg4[%add3A_853] : memref<32768xf32, #tpu.memory_space<vmem>>[vector<16xi32>], vector<16xf32>,
        %add3A_855 = arith.constant 1 : i32
        %add3A_856 = vector.broadcast %add3A_855 : i32 to vector<16xi32>
        %add3A_857 = arith.addi %add3A_826, %add3A_856 : vector<16xi32>
        %add3A_858 = arith.addf %sub3A_828, %gather3A_854 : vector<16xf32>
        %sub3A_859 = arith.subf %add3A_858, %scan3A_777 : vector<16xf32>
        %max3A_860 = arith.maximumf %max3A_829, %sub3A_859 : vector<16xf32>
        %min3A_861 = arith.minimumf %max3A_829, %sub3A_859 : vector<16xf32>
        %max3A_862 = arith.maximumf %max3A_831, %min3A_861 : vector<16xf32>
        %min3A_863 = arith.minimumf %max3A_831, %min3A_861 : vector<16xf32>
        %max3A_864 = arith.maximumf %max3A_833, %min3A_863 : vector<16xf32>
        %min3A_865 = arith.minimumf %max3A_833, %min3A_863 : vector<16xf32>
        %max3A_866 = arith.maximumf %max3A_835, %min3A_865 : vector<16xf32>
        %min3A_867 = arith.minimumf %max3A_835, %min3A_865 : vector<16xf32>
        %max3A_868 = arith.maximumf %max3A_837, %min3A_867 : vector<16xf32>
        %min3A_869 = arith.minimumf %max3A_837, %min3A_867 : vector<16xf32>
        %max3A_870 = arith.maximumf %max3A_839, %min3A_869 : vector<16xf32>
        %min3A_871 = arith.minimumf %max3A_839, %min3A_869 : vector<16xf32>
        %max3A_872 = arith.maximumf %max3A_841, %min3A_871 : vector<16xf32>
        %min3A_873 = arith.minimumf %max3A_841, %min3A_871 : vector<16xf32>
        %max3A_874 = arith.maximumf %max3A_843, %min3A_873 : vector<16xf32>
        %min3A_875 = arith.minimumf %max3A_843, %min3A_873 : vector<16xf32>
        %max3A_876 = arith.maximumf %max3A_845, %min3A_875 : vector<16xf32>
        %min3A_877 = arith.minimumf %max3A_845, %min3A_875 : vector<16xf32>
        %max3A_878 = arith.maximumf %max3A_847, %min3A_877 : vector<16xf32>
        %min3A_879 = arith.minimumf %max3A_847, %min3A_877 : vector<16xf32>
        %max3A_880 = arith.maximumf %max3A_849, %min3A_879 : vector<16xf32>
        %min3A_881 = arith.minimumf %max3A_849, %min3A_879 : vector<16xf32>
        %max3A_882 = arith.maximumf %max3A_851, %min3A_881 : vector<16xf32>
        %min3A_883 = arith.minimumf %max3A_851, %min3A_881 : vector<16xf32>
        %add3A_884 = arith.addi %mul3A_681, %add3A_857 : vector<16xi32>
        %gather3A_885 = tpu.vector_load_idx %arg4[%add3A_884] : memref<32768xf32, #tpu.memory_space<vmem>>[vector<16xi32>], vector<16xf32>,
        %add3A_886 = arith.constant 1 : i32
        %add3A_887 = vector.broadcast %add3A_886 : i32 to vector<16xi32>
        %add3A_888 = arith.addi %add3A_857, %add3A_887 : vector<16xi32>
        %add3A_889 = arith.addf %sub3A_859, %gather3A_885 : vector<16xf32>
        %sub3A_890 = arith.subf %add3A_889, %scan3A_778 : vector<16xf32>
        %max3A_891 = arith.maximumf %max3A_860, %sub3A_890 : vector<16xf32>
        %min3A_892 = arith.minimumf %max3A_860, %sub3A_890 : vector<16xf32>
        %max3A_893 = arith.maximumf %max3A_862, %min3A_892 : vector<16xf32>
        %min3A_894 = arith.minimumf %max3A_862, %min3A_892 : vector<16xf32>
        %max3A_895 = arith.maximumf %max3A_864, %min3A_894 : vector<16xf32>
        %min3A_896 = arith.minimumf %max3A_864, %min3A_894 : vector<16xf32>
        %max3A_897 = arith.maximumf %max3A_866, %min3A_896 : vector<16xf32>
        %min3A_898 = arith.minimumf %max3A_866, %min3A_896 : vector<16xf32>
        %max3A_899 = arith.maximumf %max3A_868, %min3A_898 : vector<16xf32>
        %min3A_900 = arith.minimumf %max3A_868, %min3A_898 : vector<16xf32>
        %max3A_901 = arith.maximumf %max3A_870, %min3A_900 : vector<16xf32>
        %min3A_902 = arith.minimumf %max3A_870, %min3A_900 : vector<16xf32>
        %max3A_903 = arith.maximumf %max3A_872, %min3A_902 : vector<16xf32>
        %min3A_904 = arith.minimumf %max3A_872, %min3A_902 : vector<16xf32>
        %max3A_905 = arith.maximumf %max3A_874, %min3A_904 : vector<16xf32>
        %min3A_906 = arith.minimumf %max3A_874, %min3A_904 : vector<16xf32>
        %max3A_907 = arith.maximumf %max3A_876, %min3A_906 : vector<16xf32>
        %min3A_908 = arith.minimumf %max3A_876, %min3A_906 : vector<16xf32>
        %max3A_909 = arith.maximumf %max3A_878, %min3A_908 : vector<16xf32>
        %min3A_910 = arith.minimumf %max3A_878, %min3A_908 : vector<16xf32>
        %max3A_911 = arith.maximumf %max3A_880, %min3A_910 : vector<16xf32>
        %min3A_912 = arith.minimumf %max3A_880, %min3A_910 : vector<16xf32>
        %max3A_913 = arith.maximumf %max3A_882, %min3A_912 : vector<16xf32>
        %min3A_914 = arith.minimumf %max3A_882, %min3A_912 : vector<16xf32>
        scf.yield %sub3A_890, %gather3A_793, %gather3A_823, %gather3A_854, %gather3A_885, %add3A_888, %max3A_891, %max3A_893, %max3A_895, %max3A_897, %max3A_899, %max3A_901, %max3A_903, %max3A_905, %max3A_907, %max3A_909, %max3A_911, %max3A_913 : vector<16xf32>, vector<16xf32>, vector<16xf32>, vector<16xf32>, vector<16xf32>, vector<16xi32>, vector<16xf32>, vector<16xf32>, vector<16xf32>, vector<16xf32>, vector<16xf32>, vector<16xf32>, vector<16xf32>, vector<16xf32>, vector<16xf32>, vector<16xf32>, vector<16xf32>, vector<16xf32>
      }
      %scan3A_756 = arith.constant 63 : i32
      %add3A_757 = arith.addf %scan3A_755#6, %scan3A_755#7 : vector<16xf32>
      %add3A_758 = arith.addf %add3A_757, %scan3A_755#8 : vector<16xf32>
      %add3A_759 = arith.addf %add3A_758, %scan3A_755#9 : vector<16xf32>
      %add3A_760 = arith.addf %add3A_759, %scan3A_755#10 : vector<16xf32>
      %add3A_761 = arith.addf %add3A_760, %scan3A_755#11 : vector<16xf32>
      %add3A_762 = arith.addf %add3A_761, %scan3A_755#12 : vector<16xf32>
      %add3A_763 = arith.addf %add3A_762, %scan3A_755#13 : vector<16xf32>
      %add3A_764 = arith.addf %add3A_763, %scan3A_755#14 : vector<16xf32>
      %add3A_765 = arith.addf %add3A_764, %scan3A_755#15 : vector<16xf32>
      %add3A_766 = arith.addf %add3A_765, %scan3A_755#16 : vector<16xf32>
      %add3A_767 = arith.addf %add3A_766, %scan3A_755#17 : vector<16xf32>
      %add3A_768 = arith.addf %add3A_674, %add3A_767 : vector<16xf32>
      %mul3A_769 = arith.constant 16 : i32
      %mul3A_770 = arith.muli %scan3A_11, %mul3A_769 : i32
      %multiple_of3A = tpu.assume_multiple %mul3A_770, 8 : i32
      %swap3A = arith.index_cast %multiple_of3A : i32 to index
      %swap3A_771 = tpu.vector_load %arg5[%swap3A] {strides = array<i32>} : memref<144xf32, #tpu.memory_space<vmem>>, vector<16xf32>,
      tpu.vector_store %arg5[%swap3A], %add3A_768 {strides = array<i32>} : memref<144xf32, #tpu.memory_space<vmem>>, vector<16xf32>,
      %scan3A_772 = arith.constant 0 : i32
      scf.yield %scan3A_772 : i32
    }
    %scan3A_6 = arith.constant 9 : i32
    %mul3A_7 = arith.constant 9 : i32
    %mul3A_8 = arith.muli %add3A, %mul3A_7 : i32
    %mul3A_9 = arith.constant 16 : i32
    %mul3A_10 = arith.muli %mul3A_8, %mul3A_9 : i32
    "tpu.region"() ({
      %run_scoped3A = tpu.sem_alloc : memref<!tpu.dma_semaphore, #tpu.memory_space<semaphore_mem>>
      %dma_start3A = tpu.memref_slice %arg3[%mul3A_10] : memref<4608xf32, #tpu.memory_space<hbm>> -> memref<144xf32, #tpu.memory_space<hbm>>
      %dma_start3A_11 = tpu.memref_slice %arg3[%mul3A_10] : memref<4608xf32, #tpu.memory_space<hbm>> -> memref<144xf32, #tpu.memory_space<hbm>>
      tpu.enqueue_dma source(%arg5 : memref<144xf32, #tpu.memory_space<vmem>>) target(%dma_start3A_11 : memref<144xf32, #tpu.memory_space<hbm>>) target_semaphore(%run_scoped3A : memref<!tpu.dma_semaphore, #tpu.memory_space<semaphore_mem>>)
      %dma_wait3A = tpu.memref_slice %arg3[%mul3A_10] : memref<4608xf32, #tpu.memory_space<hbm>> -> memref<144xf32, #tpu.memory_space<hbm>>
      %dma_wait3A_12 = tpu.memref_slice %arg3[%mul3A_10] : memref<4608xf32, #tpu.memory_space<hbm>> -> memref<144xf32, #tpu.memory_space<hbm>>
      tpu.wait_dma2 semaphore(%run_scoped3A : memref<!tpu.dma_semaphore, #tpu.memory_space<semaphore_mem>>) src(%arg5 : memref<144xf32, #tpu.memory_space<vmem>>) dst(%dma_wait3A_12 : memref<144xf32, #tpu.memory_space<hbm>>)
      tpu.yield
    }) : () -> ()
    return
  }
}

module attributes {stable_mosaic.version = 14 : i64} {
  func.func @_tc_body(%arg0: i32, %arg1: memref<1x1024x256xf32, #tpu.memory_space<vmem>>, %arg2: memref<1x8x128xf32, #tpu.memory_space<vmem>>) attributes {dimension_semantics = [#tpu.dimension_semantics<arbitrary>], iteration_bounds = array<i64: 92>, scalar_prefetch = 0 : i64, scratch_operands = 0 : i64, tpu.core_type = #tpu.core_type<tc>, window_params = [{transform_indices = @transform_0, window_bounds = array<i64: 1, 1024, 256>}, {transform_indices = @transform_1, window_bounds = array<i64: 1, 8, 128>}]} {
    %get3A = arith.constant 0 : index
    %get3A_0 = arith.constant 0 : index
    %get3A_1 = arith.constant 0 : index
    %get3A_2 = vector.load %arg1[%get3A, %get3A_0, %get3A_1] : memref<1x1024x256xf32, #tpu.memory_space<vmem>>, vector<1x1024x256xf32>
    %reshape3A = vector.shape_cast %get3A_2 : vector<1x1024x256xf32> to vector<1024x256xf32>
    %slice3A = vector.extract_strided_slice %reshape3A {offsets = [0, 1], sizes = [1024, 255], strides = [1, 1]} : vector<1024x256xf32> to vector<1024x255xf32>
    %slice3A_3 = vector.extract_strided_slice %reshape3A {offsets = [0, 0], sizes = [1024, 1], strides = [1, 1]} : vector<1024x256xf32> to vector<1024x1xf32>
    %concatenate3A = tpu.concatenate %slice3A, %slice3A_3 in 1 : vector<1024x255xf32>, vector<1024x1xf32> -> vector<1024x256xf32>
    %add3A = arith.addf %reshape3A, %concatenate3A : vector<1024x256xf32>
    %slice3A_4 = vector.extract_strided_slice %reshape3A {offsets = [0, 2], sizes = [1024, 254], strides = [1, 1]} : vector<1024x256xf32> to vector<1024x254xf32>
    %slice3A_5 = vector.extract_strided_slice %reshape3A {offsets = [0, 0], sizes = [1024, 2], strides = [1, 1]} : vector<1024x256xf32> to vector<1024x2xf32>
    %concatenate3A_6 = tpu.concatenate %slice3A_4, %slice3A_5 in 1 : vector<1024x254xf32>, vector<1024x2xf32> -> vector<1024x256xf32>
    %add3A_7 = arith.addf %add3A, %concatenate3A_6 : vector<1024x256xf32>
    %slice3A_8 = vector.extract_strided_slice %reshape3A {offsets = [0, 3], sizes = [1024, 253], strides = [1, 1]} : vector<1024x256xf32> to vector<1024x253xf32>
    %slice3A_9 = vector.extract_strided_slice %reshape3A {offsets = [0, 0], sizes = [1024, 3], strides = [1, 1]} : vector<1024x256xf32> to vector<1024x3xf32>
    %concatenate3A_10 = tpu.concatenate %slice3A_8, %slice3A_9 in 1 : vector<1024x253xf32>, vector<1024x3xf32> -> vector<1024x256xf32>
    %add3A_11 = arith.addf %add3A_7, %concatenate3A_10 : vector<1024x256xf32>
    %bitcast_convert_type3A = tpu.bitcast %add3A_11 : vector<1024x256xf32> -> vector<1024x256xi32>
    %lt3A = arith.constant 0 : i32
    %lt3A_12 = vector.broadcast %lt3A : i32 to vector<1024x256xi32>
    %lt3A_13 = arith.cmpi slt, %bitcast_convert_type3A, %lt3A_12 : vector<1024x256xi32>
    %xor3A = arith.constant 2147483647 : i32
    %xor3A_14 = vector.broadcast %xor3A : i32 to vector<1024x256xi32>
    %xor3A_15 = arith.xori %bitcast_convert_type3A, %xor3A_14 : vector<1024x256xi32>
    %select_n3A = arith.select %lt3A_13, %xor3A_15, %bitcast_convert_type3A : vector<1024x256xi1>, vector<1024x256xi32>
    %iota3A = tpu.iota {dimensions = array<i32: 1>} : vector<1024x256xi32>
    %and3A = arith.constant -256 : i32
    %and3A_16 = vector.broadcast %and3A : i32 to vector<1024x256xi32>
    %and3A_17 = arith.andi %select_n3A, %and3A_16 : vector<1024x256xi32>
    %or3A = arith.ori %and3A_17, %iota3A : vector<1024x256xi32>
    %lt3A_18 = arith.constant 253 : i32
    %lt3A_19 = vector.broadcast %lt3A_18 : i32 to vector<1024x256xi32>
    %lt3A_20 = arith.cmpi slt, %iota3A, %lt3A_19 : vector<1024x256xi32>
    %jit3A = arith.constant -2147483648 : i32
    %broadcast_in_dim3A = vector.broadcast %jit3A : i32 to vector<1024x256xi32>
    %select_n3A_21 = arith.select %lt3A_20, %or3A, %broadcast_in_dim3A : vector<1024x256xi1>, vector<1024x256xi32>
    %transpose3A = tpu.transpose %select_n3A_21, [1, 0] : vector<1024x256xi32> -> vector<256x1024xi32>
    %reshape3A_22 = vector.shape_cast %transpose3A : vector<256x1024xi32> to vector<16x2x8x1024xi32>
    %slice3A_23 = vector.extract_strided_slice %reshape3A_22 {offsets = [0, 0, 0, 0], sizes = [16, 1, 8, 1024], strides = [1, 1, 1, 1]} : vector<16x2x8x1024xi32> to vector<16x1x8x1024xi32>
    %squeeze3A = vector.shape_cast %slice3A_23 : vector<16x1x8x1024xi32> to vector<16x8x1024xi32>
    %slice3A_24 = vector.extract_strided_slice %reshape3A_22 {offsets = [0, 1, 0, 0], sizes = [16, 1, 8, 1024], strides = [1, 1, 1, 1]} : vector<16x2x8x1024xi32> to vector<16x1x8x1024xi32>
    %squeeze3A_25 = vector.shape_cast %slice3A_24 : vector<16x1x8x1024xi32> to vector<16x8x1024xi32>
    %max3A = arith.maxsi %squeeze3A, %squeeze3A_25 : vector<16x8x1024xi32>
    %min3A = arith.minsi %squeeze3A, %squeeze3A_25 : vector<16x8x1024xi32>
    %broadcast_in_dim3A_26 = arith.constant 0.000000e+00 : f32
    %broadcast_in_dim3A_27 = vector.broadcast %broadcast_in_dim3A_26 : f32 to vector<1x1x1024xf32>
    %reduce_max3A = arith.constant dense<-2147483648> : vector<1024xi32>
    %reduce_max3A_28 = vector.multi_reduction <maxsi>, %max3A, %reduce_max3A [0, 1] : vector<16x8x1024xi32> to vector<1024xi32>
    %broadcast_in_dim3A_29 = vector.shape_cast %reduce_max3A_28 : vector<1024xi32> to vector<1x1x1024xi32>
    %and3A_30 = arith.constant -256 : i32
    %and3A_31 = vector.broadcast %and3A_30 : i32 to vector<1x1x1024xi32>
    %and3A_32 = arith.andi %broadcast_in_dim3A_29, %and3A_31 : vector<1x1x1024xi32>
    %lt3A_33 = arith.constant 0 : i32
    %lt3A_34 = vector.broadcast %lt3A_33 : i32 to vector<1x1x1024xi32>
    %lt3A_35 = arith.cmpi slt, %and3A_32, %lt3A_34 : vector<1x1x1024xi32>
    %xor3A_36 = arith.constant 2147483647 : i32
    %xor3A_37 = vector.broadcast %xor3A_36 : i32 to vector<1x1x1024xi32>
    %xor3A_38 = arith.xori %and3A_32, %xor3A_37 : vector<1x1x1024xi32>
    %select_n3A_39 = arith.select %lt3A_35, %xor3A_38, %and3A_32 : vector<1x1x1024xi1>, vector<1x1x1024xi32>
    %bitcast_convert_type3A_40 = tpu.bitcast %select_n3A_39 : vector<1x1x1024xi32> -> vector<1x1x1024xf32>
    %add3A_41 = arith.addf %broadcast_in_dim3A_27, %bitcast_convert_type3A_40 : vector<1x1x1024xf32>
    %eq3A = vector.broadcast %broadcast_in_dim3A_29 : vector<1x1x1024xi32> to vector<16x8x1024xi32>
    %eq3A_42 = arith.cmpi eq, %max3A, %eq3A : vector<16x8x1024xi32>
    %select_n3A_43 = arith.select %eq3A_42, %min3A, %max3A : vector<16x8x1024xi1>, vector<16x8x1024xi32>
    %jit3A_44 = arith.constant -2147483648 : i32
    %broadcast_in_dim3A_45 = vector.broadcast %jit3A_44 : i32 to vector<16x8x1024xi32>
    %select_n3A_46 = arith.select %eq3A_42, %broadcast_in_dim3A_45, %min3A : vector<16x8x1024xi1>, vector<16x8x1024xi32>
    %reduce_max3A_47 = arith.constant dense<-2147483648> : vector<1024xi32>
    %reduce_max3A_48 = vector.multi_reduction <maxsi>, %select_n3A_43, %reduce_max3A_47 [0, 1] : vector<16x8x1024xi32> to vector<1024xi32>
    %broadcast_in_dim3A_49 = vector.shape_cast %reduce_max3A_48 : vector<1024xi32> to vector<1x1x1024xi32>
    %and3A_50 = arith.constant -256 : i32
    %and3A_51 = vector.broadcast %and3A_50 : i32 to vector<1x1x1024xi32>
    %and3A_52 = arith.andi %broadcast_in_dim3A_49, %and3A_51 : vector<1x1x1024xi32>
    %lt3A_53 = arith.constant 0 : i32
    %lt3A_54 = vector.broadcast %lt3A_53 : i32 to vector<1x1x1024xi32>
    %lt3A_55 = arith.cmpi slt, %and3A_52, %lt3A_54 : vector<1x1x1024xi32>
    %xor3A_56 = arith.constant 2147483647 : i32
    %xor3A_57 = vector.broadcast %xor3A_56 : i32 to vector<1x1x1024xi32>
    %xor3A_58 = arith.xori %and3A_52, %xor3A_57 : vector<1x1x1024xi32>
    %select_n3A_59 = arith.select %lt3A_55, %xor3A_58, %and3A_52 : vector<1x1x1024xi1>, vector<1x1x1024xi32>
    %bitcast_convert_type3A_60 = tpu.bitcast %select_n3A_59 : vector<1x1x1024xi32> -> vector<1x1x1024xf32>
    %add3A_61 = arith.addf %add3A_41, %bitcast_convert_type3A_60 : vector<1x1x1024xf32>
    %eq3A_62 = vector.broadcast %broadcast_in_dim3A_49 : vector<1x1x1024xi32> to vector<16x8x1024xi32>
    %eq3A_63 = arith.cmpi eq, %select_n3A_43, %eq3A_62 : vector<16x8x1024xi32>
    %select_n3A_64 = arith.select %eq3A_63, %select_n3A_46, %select_n3A_43 : vector<16x8x1024xi1>, vector<16x8x1024xi32>
    %jit3A_65 = arith.constant -2147483648 : i32
    %broadcast_in_dim3A_66 = vector.broadcast %jit3A_65 : i32 to vector<16x8x1024xi32>
    %select_n3A_67 = arith.select %eq3A_63, %broadcast_in_dim3A_66, %select_n3A_46 : vector<16x8x1024xi1>, vector<16x8x1024xi32>
    %reduce_max3A_68 = arith.constant dense<-2147483648> : vector<1024xi32>
    %reduce_max3A_69 = vector.multi_reduction <maxsi>, %select_n3A_64, %reduce_max3A_68 [0, 1] : vector<16x8x1024xi32> to vector<1024xi32>
    %broadcast_in_dim3A_70 = vector.shape_cast %reduce_max3A_69 : vector<1024xi32> to vector<1x1x1024xi32>
    %and3A_71 = arith.constant -256 : i32
    %and3A_72 = vector.broadcast %and3A_71 : i32 to vector<1x1x1024xi32>
    %and3A_73 = arith.andi %broadcast_in_dim3A_70, %and3A_72 : vector<1x1x1024xi32>
    %lt3A_74 = arith.constant 0 : i32
    %lt3A_75 = vector.broadcast %lt3A_74 : i32 to vector<1x1x1024xi32>
    %lt3A_76 = arith.cmpi slt, %and3A_73, %lt3A_75 : vector<1x1x1024xi32>
    %xor3A_77 = arith.constant 2147483647 : i32
    %xor3A_78 = vector.broadcast %xor3A_77 : i32 to vector<1x1x1024xi32>
    %xor3A_79 = arith.xori %and3A_73, %xor3A_78 : vector<1x1x1024xi32>
    %select_n3A_80 = arith.select %lt3A_76, %xor3A_79, %and3A_73 : vector<1x1x1024xi1>, vector<1x1x1024xi32>
    %bitcast_convert_type3A_81 = tpu.bitcast %select_n3A_80 : vector<1x1x1024xi32> -> vector<1x1x1024xf32>
    %add3A_82 = arith.addf %add3A_61, %bitcast_convert_type3A_81 : vector<1x1x1024xf32>
    %eq3A_83 = vector.broadcast %broadcast_in_dim3A_70 : vector<1x1x1024xi32> to vector<16x8x1024xi32>
    %eq3A_84 = arith.cmpi eq, %select_n3A_64, %eq3A_83 : vector<16x8x1024xi32>
    %select_n3A_85 = arith.select %eq3A_84, %select_n3A_67, %select_n3A_64 : vector<16x8x1024xi1>, vector<16x8x1024xi32>
    %jit3A_86 = arith.constant -2147483648 : i32
    %broadcast_in_dim3A_87 = vector.broadcast %jit3A_86 : i32 to vector<16x8x1024xi32>
    %select_n3A_88 = arith.select %eq3A_84, %broadcast_in_dim3A_87, %select_n3A_67 : vector<16x8x1024xi1>, vector<16x8x1024xi32>
    %reduce_max3A_89 = arith.constant dense<-2147483648> : vector<1024xi32>
    %reduce_max3A_90 = vector.multi_reduction <maxsi>, %select_n3A_85, %reduce_max3A_89 [0, 1] : vector<16x8x1024xi32> to vector<1024xi32>
    %broadcast_in_dim3A_91 = vector.shape_cast %reduce_max3A_90 : vector<1024xi32> to vector<1x1x1024xi32>
    %and3A_92 = arith.constant -256 : i32
    %and3A_93 = vector.broadcast %and3A_92 : i32 to vector<1x1x1024xi32>
    %and3A_94 = arith.andi %broadcast_in_dim3A_91, %and3A_93 : vector<1x1x1024xi32>
    %lt3A_95 = arith.constant 0 : i32
    %lt3A_96 = vector.broadcast %lt3A_95 : i32 to vector<1x1x1024xi32>
    %lt3A_97 = arith.cmpi slt, %and3A_94, %lt3A_96 : vector<1x1x1024xi32>
    %xor3A_98 = arith.constant 2147483647 : i32
    %xor3A_99 = vector.broadcast %xor3A_98 : i32 to vector<1x1x1024xi32>
    %xor3A_100 = arith.xori %and3A_94, %xor3A_99 : vector<1x1x1024xi32>
    %select_n3A_101 = arith.select %lt3A_97, %xor3A_100, %and3A_94 : vector<1x1x1024xi1>, vector<1x1x1024xi32>
    %bitcast_convert_type3A_102 = tpu.bitcast %select_n3A_101 : vector<1x1x1024xi32> -> vector<1x1x1024xf32>
    %add3A_103 = arith.addf %add3A_82, %bitcast_convert_type3A_102 : vector<1x1x1024xf32>
    %eq3A_104 = vector.broadcast %broadcast_in_dim3A_91 : vector<1x1x1024xi32> to vector<16x8x1024xi32>
    %eq3A_105 = arith.cmpi eq, %select_n3A_85, %eq3A_104 : vector<16x8x1024xi32>
    %select_n3A_106 = arith.select %eq3A_105, %select_n3A_88, %select_n3A_85 : vector<16x8x1024xi1>, vector<16x8x1024xi32>
    %jit3A_107 = arith.constant -2147483648 : i32
    %broadcast_in_dim3A_108 = vector.broadcast %jit3A_107 : i32 to vector<16x8x1024xi32>
    %select_n3A_109 = arith.select %eq3A_105, %broadcast_in_dim3A_108, %select_n3A_88 : vector<16x8x1024xi1>, vector<16x8x1024xi32>
    %reduce_max3A_110 = arith.constant dense<-2147483648> : vector<1024xi32>
    %reduce_max3A_111 = vector.multi_reduction <maxsi>, %select_n3A_106, %reduce_max3A_110 [0, 1] : vector<16x8x1024xi32> to vector<1024xi32>
    %broadcast_in_dim3A_112 = vector.shape_cast %reduce_max3A_111 : vector<1024xi32> to vector<1x1x1024xi32>
    %and3A_113 = arith.constant -256 : i32
    %and3A_114 = vector.broadcast %and3A_113 : i32 to vector<1x1x1024xi32>
    %and3A_115 = arith.andi %broadcast_in_dim3A_112, %and3A_114 : vector<1x1x1024xi32>
    %lt3A_116 = arith.constant 0 : i32
    %lt3A_117 = vector.broadcast %lt3A_116 : i32 to vector<1x1x1024xi32>
    %lt3A_118 = arith.cmpi slt, %and3A_115, %lt3A_117 : vector<1x1x1024xi32>
    %xor3A_119 = arith.constant 2147483647 : i32
    %xor3A_120 = vector.broadcast %xor3A_119 : i32 to vector<1x1x1024xi32>
    %xor3A_121 = arith.xori %and3A_115, %xor3A_120 : vector<1x1x1024xi32>
    %select_n3A_122 = arith.select %lt3A_118, %xor3A_121, %and3A_115 : vector<1x1x1024xi1>, vector<1x1x1024xi32>
    %bitcast_convert_type3A_123 = tpu.bitcast %select_n3A_122 : vector<1x1x1024xi32> -> vector<1x1x1024xf32>
    %add3A_124 = arith.addf %add3A_103, %bitcast_convert_type3A_123 : vector<1x1x1024xf32>
    %eq3A_125 = vector.broadcast %broadcast_in_dim3A_112 : vector<1x1x1024xi32> to vector<16x8x1024xi32>
    %eq3A_126 = arith.cmpi eq, %select_n3A_106, %eq3A_125 : vector<16x8x1024xi32>
    %select_n3A_127 = arith.select %eq3A_126, %select_n3A_109, %select_n3A_106 : vector<16x8x1024xi1>, vector<16x8x1024xi32>
    %jit3A_128 = arith.constant -2147483648 : i32
    %broadcast_in_dim3A_129 = vector.broadcast %jit3A_128 : i32 to vector<16x8x1024xi32>
    %select_n3A_130 = arith.select %eq3A_126, %broadcast_in_dim3A_129, %select_n3A_109 : vector<16x8x1024xi1>, vector<16x8x1024xi32>
    %reduce_max3A_131 = arith.constant dense<-2147483648> : vector<1024xi32>
    %reduce_max3A_132 = vector.multi_reduction <maxsi>, %select_n3A_127, %reduce_max3A_131 [0, 1] : vector<16x8x1024xi32> to vector<1024xi32>
    %broadcast_in_dim3A_133 = vector.shape_cast %reduce_max3A_132 : vector<1024xi32> to vector<1x1x1024xi32>
    %and3A_134 = arith.constant -256 : i32
    %and3A_135 = vector.broadcast %and3A_134 : i32 to vector<1x1x1024xi32>
    %and3A_136 = arith.andi %broadcast_in_dim3A_133, %and3A_135 : vector<1x1x1024xi32>
    %lt3A_137 = arith.constant 0 : i32
    %lt3A_138 = vector.broadcast %lt3A_137 : i32 to vector<1x1x1024xi32>
    %lt3A_139 = arith.cmpi slt, %and3A_136, %lt3A_138 : vector<1x1x1024xi32>
    %xor3A_140 = arith.constant 2147483647 : i32
    %xor3A_141 = vector.broadcast %xor3A_140 : i32 to vector<1x1x1024xi32>
    %xor3A_142 = arith.xori %and3A_136, %xor3A_141 : vector<1x1x1024xi32>
    %select_n3A_143 = arith.select %lt3A_139, %xor3A_142, %and3A_136 : vector<1x1x1024xi1>, vector<1x1x1024xi32>
    %bitcast_convert_type3A_144 = tpu.bitcast %select_n3A_143 : vector<1x1x1024xi32> -> vector<1x1x1024xf32>
    %add3A_145 = arith.addf %add3A_124, %bitcast_convert_type3A_144 : vector<1x1x1024xf32>
    %eq3A_146 = vector.broadcast %broadcast_in_dim3A_133 : vector<1x1x1024xi32> to vector<16x8x1024xi32>
    %eq3A_147 = arith.cmpi eq, %select_n3A_127, %eq3A_146 : vector<16x8x1024xi32>
    %select_n3A_148 = arith.select %eq3A_147, %select_n3A_130, %select_n3A_127 : vector<16x8x1024xi1>, vector<16x8x1024xi32>
    %jit3A_149 = arith.constant -2147483648 : i32
    %broadcast_in_dim3A_150 = vector.broadcast %jit3A_149 : i32 to vector<16x8x1024xi32>
    %select_n3A_151 = arith.select %eq3A_147, %broadcast_in_dim3A_150, %select_n3A_130 : vector<16x8x1024xi1>, vector<16x8x1024xi32>
    %reduce_max3A_152 = arith.constant dense<-2147483648> : vector<1024xi32>
    %reduce_max3A_153 = vector.multi_reduction <maxsi>, %select_n3A_148, %reduce_max3A_152 [0, 1] : vector<16x8x1024xi32> to vector<1024xi32>
    %broadcast_in_dim3A_154 = vector.shape_cast %reduce_max3A_153 : vector<1024xi32> to vector<1x1x1024xi32>
    %and3A_155 = arith.constant -256 : i32
    %and3A_156 = vector.broadcast %and3A_155 : i32 to vector<1x1x1024xi32>
    %and3A_157 = arith.andi %broadcast_in_dim3A_154, %and3A_156 : vector<1x1x1024xi32>
    %lt3A_158 = arith.constant 0 : i32
    %lt3A_159 = vector.broadcast %lt3A_158 : i32 to vector<1x1x1024xi32>
    %lt3A_160 = arith.cmpi slt, %and3A_157, %lt3A_159 : vector<1x1x1024xi32>
    %xor3A_161 = arith.constant 2147483647 : i32
    %xor3A_162 = vector.broadcast %xor3A_161 : i32 to vector<1x1x1024xi32>
    %xor3A_163 = arith.xori %and3A_157, %xor3A_162 : vector<1x1x1024xi32>
    %select_n3A_164 = arith.select %lt3A_160, %xor3A_163, %and3A_157 : vector<1x1x1024xi1>, vector<1x1x1024xi32>
    %bitcast_convert_type3A_165 = tpu.bitcast %select_n3A_164 : vector<1x1x1024xi32> -> vector<1x1x1024xf32>
    %add3A_166 = arith.addf %add3A_145, %bitcast_convert_type3A_165 : vector<1x1x1024xf32>
    %eq3A_167 = vector.broadcast %broadcast_in_dim3A_154 : vector<1x1x1024xi32> to vector<16x8x1024xi32>
    %eq3A_168 = arith.cmpi eq, %select_n3A_148, %eq3A_167 : vector<16x8x1024xi32>
    %select_n3A_169 = arith.select %eq3A_168, %select_n3A_151, %select_n3A_148 : vector<16x8x1024xi1>, vector<16x8x1024xi32>
    %jit3A_170 = arith.constant -2147483648 : i32
    %broadcast_in_dim3A_171 = vector.broadcast %jit3A_170 : i32 to vector<16x8x1024xi32>
    %select_n3A_172 = arith.select %eq3A_168, %broadcast_in_dim3A_171, %select_n3A_151 : vector<16x8x1024xi1>, vector<16x8x1024xi32>
    %reduce_max3A_173 = arith.constant dense<-2147483648> : vector<1024xi32>
    %reduce_max3A_174 = vector.multi_reduction <maxsi>, %select_n3A_169, %reduce_max3A_173 [0, 1] : vector<16x8x1024xi32> to vector<1024xi32>
    %broadcast_in_dim3A_175 = vector.shape_cast %reduce_max3A_174 : vector<1024xi32> to vector<1x1x1024xi32>
    %and3A_176 = arith.constant -256 : i32
    %and3A_177 = vector.broadcast %and3A_176 : i32 to vector<1x1x1024xi32>
    %and3A_178 = arith.andi %broadcast_in_dim3A_175, %and3A_177 : vector<1x1x1024xi32>
    %lt3A_179 = arith.constant 0 : i32
    %lt3A_180 = vector.broadcast %lt3A_179 : i32 to vector<1x1x1024xi32>
    %lt3A_181 = arith.cmpi slt, %and3A_178, %lt3A_180 : vector<1x1x1024xi32>
    %xor3A_182 = arith.constant 2147483647 : i32
    %xor3A_183 = vector.broadcast %xor3A_182 : i32 to vector<1x1x1024xi32>
    %xor3A_184 = arith.xori %and3A_178, %xor3A_183 : vector<1x1x1024xi32>
    %select_n3A_185 = arith.select %lt3A_181, %xor3A_184, %and3A_178 : vector<1x1x1024xi1>, vector<1x1x1024xi32>
    %bitcast_convert_type3A_186 = tpu.bitcast %select_n3A_185 : vector<1x1x1024xi32> -> vector<1x1x1024xf32>
    %add3A_187 = arith.addf %add3A_166, %bitcast_convert_type3A_186 : vector<1x1x1024xf32>
    %eq3A_188 = vector.broadcast %broadcast_in_dim3A_175 : vector<1x1x1024xi32> to vector<16x8x1024xi32>
    %eq3A_189 = arith.cmpi eq, %select_n3A_169, %eq3A_188 : vector<16x8x1024xi32>
    %select_n3A_190 = arith.select %eq3A_189, %select_n3A_172, %select_n3A_169 : vector<16x8x1024xi1>, vector<16x8x1024xi32>
    %jit3A_191 = arith.constant -2147483648 : i32
    %broadcast_in_dim3A_192 = vector.broadcast %jit3A_191 : i32 to vector<16x8x1024xi32>
    %select_n3A_193 = arith.select %eq3A_189, %broadcast_in_dim3A_192, %select_n3A_172 : vector<16x8x1024xi1>, vector<16x8x1024xi32>
    %reduce_max3A_194 = arith.constant dense<-2147483648> : vector<1024xi32>
    %reduce_max3A_195 = vector.multi_reduction <maxsi>, %select_n3A_190, %reduce_max3A_194 [0, 1] : vector<16x8x1024xi32> to vector<1024xi32>
    %broadcast_in_dim3A_196 = vector.shape_cast %reduce_max3A_195 : vector<1024xi32> to vector<1x1x1024xi32>
    %and3A_197 = arith.constant -256 : i32
    %and3A_198 = vector.broadcast %and3A_197 : i32 to vector<1x1x1024xi32>
    %and3A_199 = arith.andi %broadcast_in_dim3A_196, %and3A_198 : vector<1x1x1024xi32>
    %lt3A_200 = arith.constant 0 : i32
    %lt3A_201 = vector.broadcast %lt3A_200 : i32 to vector<1x1x1024xi32>
    %lt3A_202 = arith.cmpi slt, %and3A_199, %lt3A_201 : vector<1x1x1024xi32>
    %xor3A_203 = arith.constant 2147483647 : i32
    %xor3A_204 = vector.broadcast %xor3A_203 : i32 to vector<1x1x1024xi32>
    %xor3A_205 = arith.xori %and3A_199, %xor3A_204 : vector<1x1x1024xi32>
    %select_n3A_206 = arith.select %lt3A_202, %xor3A_205, %and3A_199 : vector<1x1x1024xi1>, vector<1x1x1024xi32>
    %bitcast_convert_type3A_207 = tpu.bitcast %select_n3A_206 : vector<1x1x1024xi32> -> vector<1x1x1024xf32>
    %add3A_208 = arith.addf %add3A_187, %bitcast_convert_type3A_207 : vector<1x1x1024xf32>
    %eq3A_209 = vector.broadcast %broadcast_in_dim3A_196 : vector<1x1x1024xi32> to vector<16x8x1024xi32>
    %eq3A_210 = arith.cmpi eq, %select_n3A_190, %eq3A_209 : vector<16x8x1024xi32>
    %select_n3A_211 = arith.select %eq3A_210, %select_n3A_193, %select_n3A_190 : vector<16x8x1024xi1>, vector<16x8x1024xi32>
    %jit3A_212 = arith.constant -2147483648 : i32
    %broadcast_in_dim3A_213 = vector.broadcast %jit3A_212 : i32 to vector<16x8x1024xi32>
    %select_n3A_214 = arith.select %eq3A_210, %broadcast_in_dim3A_213, %select_n3A_193 : vector<16x8x1024xi1>, vector<16x8x1024xi32>
    %reduce_max3A_215 = arith.constant dense<-2147483648> : vector<1024xi32>
    %reduce_max3A_216 = vector.multi_reduction <maxsi>, %select_n3A_211, %reduce_max3A_215 [0, 1] : vector<16x8x1024xi32> to vector<1024xi32>
    %broadcast_in_dim3A_217 = vector.shape_cast %reduce_max3A_216 : vector<1024xi32> to vector<1x1x1024xi32>
    %and3A_218 = arith.constant -256 : i32
    %and3A_219 = vector.broadcast %and3A_218 : i32 to vector<1x1x1024xi32>
    %and3A_220 = arith.andi %broadcast_in_dim3A_217, %and3A_219 : vector<1x1x1024xi32>
    %lt3A_221 = arith.constant 0 : i32
    %lt3A_222 = vector.broadcast %lt3A_221 : i32 to vector<1x1x1024xi32>
    %lt3A_223 = arith.cmpi slt, %and3A_220, %lt3A_222 : vector<1x1x1024xi32>
    %xor3A_224 = arith.constant 2147483647 : i32
    %xor3A_225 = vector.broadcast %xor3A_224 : i32 to vector<1x1x1024xi32>
    %xor3A_226 = arith.xori %and3A_220, %xor3A_225 : vector<1x1x1024xi32>
    %select_n3A_227 = arith.select %lt3A_223, %xor3A_226, %and3A_220 : vector<1x1x1024xi1>, vector<1x1x1024xi32>
    %bitcast_convert_type3A_228 = tpu.bitcast %select_n3A_227 : vector<1x1x1024xi32> -> vector<1x1x1024xf32>
    %add3A_229 = arith.addf %add3A_208, %bitcast_convert_type3A_228 : vector<1x1x1024xf32>
    %eq3A_230 = vector.broadcast %broadcast_in_dim3A_217 : vector<1x1x1024xi32> to vector<16x8x1024xi32>
    %eq3A_231 = arith.cmpi eq, %select_n3A_211, %eq3A_230 : vector<16x8x1024xi32>
    %select_n3A_232 = arith.select %eq3A_231, %select_n3A_214, %select_n3A_211 : vector<16x8x1024xi1>, vector<16x8x1024xi32>
    %jit3A_233 = arith.constant -2147483648 : i32
    %broadcast_in_dim3A_234 = vector.broadcast %jit3A_233 : i32 to vector<16x8x1024xi32>
    %select_n3A_235 = arith.select %eq3A_231, %broadcast_in_dim3A_234, %select_n3A_214 : vector<16x8x1024xi1>, vector<16x8x1024xi32>
    %reduce_max3A_236 = arith.constant dense<-2147483648> : vector<1024xi32>
    %reduce_max3A_237 = vector.multi_reduction <maxsi>, %select_n3A_232, %reduce_max3A_236 [0, 1] : vector<16x8x1024xi32> to vector<1024xi32>
    %broadcast_in_dim3A_238 = vector.shape_cast %reduce_max3A_237 : vector<1024xi32> to vector<1x1x1024xi32>
    %and3A_239 = arith.constant -256 : i32
    %and3A_240 = vector.broadcast %and3A_239 : i32 to vector<1x1x1024xi32>
    %and3A_241 = arith.andi %broadcast_in_dim3A_238, %and3A_240 : vector<1x1x1024xi32>
    %lt3A_242 = arith.constant 0 : i32
    %lt3A_243 = vector.broadcast %lt3A_242 : i32 to vector<1x1x1024xi32>
    %lt3A_244 = arith.cmpi slt, %and3A_241, %lt3A_243 : vector<1x1x1024xi32>
    %xor3A_245 = arith.constant 2147483647 : i32
    %xor3A_246 = vector.broadcast %xor3A_245 : i32 to vector<1x1x1024xi32>
    %xor3A_247 = arith.xori %and3A_241, %xor3A_246 : vector<1x1x1024xi32>
    %select_n3A_248 = arith.select %lt3A_244, %xor3A_247, %and3A_241 : vector<1x1x1024xi1>, vector<1x1x1024xi32>
    %bitcast_convert_type3A_249 = tpu.bitcast %select_n3A_248 : vector<1x1x1024xi32> -> vector<1x1x1024xf32>
    %add3A_250 = arith.addf %add3A_229, %bitcast_convert_type3A_249 : vector<1x1x1024xf32>
    %eq3A_251 = vector.broadcast %broadcast_in_dim3A_238 : vector<1x1x1024xi32> to vector<16x8x1024xi32>
    %eq3A_252 = arith.cmpi eq, %select_n3A_232, %eq3A_251 : vector<16x8x1024xi32>
    %select_n3A_253 = arith.select %eq3A_252, %select_n3A_235, %select_n3A_232 : vector<16x8x1024xi1>, vector<16x8x1024xi32>
    %reduce_max3A_254 = arith.constant dense<-2147483648> : vector<1024xi32>
    %reduce_max3A_255 = vector.multi_reduction <maxsi>, %select_n3A_253, %reduce_max3A_254 [0, 1] : vector<16x8x1024xi32> to vector<1024xi32>
    %broadcast_in_dim3A_256 = vector.shape_cast %reduce_max3A_255 : vector<1024xi32> to vector<1x1x1024xi32>
    %and3A_257 = arith.constant -256 : i32
    %and3A_258 = vector.broadcast %and3A_257 : i32 to vector<1x1x1024xi32>
    %and3A_259 = arith.andi %broadcast_in_dim3A_256, %and3A_258 : vector<1x1x1024xi32>
    %lt3A_260 = arith.constant 0 : i32
    %lt3A_261 = vector.broadcast %lt3A_260 : i32 to vector<1x1x1024xi32>
    %lt3A_262 = arith.cmpi slt, %and3A_259, %lt3A_261 : vector<1x1x1024xi32>
    %xor3A_263 = arith.constant 2147483647 : i32
    %xor3A_264 = vector.broadcast %xor3A_263 : i32 to vector<1x1x1024xi32>
    %xor3A_265 = arith.xori %and3A_259, %xor3A_264 : vector<1x1x1024xi32>
    %select_n3A_266 = arith.select %lt3A_262, %xor3A_265, %and3A_259 : vector<1x1x1024xi1>, vector<1x1x1024xi32>
    %bitcast_convert_type3A_267 = tpu.bitcast %select_n3A_266 : vector<1x1x1024xi32> -> vector<1x1x1024xf32>
    %add3A_268 = arith.addf %add3A_250, %bitcast_convert_type3A_267 : vector<1x1x1024xf32>
    %reshape3A_269 = vector.shape_cast %add3A_268 : vector<1x1x1024xf32> to vector<8x128xf32>
    %reduce_sum3A = arith.constant dense<0.000000e+00> : vector<8xf32>
    %reduce_sum3A_270 = vector.multi_reduction <add>, %reshape3A_269, %reduce_sum3A [1] : vector<8x128xf32> to vector<8xf32>
    %div3A = arith.constant 1.280000e+02 : f32
    %div3A_271 = vector.broadcast %div3A : f32 to vector<8xf32>
    %div3A_272 = arith.divf %reduce_sum3A_270, %div3A_271 : vector<8xf32>
    %mul3A = arith.constant 0.020833334 : f32
    %mul3A_273 = vector.broadcast %mul3A : f32 to vector<8xf32>
    %mul3A_274 = arith.mulf %div3A_272, %mul3A_273 : vector<8xf32>
    %broadcast_in_dim3A_275 = vector.shape_cast %mul3A_274 : vector<8xf32> to vector<8x1xf32>
    %broadcast_in_dim3A_276 = vector.shape_cast %broadcast_in_dim3A_275 : vector<8x1xf32> to vector<8x1xf32>
    %broadcast_in_dim3A_277 = vector.broadcast %broadcast_in_dim3A_276 : vector<8x1xf32> to vector<8x128xf32>
    %swap3A = arith.constant 0 : index
    %swap3A_278 = arith.constant 0 : index
    %swap3A_279 = arith.constant 0 : index
    %swap3A_280 = vector.load %arg2[%swap3A, %swap3A_278, %swap3A_279] : memref<1x8x128xf32, #tpu.memory_space<vmem>>, vector<1x8x128xf32>
    %swap3A_281 = vector.shape_cast %swap3A_280 : vector<1x8x128xf32> to vector<8x128xf32>
    %swap3A_282 = vector.shape_cast %broadcast_in_dim3A_277 : vector<8x128xf32> to vector<1x8x128xf32>
    tpu.vector_store %arg2[%swap3A, %swap3A_278, %swap3A_279], %swap3A_282 {strides = array<i32>} : memref<1x8x128xf32, #tpu.memory_space<vmem>>, vector<1x8x128xf32>,
    return
  }
  func.func @transform_0(%arg0: i32) -> (i32, i32, i32) {
    %add3A = arith.constant 36 : i32
    %add3A_0 = arith.addi %arg0, %add3A : i32
    %c0_i32 = arith.constant 0 : i32
    %c0_i32_1 = arith.constant 0 : i32
    %c0_i32_2 = arith.constant 0 : i32
    return %add3A_0, %c0_i32, %c0_i32_1 : i32, i32, i32
  }
  func.func @transform_1(%arg0: i32) -> (i32, i32, i32) {
    %c0_i32 = arith.constant 0 : i32
    %c0_i32_0 = arith.constant 0 : i32
    %c0_i32_1 = arith.constant 0 : i32
    return %arg0, %c0_i32, %c0_i32_0 : i32, i32, i32
  }
}

</mosaic_0001>

<sc_bundles>
// kernel: kernel.4.cloned.1.call-start
scs
__scs_entry_jumppad:
0x0: {  	(pc) =	sbr.rel $0x88, $3  }
0x1: {  	(tag) =	ssettag $0x0;
	lr =	simm.s32 $0x1  }
0x2: {  	[smem:$0x3FA0] =	sst lr;
	_ =	strace $0xD0000000  }
0x3: {  	_ = 	snop  }
0x4: {  	_ = 	snop  }
0x5: {  	_ = 	snop  }
0x6: {  	_ = 	snop  }
0x7: {  	_ = 	snop  }
__scs_overlays_trampoline_lowered:
0x8: {  	[smem:$0x3FAF] =	sst s0  }
0x9: {  	[smem:$0x3FB0] =	sst s1  }
0xa: {  	[smem:$0x3FB1] =	sst s2  }
0xb: {  	[smem:$0x3FB2] =	sst s3  }
0xc: {  	[smem:$0x3FB3] =	sst s4  }
0xd: {  	[smem:$0x3FB4] =	sst s5  }
0xe: {  	[smem:$0x3FB5] =	sst s6  }
0xf: {  	[smem:$0x3FB6] =	sst s7  }
0x10: {  	[smem:$0x3FB7] =	sst s8  }
0x11: {  	[smem:$0x3FB8] =	sst s9;
	s0 =	simm.s32 @!p0 $0x0  }
0x12: {  	s1 =	sld [smem:$0x3F9E];
	s0 =	simm.s32 @p0 $0x1  }
0x13: {  	[smem:$0x3FB9] =	sst s0;
	s0 =	simm.s32 @!p1 $0x0  }
0x14: {  	s2 =	sld [smem:$0x3F9D];
	s0 =	simm.s32 @p1 $0x1  }
0x15: {  	[smem:$0x3FBA] =	sst s0;
	s0 =	simm.s32 @!p2 $0x0  }
0x16: {  	s3 =	sld [smem:$0x3FDB];
	s0 =	simm.s32 @p2 $0x1  }
0x17: {  	s4 =	simm.s32 $0x1BF5;
	[smem:$0x3FBC] =	sst s0  }
0x18: {  	s0 =	sld [smem:$0x3F9F];
	_ =	swait.ge [sflag:s4], $0x0  }
0x19: {  	s7 =	sld [smem:$0x3FA0]  }
0x1a: {  	s8 =	sadd.s32 $0xFFFFE003, lr  }
0x1b: {  	s9 =	sadd.s32 $0xFFFFFEF7, lr;
	s5 =	simm.s32 $0xFFFFFFFF;
	p2 =	slt.u32 s8, $0xFFFFF086  }
0x1c: {  	p1 =	slt.u32 s9, $0xF7A;
	s5 =	simm.s32 @!p2 $0x0  }
0x1d: {  	s5 =	simm.s32 @p1 $0x1;
	p0 =	seq.s32 s7, s2  }
0x1e: {  	s7 =	smul.u32 @!p0 $0xF7A, s2;
	p2 =	seq.s32 @!p0 s5, $0x0  }
0x1f: {  	s9 =	smul.u32 $0xF7A, s1;
	s8 =	simm.s32 @!p0 $0x1BF5;
	p2 =	por !p2, p0  }
0x20: {  	[sflag:s8] =	ssyncset.s32 @!p0 $0xFFFFF086;
	s6 =	sadd.s32 @!p0 s3, s7;
	s7 =	simm.s32 @!p0 $0x108  }
0x21: {  	s3 =	sadd.s32 s3, s9;
	s6 =	sadd.s32 @!p0 $0x88, s6;
	s7 =	simm.s32 @p2 $0x1082  }
0x22: {  	[simem:s7], [sflag:s8] =	dma.local @!p0 [hbm:s6], $0xF7A  }
0x23: {  	s9 =	sor.u32 $0xD0000000, s2;
	s6 =	simm.s32 $0x108;
	_ =	swait.ge @!p0 [sflag:s8], $0x0  }
0x24: {  	s3 =	sadd.s32 $0x88, s3;
	s6 =	simm.s32 @!p1 $0x1082;
	[sflag:s4] =	ssyncset.s32 $0xFFFFF086  }
0x25: {  	[simem:s6], [sflag:s4] =	dma.local [hbm:s3], $0xF7A  }
0x26: {  	[smem:$0x3FA0] =	sst s1;
	(tag) =	ssettag s2;
	_ =	strace s9  }
0x27: {  	s1 =	sld [smem:$0x3FB0]  }
0x28: {  	s2 =	sld [smem:$0x3FB1]  }
0x29: {  	s4 =	sld [smem:$0x3FB3]  }
0x2a: {  	p0 =	seq.s32 s5, $0x0;
	s5 =	sld [smem:$0x3FB4]  }
0x2b: {  	s6 =	sld [smem:$0x3FB5]  }
0x2c: {  	s7 =	sld [smem:$0x3FB6]  }
0x2d: {  	s3 =	simm.s32 $0x108;
	s8 =	sld [smem:$0x3FB7]  }
0x2e: {  	s3 =	simm.s32 @!p0 $0x1082;
	s9 =	sld [smem:$0x3FB8]  }
0x2f: {  	lr =	sadd.s32 s0, s3;
	s0 =	sld [smem:$0x3FAF]  }
0x30: {  	s3 =	sld [smem:$0x3FB2]  }
0x31: {  	[smem:$0x3FBB] =	sst s10  }
0x32: {  	s10 =	sld [smem:$0x3FB9];
	_ =	sdelay $0x3  }
0x33: {  	p0 =	seq.s32 s10, $0x1;
	s10 =	sld [smem:$0x3FBB];
	_ =	sdelay $0x3  }
0x34: {  	[smem:$0x3FBB] =	sst s10  }
0x35: {  	s10 =	sld [smem:$0x3FBA];
	_ =	sdelay $0x3  }
0x36: {  	p1 =	seq.s32 s10, $0x1;
	s10 =	sld [smem:$0x3FBB];
	_ =	sdelay $0x3  }
0x37: {  	[smem:$0x3FBB] =	sst s10  }
0x38: {  	s10 =	sld [smem:$0x3FBC]  }
0x39: {  	_ = 	snop;
	(pc) =	sbr.ind lr, $3  }
0x3a: {  	_ = 	snop  }
0x3b: {  	_ = 	snop  }
0x3c: {  	p2 =	seq.s32 s10, $0x1;
	s10 =	sld [smem:$0x3FBB]  }
0x3d: {  	_ =	shalt  }
0x3e: {  	_ =	shalt  }
0x3f: {  	_ =	shalt  }
0x40: {  	_ =	shalt  }
0x41: {  	_ =	shalt  }
0x42: {  	_ =	shalt  }
0x43: {  	_ =	shalt  }
0x44: {  	_ =	shalt  }
0x45: {  	_ =	shalt  }
0x46: {  	_ =	shalt  }
0x47: {  	_ =	shalt  }
0x48: {  	_ =	shalt  }
0x49: {  	_ =	shalt  }
0x4a: {  	_ =	shalt  }
0x4b: {  	_ =	shalt  }
0x4c: {  	_ =	shalt  }
0x4d: {  	_ =	shalt  }
0x4e: {  	_ =	shalt  }
0x4f: {  	_ =	shalt  }
0x50: {  	_ =	shalt  }
0x51: {  	_ =	shalt  }
0x52: {  	_ =	shalt  }
0x53: {  	_ =	shalt  }
0x54: {  	_ =	shalt  }
0x55: {  	_ =	shalt  }
0x56: {  	_ =	shalt  }
0x57: {  	_ =	shalt  }
0x58: {  	_ =	shalt  }
0x59: {  	_ =	shalt  }
0x5a: {  	_ =	shalt  }
0x5b: {  	_ =	shalt  }
0x5c: {  	_ =	shalt  }
0x5d: {  	_ =	shalt  }
0x5e: {  	_ =	shalt  }
0x5f: {  	_ =	shalt  }
0x60: {  	_ =	shalt  }
0x61: {  	_ =	shalt  }
0x62: {  	_ =	shalt  }
0x63: {  	_ =	shalt  }
0x64: {  	_ =	shalt  }
0x65: {  	_ =	shalt  }
0x66: {  	_ =	shalt  }
0x67: {  	_ =	shalt  }
0x68: {  	_ =	shalt  }
0x69: {  	_ =	shalt  }
0x6a: {  	_ =	shalt  }
0x6b: {  	_ =	shalt  }
0x6c: {  	_ =	shalt  }
0x6d: {  	_ =	shalt  }
0x6e: {  	_ =	shalt  }
0x6f: {  	_ =	shalt  }
0x70: {  	_ =	shalt  }
0x71: {  	_ =	shalt  }
0x72: {  	_ =	shalt  }
0x73: {  	_ =	shalt  }
0x74: {  	_ =	shalt  }
0x75: {  	_ =	shalt  }
0x76: {  	_ =	shalt  }
0x77: {  	_ =	shalt  }
0x78: {  	_ =	shalt  }
0x79: {  	_ =	shalt  }
0x7a: {  	_ =	shalt  }
0x7b: {  	_ =	shalt  }
0x7c: {  	_ =	shalt  }
0x7d: {  	_ =	shalt  }
0x7e: {  	_ =	shalt  }
0x7f: {  	_ =	shalt  }
0x80: {  	_ =	shalt  }
0x81: {  	_ =	shalt  }
0x82: {  	_ =	shalt  }
0x83: {  	_ =	shalt  }
0x84: {  	_ =	shalt  }
0x85: {  	_ =	shalt  }
0x86: {  	_ =	shalt  }
0x87: {  	_ =	shalt  }
.Lfunc_end0:
.L_simem_size_0:
called_computation.1_lowered:
.L_overlay_start_0:
0x88: {  	s2 =	sld [smem:$0x3FD9]  }
0x89: {  	s3 =	sld [smem:$0x3FFE];
	_ =	sdelay $0x1  }
0x8a: {  	s1 =	srdreg.scid  }
0x8b: {  	s0 =	sand.u32 $0x1, s1  }
0x8c: {  	s16 =	sshll.u32 s0, $0xA;
	s2 =	sadd.s32 s3, s2  }
0x8d: {  	s2 =	sadd.s32 s2, s16  }
0x8e: {  	[smem:$0x3FC7] =	sst s2  }
0x8f: {  	_ = 	snop  }
0x90: {  	(tm) =	ssettm $0x1  }
0x91: {  	s17 =	sld [smem:$0x3FFB];
	_ =	sdelay $0x3  }
0x92: {  	_ =	strace s17  }
0x93: {  	s2 =	sld [smem:$0x3FFC];
	_ =	sdelay $0x3  }
0x94: {  	_ =	strace s2  }
0x95: {  	s2 =	sld [smem:$0x3FFD];
	_ =	sdelay $0x3  }
0x96: {  	_ =	strace s2  }
0x97: {  	_ =	strace $0x8FFFFFFF  }
0x98: {  	s18 =	sld [smem:$0x3FDB];
	_ =	sdelay $0x1  }
0x99: {  	s19 =	simm.s32 $_scs_section_size  }
0x9a: {  	s4 =	simm.s32 $_size__tile_overlayer_lowered;
	s5 =	simm.s32 $_tile_overlayer_lowered  }
0x9b: {  	s22 =	simm.s32 $0x1BFF;
	s21 =	sshll.u32 s5, $0x1;
	s2 =	sadd.s32 s19, s18  }
0x9c: {  	s6 =	simm.s32 $0x0;
	s20 =	sshll.u32 s4, $0x1;
	s4 =	sadd.s32 s21, s2  }
0x9d: {  	[timem:s6], [sflag:s22] =	dma.local [hbm:s4], s20  }
0x9e: {  	_ =	swait.ge [sflag:s22], s20  }
0x9f: {  	s3 =	ssub.s32 $0x0, s20;
	[sflag:s22] =	ssyncset.done $0x0  }
0xa0: {  	[sflag:s22] =	ssyncadd.s32 s3;
	_ =	sdelay $0x1  }
0xa1: {  	s23 =	simm.s32 $0x1B8B  }
0xa2: {  	_ =	swait.ge [sflag:s23], $0x1  }
0xa3: {  	[sflag:s23] =	ssyncset.done $0x0  }
0xa4: {  	s25 =	simm.s32 $0x1B8E;
	s24 =	sld [smem:$0x3FFE];
	[sflag:s23] =	ssyncadd.s32 $0xFFFFFFFF  }
0xa5: {  	s26 =	simm.s32 $execute0_lowered;
	[smem:$0x3FD2] =	sst s25  }
0xa6: {  	s4 =	sshll.u32 s26, $0x1;
	_ =	strace $0x80000049;
	[dreg:$0x1] =	wrdreg $0xFFFFFFFF  }
0xa7: {  	s28 =	simm.s32 $_size_execute0_lowered;
	s2 =	sadd.s32 s2, s4;
	[dreg:$0x0] =	wrdreg $0x0  }
0xa8: {  	s4 =	sshll.u32 s28, $0x1;
	[dreg:$0x2] =	wrdreg s2  }
0xa9: {  	[dreg:$0x3] =	wrdreg s4  }
0xaa: {  	[dreg:$0x4] =	wrdreg $0xC0  }
0xab: {  	_ =	task [dreg:s6], $0x5FFFF  }
0xac: {  	[dreg:$0x1] =	wrdreg $0xFFFFFFFF  }
0xad: {  	[dreg:$0x0] =	wrdreg $0x60  }
0xae: {  	[dreg:$0x2] =	wrdreg s24  }
0xaf: {  	[dreg:$0x3] =	wrdreg $0x9  }
0xb0: {  	_ =	task.clear_ibuf [dreg:s6], $0x4FFFF;
	_ =	strace $0x90000049  }
0xb1: {  	s29 =	simm.s32 $0x9;
	_ =	strace $0x8000004B  }
0xb2: {  	_ =	swait.ge [sflag:s29], $0x1  }
0xb3: {  	[sflag:s29] =	ssyncadd.s32 $0xFFFFFFFF  }
0xb4: {  	_ =	strace $0x9000004B  }
0xb5: {  	_ =	sfence  }
0xb6: {  	s30 =	sld [smem:$0x0];
	_ =	sdelay $0x2  }
0xb7: {  	s31 =	sshll.u32 s1, $0xD;
	s1 =	sshrl.u32 s1, $0x2  }
0xb8: {  	s3 =	sand.u32 $0x4000, s31;
	s1 =	sadd.s32 s1, s30  }
0xb9: {  	s0 =	sor.u32 s3, s0;
	s1 =	sshll.u32 s1, $0x11  }
0xba: {  	s0 =	sor.u32 s1, s0  }
0xbb: {  	s0 =	sadd.s32 $0x8F2B, s0  }
0xbc: {  	[sflag:s0] =	ssyncadd.remote.s32 $0x1  }
0xbd: {  	_ =	sfence.sel $0xFFFF  }
0xbe: {  	[dreg:$0x0] =	wrdreg $0xFFFFFFFF;
	(pc) =	sbr.abs _section_cstart, $3  }
0xbf: {  	[dreg:$0x1] =	wrdreg $0xFFFFFFFF  }
0xc0: {  	_ =	task.clear_ibuf [dreg:s6], $0x2FFFF;
	_ =	strace $0x9FFFFFFF  }
0xc1: {  	(tm) =	ssettm $0x7FFFFFFF  }
tec
execute0_lowered:
.L_overlay_start_1:
0x0: {  	(tag) =	ssettag $0x1  }
0x1: {  	s5 =	rddreg [dreg:$0x0]  }
0x2: {  	s2 =	srdreg.scid;
	s1 =	stileid.u32  }
0x3: {  	s0 =	rddreg [dreg:$0x1];
	s9 =	simm.s32 $0x0;
	s3 =	sand.u32 $0x1, s2  }
0x4: {  	s4 =	sshll.u32 s1, $0x1;
	s2 =	simm.s32 $0x0;
	s6 =	ssub.s32 $0x2, s3  }
0x5: {  	v0 =	vlaneseq.u32;
	s4 =	sor.u32 s3, s4;
	[smem:$0x7FF] =	sst s2;
	s3 =	sadd.s32 $0x120000, s5  }
0x6: {  	v0 =	vmul.u32 $0x100, v0;
	s7 =	sshrl.u32 s6, $0x1;
	s8 =	smul.u32 $0x12, s4;
	_ =	strace $0x8000004A  }
0x7: {  	s4 =	smul.u32 $0x48000, s4;
	s6 =	ssub.s32 s6, s7;
	s7 =	simm.s32 $0x1  }
0x8: {  	v1 =	vor.u32 $0x1, v0;
	v2 =	vor.u32 $0x2, v0;
	v3 =	vor.u32 $0x3, v0;
	s5 =	sadd.s32 s5, s8;
	s6 =	smax.u32 s6, $0x1;
	s8 =	simm.s32 $0x8000  }
.LBB2_1:
0x9: {  	s10 =	simm.s32 $0x0  }
.LBB2_2:
0xa: {  	s11 =	sshll.u32 s10, $0xF  }
0xb: {  	s11 =	sadd.s32 s4, s11  }
0xc: {  	s11 =	sshrl.u32 s11, $0x3  }
0xd: {  	s11 =	sadd.s32 s3, s11  }
0xe: {  	[tilespmem:s2], [sflag:$0x1] =	stream.linear.gather [hbm4b:s11+s2], $0x8000, $0x38;
	[tilespmem:$0x8090] =	vst v63  }
0xf: {  	_ =	swait.ge [sflag:s7], $0x8000  }
0x10: {  	[sflag:s7] =	ssyncset.done $0x0  }
0x11: {  	[sflag:s7] =	ssyncadd.s32 $0xFFFF8000  }
0x12: {  	v4 =	vld.idx.msk [tilespmem:v0+s2+$0x0], $0xffff  }
0x13: {  	v7 =	vimm.s32 $0x4;
	v12 =	vld.idx.msk [tilespmem:v1+s2+$0x0], $0xffff  }
0x14: {  	v5 =	vadd.s32 v0, v7  }
0x15: {  	v13 =	vld.idx.msk [tilespmem:v2+s2+$0x0], $0xffff;
	_ =	sdelay $0x1  }
0x16: {  	v15 =	vld.idx.msk [tilespmem:v3+s2+$0x0], $0xffff  }
0x17: {  	v9 =	vadd.s32 v1, v7;
	v6 =	vadd.f32 v12, v4  }
0x18: {  	v8 =	vld.idx.msk [tilespmem:v5+s2+$0x0], $0xffff  }
0x19: {  	v5 =	vadd.f32 v13, v6;
	_ =	sdelay $0x1  }
0x1a: {  	v16 =	vadd.f32 v15, v5  }
0x1b: {  	v6 =	vld.idx.msk [tilespmem:v9+s2+$0x0], $0xffff;
	v5 =	vadd.s32 v2, v7  }
0x1c: {  	v9 =	vadd.f32 v8, v16;
	_ =	sdelay $0x1  }
0x1d: {  	v10 =	vadd.s32 $0x4, v7;
	v18 =	vsub.f32 v9, v4  }
0x1e: {  	v17 =	vadd.s32 v3, v7;
	v11 =	vadd.s32 v1, v10  }
0x1f: {  	v14 =	vmin.f32 v16, $-Inf;
	v5 =	vld.idx.msk [tilespmem:v5+s2+$0x0], $0xffff;
	v4 =	vmin.f32 v16, v18;
	v19 =	vadd.f32 v18, v6  }
0x20: {  	v7 =	vadd.s32 v3, v10;
	v9 =	vadd.s32 v2, v10;
	v20 =	vmin.f32 v14, v4  }
0x21: {  	v16 =	vmax.f32 v16, v18;
	v22 =	vmin.f32 v14, v20;
	v12 =	vsub.f32 v19, v12  }
0x22: {  	v21 =	vmax.f32 v14, v4;
	v20 =	vmax.f32 v14, v20;
	v18 =	vmin.f32 v14, v22  }
0x23: {  	v4 =	vld.idx.msk [tilespmem:v17+s2+$0x0], $0xffff;
	v17 =	vmax.f32 v14, v22;
	v19 =	vmin.f32 v14, v18;
	v22 =	vmin.f32 v16, v12  }
0x24: {  	v23 =	vadd.f32 v12, v5;
	v18 =	vmax.f32 v14, v18;
	v12 =	vmax.f32 v16, v12  }
0x25: {  	v24 =	vmin.f32 v21, v22;
	v21 =	vmax.f32 v21, v22;
	v25 =	vmax.f32 v14, v19  }
0x26: {  	v27 =	vmin.f32 v14, v19;
	v22 =	vmin.f32 v20, v24;
	v13 =	vsub.f32 v23, v13  }
0x27: {  	v20 =	vmax.f32 v20, v24;
	v23 =	vmax.f32 v17, v22;
	v22 =	vmin.f32 v17, v22  }
0x28: {  	v16 =	vmin.f32 v12, v13;
	v17 =	vadd.f32 v13, v4;
	v24 =	vmax.f32 v18, v22  }
0x29: {  	v12 =	vmax.f32 v12, v13;
	v18 =	vmin.f32 v18, v22;
	v26 =	vmin.f32 v21, v16  }
0x2a: {  	v22 =	vmax.f32 v14, v27;
	v16 =	vmax.f32 v21, v16;
	v28 =	vmin.f32 v20, v26  }
0x2b: {  	v19 =	vsub.f32 v17, v15;
	v15 =	vmin.f32 v14, v27;
	v20 =	vmax.f32 v20, v26  }
0x2c: {  	v29 =	vmin.f32 v23, v28;
	v21 =	vmin.f32 v14, v15;
	v23 =	vmax.f32 v23, v28  }
0x2d: {  	v31 =	vmax.f32 v14, v15;
	v13 =	vmax.f32 v12, v19;
	v17 =	vmin.f32 v12, v19  }
0x2e: {  	v28 =	vmax.f32 v24, v29;
	v24 =	vmin.f32 v24, v29;
	v26 =	vmin.f32 v16, v17  }
0x2f: {  	v27 =	vmin.f32 v14, v21;
	v12 =	vmax.f32 v20, v26;
	v20 =	vmin.f32 v20, v26  }
0x30: {  	v26 =	vmax.f32 v14, v21;
	v32 =	vmin.f32 v23, v20;
	v15 =	vmax.f32 v23, v20  }
0x31: {  	v23 =	vmin.f32 v25, v18;
	v25 =	vmax.f32 v25, v18;
	v20 =	vmin.f32 v28, v32  }
0x32: {  	v35 =	vmin.f32 v22, v23;
	v30 =	vmax.f32 v22, v23;
	v18 =	vmax.f32 v28, v32  }
0x33: {  	v28 =	vadd.s32 v0, v10;
	v32 =	vmin.f32 v14, v27;
	v23 =	vmax.f32 v25, v24  }
0x34: {  	v21 =	vmovc v14;
	v34 =	vmin.f32 v25, v24;
	v33 =	vmin.f32 v14, v32;
	v24 =	vmin.f32 v23, v20  }
0x35: {  	s11 =	simm.s32 $0x3D;
	v22 =	vmovc v14;
	v29 =	vmax.f32 v31, v35;
	v31 =	vmin.f32 v31, v35;
	v25 =	vmax.f32 v30, v34  }
.LBB2_3:
0x36: {  	p0 =	sne.s32 s11, $0x1;
	s11 =	sadd.s32 $0xFFFFFFFF, s11;
	v14 =	vmax.f32 v14, v32;
	v22 =	vmax.f32 v22, v33;
	v30 =	vmin.f32 v30, v34  }
0x37: {  	v21 =	vmax.f32 v21, v27;
	v27 =	vmin.f32 v26, v31;
	v32 =	vmin.f32 v25, v24  }
0x38: {  	v33 =	vmax.f32 v21, v27;
	v21 =	vmin.f32 v21, v27;
	v27 =	vmax.f32 v29, v30;
	v28 =	vld.idx.msk [tilespmem:v28+s2+$0x0], $0xffff  }
0x39: {  	v26 =	vmax.f32 v26, v31;
	v29 =	vmin.f32 v29, v30;
	v31 =	vmax.f32 v14, v21  }
0x3a: {  	v14 =	vmin.f32 v14, v21;
	v21 =	vmax.f32 v26, v29;
	v30 =	vmin.f32 v27, v32  }
0x3b: {  	v26 =	vmin.f32 v26, v29;
	v29 =	vmax.f32 v21, v30;
	v21 =	vmin.f32 v21, v30  }
0x3c: {  	v30 =	vld.idx.msk [tilespmem:v11+s2+$0x0], $0xffff;
	v11 =	vmax.f32 v22, v14;
	v14 =	vmax.f32 v33, v26;
	v22 =	vmin.f32 v33, v26  }
0x3d: {  	v26 =	vmax.f32 v31, v22;
	v22 =	vmin.f32 v31, v22;
	v31 =	vmin.f32 v14, v21  }
0x3e: {  	v27 =	vmax.f32 v27, v32;
	v19 =	vadd.f32 v28, v19;
	v11 =	vmax.f32 v11, v22  }
0x3f: {  	v21 =	vmax.f32 v14, v21;
	v14 =	vmax.f32 v26, v31;
	v22 =	vmin.f32 v26, v31  }
0x40: {  	v24 =	vmax.f32 v25, v24;
	v19 =	vsub.f32 v19, v8;
	v22 =	vmax.f32 v11, v22;
	v26 =	vld.idx.msk [tilespmem:v9+s2+$0x0], $0xffff  }
0x41: {  	v10 =	vadd.s32 $0x4, v10;
	v16 =	vmax.f32 v16, v17;
	v17 =	vmax.f32 v23, v20;
	v8 =	vmovc v28  }
0x42: {  	v20 =	vadd.s32 v3, v10;
	v23 =	vmin.f32 v13, v19;
	v25 =	vadd.f32 v19, v30  }
0x43: {  	v11 =	vadd.s32 v1, v10;
	v9 =	vadd.s32 v2, v10;
	v28 =	vmin.f32 v16, v23  }
0x44: {  	v16 =	vmax.f32 v16, v23;
	v23 =	vmin.f32 v12, v28;
	v25 =	vsub.f32 v25, v6;
	v31 =	vld.idx.msk [tilespmem:v7+s2+$0x0], $0xffff  }
0x45: {  	v13 =	vmax.f32 v13, v19;
	v6 =	vmovc v30;
	v19 =	vmax.f32 v15, v23;
	v15 =	vmin.f32 v15, v23  }
0x46: {  	v7 =	vmovc v20;
	v23 =	vmin.f32 v18, v15;
	v30 =	vmin.f32 v13, v25;
	v32 =	vadd.f32 v25, v26  }
0x47: {  	v12 =	vmax.f32 v12, v28;
	v15 =	vmax.f32 v18, v15;
	v18 =	vmin.f32 v16, v30  }
0x48: {  	v16 =	vmax.f32 v16, v30;
	v20 =	vmin.f32 v12, v18;
	v28 =	vsub.f32 v32, v5;
	v5 =	vmovc v26  }
0x49: {  	v13 =	vmax.f32 v13, v25;
	v25 =	vmax.f32 v19, v20;
	v20 =	vmin.f32 v19, v20  }
0x4a: {  	v30 =	vmax.f32 v17, v23;
	v26 =	vmin.f32 v13, v28;
	v19 =	vadd.f32 v28, v31  }
0x4b: {  	v12 =	vmax.f32 v12, v18;
	v18 =	vmax.f32 v15, v20;
	v32 =	vmin.f32 v16, v26  }
0x4c: {  	v23 =	vmin.f32 v17, v23;
	v33 =	vmin.f32 v12, v32;
	v19 =	vsub.f32 v19, v4;
	v4 =	vmovc v31  }
0x4d: {  	v17 =	vmax.f32 v13, v28;
	v31 =	vmin.f32 v24, v23;
	v28 =	vmin.f32 v25, v33  }
0x4e: {  	v16 =	vmax.f32 v16, v26;
	v13 =	vmax.f32 v17, v19;
	v17 =	vmin.f32 v17, v19  }
0x4f: {  	v26 =	vmax.f32 v12, v32;
	v34 =	vmin.f32 v27, v31;
	v32 =	vmin.f32 v16, v17  }
0x50: {  	v25 =	vmax.f32 v25, v33;
	v12 =	vmax.f32 v26, v32;
	v26 =	vmin.f32 v26, v32  }
0x51: {  	v31 =	vmax.f32 v27, v31;
	v32 =	vmax.f32 v18, v28;
	v33 =	vmin.f32 v25, v26  }
0x52: {  	v27 =	vmin.f32 v15, v20;
	v15 =	vmax.f32 v25, v26;
	v20 =	vmin.f32 v32, v33  }
0x53: {  	v23 =	vmax.f32 v24, v23;
	v24 =	vmin.f32 v30, v27;
	v26 =	vmax.f32 v29, v34  }
.Ltmp0:
0x54: {  	v36 =	vmin.f32 v18, v28;
	v35 =	vmin.f32 v23, v24;
	v25 =	vmax.f32 v30, v27;
	(pc) =	sbr.rel @p0 .LBB2_3-.Ltmp0, $4  }
0x55: {  	v27 =	vmin.f32 v29, v34;
	v30 =	vmax.f32 v23, v24;
	v18 =	vmax.f32 v32, v33  }
0x56: {  	v28 =	vadd.s32 v0, v10;
	v32 =	vmin.f32 v21, v27;
	v23 =	vmax.f32 v25, v36  }
0x57: {  	v34 =	vmin.f32 v25, v36;
	v33 =	vmin.f32 v14, v32;
	v24 =	vmin.f32 v23, v20  }
0x58: {  	v29 =	vmax.f32 v31, v35;
	v31 =	vmin.f32 v31, v35;
	v25 =	vmax.f32 v30, v34  }
0x59: {  	_ =	sdelay $0x1  }
0x5a: {  	v10 =	vmax.f32 v14, v32;
	v14 =	vmax.f32 v22, v33;
	v22 =	vmin.f32 v30, v34  }
0x5b: {  	v21 =	vmax.f32 v21, v27;
	v27 =	vmin.f32 v26, v31;
	v30 =	vmin.f32 v25, v24  }
0x5c: {  	v28 =	vld.idx.msk [tilespmem:v28+s2+$0x0], $0xffff;
	v26 =	vmax.f32 v26, v31;
	v24 =	vmax.f32 v25, v24;
	v58 =	vmax.f32 v21, v27  }
0x5d: {  	v21 =	vmin.f32 v21, v27;
	v27 =	vmax.f32 v29, v22;
	v22 =	vmin.f32 v29, v22  }
0x5e: {  	v16 =	vmax.f32 v16, v17;
	v29 =	vmax.f32 v10, v21;
	v31 =	vmax.f32 v26, v22  }
0x5f: {  	v59 =	vmin.f32 v27, v30;
	v10 =	vmin.f32 v10, v21;
	v21 =	vmin.f32 v26, v22  }
0x60: {  	v11 =	vld.idx.msk [tilespmem:v11+s2+$0x0], $0xffff;
	v27 =	vmax.f32 v27, v30;
	v22 =	vmax.f32 v31, v59;
	v26 =	vmin.f32 v31, v59  }
0x61: {  	v10 =	vmax.f32 v14, v10;
	v14 =	vmin.f32 v58, v21;
	v19 =	vadd.f32 v28, v19  }
0x62: {  	v21 =	vmax.f32 v58, v21;
	v31 =	vmin.f32 v29, v14;
	v14 =	vmax.f32 v29, v14  }
0x63: {  	v28 =	vmin.f32 v21, v26;
	v10 =	vmax.f32 v10, v31;
	v8 =	vsub.f32 v19, v8  }
0x64: {  	v9 =	vld.idx.msk [tilespmem:v9+s2+$0x0], $0xffff;
	v21 =	vmax.f32 v21, v26;
	v19 =	vmax.f32 v14, v28;
	v14 =	vmin.f32 v14, v28  }
0x65: {  	v14 =	vmax.f32 v10, v14;
	v17 =	vmin.f32 v13, v8;
	v11 =	vadd.f32 v8, v11  }
0x66: {  	v10 =	vmax.f32 v23, v20;
	v8 =	vmax.f32 v13, v8;
	v20 =	vmin.f32 v16, v17  }
0x67: {  	v16 =	vmax.f32 v16, v17;
	v17 =	vmin.f32 v12, v20;
	v6 =	vsub.f32 v11, v6  }
0x68: {  	v7 =	vld.idx.msk [tilespmem:v7+s2+$0x0], $0xffff;
	v12 =	vmax.f32 v12, v20;
	v11 =	vmax.f32 v15, v17;
	v13 =	vmin.f32 v15, v17  }
0x69: {  	v15 =	vmin.f32 v18, v13;
	v17 =	vmin.f32 v8, v6;
	v9 =	vadd.f32 v6, v9  }
0x6a: {  	v13 =	vmax.f32 v18, v13;
	v6 =	vmax.f32 v8, v6;
	v18 =	vmin.f32 v16, v17  }
0x6b: {  	v16 =	vmax.f32 v16, v17;
	v17 =	vmin.f32 v12, v18;
	v5 =	vsub.f32 v9, v5  }
0x6c: {  	v12 =	vmax.f32 v12, v18;
	v8 =	vmax.f32 v11, v17;
	v9 =	vmin.f32 v11, v17  }
0x6d: {  	v11 =	vmax.f32 v10, v15;
	v10 =	vmin.f32 v10, v15;
	v7 =	vadd.f32 v5, v7  }
0x6e: {  	v17 =	vmin.f32 v6, v5;
	v18 =	vmax.f32 v13, v9;
	v5 =	vmax.f32 v6, v5  }
0x6f: {  	v9 =	vmin.f32 v13, v9;
	v20 =	vmin.f32 v16, v17;
	v4 =	vsub.f32 v7, v4  }
0x70: {  	v16 =	vmax.f32 v16, v17;
	v15 =	vmin.f32 v12, v20;
	v7 =	vmin.f32 v24, v10  }
0x71: {  	v10 =	vmax.f32 v24, v10;
	v6 =	vmin.f32 v8, v15;
	v17 =	vmax.f32 v5, v4  }
0x72: {  	v8 =	vmax.f32 v8, v15;
	[tilespmem:$0x1FF40] =	vst v17;
	v17 =	vmin.f32 v5, v4;
	v5 =	vmin.f32 v27, v7  }
0x73: {  	v4 =	vmax.f32 v12, v20;
	v20 =	vmin.f32 v11, v9;
	v9 =	vmax.f32 v11, v9  }
0x74: {  	v12 =	vmin.f32 v16, v17;
	v13 =	vmax.f32 v22, v5;
	v11 =	vmin.f32 v10, v20  }
0x75: {  	v20 =	vmax.f32 v10, v20;
	v10 =	vor.u32 $0x1003, v0;
	v15 =	vmax.f32 v4, v12  }
0x76: {  	v4 =	vmin.f32 v4, v12;
	v12 =	vmax.f32 v27, v7;
	v7 =	vmax.f32 v18, v6  }
0x77: {  	v6 =	vmin.f32 v18, v6;
	v18 =	vmin.f32 v22, v5;
	v5 =	vor.u32 $0x1001, v0  }
0x78: {  	[tilespmem:$0x1FF50] =	vst v15;
	v15 =	vmin.f32 v8, v4;
	v4 =	vmax.f32 v8, v4;
	v22 =	vmax.f32 v9, v6  }
0x79: {  	v6 =	vmin.f32 v9, v6;
	v9 =	vmax.f32 v12, v11;
	[tilespmem:$0x1FF60] =	vst v4;
	v4 =	vor.u32 $0x1000, v0  }
0x7a: {  	v11 =	vmin.f32 v12, v11;
	v8 =	vmin.f32 v7, v15;
	v7 =	vmax.f32 v7, v15  }
0x7b: {  	v15 =	vmin.f32 v21, v18;
	v12 =	vmax.f32 v20, v6;
	[tilespmem:$0x1FF70] =	vst v7;
	v7 =	vor.u32 $0x1002, v0  }
0x7c: {  	v18 =	vmax.f32 v21, v18;
	v21 =	vmin.f32 v13, v11;
	v6 =	vmin.f32 v20, v6  }
0x7d: {  	v11 =	vmax.f32 v13, v11;
	v23 =	vmin.f32 v19, v15;
	v15 =	vmax.f32 v19, v15;
	v19 =	vld.idx.msk [tilespmem:v5+s2+$0x0], $0xffff  }
0x7e: {  	v24 =	vmin.f32 v22, v8;
	v14 =	vmax.f32 v14, v23;
	v23 =	vimm.s32 $0x4;
	v25 =	vld.idx.msk [tilespmem:v4+s2+$0x0], $0xffff  }
0x7f: {  	v27 =	vmax.f32 v18, v21;
	v18 =	vmin.f32 v18, v21;
	v26 =	vadd.s32 v4, v23  }
0x80: {  	v13 =	vmin.f32 v9, v6;
	v6 =	vmax.f32 v9, v6;
	v8 =	vmax.f32 v22, v8;
	v28 =	vld.idx.msk [tilespmem:v7+s2+$0x0], $0xffff  }
0x81: {  	v20 =	vmin.f32 v12, v24;
	v9 =	vmax.f32 v15, v18;
	v21 =	vmax.f32 v11, v13  }
0x82: {  	v29 =	vld.idx.msk [tilespmem:v10+s2+$0x0], $0xffff;
	v15 =	vmin.f32 v15, v18;
	v13 =	vmin.f32 v11, v13;
	v30 =	vmin.f32 v6, v20  }
0x83: {  	v12 =	vmax.f32 v12, v24;
	v11 =	vmax.f32 v21, v30;
	v31 =	vadd.f32 v19, v25  }
0x84: {  	v60 =	vadd.s32 v5, v23;
	v14 =	vmax.f32 v14, v15;
	[tilespmem:$0x1FF80] =	vst v11;
	v11 =	vld.idx.msk [tilespmem:v26+s2+$0x0], $0xffff  }
0x85: {  	v18 =	vmin.f32 v21, v30;
	v21 =	vmin.f32 v27, v13;
	v26 =	vadd.f32 v28, v31  }
0x86: {  	v6 =	vmax.f32 v6, v20;
	v13 =	vmax.f32 v27, v13;
	v15 =	vmax.f32 v9, v21  }
0x87: {  	[tilespmem:$0x1FFF0] =	vst v8;
	v9 =	vmin.f32 v9, v21;
	v27 =	vmin.f32 v13, v18;
	v21 =	vadd.f32 v29, v26  }
0x88: {  	[tilespmem:$0x1FF90] =	vst v6;
	v6 =	vmax.f32 v13, v18;
	v14 =	vmax.f32 v14, v9;
	v26 =	vadd.s32 v7, v23  }
0x89: {  	[tilespmem:$0x1FFA0] =	vst v6;
	v6 =	vmin.f32 v15, v27;
	v9 =	vld.idx.msk [tilespmem:v60+s2+$0x0], $0xffff;
	v13 =	vadd.f32 v11, v21  }
0x8a: {  	[tilespmem:$0x1FFC0] =	vst v12;
	v6 =	vmax.f32 v14, v6  }
0x8b: {  	v14 =	vadd.s32 $0x4, v23;
	[tilespmem:$0x1FFD0] =	vst v6;
	v6 =	vmax.f32 v16, v17;
	v16 =	vsub.f32 v13, v25  }
0x8c: {  	v15 =	vmax.f32 v15, v27;
	v12 =	vadd.s32 v10, v14;
	[tilespmem:$0x1FFE0] =	vst v6;
	v6 =	vadd.s32 v10, v23  }
0x8d: {  	[tilespmem:$0x1FFB0] =	vst v15;
	v15 =	vadd.s32 v5, v14;
	v18 =	vmin.f32 v21, $-Inf;
	v8 =	vld.idx.msk [tilespmem:v26+s2+$0x0], $0xffff;
	v17 =	vmin.f32 v21, v16  }
0x8e: {  	v32 =	vadd.s32 v4, v14;
	v20 =	vadd.f32 v16, v9;
	v22 =	vmin.f32 v18, v17  }
0x8f: {  	v13 =	vadd.s32 v7, v14;
	v16 =	vmax.f32 v21, v16;
	v23 =	vmin.f32 v18, v22  }
0x90: {  	v17 =	vmax.f32 v18, v17;
	v19 =	vsub.f32 v20, v19;
	v21 =	vmin.f32 v18, v23  }
0x91: {  	v6 =	vld.idx.msk [tilespmem:v6+s2+$0x0], $0xffff;
	v22 =	vmax.f32 v18, v22;
	v20 =	vmax.f32 v18, v23;
	v23 =	vmin.f32 v18, v21  }
0x92: {  	v24 =	vmin.f32 v16, v19;
	v25 =	vadd.f32 v19, v8;
	v26 =	vmax.f32 v18, v21  }
0x93: {  	v16 =	vmax.f32 v16, v19;
	v21 =	vmin.f32 v17, v24;
	v17 =	vmax.f32 v17, v24  }
0x94: {  	v27 =	vmax.f32 v18, v23;
	v24 =	vmin.f32 v22, v21;
	v25 =	vsub.f32 v25, v28  }
0x95: {  	v61 =	vmin.f32 v18, v23;
	v22 =	vmax.f32 v22, v21;
	v19 =	vmax.f32 v20, v24  }
0x96: {  	v24 =	vmin.f32 v20, v24;
	v20 =	vmin.f32 v16, v25;
	v28 =	vadd.f32 v25, v6  }
0x97: {  	v31 =	vmax.f32 v26, v24;
	v16 =	vmax.f32 v16, v25;
	v26 =	vmin.f32 v26, v24  }
0x98: {  	v30 =	vmin.f32 v17, v20;
	v20 =	vmax.f32 v17, v20;
	v63 =	vmin.f32 v27, v26  }
0x99: {  	v26 =	vmax.f32 v27, v26;
	v62 =	vmin.f32 v22, v30;
	v23 =	vsub.f32 v28, v29  }
0x9a: {  	v28 =	vmin.f32 v18, v61;
	v22 =	vmax.f32 v22, v30;
	v25 =	vmin.f32 v19, v62  }
0x9b: {  	v29 =	vmin.f32 v18, v28;
	v19 =	vmax.f32 v19, v62;
	v35 =	vmax.f32 v18, v28  }
0x9c: {  	v17 =	vmax.f32 v16, v23;
	v21 =	vmin.f32 v16, v23;
	v28 =	vmax.f32 v31, v25  }
0x9d: {  	v25 =	vmin.f32 v31, v25;
	v31 =	vmin.f32 v18, v29;
	v30 =	vmin.f32 v20, v21  }
0x9e: {  	v36 =	vmin.f32 v18, v31;
	v27 =	vmax.f32 v26, v25;
	v38 =	vmin.f32 v26, v25  }
0x9f: {  	v16 =	vmax.f32 v22, v30;
	v22 =	vmin.f32 v22, v30;
	v30 =	vmax.f32 v18, v29  }
0xa0: {  	v33 =	vmin.f32 v19, v22;
	v19 =	vmax.f32 v19, v22;
	v22 =	vmax.f32 v18, v61  }
0xa1: {  	v37 =	vmin.f32 v18, v36;
	v24 =	vmin.f32 v28, v33;
	v39 =	vmin.f32 v22, v63  }
0xa2: {  	v26 =	vmovc v18;
	v34 =	vmax.f32 v22, v63;
	v22 =	vmax.f32 v28, v33;
	v28 =	vmin.f32 v27, v24  }
0xa3: {  	s11 =	simm.s32 $0x3D;
	v25 =	vmovc v18;
	v33 =	vmax.f32 v35, v39;
	v35 =	vmin.f32 v35, v39;
	v29 =	vmax.f32 v34, v38  }
.LBB2_5:
0xa4: {  	p0 =	sne.s32 s11, $0x1;
	s11 =	sadd.s32 $0xFFFFFFFF, s11;
	v18 =	vmax.f32 v18, v36;
	v26 =	vmax.f32 v26, v37;
	v34 =	vmin.f32 v34, v38  }
0xa5: {  	v25 =	vmax.f32 v25, v31;
	v31 =	vmin.f32 v30, v35;
	v36 =	vmin.f32 v29, v28  }
0xa6: {  	v37 =	vmax.f32 v25, v31;
	v25 =	vmin.f32 v25, v31;
	v31 =	vmax.f32 v33, v34;
	v32 =	vld.idx.msk [tilespmem:v32+s2+$0x0], $0xffff  }
0xa7: {  	v30 =	vmax.f32 v30, v35;
	v33 =	vmin.f32 v33, v34;
	v35 =	vmax.f32 v18, v25  }
0xa8: {  	v18 =	vmin.f32 v18, v25;
	v25 =	vmax.f32 v30, v33;
	v34 =	vmin.f32 v31, v36  }
0xa9: {  	v30 =	vmin.f32 v30, v33;
	v33 =	vmax.f32 v25, v34;
	v25 =	vmin.f32 v25, v34  }
0xaa: {  	v34 =	vld.idx.msk [tilespmem:v15+s2+$0x0], $0xffff;
	v15 =	vmax.f32 v26, v18;
	v18 =	vmax.f32 v37, v30;
	v26 =	vmin.f32 v37, v30  }
0xab: {  	v30 =	vmax.f32 v35, v26;
	v26 =	vmin.f32 v35, v26;
	v35 =	vmin.f32 v18, v25  }
0xac: {  	v31 =	vmax.f32 v31, v36;
	v23 =	vadd.f32 v32, v23;
	v15 =	vmax.f32 v15, v26  }
0xad: {  	v25 =	vmax.f32 v18, v25;
	v18 =	vmax.f32 v30, v35;
	v26 =	vmin.f32 v30, v35  }
0xae: {  	v28 =	vmax.f32 v29, v28;
	v23 =	vsub.f32 v23, v11;
	v26 =	vmax.f32 v15, v26;
	v30 =	vld.idx.msk [tilespmem:v13+s2+$0x0], $0xffff  }
0xaf: {  	v14 =	vadd.s32 $0x4, v14;
	v20 =	vmax.f32 v20, v21;
	v21 =	vmax.f32 v27, v24;
	v11 =	vmovc v32  }
0xb0: {  	v24 =	vadd.s32 v10, v14;
	v27 =	vmin.f32 v17, v23;
	v29 =	vadd.f32 v23, v34  }
0xb1: {  	v15 =	vadd.s32 v5, v14;
	v13 =	vadd.s32 v7, v14;
	v32 =	vmin.f32 v20, v27  }
0xb2: {  	v20 =	vmax.f32 v20, v27;
	v27 =	vmin.f32 v16, v32;
	v29 =	vsub.f32 v29, v9;
	v35 =	vld.idx.msk [tilespmem:v12+s2+$0x0], $0xffff  }
0xb3: {  	v17 =	vmax.f32 v17, v23;
	v9 =	vmovc v34;
	v23 =	vmax.f32 v19, v27;
	v19 =	vmin.f32 v19, v27  }
0xb4: {  	v12 =	vmovc v24;
	v27 =	vmin.f32 v22, v19;
	v34 =	vmin.f32 v17, v29;
	v36 =	vadd.f32 v29, v30  }
0xb5: {  	v16 =	vmax.f32 v16, v32;
	v19 =	vmax.f32 v22, v19;
	v22 =	vmin.f32 v20, v34  }
0xb6: {  	v20 =	vmax.f32 v20, v34;
	v24 =	vmin.f32 v16, v22;
	v32 =	vsub.f32 v36, v8;
	v8 =	vmovc v30  }
0xb7: {  	v17 =	vmax.f32 v17, v29;
	v29 =	vmax.f32 v23, v24;
	v24 =	vmin.f32 v23, v24  }
0xb8: {  	v34 =	vmax.f32 v21, v27;
	v30 =	vmin.f32 v17, v32;
	v23 =	vadd.f32 v32, v35  }
0xb9: {  	v16 =	vmax.f32 v16, v22;
	v22 =	vmax.f32 v19, v24;
	v36 =	vmin.f32 v20, v30  }
0xba: {  	v27 =	vmin.f32 v21, v27;
	v37 =	vmin.f32 v16, v36;
	v23 =	vsub.f32 v23, v6;
	v6 =	vmovc v35  }
0xbb: {  	v21 =	vmax.f32 v17, v32;
	v35 =	vmin.f32 v28, v27;
	v32 =	vmin.f32 v29, v37  }
0xbc: {  	v20 =	vmax.f32 v20, v30;
	v17 =	vmax.f32 v21, v23;
	v21 =	vmin.f32 v21, v23  }
0xbd: {  	v30 =	vmax.f32 v16, v36;
	v38 =	vmin.f32 v31, v35;
	v36 =	vmin.f32 v20, v21  }
0xbe: {  	v29 =	vmax.f32 v29, v37;
	v16 =	vmax.f32 v30, v36;
	v30 =	vmin.f32 v30, v36  }
0xbf: {  	v35 =	vmax.f32 v31, v35;
	v36 =	vmax.f32 v22, v32;
	v37 =	vmin.f32 v29, v30  }
0xc0: {  	v31 =	vmin.f32 v19, v24;
	v19 =	vmax.f32 v29, v30;
	v24 =	vmin.f32 v36, v37  }
0xc1: {  	v27 =	vmax.f32 v28, v27;
	v28 =	vmin.f32 v34, v31;
	v30 =	vmax.f32 v33, v38  }
.Ltmp1:
0xc2: {  	v40 =	vmin.f32 v22, v32;
	v39 =	vmin.f32 v27, v28;
	v29 =	vmax.f32 v34, v31;
	(pc) =	sbr.rel @p0 .LBB2_5-.Ltmp1, $4  }
0xc3: {  	v31 =	vmin.f32 v33, v38;
	v34 =	vmax.f32 v27, v28;
	v22 =	vmax.f32 v36, v37  }
0xc4: {  	v32 =	vadd.s32 v4, v14;
	v36 =	vmin.f32 v25, v31;
	v27 =	vmax.f32 v29, v40  }
0xc5: {  	v38 =	vmin.f32 v29, v40;
	v37 =	vmin.f32 v18, v36;
	v28 =	vmin.f32 v27, v24  }
0xc6: {  	v33 =	vmax.f32 v35, v39;
	v35 =	vmin.f32 v35, v39;
	v29 =	vmax.f32 v34, v38  }
0xc7: {  	_ =	sdelay $0x1  }
0xc8: {  	v4 =	vmax.f32 v18, v36  }
0xc9: {  	v5 =	vmax.f32 v26, v37;
	v7 =	vmin.f32 v34, v38;
	v10 =	vmax.f32 v25, v31  }
0xca: {  	v14 =	vmin.f32 v30, v35;
	v18 =	vmin.f32 v29, v28;
	v25 =	vld.idx.msk [tilespmem:v32+s2+$0x0], $0xffff;
	v30 =	vmax.f32 v30, v35  }
0xcb: {  	v20 =	vmax.f32 v20, v21;
	v26 =	vmax.f32 v10, v14;
	v10 =	vmin.f32 v10, v14  }
0xcc: {  	v14 =	vmax.f32 v33, v7;
	v7 =	vmin.f32 v33, v7;
	v31 =	vmax.f32 v4, v10  }
0xcd: {  	v54 =	vmax.f32 v30, v7;
	v55 =	vmin.f32 v14, v18;
	v4 =	vmin.f32 v4, v10  }
0xce: {  	v7 =	vmin.f32 v30, v7;
	v14 =	vmax.f32 v14, v18;
	v30 =	vmin.f32 v54, v55  }
0xcf: {  	v15 =	vld.idx.msk [tilespmem:v15+s2+$0x0], $0xffff;
	v4 =	vmax.f32 v5, v4;
	v5 =	vmin.f32 v26, v7;
	v23 =	vadd.f32 v25, v23  }
0xd0: {  	v7 =	vmax.f32 v26, v7;
	v26 =	vmin.f32 v31, v5;
	v5 =	vmax.f32 v31, v5  }
0xd1: {  	v18 =	vmax.f32 v7, v30;
	v25 =	vmin.f32 v7, v30;
	v7 =	vsub.f32 v23, v11  }
0xd2: {  	v10 =	vmax.f32 v54, v55;
	v4 =	vmax.f32 v4, v26;
	v11 =	vmax.f32 v5, v25  }
0xd3: {  	v13 =	vld.idx.msk [tilespmem:v13+s2+$0x0], $0xffff;
	v5 =	vmin.f32 v5, v25;
	v23 =	vmax.f32 v29, v28;
	v21 =	vmin.f32 v17, v7  }
0xd4: {  	v25 =	vmax.f32 v4, v5;
	v15 =	vadd.f32 v7, v15;
	v5 =	vmin.f32 v20, v21  }
0xd5: {  	v4 =	vmax.f32 v27, v24;
	v20 =	vmax.f32 v20, v21;
	v21 =	vmin.f32 v16, v5  }
0xd6: {  	v7 =	vmax.f32 v17, v7;
	v9 =	vsub.f32 v15, v9;
	v17 =	vmin.f32 v19, v21  }
0xd7: {  	v12 =	vld.idx.msk [tilespmem:v12+s2+$0x0], $0xffff;
	v5 =	vmax.f32 v16, v5;
	v15 =	vmax.f32 v19, v21;
	v19 =	vmin.f32 v22, v17  }
0xd8: {  	v21 =	vmin.f32 v7, v9;
	v13 =	vadd.f32 v9, v13;
	v16 =	vmax.f32 v22, v17  }
0xd9: {  	v7 =	vmax.f32 v7, v9;
	v17 =	vmin.f32 v20, v21;
	v20 =	vmax.f32 v20, v21  }
0xda: {  	v21 =	vmin.f32 v5, v17;
	v8 =	vsub.f32 v13, v8;
	v5 =	vmax.f32 v5, v17  }
0xdb: {  	v9 =	vmax.f32 v15, v21;
	v13 =	vmin.f32 v15, v21;
	v15 =	vmax.f32 v4, v19  }
0xdc: {  	v4 =	vmin.f32 v4, v19;
	v21 =	vmin.f32 v7, v8;
	v12 =	vadd.f32 v8, v12  }
0xdd: {  	v17 =	vmax.f32 v16, v13;
	v7 =	vmax.f32 v7, v8;
	v22 =	vmin.f32 v20, v21  }
0xde: {  	v13 =	vmin.f32 v16, v13;
	v20 =	vmax.f32 v20, v21;
	v19 =	vmin.f32 v5, v22  }
0xdf: {  	v6 =	vsub.f32 v12, v6;
	v12 =	vmin.f32 v23, v4;
	v5 =	vmax.f32 v5, v22  }
0xe0: {  	v22 =	vmin.f32 v15, v13;
	v13 =	vmax.f32 v15, v13;
	v8 =	vmin.f32 v9, v19  }
0xe1: {  	v9 =	vmax.f32 v9, v19;
	v21 =	vmax.f32 v7, v6;
	v6 =	vmin.f32 v7, v6  }
0xe2: {  	v7 =	vmin.f32 v14, v12;
	v12 =	vmax.f32 v14, v12;
	v14 =	vmax.f32 v17, v8  }
0xe3: {  	v8 =	vmin.f32 v17, v8;
	[tilespmem:$0x1FE80] =	vst v21;
	v21 =	vmin.f32 v20, v6;
	v17 =	vmin.f32 v10, v7  }
0xe4: {  	v6 =	vmax.f32 v20, v6;
	v19 =	vmax.f32 v5, v21;
	v5 =	vmin.f32 v5, v21  }
0xe5: {  	v21 =	vmax.f32 v10, v7;
	v10 =	vor.u32 $0x2003, v0;
	[tilespmem:$0x1FE90] =	vst v19;
	v19 =	vmin.f32 v9, v5  }
0xe6: {  	v5 =	vmax.f32 v9, v5;
	v9 =	vmax.f32 v23, v4;
	v4 =	vor.u32 $0x2000, v0  }
0xe7: {  	[tilespmem:$0x1FEA0] =	vst v5;
	v16 =	vmin.f32 v14, v19;
	v15 =	vmin.f32 v9, v22;
	v5 =	vor.u32 $0x2001, v0  }
0xe8: {  	v9 =	vmax.f32 v9, v22;
	v7 =	vmax.f32 v14, v19;
	v14 =	vmin.f32 v18, v17  }
0xe9: {  	v19 =	vmax.f32 v13, v8;
	v8 =	vmin.f32 v13, v8;
	[tilespmem:$0x1FEB0] =	vst v7;
	v7 =	vor.u32 $0x2002, v0  }
0xea: {  	v17 =	vmax.f32 v18, v17;
	v22 =	vmin.f32 v11, v14;
	v13 =	vmin.f32 v19, v16  }
0xeb: {  	v23 =	vmax.f32 v12, v15;
	v12 =	vmin.f32 v12, v15;
	v15 =	vmax.f32 v9, v8;
	v24 =	vld.idx.msk [tilespmem:v4+s2+$0x0], $0xffff  }
0xec: {  	v11 =	vmax.f32 v11, v14;
	v14 =	vmax.f32 v25, v22;
	v25 =	vimm.s32 $0x4;
	v22 =	vld.idx.msk [tilespmem:v5+s2+$0x0], $0xffff  }
0xed: {  	v8 =	vmin.f32 v9, v8;
	v18 =	vmin.f32 v21, v12;
	v26 =	vadd.s32 v4, v25  }
0xee: {  	v9 =	vmin.f32 v15, v13;
	v12 =	vmax.f32 v21, v12;
	v27 =	vmax.f32 v17, v18;
	v28 =	vld.idx.msk [tilespmem:v7+s2+$0x0], $0xffff  }
0xef: {  	v17 =	vmin.f32 v17, v18;
	v18 =	vmin.f32 v23, v8;
	v8 =	vmax.f32 v23, v8  }
0xf0: {  	v29 =	vld.idx.msk [tilespmem:v10+s2+$0x0], $0xffff;
	v21 =	vmax.f32 v11, v17;
	v23 =	vmax.f32 v12, v18;
	v30 =	vmin.f32 v8, v9  }
0xf1: {  	v17 =	vmin.f32 v11, v17;
	v11 =	vmax.f32 v23, v30;
	v31 =	vadd.f32 v22, v24  }
0xf2: {  	v13 =	vmax.f32 v15, v13;
	v56 =	vadd.s32 v5, v25;
	[tilespmem:$0x1FEC0] =	vst v11;
	v11 =	vld.idx.msk [tilespmem:v26+s2+$0x0], $0xffff  }
0xf3: {  	v12 =	vmin.f32 v12, v18;
	v8 =	vmax.f32 v8, v9;
	v26 =	vadd.f32 v28, v31  }
0xf4: {  	[tilespmem:$0x1FF20] =	vst v6;
	v18 =	vmin.f32 v23, v30;
	v23 =	vmin.f32 v27, v12;
	v14 =	vmax.f32 v14, v17  }
0xf5: {  	[tilespmem:$0x1FF00] =	vst v13;
	v17 =	vmax.f32 v21, v23;
	v21 =	vmin.f32 v21, v23;
	v23 =	vadd.f32 v29, v26  }
0xf6: {  	v12 =	vmax.f32 v27, v12;
	[tilespmem:$0x1FED0] =	vst v8;
	v26 =	vadd.s32 v7, v25  }
0xf7: {  	v27 =	vmin.f32 v12, v18;
	v8 =	vmax.f32 v12, v18;
	v9 =	vld.idx.msk [tilespmem:v56+s2+$0x0], $0xffff;
	v12 =	vadd.f32 v11, v23  }
0xf8: {  	v14 =	vmax.f32 v14, v21;
	[tilespmem:$0x1FEE0] =	vst v8;
	v8 =	vmin.f32 v17, v27;
	v17 =	vmax.f32 v17, v27  }
0xf9: {  	[tilespmem:$0x1FEF0] =	vst v17;
	v8 =	vmax.f32 v14, v8;
	v14 =	vadd.s32 $0x4, v25;
	v17 =	vsub.f32 v12, v24  }
0xfa: {  	v6 =	vadd.s32 v10, v25;
	[tilespmem:$0x1FF10] =	vst v8;
	v8 =	vmax.f32 v19, v16;
	v15 =	vadd.s32 v5, v14  }
0xfb: {  	v13 =	vadd.s32 v7, v14;
	[tilespmem:$0x1FF30] =	vst v8;
	v18 =	vmin.f32 v23, $-Inf;
	v8 =	vld.idx.msk [tilespmem:v26+s2+$0x0], $0xffff;
	v16 =	vmin.f32 v23, v17  }
0xfc: {  	v32 =	vadd.s32 v4, v14;
	v19 =	vadd.f32 v17, v9;
	v20 =	vmin.f32 v18, v16  }
0xfd: {  	v12 =	vadd.s32 v10, v14;
	v17 =	vmax.f32 v23, v17;
	v21 =	vmin.f32 v18, v20  }
0xfe: {  	v19 =	vsub.f32 v19, v22;
	v22 =	vmax.f32 v18, v21;
	v21 =	vmin.f32 v18, v21  }
0xff: {  	v6 =	vld.idx.msk [tilespmem:v6+s2+$0x0], $0xffff;
	v16 =	vmax.f32 v18, v16;
	v20 =	vmax.f32 v18, v20;
	v23 =	vmin.f32 v18, v21  }
0x100: {  	v24 =	vmin.f32 v17, v19;
	v25 =	vadd.f32 v19, v8;
	v26 =	vmax.f32 v18, v21  }
0x101: {  	v17 =	vmax.f32 v17, v19;
	v21 =	vmin.f32 v16, v24;
	v16 =	vmax.f32 v16, v24  }
0x102: {  	v27 =	vmax.f32 v18, v23;
	v24 =	vmin.f32 v20, v21;
	v25 =	vsub.f32 v25, v28  }
0x103: {  	v58 =	vmin.f32 v18, v23;
	v30 =	vmax.f32 v20, v21;
	v19 =	vmax.f32 v22, v24  }
0x104: {  	v22 =	vmin.f32 v22, v24;
	v24 =	vmin.f32 v17, v25;
	v28 =	vadd.f32 v25, v6  }
0x105: {  	v31 =	vmax.f32 v26, v22;
	v21 =	vmax.f32 v17, v25;
	v22 =	vmin.f32 v26, v22  }
0x106: {  	v26 =	vmax.f32 v18, v58;
	v57 =	vmin.f32 v16, v24;
	v20 =	vmax.f32 v16, v24  }
0x107: {  	v62 =	vmin.f32 v27, v22;
	v63 =	vmax.f32 v27, v22;
	v59 =	vmin.f32 v30, v57  }
0x108: {  	v23 =	vsub.f32 v28, v29;
	v28 =	vmin.f32 v18, v58;
	v24 =	vmax.f32 v30, v57  }
0x109: {  	v39 =	vmin.f32 v26, v62;
	v34 =	vmax.f32 v26, v62;
	v25 =	vmin.f32 v19, v59  }
0x10a: {  	v29 =	vmin.f32 v18, v28;
	v19 =	vmax.f32 v19, v59;
	v60 =	vmax.f32 v18, v28  }
0x10b: {  	v17 =	vmax.f32 v21, v23;
	v21 =	vmin.f32 v21, v23;
	v28 =	vmax.f32 v31, v25  }
0x10c: {  	v25 =	vmin.f32 v31, v25;
	v31 =	vmin.f32 v18, v29;
	v33 =	vmax.f32 v60, v39  }
0x10d: {  	v35 =	vmin.f32 v60, v39;
	v30 =	vmin.f32 v20, v21;
	v36 =	vmin.f32 v18, v31  }
0x10e: {  	v27 =	vmax.f32 v63, v25;
	v16 =	vmax.f32 v24, v30;
	v24 =	vmin.f32 v24, v30  }
0x10f: {  	v38 =	vmin.f32 v63, v25;
	v30 =	vmax.f32 v18, v29;
	v61 =	vmin.f32 v19, v24  }
0x110: {  	v26 =	vmovc v18;
	v37 =	vmin.f32 v18, v36;
	v19 =	vmax.f32 v19, v24;
	v24 =	vmin.f32 v28, v61  }
0x111: {  	s11 =	simm.s32 $0x3D;
	v29 =	vmax.f32 v34, v38;
	v25 =	vmovc v18;
	v22 =	vmax.f32 v28, v61;
	v28 =	vmin.f32 v27, v24  }
.LBB2_7:
0x112: {  	p0 =	sne.s32 s11, $0x1;
	s11 =	sadd.s32 $0xFFFFFFFF, s11;
	v18 =	vmax.f32 v18, v36;
	v26 =	vmax.f32 v26, v37;
	v34 =	vmin.f32 v34, v38  }
0x113: {  	v25 =	vmax.f32 v25, v31;
	v31 =	vmin.f32 v30, v35;
	v36 =	vmin.f32 v29, v28  }
0x114: {  	v37 =	vmax.f32 v25, v31;
	v25 =	vmin.f32 v25, v31;
	v31 =	vmax.f32 v33, v34;
	v32 =	vld.idx.msk [tilespmem:v32+s2+$0x0], $0xffff  }
0x115: {  	v30 =	vmax.f32 v30, v35;
	v33 =	vmin.f32 v33, v34;
	v35 =	vmax.f32 v18, v25  }
0x116: {  	v18 =	vmin.f32 v18, v25;
	v25 =	vmax.f32 v30, v33;
	v34 =	vmin.f32 v31, v36  }
0x117: {  	v30 =	vmin.f32 v30, v33;
	v33 =	vmax.f32 v25, v34;
	v25 =	vmin.f32 v25, v34  }
0x118: {  	v34 =	vld.idx.msk [tilespmem:v15+s2+$0x0], $0xffff;
	v15 =	vmax.f32 v26, v18;
	v18 =	vmax.f32 v37, v30;
	v26 =	vmin.f32 v37, v30  }
0x119: {  	v30 =	vmax.f32 v35, v26;
	v26 =	vmin.f32 v35, v26;
	v35 =	vmin.f32 v18, v25  }
0x11a: {  	v31 =	vmax.f32 v31, v36;
	v23 =	vadd.f32 v32, v23;
	v15 =	vmax.f32 v15, v26  }
0x11b: {  	v25 =	vmax.f32 v18, v25;
	v18 =	vmax.f32 v30, v35;
	v26 =	vmin.f32 v30, v35  }
0x11c: {  	v28 =	vmax.f32 v29, v28;
	v23 =	vsub.f32 v23, v11;
	v26 =	vmax.f32 v15, v26;
	v30 =	vld.idx.msk [tilespmem:v13+s2+$0x0], $0xffff  }
0x11d: {  	v14 =	vadd.s32 $0x4, v14;
	v20 =	vmax.f32 v20, v21;
	v21 =	vmax.f32 v27, v24;
	v11 =	vmovc v32  }
0x11e: {  	v24 =	vadd.s32 v10, v14;
	v27 =	vmin.f32 v17, v23;
	v29 =	vadd.f32 v23, v34  }
0x11f: {  	v15 =	vadd.s32 v5, v14;
	v13 =	vadd.s32 v7, v14;
	v32 =	vmin.f32 v20, v27  }
0x120: {  	v20 =	vmax.f32 v20, v27;
	v27 =	vmin.f32 v16, v32;
	v29 =	vsub.f32 v29, v9;
	v35 =	vld.idx.msk [tilespmem:v12+s2+$0x0], $0xffff  }
0x121: {  	v17 =	vmax.f32 v17, v23;
	v9 =	vmovc v34;
	v23 =	vmax.f32 v19, v27;
	v19 =	vmin.f32 v19, v27  }
0x122: {  	v12 =	vmovc v24;
	v27 =	vmin.f32 v22, v19;
	v34 =	vmin.f32 v17, v29;
	v36 =	vadd.f32 v29, v30  }
0x123: {  	v16 =	vmax.f32 v16, v32;
	v19 =	vmax.f32 v22, v19;
	v22 =	vmin.f32 v20, v34  }
0x124: {  	v20 =	vmax.f32 v20, v34;
	v24 =	vmin.f32 v16, v22;
	v32 =	vsub.f32 v36, v8;
	v8 =	vmovc v30  }
0x125: {  	v17 =	vmax.f32 v17, v29;
	v29 =	vmax.f32 v23, v24;
	v24 =	vmin.f32 v23, v24  }
0x126: {  	v34 =	vmax.f32 v21, v27;
	v30 =	vmin.f32 v17, v32;
	v23 =	vadd.f32 v32, v35  }
0x127: {  	v16 =	vmax.f32 v16, v22;
	v22 =	vmax.f32 v19, v24;
	v36 =	vmin.f32 v20, v30  }
0x128: {  	v27 =	vmin.f32 v21, v27;
	v37 =	vmin.f32 v16, v36;
	v23 =	vsub.f32 v23, v6;
	v6 =	vmovc v35  }
0x129: {  	v21 =	vmax.f32 v17, v32;
	v35 =	vmin.f32 v28, v27;
	v32 =	vmin.f32 v29, v37  }
0x12a: {  	v20 =	vmax.f32 v20, v30;
	v17 =	vmax.f32 v21, v23;
	v21 =	vmin.f32 v21, v23  }
0x12b: {  	v30 =	vmax.f32 v16, v36;
	v38 =	vmin.f32 v31, v35;
	v36 =	vmin.f32 v20, v21  }
0x12c: {  	v29 =	vmax.f32 v29, v37;
	v16 =	vmax.f32 v30, v36;
	v30 =	vmin.f32 v30, v36  }
0x12d: {  	v35 =	vmax.f32 v31, v35;
	v36 =	vmax.f32 v22, v32;
	v37 =	vmin.f32 v29, v30  }
0x12e: {  	v31 =	vmin.f32 v19, v24;
	v19 =	vmax.f32 v29, v30;
	v24 =	vmin.f32 v36, v37  }
0x12f: {  	v27 =	vmax.f32 v28, v27;
	v28 =	vmin.f32 v34, v31;
	v30 =	vmax.f32 v33, v38  }
.Ltmp2:
0x130: {  	v40 =	vmin.f32 v22, v32;
	v39 =	vmin.f32 v27, v28;
	v29 =	vmax.f32 v34, v31;
	(pc) =	sbr.rel @p0 .LBB2_7-.Ltmp2, $4  }
0x131: {  	v31 =	vmin.f32 v33, v38;
	v34 =	vmax.f32 v27, v28;
	v22 =	vmax.f32 v36, v37  }
0x132: {  	v32 =	vadd.s32 v4, v14;
	v36 =	vmin.f32 v25, v31;
	v27 =	vmax.f32 v29, v40  }
0x133: {  	v38 =	vmin.f32 v29, v40;
	v37 =	vmin.f32 v18, v36;
	v28 =	vmin.f32 v27, v24  }
0x134: {  	v33 =	vmax.f32 v35, v39;
	v35 =	vmin.f32 v35, v39;
	v29 =	vmax.f32 v34, v38  }
0x135: {  	_ =	sdelay $0x1  }
0x136: {  	v4 =	vmax.f32 v18, v36  }
0x137: {  	v5 =	vmax.f32 v26, v37;
	v7 =	vmin.f32 v34, v38;
	v10 =	vmax.f32 v25, v31  }
0x138: {  	v14 =	vmin.f32 v30, v35;
	v18 =	vmin.f32 v29, v28;
	v25 =	vld.idx.msk [tilespmem:v32+s2+$0x0], $0xffff;
	v30 =	vmax.f32 v30, v35  }
0x139: {  	v20 =	vmax.f32 v20, v21;
	v26 =	vmax.f32 v10, v14;
	v10 =	vmin.f32 v10, v14  }
0x13a: {  	v14 =	vmax.f32 v33, v7;
	v7 =	vmin.f32 v33, v7;
	v31 =	vmax.f32 v4, v10  }
0x13b: {  	v54 =	vmax.f32 v30, v7;
	v55 =	vmin.f32 v14, v18;
	v4 =	vmin.f32 v4, v10  }
0x13c: {  	v7 =	vmin.f32 v30, v7;
	v14 =	vmax.f32 v14, v18;
	v30 =	vmin.f32 v54, v55  }
0x13d: {  	v15 =	vld.idx.msk [tilespmem:v15+s2+$0x0], $0xffff;
	v4 =	vmax.f32 v5, v4;
	v5 =	vmin.f32 v26, v7;
	v23 =	vadd.f32 v25, v23  }
0x13e: {  	v7 =	vmax.f32 v26, v7;
	v26 =	vmin.f32 v31, v5;
	v5 =	vmax.f32 v31, v5  }
0x13f: {  	v18 =	vmax.f32 v7, v30;
	v25 =	vmin.f32 v7, v30;
	v7 =	vsub.f32 v23, v11  }
0x140: {  	v10 =	vmax.f32 v54, v55;
	v4 =	vmax.f32 v4, v26;
	v11 =	vmax.f32 v5, v25  }
0x141: {  	v13 =	vld.idx.msk [tilespmem:v13+s2+$0x0], $0xffff;
	v5 =	vmin.f32 v5, v25;
	v23 =	vmax.f32 v29, v28;
	v21 =	vmin.f32 v17, v7  }
0x142: {  	v25 =	vmax.f32 v4, v5;
	v15 =	vadd.f32 v7, v15;
	v5 =	vmin.f32 v20, v21  }
0x143: {  	v4 =	vmax.f32 v27, v24;
	v20 =	vmax.f32 v20, v21;
	v21 =	vmin.f32 v16, v5  }
0x144: {  	v7 =	vmax.f32 v17, v7;
	v9 =	vsub.f32 v15, v9;
	v17 =	vmin.f32 v19, v21  }
0x145: {  	v12 =	vld.idx.msk [tilespmem:v12+s2+$0x0], $0xffff;
	v5 =	vmax.f32 v16, v5;
	v15 =	vmax.f32 v19, v21;
	v19 =	vmin.f32 v22, v17  }
0x146: {  	v21 =	vmin.f32 v7, v9;
	v13 =	vadd.f32 v9, v13;
	v16 =	vmax.f32 v22, v17  }
0x147: {  	v7 =	vmax.f32 v7, v9;
	v17 =	vmin.f32 v20, v21;
	v20 =	vmax.f32 v20, v21  }
0x148: {  	v21 =	vmin.f32 v5, v17;
	v8 =	vsub.f32 v13, v8;
	v5 =	vmax.f32 v5, v17  }
0x149: {  	v9 =	vmax.f32 v15, v21;
	v13 =	vmin.f32 v15, v21;
	v15 =	vmax.f32 v4, v19  }
0x14a: {  	v4 =	vmin.f32 v4, v19;
	v21 =	vmin.f32 v7, v8;
	v12 =	vadd.f32 v8, v12  }
0x14b: {  	v17 =	vmax.f32 v16, v13;
	v7 =	vmax.f32 v7, v8;
	v22 =	vmin.f32 v20, v21  }
0x14c: {  	v13 =	vmin.f32 v16, v13;
	v20 =	vmax.f32 v20, v21;
	v19 =	vmin.f32 v5, v22  }
0x14d: {  	v6 =	vsub.f32 v12, v6;
	v12 =	vmin.f32 v23, v4;
	v5 =	vmax.f32 v5, v22  }
0x14e: {  	v22 =	vmin.f32 v15, v13;
	v13 =	vmax.f32 v15, v13;
	v8 =	vmin.f32 v9, v19  }
0x14f: {  	v9 =	vmax.f32 v9, v19;
	v21 =	vmax.f32 v7, v6;
	v6 =	vmin.f32 v7, v6  }
0x150: {  	v7 =	vmin.f32 v14, v12;
	v12 =	vmax.f32 v14, v12;
	v14 =	vmax.f32 v17, v8  }
0x151: {  	v8 =	vmin.f32 v17, v8;
	[tilespmem:$0x1FDC0] =	vst v21;
	v21 =	vmin.f32 v20, v6;
	v17 =	vmin.f32 v10, v7  }
0x152: {  	v6 =	vmax.f32 v20, v6;
	v19 =	vmax.f32 v5, v21;
	v5 =	vmin.f32 v5, v21  }
0x153: {  	v21 =	vmax.f32 v10, v7;
	v10 =	vor.u32 $0x3003, v0;
	[tilespmem:$0x1FDD0] =	vst v19;
	v19 =	vmin.f32 v9, v5  }
0x154: {  	v5 =	vmax.f32 v9, v5;
	v9 =	vmax.f32 v23, v4;
	v4 =	vor.u32 $0x3000, v0  }
0x155: {  	[tilespmem:$0x1FDE0] =	vst v5;
	v16 =	vmin.f32 v14, v19;
	v15 =	vmin.f32 v9, v22;
	v5 =	vor.u32 $0x3001, v0  }
0x156: {  	v9 =	vmax.f32 v9, v22;
	v7 =	vmax.f32 v14, v19;
	v14 =	vmin.f32 v18, v17  }
0x157: {  	v19 =	vmax.f32 v13, v8;
	v8 =	vmin.f32 v13, v8;
	[tilespmem:$0x1FDF0] =	vst v7;
	v7 =	vor.u32 $0x3002, v0  }
0x158: {  	v17 =	vmax.f32 v18, v17;
	v22 =	vmin.f32 v11, v14;
	v13 =	vmin.f32 v19, v16  }
0x159: {  	v23 =	vmax.f32 v12, v15;
	v12 =	vmin.f32 v12, v15;
	v15 =	vmax.f32 v9, v8;
	v24 =	vld.idx.msk [tilespmem:v4+s2+$0x0], $0xffff  }
0x15a: {  	v11 =	vmax.f32 v11, v14;
	v14 =	vmax.f32 v25, v22;
	v25 =	vimm.s32 $0x4;
	v22 =	vld.idx.msk [tilespmem:v5+s2+$0x0], $0xffff  }
0x15b: {  	v8 =	vmin.f32 v9, v8;
	v18 =	vmin.f32 v21, v12;
	v26 =	vadd.s32 v4, v25  }
0x15c: {  	v9 =	vmin.f32 v15, v13;
	v12 =	vmax.f32 v21, v12;
	v27 =	vmax.f32 v17, v18;
	v28 =	vld.idx.msk [tilespmem:v7+s2+$0x0], $0xffff  }
0x15d: {  	v17 =	vmin.f32 v17, v18;
	v18 =	vmin.f32 v23, v8;
	v8 =	vmax.f32 v23, v8  }
0x15e: {  	v29 =	vld.idx.msk [tilespmem:v10+s2+$0x0], $0xffff;
	v21 =	vmax.f32 v11, v17;
	v23 =	vmax.f32 v12, v18;
	v30 =	vmin.f32 v8, v9  }
0x15f: {  	v17 =	vmin.f32 v11, v17;
	v11 =	vmax.f32 v23, v30;
	v31 =	vadd.f32 v22, v24  }
0x160: {  	v13 =	vmax.f32 v15, v13;
	v56 =	vadd.s32 v5, v25;
	[tilespmem:$0x1FE00] =	vst v11;
	v11 =	vld.idx.msk [tilespmem:v26+s2+$0x0], $0xffff  }
0x161: {  	v12 =	vmin.f32 v12, v18;
	v8 =	vmax.f32 v8, v9;
	v26 =	vadd.f32 v28, v31  }
0x162: {  	[tilespmem:$0x1FE60] =	vst v6;
	v18 =	vmin.f32 v23, v30;
	v23 =	vmin.f32 v27, v12;
	v14 =	vmax.f32 v14, v17  }
0x163: {  	[tilespmem:$0x1FE40] =	vst v13;
	v17 =	vmax.f32 v21, v23;
	v21 =	vmin.f32 v21, v23;
	v23 =	vadd.f32 v29, v26  }
0x164: {  	v12 =	vmax.f32 v27, v12;
	[tilespmem:$0x1FE10] =	vst v8;
	v26 =	vadd.s32 v7, v25  }
0x165: {  	v27 =	vmin.f32 v12, v18;
	v8 =	vmax.f32 v12, v18;
	v9 =	vld.idx.msk [tilespmem:v56+s2+$0x0], $0xffff;
	v12 =	vadd.f32 v11, v23  }
0x166: {  	v14 =	vmax.f32 v14, v21;
	[tilespmem:$0x1FE20] =	vst v8;
	v8 =	vmin.f32 v17, v27;
	v17 =	vmax.f32 v17, v27  }
0x167: {  	[tilespmem:$0x1FE30] =	vst v17;
	v8 =	vmax.f32 v14, v8;
	v14 =	vadd.s32 $0x4, v25;
	v17 =	vsub.f32 v12, v24  }
0x168: {  	v6 =	vadd.s32 v10, v25;
	[tilespmem:$0x1FE50] =	vst v8;
	v8 =	vmax.f32 v19, v16;
	v15 =	vadd.s32 v5, v14  }
0x169: {  	v13 =	vadd.s32 v7, v14;
	[tilespmem:$0x1FE70] =	vst v8;
	v18 =	vmin.f32 v23, $-Inf;
	v8 =	vld.idx.msk [tilespmem:v26+s2+$0x0], $0xffff;
	v16 =	vmin.f32 v23, v17  }
0x16a: {  	v32 =	vadd.s32 v4, v14;
	v19 =	vadd.f32 v17, v9;
	v20 =	vmin.f32 v18, v16  }
0x16b: {  	v12 =	vadd.s32 v10, v14;
	v17 =	vmax.f32 v23, v17;
	v21 =	vmin.f32 v18, v20  }
0x16c: {  	v19 =	vsub.f32 v19, v22;
	v22 =	vmax.f32 v18, v21;
	v21 =	vmin.f32 v18, v21  }
0x16d: {  	v6 =	vld.idx.msk [tilespmem:v6+s2+$0x0], $0xffff;
	v16 =	vmax.f32 v18, v16;
	v20 =	vmax.f32 v18, v20;
	v23 =	vmin.f32 v18, v21  }
0x16e: {  	v24 =	vmin.f32 v17, v19;
	v25 =	vadd.f32 v19, v8;
	v26 =	vmax.f32 v18, v21  }
0x16f: {  	v17 =	vmax.f32 v17, v19;
	v21 =	vmin.f32 v16, v24;
	v16 =	vmax.f32 v16, v24  }
0x170: {  	v27 =	vmax.f32 v18, v23;
	v24 =	vmin.f32 v20, v21;
	v25 =	vsub.f32 v25, v28  }
0x171: {  	v58 =	vmin.f32 v18, v23;
	v30 =	vmax.f32 v20, v21;
	v19 =	vmax.f32 v22, v24  }
0x172: {  	v22 =	vmin.f32 v22, v24;
	v24 =	vmin.f32 v17, v25;
	v28 =	vadd.f32 v25, v6  }
0x173: {  	v31 =	vmax.f32 v26, v22;
	v21 =	vmax.f32 v17, v25;
	v22 =	vmin.f32 v26, v22  }
0x174: {  	v26 =	vmax.f32 v18, v58;
	v57 =	vmin.f32 v16, v24;
	v20 =	vmax.f32 v16, v24  }
0x175: {  	v62 =	vmin.f32 v27, v22;
	v63 =	vmax.f32 v27, v22;
	v59 =	vmin.f32 v30, v57  }
0x176: {  	v23 =	vsub.f32 v28, v29;
	v28 =	vmin.f32 v18, v58;
	v24 =	vmax.f32 v30, v57  }
0x177: {  	v39 =	vmin.f32 v26, v62;
	v34 =	vmax.f32 v26, v62;
	v25 =	vmin.f32 v19, v59  }
0x178: {  	v29 =	vmin.f32 v18, v28;
	v19 =	vmax.f32 v19, v59;
	v60 =	vmax.f32 v18, v28  }
0x179: {  	v17 =	vmax.f32 v21, v23;
	v21 =	vmin.f32 v21, v23;
	v28 =	vmax.f32 v31, v25  }
0x17a: {  	v25 =	vmin.f32 v31, v25;
	v31 =	vmin.f32 v18, v29;
	v33 =	vmax.f32 v60, v39  }
0x17b: {  	v35 =	vmin.f32 v60, v39;
	v30 =	vmin.f32 v20, v21;
	v36 =	vmin.f32 v18, v31  }
0x17c: {  	v27 =	vmax.f32 v63, v25;
	v16 =	vmax.f32 v24, v30;
	v24 =	vmin.f32 v24, v30  }
0x17d: {  	v38 =	vmin.f32 v63, v25;
	v30 =	vmax.f32 v18, v29;
	v61 =	vmin.f32 v19, v24  }
0x17e: {  	v26 =	vmovc v18;
	v37 =	vmin.f32 v18, v36;
	v19 =	vmax.f32 v19, v24;
	v24 =	vmin.f32 v28, v61  }
0x17f: {  	s11 =	simm.s32 $0x3D;
	v29 =	vmax.f32 v34, v38;
	v25 =	vmovc v18;
	v22 =	vmax.f32 v28, v61;
	v28 =	vmin.f32 v27, v24  }
.LBB2_9:
0x180: {  	p0 =	sne.s32 s11, $0x1;
	s11 =	sadd.s32 $0xFFFFFFFF, s11;
	v18 =	vmax.f32 v18, v36;
	v26 =	vmax.f32 v26, v37;
	v34 =	vmin.f32 v34, v38  }
0x181: {  	v25 =	vmax.f32 v25, v31;
	v31 =	vmin.f32 v30, v35;
	v36 =	vmin.f32 v29, v28  }
0x182: {  	v37 =	vmax.f32 v25, v31;
	v25 =	vmin.f32 v25, v31;
	v31 =	vmax.f32 v33, v34;
	v32 =	vld.idx.msk [tilespmem:v32+s2+$0x0], $0xffff  }
0x183: {  	v30 =	vmax.f32 v30, v35;
	v33 =	vmin.f32 v33, v34;
	v35 =	vmax.f32 v18, v25  }
0x184: {  	v18 =	vmin.f32 v18, v25;
	v25 =	vmax.f32 v30, v33;
	v34 =	vmin.f32 v31, v36  }
0x185: {  	v30 =	vmin.f32 v30, v33;
	v33 =	vmax.f32 v25, v34;
	v25 =	vmin.f32 v25, v34  }
0x186: {  	v34 =	vld.idx.msk [tilespmem:v15+s2+$0x0], $0xffff;
	v15 =	vmax.f32 v26, v18;
	v18 =	vmax.f32 v37, v30;
	v26 =	vmin.f32 v37, v30  }
0x187: {  	v30 =	vmax.f32 v35, v26;
	v26 =	vmin.f32 v35, v26;
	v35 =	vmin.f32 v18, v25  }
0x188: {  	v31 =	vmax.f32 v31, v36;
	v23 =	vadd.f32 v32, v23;
	v15 =	vmax.f32 v15, v26  }
0x189: {  	v25 =	vmax.f32 v18, v25;
	v18 =	vmax.f32 v30, v35;
	v26 =	vmin.f32 v30, v35  }
0x18a: {  	v28 =	vmax.f32 v29, v28;
	v23 =	vsub.f32 v23, v11;
	v26 =	vmax.f32 v15, v26;
	v30 =	vld.idx.msk [tilespmem:v13+s2+$0x0], $0xffff  }
0x18b: {  	v14 =	vadd.s32 $0x4, v14;
	v20 =	vmax.f32 v20, v21;
	v21 =	vmax.f32 v27, v24;
	v11 =	vmovc v32  }
0x18c: {  	v24 =	vadd.s32 v10, v14;
	v27 =	vmin.f32 v17, v23;
	v29 =	vadd.f32 v23, v34  }
0x18d: {  	v15 =	vadd.s32 v5, v14;
	v13 =	vadd.s32 v7, v14;
	v32 =	vmin.f32 v20, v27  }
0x18e: {  	v20 =	vmax.f32 v20, v27;
	v27 =	vmin.f32 v16, v32;
	v29 =	vsub.f32 v29, v9;
	v35 =	vld.idx.msk [tilespmem:v12+s2+$0x0], $0xffff  }
0x18f: {  	v17 =	vmax.f32 v17, v23;
	v9 =	vmovc v34;
	v23 =	vmax.f32 v19, v27;
	v19 =	vmin.f32 v19, v27  }
0x190: {  	v12 =	vmovc v24;
	v27 =	vmin.f32 v22, v19;
	v34 =	vmin.f32 v17, v29;
	v36 =	vadd.f32 v29, v30  }
0x191: {  	v16 =	vmax.f32 v16, v32;
	v19 =	vmax.f32 v22, v19;
	v22 =	vmin.f32 v20, v34  }
0x192: {  	v20 =	vmax.f32 v20, v34;
	v24 =	vmin.f32 v16, v22;
	v32 =	vsub.f32 v36, v8;
	v8 =	vmovc v30  }
0x193: {  	v17 =	vmax.f32 v17, v29;
	v29 =	vmax.f32 v23, v24;
	v24 =	vmin.f32 v23, v24  }
0x194: {  	v34 =	vmax.f32 v21, v27;
	v30 =	vmin.f32 v17, v32;
	v23 =	vadd.f32 v32, v35  }
0x195: {  	v16 =	vmax.f32 v16, v22;
	v22 =	vmax.f32 v19, v24;
	v36 =	vmin.f32 v20, v30  }
0x196: {  	v27 =	vmin.f32 v21, v27;
	v37 =	vmin.f32 v16, v36;
	v23 =	vsub.f32 v23, v6;
	v6 =	vmovc v35  }
0x197: {  	v21 =	vmax.f32 v17, v32;
	v35 =	vmin.f32 v28, v27;
	v32 =	vmin.f32 v29, v37  }
0x198: {  	v20 =	vmax.f32 v20, v30;
	v17 =	vmax.f32 v21, v23;
	v21 =	vmin.f32 v21, v23  }
0x199: {  	v30 =	vmax.f32 v16, v36;
	v38 =	vmin.f32 v31, v35;
	v36 =	vmin.f32 v20, v21  }
0x19a: {  	v29 =	vmax.f32 v29, v37;
	v16 =	vmax.f32 v30, v36;
	v30 =	vmin.f32 v30, v36  }
0x19b: {  	v35 =	vmax.f32 v31, v35;
	v36 =	vmax.f32 v22, v32;
	v37 =	vmin.f32 v29, v30  }
0x19c: {  	v31 =	vmin.f32 v19, v24;
	v19 =	vmax.f32 v29, v30;
	v24 =	vmin.f32 v36, v37  }
0x19d: {  	v27 =	vmax.f32 v28, v27;
	v28 =	vmin.f32 v34, v31;
	v30 =	vmax.f32 v33, v38  }
.Ltmp3:
0x19e: {  	v40 =	vmin.f32 v22, v32;
	v39 =	vmin.f32 v27, v28;
	v29 =	vmax.f32 v34, v31;
	(pc) =	sbr.rel @p0 .LBB2_9-.Ltmp3, $4  }
0x19f: {  	v31 =	vmin.f32 v33, v38;
	v34 =	vmax.f32 v27, v28;
	v22 =	vmax.f32 v36, v37  }
0x1a0: {  	v32 =	vadd.s32 v4, v14;
	v36 =	vmin.f32 v25, v31;
	v27 =	vmax.f32 v29, v40  }
0x1a1: {  	v38 =	vmin.f32 v29, v40;
	v37 =	vmin.f32 v18, v36;
	v28 =	vmin.f32 v27, v24  }
0x1a2: {  	v33 =	vmax.f32 v35, v39;
	v35 =	vmin.f32 v35, v39;
	v29 =	vmax.f32 v34, v38  }
0x1a3: {  	_ =	sdelay $0x1  }
0x1a4: {  	v4 =	vmax.f32 v18, v36  }
0x1a5: {  	v5 =	vmax.f32 v26, v37;
	v7 =	vmin.f32 v34, v38;
	v10 =	vmax.f32 v25, v31  }
0x1a6: {  	v14 =	vmin.f32 v30, v35;
	v18 =	vmin.f32 v29, v28;
	v25 =	vld.idx.msk [tilespmem:v32+s2+$0x0], $0xffff;
	v30 =	vmax.f32 v30, v35  }
0x1a7: {  	v20 =	vmax.f32 v20, v21;
	v26 =	vmax.f32 v10, v14;
	v10 =	vmin.f32 v10, v14  }
0x1a8: {  	v14 =	vmax.f32 v33, v7;
	v7 =	vmin.f32 v33, v7;
	v31 =	vmax.f32 v4, v10  }
0x1a9: {  	v54 =	vmax.f32 v30, v7;
	v55 =	vmin.f32 v14, v18;
	v4 =	vmin.f32 v4, v10  }
0x1aa: {  	v7 =	vmin.f32 v30, v7;
	v14 =	vmax.f32 v14, v18;
	v30 =	vmin.f32 v54, v55  }
0x1ab: {  	v15 =	vld.idx.msk [tilespmem:v15+s2+$0x0], $0xffff;
	v4 =	vmax.f32 v5, v4;
	v5 =	vmin.f32 v26, v7;
	v23 =	vadd.f32 v25, v23  }
0x1ac: {  	v7 =	vmax.f32 v26, v7;
	v26 =	vmin.f32 v31, v5;
	v5 =	vmax.f32 v31, v5  }
0x1ad: {  	v18 =	vmax.f32 v7, v30;
	v25 =	vmin.f32 v7, v30;
	v7 =	vsub.f32 v23, v11  }
0x1ae: {  	v10 =	vmax.f32 v54, v55;
	v4 =	vmax.f32 v4, v26;
	v11 =	vmax.f32 v5, v25  }
0x1af: {  	v13 =	vld.idx.msk [tilespmem:v13+s2+$0x0], $0xffff;
	v5 =	vmin.f32 v5, v25;
	v23 =	vmax.f32 v29, v28;
	v21 =	vmin.f32 v17, v7  }
0x1b0: {  	v25 =	vmax.f32 v4, v5;
	v15 =	vadd.f32 v7, v15;
	v5 =	vmin.f32 v20, v21  }
0x1b1: {  	v4 =	vmax.f32 v27, v24;
	v20 =	vmax.f32 v20, v21;
	v21 =	vmin.f32 v16, v5  }
0x1b2: {  	v7 =	vmax.f32 v17, v7;
	v9 =	vsub.f32 v15, v9;
	v17 =	vmin.f32 v19, v21  }
0x1b3: {  	v12 =	vld.idx.msk [tilespmem:v12+s2+$0x0], $0xffff;
	v5 =	vmax.f32 v16, v5;
	v15 =	vmax.f32 v19, v21;
	v19 =	vmin.f32 v22, v17  }
0x1b4: {  	v21 =	vmin.f32 v7, v9;
	v13 =	vadd.f32 v9, v13;
	v16 =	vmax.f32 v22, v17  }
0x1b5: {  	v7 =	vmax.f32 v7, v9;
	v17 =	vmin.f32 v20, v21;
	v20 =	vmax.f32 v20, v21  }
0x1b6: {  	v21 =	vmin.f32 v5, v17;
	v8 =	vsub.f32 v13, v8;
	v5 =	vmax.f32 v5, v17  }
0x1b7: {  	v9 =	vmax.f32 v15, v21;
	v13 =	vmin.f32 v15, v21;
	v15 =	vmax.f32 v4, v19  }
0x1b8: {  	v4 =	vmin.f32 v4, v19;
	v21 =	vmin.f32 v7, v8;
	v12 =	vadd.f32 v8, v12  }
0x1b9: {  	v17 =	vmax.f32 v16, v13;
	v7 =	vmax.f32 v7, v8;
	v22 =	vmin.f32 v20, v21  }
0x1ba: {  	v13 =	vmin.f32 v16, v13;
	v20 =	vmax.f32 v20, v21;
	v19 =	vmin.f32 v5, v22  }
0x1bb: {  	v6 =	vsub.f32 v12, v6;
	v12 =	vmin.f32 v23, v4;
	v5 =	vmax.f32 v5, v22  }
0x1bc: {  	v22 =	vmin.f32 v15, v13;
	v13 =	vmax.f32 v15, v13;
	v8 =	vmin.f32 v9, v19  }
0x1bd: {  	v9 =	vmax.f32 v9, v19;
	v21 =	vmax.f32 v7, v6;
	v6 =	vmin.f32 v7, v6  }
0x1be: {  	v7 =	vmin.f32 v14, v12;
	v12 =	vmax.f32 v14, v12;
	v14 =	vmax.f32 v17, v8  }
0x1bf: {  	v8 =	vmin.f32 v17, v8;
	[tilespmem:$0x1FD00] =	vst v21;
	v21 =	vmin.f32 v20, v6;
	v17 =	vmin.f32 v10, v7  }
0x1c0: {  	v6 =	vmax.f32 v20, v6;
	v19 =	vmax.f32 v5, v21;
	v5 =	vmin.f32 v5, v21  }
0x1c1: {  	v21 =	vmax.f32 v10, v7;
	v10 =	vor.u32 $0x4003, v0;
	[tilespmem:$0x1FD10] =	vst v19;
	v19 =	vmin.f32 v9, v5  }
0x1c2: {  	v5 =	vmax.f32 v9, v5;
	v9 =	vmax.f32 v23, v4;
	v4 =	vor.u32 $0x4000, v0  }
0x1c3: {  	[tilespmem:$0x1FD20] =	vst v5;
	v16 =	vmin.f32 v14, v19;
	v15 =	vmin.f32 v9, v22;
	v5 =	vor.u32 $0x4001, v0  }
0x1c4: {  	v9 =	vmax.f32 v9, v22;
	v7 =	vmax.f32 v14, v19;
	v14 =	vmin.f32 v18, v17  }
0x1c5: {  	v19 =	vmax.f32 v13, v8;
	v8 =	vmin.f32 v13, v8;
	[tilespmem:$0x1FD30] =	vst v7;
	v7 =	vor.u32 $0x4002, v0  }
0x1c6: {  	v17 =	vmax.f32 v18, v17;
	v22 =	vmin.f32 v11, v14;
	v13 =	vmin.f32 v19, v16  }
0x1c7: {  	v23 =	vmax.f32 v12, v15;
	v12 =	vmin.f32 v12, v15;
	v15 =	vmax.f32 v9, v8;
	v24 =	vld.idx.msk [tilespmem:v4+s2+$0x0], $0xffff  }
0x1c8: {  	v11 =	vmax.f32 v11, v14;
	v14 =	vmax.f32 v25, v22;
	v25 =	vimm.s32 $0x4;
	v22 =	vld.idx.msk [tilespmem:v5+s2+$0x0], $0xffff  }
0x1c9: {  	v8 =	vmin.f32 v9, v8;
	v18 =	vmin.f32 v21, v12;
	v26 =	vadd.s32 v4, v25  }
0x1ca: {  	v9 =	vmin.f32 v15, v13;
	v12 =	vmax.f32 v21, v12;
	v27 =	vmax.f32 v17, v18;
	v28 =	vld.idx.msk [tilespmem:v7+s2+$0x0], $0xffff  }
0x1cb: {  	v17 =	vmin.f32 v17, v18;
	v18 =	vmin.f32 v23, v8;
	v8 =	vmax.f32 v23, v8  }
0x1cc: {  	v29 =	vld.idx.msk [tilespmem:v10+s2+$0x0], $0xffff;
	v21 =	vmax.f32 v11, v17;
	v23 =	vmax.f32 v12, v18;
	v30 =	vmin.f32 v8, v9  }
0x1cd: {  	v17 =	vmin.f32 v11, v17;
	v11 =	vmax.f32 v23, v30;
	v31 =	vadd.f32 v22, v24  }
0x1ce: {  	v13 =	vmax.f32 v15, v13;
	v56 =	vadd.s32 v5, v25;
	[tilespmem:$0x1FD40] =	vst v11;
	v11 =	vld.idx.msk [tilespmem:v26+s2+$0x0], $0xffff  }
0x1cf: {  	v12 =	vmin.f32 v12, v18;
	v8 =	vmax.f32 v8, v9;
	v26 =	vadd.f32 v28, v31  }
0x1d0: {  	[tilespmem:$0x1FDA0] =	vst v6;
	v18 =	vmin.f32 v23, v30;
	v23 =	vmin.f32 v27, v12;
	v14 =	vmax.f32 v14, v17  }
0x1d1: {  	[tilespmem:$0x1FD80] =	vst v13;
	v17 =	vmax.f32 v21, v23;
	v21 =	vmin.f32 v21, v23;
	v23 =	vadd.f32 v29, v26  }
0x1d2: {  	v12 =	vmax.f32 v27, v12;
	[tilespmem:$0x1FD50] =	vst v8;
	v26 =	vadd.s32 v7, v25  }
0x1d3: {  	v27 =	vmin.f32 v12, v18;
	v8 =	vmax.f32 v12, v18;
	v9 =	vld.idx.msk [tilespmem:v56+s2+$0x0], $0xffff;
	v12 =	vadd.f32 v11, v23  }
0x1d4: {  	v14 =	vmax.f32 v14, v21;
	[tilespmem:$0x1FD60] =	vst v8;
	v8 =	vmin.f32 v17, v27;
	v17 =	vmax.f32 v17, v27  }
0x1d5: {  	[tilespmem:$0x1FD70] =	vst v17;
	v8 =	vmax.f32 v14, v8;
	v14 =	vadd.s32 $0x4, v25;
	v17 =	vsub.f32 v12, v24  }
0x1d6: {  	v6 =	vadd.s32 v10, v25;
	[tilespmem:$0x1FD90] =	vst v8;
	v8 =	vmax.f32 v19, v16;
	v15 =	vadd.s32 v5, v14  }
0x1d7: {  	v13 =	vadd.s32 v7, v14;
	[tilespmem:$0x1FDB0] =	vst v8;
	v18 =	vmin.f32 v23, $-Inf;
	v8 =	vld.idx.msk [tilespmem:v26+s2+$0x0], $0xffff;
	v16 =	vmin.f32 v23, v17  }
0x1d8: {  	v32 =	vadd.s32 v4, v14;
	v19 =	vadd.f32 v17, v9;
	v20 =	vmin.f32 v18, v16  }
0x1d9: {  	v12 =	vadd.s32 v10, v14;
	v17 =	vmax.f32 v23, v17;
	v21 =	vmin.f32 v18, v20  }
0x1da: {  	v19 =	vsub.f32 v19, v22;
	v22 =	vmax.f32 v18, v21;
	v21 =	vmin.f32 v18, v21  }
0x1db: {  	v6 =	vld.idx.msk [tilespmem:v6+s2+$0x0], $0xffff;
	v16 =	vmax.f32 v18, v16;
	v20 =	vmax.f32 v18, v20;
	v23 =	vmin.f32 v18, v21  }
0x1dc: {  	v24 =	vmin.f32 v17, v19;
	v25 =	vadd.f32 v19, v8;
	v26 =	vmax.f32 v18, v21  }
0x1dd: {  	v17 =	vmax.f32 v17, v19;
	v21 =	vmin.f32 v16, v24;
	v16 =	vmax.f32 v16, v24  }
0x1de: {  	v27 =	vmax.f32 v18, v23;
	v24 =	vmin.f32 v20, v21;
	v25 =	vsub.f32 v25, v28  }
0x1df: {  	v58 =	vmin.f32 v18, v23;
	v30 =	vmax.f32 v20, v21;
	v19 =	vmax.f32 v22, v24  }
0x1e0: {  	v22 =	vmin.f32 v22, v24;
	v24 =	vmin.f32 v17, v25;
	v28 =	vadd.f32 v25, v6  }
0x1e1: {  	v31 =	vmax.f32 v26, v22;
	v21 =	vmax.f32 v17, v25;
	v22 =	vmin.f32 v26, v22  }
0x1e2: {  	v26 =	vmax.f32 v18, v58;
	v57 =	vmin.f32 v16, v24;
	v20 =	vmax.f32 v16, v24  }
0x1e3: {  	v62 =	vmin.f32 v27, v22;
	v63 =	vmax.f32 v27, v22;
	v59 =	vmin.f32 v30, v57  }
0x1e4: {  	v23 =	vsub.f32 v28, v29;
	v28 =	vmin.f32 v18, v58;
	v24 =	vmax.f32 v30, v57  }
0x1e5: {  	v39 =	vmin.f32 v26, v62;
	v34 =	vmax.f32 v26, v62;
	v25 =	vmin.f32 v19, v59  }
0x1e6: {  	v29 =	vmin.f32 v18, v28;
	v19 =	vmax.f32 v19, v59;
	v60 =	vmax.f32 v18, v28  }
0x1e7: {  	v17 =	vmax.f32 v21, v23;
	v21 =	vmin.f32 v21, v23;
	v28 =	vmax.f32 v31, v25  }
0x1e8: {  	v25 =	vmin.f32 v31, v25;
	v31 =	vmin.f32 v18, v29;
	v33 =	vmax.f32 v60, v39  }
0x1e9: {  	v35 =	vmin.f32 v60, v39;
	v30 =	vmin.f32 v20, v21;
	v36 =	vmin.f32 v18, v31  }
0x1ea: {  	v27 =	vmax.f32 v63, v25;
	v16 =	vmax.f32 v24, v30;
	v24 =	vmin.f32 v24, v30  }
0x1eb: {  	v38 =	vmin.f32 v63, v25;
	v30 =	vmax.f32 v18, v29;
	v61 =	vmin.f32 v19, v24  }
0x1ec: {  	v26 =	vmovc v18;
	v37 =	vmin.f32 v18, v36;
	v19 =	vmax.f32 v19, v24;
	v24 =	vmin.f32 v28, v61  }
0x1ed: {  	s11 =	simm.s32 $0x3D;
	v29 =	vmax.f32 v34, v38;
	v25 =	vmovc v18;
	v22 =	vmax.f32 v28, v61;
	v28 =	vmin.f32 v27, v24  }
.LBB2_11:
0x1ee: {  	p0 =	sne.s32 s11, $0x1;
	s11 =	sadd.s32 $0xFFFFFFFF, s11;
	v18 =	vmax.f32 v18, v36;
	v26 =	vmax.f32 v26, v37;
	v34 =	vmin.f32 v34, v38  }
0x1ef: {  	v25 =	vmax.f32 v25, v31;
	v31 =	vmin.f32 v30, v35;
	v36 =	vmin.f32 v29, v28  }
0x1f0: {  	v37 =	vmax.f32 v25, v31;
	v25 =	vmin.f32 v25, v31;
	v31 =	vmax.f32 v33, v34;
	v32 =	vld.idx.msk [tilespmem:v32+s2+$0x0], $0xffff  }
0x1f1: {  	v30 =	vmax.f32 v30, v35;
	v33 =	vmin.f32 v33, v34;
	v35 =	vmax.f32 v18, v25  }
0x1f2: {  	v18 =	vmin.f32 v18, v25;
	v25 =	vmax.f32 v30, v33;
	v34 =	vmin.f32 v31, v36  }
0x1f3: {  	v30 =	vmin.f32 v30, v33;
	v33 =	vmax.f32 v25, v34;
	v25 =	vmin.f32 v25, v34  }
0x1f4: {  	v34 =	vld.idx.msk [tilespmem:v15+s2+$0x0], $0xffff;
	v15 =	vmax.f32 v26, v18;
	v18 =	vmax.f32 v37, v30;
	v26 =	vmin.f32 v37, v30  }
0x1f5: {  	v30 =	vmax.f32 v35, v26;
	v26 =	vmin.f32 v35, v26;
	v35 =	vmin.f32 v18, v25  }
0x1f6: {  	v31 =	vmax.f32 v31, v36;
	v23 =	vadd.f32 v32, v23;
	v15 =	vmax.f32 v15, v26  }
0x1f7: {  	v25 =	vmax.f32 v18, v25;
	v18 =	vmax.f32 v30, v35;
	v26 =	vmin.f32 v30, v35  }
0x1f8: {  	v28 =	vmax.f32 v29, v28;
	v23 =	vsub.f32 v23, v11;
	v26 =	vmax.f32 v15, v26;
	v30 =	vld.idx.msk [tilespmem:v13+s2+$0x0], $0xffff  }
0x1f9: {  	v14 =	vadd.s32 $0x4, v14;
	v20 =	vmax.f32 v20, v21;
	v21 =	vmax.f32 v27, v24;
	v11 =	vmovc v32  }
0x1fa: {  	v24 =	vadd.s32 v10, v14;
	v27 =	vmin.f32 v17, v23;
	v29 =	vadd.f32 v23, v34  }
0x1fb: {  	v15 =	vadd.s32 v5, v14;
	v13 =	vadd.s32 v7, v14;
	v32 =	vmin.f32 v20, v27  }
0x1fc: {  	v20 =	vmax.f32 v20, v27;
	v27 =	vmin.f32 v16, v32;
	v29 =	vsub.f32 v29, v9;
	v35 =	vld.idx.msk [tilespmem:v12+s2+$0x0], $0xffff  }
0x1fd: {  	v17 =	vmax.f32 v17, v23;
	v9 =	vmovc v34;
	v23 =	vmax.f32 v19, v27;
	v19 =	vmin.f32 v19, v27  }
0x1fe: {  	v12 =	vmovc v24;
	v27 =	vmin.f32 v22, v19;
	v34 =	vmin.f32 v17, v29;
	v36 =	vadd.f32 v29, v30  }
0x1ff: {  	v16 =	vmax.f32 v16, v32;
	v19 =	vmax.f32 v22, v19;
	v22 =	vmin.f32 v20, v34  }
0x200: {  	v20 =	vmax.f32 v20, v34;
	v24 =	vmin.f32 v16, v22;
	v32 =	vsub.f32 v36, v8;
	v8 =	vmovc v30  }
0x201: {  	v17 =	vmax.f32 v17, v29;
	v29 =	vmax.f32 v23, v24;
	v24 =	vmin.f32 v23, v24  }
0x202: {  	v34 =	vmax.f32 v21, v27;
	v30 =	vmin.f32 v17, v32;
	v23 =	vadd.f32 v32, v35  }
0x203: {  	v16 =	vmax.f32 v16, v22;
	v22 =	vmax.f32 v19, v24;
	v36 =	vmin.f32 v20, v30  }
0x204: {  	v27 =	vmin.f32 v21, v27;
	v37 =	vmin.f32 v16, v36;
	v23 =	vsub.f32 v23, v6;
	v6 =	vmovc v35  }
0x205: {  	v21 =	vmax.f32 v17, v32;
	v35 =	vmin.f32 v28, v27;
	v32 =	vmin.f32 v29, v37  }
0x206: {  	v20 =	vmax.f32 v20, v30;
	v17 =	vmax.f32 v21, v23;
	v21 =	vmin.f32 v21, v23  }
0x207: {  	v30 =	vmax.f32 v16, v36;
	v38 =	vmin.f32 v31, v35;
	v36 =	vmin.f32 v20, v21  }
0x208: {  	v29 =	vmax.f32 v29, v37;
	v16 =	vmax.f32 v30, v36;
	v30 =	vmin.f32 v30, v36  }
0x209: {  	v35 =	vmax.f32 v31, v35;
	v36 =	vmax.f32 v22, v32;
	v37 =	vmin.f32 v29, v30  }
0x20a: {  	v31 =	vmin.f32 v19, v24;
	v19 =	vmax.f32 v29, v30;
	v24 =	vmin.f32 v36, v37  }
0x20b: {  	v27 =	vmax.f32 v28, v27;
	v28 =	vmin.f32 v34, v31;
	v30 =	vmax.f32 v33, v38  }
.Ltmp4:
0x20c: {  	v40 =	vmin.f32 v22, v32;
	v39 =	vmin.f32 v27, v28;
	v29 =	vmax.f32 v34, v31;
	(pc) =	sbr.rel @p0 .LBB2_11-.Ltmp4, $4  }
0x20d: {  	v31 =	vmin.f32 v33, v38;
	v34 =	vmax.f32 v27, v28;
	v22 =	vmax.f32 v36, v37  }
0x20e: {  	v32 =	vadd.s32 v4, v14;
	v36 =	vmin.f32 v25, v31;
	v27 =	vmax.f32 v29, v40  }
0x20f: {  	v38 =	vmin.f32 v29, v40;
	v37 =	vmin.f32 v18, v36;
	v28 =	vmin.f32 v27, v24  }
0x210: {  	v33 =	vmax.f32 v35, v39;
	v35 =	vmin.f32 v35, v39;
	v29 =	vmax.f32 v34, v38  }
0x211: {  	_ =	sdelay $0x1  }
0x212: {  	v4 =	vmax.f32 v18, v36  }
0x213: {  	v5 =	vmax.f32 v26, v37;
	v7 =	vmin.f32 v34, v38;
	v10 =	vmax.f32 v25, v31  }
0x214: {  	v14 =	vmin.f32 v30, v35;
	v18 =	vmin.f32 v29, v28;
	v25 =	vld.idx.msk [tilespmem:v32+s2+$0x0], $0xffff;
	v30 =	vmax.f32 v30, v35  }
0x215: {  	v20 =	vmax.f32 v20, v21;
	v26 =	vmax.f32 v10, v14;
	v10 =	vmin.f32 v10, v14  }
0x216: {  	v14 =	vmax.f32 v33, v7;
	v7 =	vmin.f32 v33, v7;
	v31 =	vmax.f32 v4, v10  }
0x217: {  	v54 =	vmax.f32 v30, v7;
	v55 =	vmin.f32 v14, v18;
	v4 =	vmin.f32 v4, v10  }
0x218: {  	v7 =	vmin.f32 v30, v7;
	v14 =	vmax.f32 v14, v18;
	v30 =	vmin.f32 v54, v55  }
0x219: {  	v15 =	vld.idx.msk [tilespmem:v15+s2+$0x0], $0xffff;
	v4 =	vmax.f32 v5, v4;
	v5 =	vmin.f32 v26, v7;
	v23 =	vadd.f32 v25, v23  }
0x21a: {  	v7 =	vmax.f32 v26, v7;
	v26 =	vmin.f32 v31, v5;
	v5 =	vmax.f32 v31, v5  }
0x21b: {  	v18 =	vmax.f32 v7, v30;
	v25 =	vmin.f32 v7, v30;
	v7 =	vsub.f32 v23, v11  }
0x21c: {  	v10 =	vmax.f32 v54, v55;
	v4 =	vmax.f32 v4, v26;
	v11 =	vmax.f32 v5, v25  }
0x21d: {  	v13 =	vld.idx.msk [tilespmem:v13+s2+$0x0], $0xffff;
	v5 =	vmin.f32 v5, v25;
	v23 =	vmax.f32 v29, v28;
	v21 =	vmin.f32 v17, v7  }
0x21e: {  	v25 =	vmax.f32 v4, v5;
	v15 =	vadd.f32 v7, v15;
	v5 =	vmin.f32 v20, v21  }
0x21f: {  	v4 =	vmax.f32 v27, v24;
	v20 =	vmax.f32 v20, v21;
	v21 =	vmin.f32 v16, v5  }
0x220: {  	v7 =	vmax.f32 v17, v7;
	v9 =	vsub.f32 v15, v9;
	v17 =	vmin.f32 v19, v21  }
0x221: {  	v12 =	vld.idx.msk [tilespmem:v12+s2+$0x0], $0xffff;
	v5 =	vmax.f32 v16, v5;
	v15 =	vmax.f32 v19, v21;
	v19 =	vmin.f32 v22, v17  }
0x222: {  	v21 =	vmin.f32 v7, v9;
	v13 =	vadd.f32 v9, v13;
	v16 =	vmax.f32 v22, v17  }
0x223: {  	v7 =	vmax.f32 v7, v9;
	v17 =	vmin.f32 v20, v21;
	v20 =	vmax.f32 v20, v21  }
0x224: {  	v21 =	vmin.f32 v5, v17;
	v8 =	vsub.f32 v13, v8;
	v5 =	vmax.f32 v5, v17  }
0x225: {  	v9 =	vmax.f32 v15, v21;
	v13 =	vmin.f32 v15, v21;
	v15 =	vmax.f32 v4, v19  }
0x226: {  	v4 =	vmin.f32 v4, v19;
	v21 =	vmin.f32 v7, v8;
	v12 =	vadd.f32 v8, v12  }
0x227: {  	v17 =	vmax.f32 v16, v13;
	v7 =	vmax.f32 v7, v8;
	v22 =	vmin.f32 v20, v21  }
0x228: {  	v13 =	vmin.f32 v16, v13;
	v20 =	vmax.f32 v20, v21;
	v19 =	vmin.f32 v5, v22  }
0x229: {  	v6 =	vsub.f32 v12, v6;
	v12 =	vmin.f32 v23, v4;
	v5 =	vmax.f32 v5, v22  }
0x22a: {  	v22 =	vmin.f32 v15, v13;
	v13 =	vmax.f32 v15, v13;
	v8 =	vmin.f32 v9, v19  }
0x22b: {  	v9 =	vmax.f32 v9, v19;
	v21 =	vmax.f32 v7, v6;
	v6 =	vmin.f32 v7, v6  }
0x22c: {  	v7 =	vmin.f32 v14, v12;
	v12 =	vmax.f32 v14, v12;
	v14 =	vmax.f32 v17, v8  }
0x22d: {  	v8 =	vmin.f32 v17, v8;
	[tilespmem:$0x1FC40] =	vst v21;
	v21 =	vmin.f32 v20, v6;
	v17 =	vmin.f32 v10, v7  }
0x22e: {  	v6 =	vmax.f32 v20, v6;
	v19 =	vmax.f32 v5, v21;
	v5 =	vmin.f32 v5, v21  }
0x22f: {  	v21 =	vmax.f32 v10, v7;
	v10 =	vor.u32 $0x5003, v0;
	[tilespmem:$0x1FC50] =	vst v19;
	v19 =	vmin.f32 v9, v5  }
0x230: {  	v5 =	vmax.f32 v9, v5;
	v9 =	vmax.f32 v23, v4;
	v4 =	vor.u32 $0x5000, v0  }
0x231: {  	[tilespmem:$0x1FC60] =	vst v5;
	v16 =	vmin.f32 v14, v19;
	v15 =	vmin.f32 v9, v22;
	v5 =	vor.u32 $0x5001, v0  }
0x232: {  	v9 =	vmax.f32 v9, v22;
	v7 =	vmax.f32 v14, v19;
	v14 =	vmin.f32 v18, v17  }
0x233: {  	v19 =	vmax.f32 v13, v8;
	v8 =	vmin.f32 v13, v8;
	[tilespmem:$0x1FC70] =	vst v7;
	v7 =	vor.u32 $0x5002, v0  }
0x234: {  	v17 =	vmax.f32 v18, v17;
	v22 =	vmin.f32 v11, v14;
	v13 =	vmin.f32 v19, v16  }
0x235: {  	v23 =	vmax.f32 v12, v15;
	v12 =	vmin.f32 v12, v15;
	v15 =	vmax.f32 v9, v8;
	v24 =	vld.idx.msk [tilespmem:v4+s2+$0x0], $0xffff  }
0x236: {  	v11 =	vmax.f32 v11, v14;
	v14 =	vmax.f32 v25, v22;
	v25 =	vimm.s32 $0x4;
	v22 =	vld.idx.msk [tilespmem:v5+s2+$0x0], $0xffff  }
0x237: {  	v8 =	vmin.f32 v9, v8;
	v18 =	vmin.f32 v21, v12;
	v26 =	vadd.s32 v4, v25  }
0x238: {  	v9 =	vmin.f32 v15, v13;
	v12 =	vmax.f32 v21, v12;
	v27 =	vmax.f32 v17, v18;
	v28 =	vld.idx.msk [tilespmem:v7+s2+$0x0], $0xffff  }
0x239: {  	v17 =	vmin.f32 v17, v18;
	v18 =	vmin.f32 v23, v8;
	v8 =	vmax.f32 v23, v8  }
0x23a: {  	v29 =	vld.idx.msk [tilespmem:v10+s2+$0x0], $0xffff;
	v21 =	vmax.f32 v11, v17;
	v23 =	vmax.f32 v12, v18;
	v30 =	vmin.f32 v8, v9  }
0x23b: {  	v17 =	vmin.f32 v11, v17;
	v11 =	vmax.f32 v23, v30;
	v31 =	vadd.f32 v22, v24  }
0x23c: {  	v13 =	vmax.f32 v15, v13;
	v56 =	vadd.s32 v5, v25;
	[tilespmem:$0x1FC80] =	vst v11;
	v11 =	vld.idx.msk [tilespmem:v26+s2+$0x0], $0xffff  }
0x23d: {  	v12 =	vmin.f32 v12, v18;
	v8 =	vmax.f32 v8, v9;
	v26 =	vadd.f32 v28, v31  }
0x23e: {  	[tilespmem:$0x1FCE0] =	vst v6;
	v18 =	vmin.f32 v23, v30;
	v23 =	vmin.f32 v27, v12;
	v14 =	vmax.f32 v14, v17  }
0x23f: {  	[tilespmem:$0x1FCC0] =	vst v13;
	v17 =	vmax.f32 v21, v23;
	v21 =	vmin.f32 v21, v23;
	v23 =	vadd.f32 v29, v26  }
0x240: {  	v12 =	vmax.f32 v27, v12;
	[tilespmem:$0x1FC90] =	vst v8;
	v26 =	vadd.s32 v7, v25  }
0x241: {  	v27 =	vmin.f32 v12, v18;
	v8 =	vmax.f32 v12, v18;
	v9 =	vld.idx.msk [tilespmem:v56+s2+$0x0], $0xffff;
	v12 =	vadd.f32 v11, v23  }
0x242: {  	v14 =	vmax.f32 v14, v21;
	[tilespmem:$0x1FCA0] =	vst v8;
	v8 =	vmin.f32 v17, v27;
	v17 =	vmax.f32 v17, v27  }
0x243: {  	[tilespmem:$0x1FCB0] =	vst v17;
	v8 =	vmax.f32 v14, v8;
	v14 =	vadd.s32 $0x4, v25;
	v17 =	vsub.f32 v12, v24  }
0x244: {  	v6 =	vadd.s32 v10, v25;
	[tilespmem:$0x1FCD0] =	vst v8;
	v8 =	vmax.f32 v19, v16;
	v15 =	vadd.s32 v5, v14  }
0x245: {  	v13 =	vadd.s32 v7, v14;
	[tilespmem:$0x1FCF0] =	vst v8;
	v18 =	vmin.f32 v23, $-Inf;
	v8 =	vld.idx.msk [tilespmem:v26+s2+$0x0], $0xffff;
	v16 =	vmin.f32 v23, v17  }
0x246: {  	v32 =	vadd.s32 v4, v14;
	v19 =	vadd.f32 v17, v9;
	v20 =	vmin.f32 v18, v16  }
0x247: {  	v12 =	vadd.s32 v10, v14;
	v17 =	vmax.f32 v23, v17;
	v21 =	vmin.f32 v18, v20  }
0x248: {  	v19 =	vsub.f32 v19, v22;
	v22 =	vmax.f32 v18, v21;
	v21 =	vmin.f32 v18, v21  }
0x249: {  	v6 =	vld.idx.msk [tilespmem:v6+s2+$0x0], $0xffff;
	v16 =	vmax.f32 v18, v16;
	v20 =	vmax.f32 v18, v20;
	v23 =	vmin.f32 v18, v21  }
0x24a: {  	v24 =	vmin.f32 v17, v19;
	v25 =	vadd.f32 v19, v8;
	v26 =	vmax.f32 v18, v21  }
0x24b: {  	v17 =	vmax.f32 v17, v19;
	v21 =	vmin.f32 v16, v24;
	v16 =	vmax.f32 v16, v24  }
0x24c: {  	v27 =	vmax.f32 v18, v23;
	v24 =	vmin.f32 v20, v21;
	v25 =	vsub.f32 v25, v28  }
0x24d: {  	v58 =	vmin.f32 v18, v23;
	v30 =	vmax.f32 v20, v21;
	v19 =	vmax.f32 v22, v24  }
0x24e: {  	v22 =	vmin.f32 v22, v24;
	v24 =	vmin.f32 v17, v25;
	v28 =	vadd.f32 v25, v6  }
0x24f: {  	v31 =	vmax.f32 v26, v22;
	v21 =	vmax.f32 v17, v25;
	v22 =	vmin.f32 v26, v22  }
0x250: {  	v26 =	vmax.f32 v18, v58;
	v57 =	vmin.f32 v16, v24;
	v20 =	vmax.f32 v16, v24  }
0x251: {  	v62 =	vmin.f32 v27, v22;
	v63 =	vmax.f32 v27, v22;
	v59 =	vmin.f32 v30, v57  }
0x252: {  	v23 =	vsub.f32 v28, v29;
	v28 =	vmin.f32 v18, v58;
	v24 =	vmax.f32 v30, v57  }
0x253: {  	v39 =	vmin.f32 v26, v62;
	v34 =	vmax.f32 v26, v62;
	v25 =	vmin.f32 v19, v59  }
0x254: {  	v29 =	vmin.f32 v18, v28;
	v19 =	vmax.f32 v19, v59;
	v60 =	vmax.f32 v18, v28  }
0x255: {  	v17 =	vmax.f32 v21, v23;
	v21 =	vmin.f32 v21, v23;
	v28 =	vmax.f32 v31, v25  }
0x256: {  	v25 =	vmin.f32 v31, v25;
	v31 =	vmin.f32 v18, v29;
	v33 =	vmax.f32 v60, v39  }
0x257: {  	v35 =	vmin.f32 v60, v39;
	v30 =	vmin.f32 v20, v21;
	v36 =	vmin.f32 v18, v31  }
0x258: {  	v27 =	vmax.f32 v63, v25;
	v16 =	vmax.f32 v24, v30;
	v24 =	vmin.f32 v24, v30  }
0x259: {  	v38 =	vmin.f32 v63, v25;
	v30 =	vmax.f32 v18, v29;
	v61 =	vmin.f32 v19, v24  }
0x25a: {  	v26 =	vmovc v18;
	v37 =	vmin.f32 v18, v36;
	v19 =	vmax.f32 v19, v24;
	v24 =	vmin.f32 v28, v61  }
0x25b: {  	s11 =	simm.s32 $0x3D;
	v29 =	vmax.f32 v34, v38;
	v25 =	vmovc v18;
	v22 =	vmax.f32 v28, v61;
	v28 =	vmin.f32 v27, v24  }
.LBB2_13:
0x25c: {  	p0 =	sne.s32 s11, $0x1;
	s11 =	sadd.s32 $0xFFFFFFFF, s11;
	v18 =	vmax.f32 v18, v36;
	v26 =	vmax.f32 v26, v37;
	v34 =	vmin.f32 v34, v38  }
0x25d: {  	v25 =	vmax.f32 v25, v31;
	v31 =	vmin.f32 v30, v35;
	v36 =	vmin.f32 v29, v28  }
0x25e: {  	v37 =	vmax.f32 v25, v31;
	v25 =	vmin.f32 v25, v31;
	v31 =	vmax.f32 v33, v34;
	v32 =	vld.idx.msk [tilespmem:v32+s2+$0x0], $0xffff  }
0x25f: {  	v30 =	vmax.f32 v30, v35;
	v33 =	vmin.f32 v33, v34;
	v35 =	vmax.f32 v18, v25  }
0x260: {  	v18 =	vmin.f32 v18, v25;
	v25 =	vmax.f32 v30, v33;
	v34 =	vmin.f32 v31, v36  }
0x261: {  	v30 =	vmin.f32 v30, v33;
	v33 =	vmax.f32 v25, v34;
	v25 =	vmin.f32 v25, v34  }
0x262: {  	v34 =	vld.idx.msk [tilespmem:v15+s2+$0x0], $0xffff;
	v15 =	vmax.f32 v26, v18;
	v18 =	vmax.f32 v37, v30;
	v26 =	vmin.f32 v37, v30  }
0x263: {  	v30 =	vmax.f32 v35, v26;
	v26 =	vmin.f32 v35, v26;
	v35 =	vmin.f32 v18, v25  }
0x264: {  	v31 =	vmax.f32 v31, v36;
	v23 =	vadd.f32 v32, v23;
	v15 =	vmax.f32 v15, v26  }
0x265: {  	v25 =	vmax.f32 v18, v25;
	v18 =	vmax.f32 v30, v35;
	v26 =	vmin.f32 v30, v35  }
0x266: {  	v28 =	vmax.f32 v29, v28;
	v23 =	vsub.f32 v23, v11;
	v26 =	vmax.f32 v15, v26;
	v30 =	vld.idx.msk [tilespmem:v13+s2+$0x0], $0xffff  }
0x267: {  	v14 =	vadd.s32 $0x4, v14;
	v20 =	vmax.f32 v20, v21;
	v21 =	vmax.f32 v27, v24;
	v11 =	vmovc v32  }
0x268: {  	v24 =	vadd.s32 v10, v14;
	v27 =	vmin.f32 v17, v23;
	v29 =	vadd.f32 v23, v34  }
0x269: {  	v15 =	vadd.s32 v5, v14;
	v13 =	vadd.s32 v7, v14;
	v32 =	vmin.f32 v20, v27  }
0x26a: {  	v20 =	vmax.f32 v20, v27;
	v27 =	vmin.f32 v16, v32;
	v29 =	vsub.f32 v29, v9;
	v35 =	vld.idx.msk [tilespmem:v12+s2+$0x0], $0xffff  }
0x26b: {  	v17 =	vmax.f32 v17, v23;
	v9 =	vmovc v34;
	v23 =	vmax.f32 v19, v27;
	v19 =	vmin.f32 v19, v27  }
0x26c: {  	v12 =	vmovc v24;
	v27 =	vmin.f32 v22, v19;
	v34 =	vmin.f32 v17, v29;
	v36 =	vadd.f32 v29, v30  }
0x26d: {  	v16 =	vmax.f32 v16, v32;
	v19 =	vmax.f32 v22, v19;
	v22 =	vmin.f32 v20, v34  }
0x26e: {  	v20 =	vmax.f32 v20, v34;
	v24 =	vmin.f32 v16, v22;
	v32 =	vsub.f32 v36, v8;
	v8 =	vmovc v30  }
0x26f: {  	v17 =	vmax.f32 v17, v29;
	v29 =	vmax.f32 v23, v24;
	v24 =	vmin.f32 v23, v24  }
0x270: {  	v34 =	vmax.f32 v21, v27;
	v30 =	vmin.f32 v17, v32;
	v23 =	vadd.f32 v32, v35  }
0x271: {  	v16 =	vmax.f32 v16, v22;
	v22 =	vmax.f32 v19, v24;
	v36 =	vmin.f32 v20, v30  }
0x272: {  	v27 =	vmin.f32 v21, v27;
	v37 =	vmin.f32 v16, v36;
	v23 =	vsub.f32 v23, v6;
	v6 =	vmovc v35  }
0x273: {  	v21 =	vmax.f32 v17, v32;
	v35 =	vmin.f32 v28, v27;
	v32 =	vmin.f32 v29, v37  }
0x274: {  	v20 =	vmax.f32 v20, v30;
	v17 =	vmax.f32 v21, v23;
	v21 =	vmin.f32 v21, v23  }
0x275: {  	v30 =	vmax.f32 v16, v36;
	v38 =	vmin.f32 v31, v35;
	v36 =	vmin.f32 v20, v21  }
0x276: {  	v29 =	vmax.f32 v29, v37;
	v16 =	vmax.f32 v30, v36;
	v30 =	vmin.f32 v30, v36  }
0x277: {  	v35 =	vmax.f32 v31, v35;
	v36 =	vmax.f32 v22, v32;
	v37 =	vmin.f32 v29, v30  }
0x278: {  	v31 =	vmin.f32 v19, v24;
	v19 =	vmax.f32 v29, v30;
	v24 =	vmin.f32 v36, v37  }
0x279: {  	v27 =	vmax.f32 v28, v27;
	v28 =	vmin.f32 v34, v31;
	v30 =	vmax.f32 v33, v38  }
.Ltmp5:
0x27a: {  	v40 =	vmin.f32 v22, v32;
	v39 =	vmin.f32 v27, v28;
	v29 =	vmax.f32 v34, v31;
	(pc) =	sbr.rel @p0 .LBB2_13-.Ltmp5, $4  }
0x27b: {  	v31 =	vmin.f32 v33, v38;
	v34 =	vmax.f32 v27, v28;
	v22 =	vmax.f32 v36, v37  }
0x27c: {  	v32 =	vadd.s32 v4, v14;
	v36 =	vmin.f32 v25, v31;
	v27 =	vmax.f32 v29, v40  }
0x27d: {  	v38 =	vmin.f32 v29, v40;
	v37 =	vmin.f32 v18, v36;
	v28 =	vmin.f32 v27, v24  }
0x27e: {  	v33 =	vmax.f32 v35, v39;
	v35 =	vmin.f32 v35, v39;
	v29 =	vmax.f32 v34, v38  }
0x27f: {  	_ =	sdelay $0x1  }
0x280: {  	v4 =	vmax.f32 v18, v36;
	v5 =	vmax.f32 v26, v37  }
0x281: {  	v7 =	vmin.f32 v34, v38;
	v10 =	vmax.f32 v25, v31;
	v14 =	vmin.f32 v30, v35  }
0x282: {  	v18 =	vmin.f32 v29, v28;
	v25 =	vld.idx.msk [tilespmem:v32+s2+$0x0], $0xffff;
	v30 =	vmax.f32 v30, v35;
	v26 =	vmax.f32 v10, v14  }
0x283: {  	v10 =	vmin.f32 v10, v14;
	v14 =	vmax.f32 v33, v7;
	v7 =	vmin.f32 v33, v7  }
0x284: {  	v20 =	vmax.f32 v20, v21;
	v31 =	vmax.f32 v4, v10;
	v58 =	vmax.f32 v30, v7  }
0x285: {  	v59 =	vmin.f32 v14, v18;
	v4 =	vmin.f32 v4, v10;
	v7 =	vmin.f32 v30, v7  }
0x286: {  	v15 =	vld.idx.msk [tilespmem:v15+s2+$0x0], $0xffff;
	v14 =	vmax.f32 v14, v18;
	v10 =	vmax.f32 v58, v59;
	v30 =	vmin.f32 v58, v59  }
0x287: {  	v4 =	vmax.f32 v5, v4;
	v5 =	vmin.f32 v26, v7;
	v23 =	vadd.f32 v25, v23  }
0x288: {  	v7 =	vmax.f32 v26, v7;
	v26 =	vmin.f32 v31, v5;
	v5 =	vmax.f32 v31, v5  }
0x289: {  	v18 =	vmax.f32 v7, v30;
	v25 =	vmin.f32 v7, v30;
	v7 =	vsub.f32 v23, v11  }
0x28a: {  	v4 =	vmax.f32 v4, v26;
	v11 =	vmax.f32 v5, v25;
	v5 =	vmin.f32 v5, v25  }
0x28b: {  	v13 =	vld.idx.msk [tilespmem:v13+s2+$0x0], $0xffff;
	v23 =	vmax.f32 v29, v28;
	v21 =	vmin.f32 v17, v7;
	v15 =	vadd.f32 v7, v15  }
0x28c: {  	v25 =	vmax.f32 v4, v5;
	v4 =	vmax.f32 v27, v24;
	v5 =	vmin.f32 v20, v21  }
0x28d: {  	v20 =	vmax.f32 v20, v21;
	v21 =	vmin.f32 v16, v5;
	v9 =	vsub.f32 v15, v9  }
0x28e: {  	v7 =	vmax.f32 v17, v7;
	v5 =	vmax.f32 v16, v5;
	v17 =	vmin.f32 v19, v21  }
0x28f: {  	v12 =	vld.idx.msk [tilespmem:v12+s2+$0x0], $0xffff;
	v15 =	vmax.f32 v19, v21;
	v19 =	vmin.f32 v22, v17;
	v21 =	vmin.f32 v7, v9  }
0x290: {  	v13 =	vadd.f32 v9, v13;
	v16 =	vmax.f32 v22, v17;
	v17 =	vmin.f32 v20, v21  }
0x291: {  	v7 =	vmax.f32 v7, v9;
	v20 =	vmax.f32 v20, v21;
	v21 =	vmin.f32 v5, v17  }
0x292: {  	v8 =	vsub.f32 v13, v8;
	v17 =	vmax.f32 v5, v17;
	v9 =	vmax.f32 v15, v21  }
0x293: {  	v13 =	vmin.f32 v15, v21;
	v15 =	vmax.f32 v4, v19;
	v19 =	vmin.f32 v4, v19  }
0x294: {  	v21 =	vmin.f32 v7, v8;
	v12 =	vadd.f32 v8, v12;
	v22 =	vmax.f32 v16, v13  }
0x295: {  	v7 =	vmax.f32 v7, v8;
	v13 =	vmin.f32 v16, v13;
	v16 =	vor.u32 $0x6000, v0  }
0x296: {  	v24 =	vmin.f32 v20, v21;
	v20 =	vmax.f32 v20, v21;
	v6 =	vsub.f32 v12, v6  }
0x297: {  	v4 =	vmin.f32 v17, v24;
	v12 =	vmin.f32 v23, v19;
	v17 =	vmax.f32 v17, v24  }
0x298: {  	v8 =	vmin.f32 v9, v4;
	v4 =	vmax.f32 v9, v4;
	v5 =	vmax.f32 v7, v6  }
0x299: {  	v26 =	vmin.f32 v7, v6;
	v7 =	vmin.f32 v14, v12;
	v12 =	vmax.f32 v14, v12  }
0x29a: {  	v14 =	vmax.f32 v22, v8;
	v8 =	vmin.f32 v22, v8;
	v21 =	vmin.f32 v20, v26  }
0x29b: {  	v22 =	vor.u32 $0x6003, v0;
	v6 =	vmax.f32 v17, v21;
	v9 =	vmin.f32 v17, v21  }
0x29c: {  	v17 =	vor.u32 $0x6001, v0;
	v21 =	vmin.f32 v4, v9;
	v4 =	vmax.f32 v4, v9  }
0x29d: {  	v9 =	vmax.f32 v23, v19;
	v23 =	vmax.f32 v10, v7;
	v19 =	vmin.f32 v15, v13  }
0x29e: {  	v13 =	vmax.f32 v15, v13;
	v10 =	vmin.f32 v10, v7;
	v24 =	vmin.f32 v14, v21  }
0x29f: {  	v15 =	vmin.f32 v9, v19;
	v9 =	vmax.f32 v9, v19;
	v7 =	vmax.f32 v14, v21  }
0x2a0: {  	v14 =	vmin.f32 v18, v10;
	v27 =	vmax.f32 v13, v8;
	v19 =	vor.u32 $0x6002, v0  }
0x2a1: {  	v8 =	vmin.f32 v13, v8;
	v10 =	vmax.f32 v18, v10;
	v21 =	vmin.f32 v11, v14  }
0x2a2: {  	v29 =	vld.idx.msk [tilespmem:v16+s2+$0x0], $0xffff;
	v13 =	vmin.f32 v27, v24;
	v28 =	vmax.f32 v12, v15;
	v12 =	vmin.f32 v12, v15  }
0x2a3: {  	v11 =	vmax.f32 v11, v14;
	v14 =	vmax.f32 v25, v21;
	v25 =	vimm.s32 $0x4;
	v31 =	vld.idx.msk [tilespmem:v17+s2+$0x0], $0xffff  }
0x2a4: {  	v15 =	vmax.f32 v9, v8;
	v8 =	vmin.f32 v9, v8;
	v21 =	vadd.s32 v16, v25  }
0x2a5: {  	v18 =	vmin.f32 v23, v12;
	v9 =	vmin.f32 v15, v13;
	v12 =	vmax.f32 v23, v12;
	v60 =	vld.idx.msk [tilespmem:v19+s2+$0x0], $0xffff  }
0x2a6: {  	v13 =	vmax.f32 v15, v13;
	v15 =	vmax.f32 v20, v26;
	v30 =	vmax.f32 v10, v18  }
0x2a7: {  	v63 =	vld.idx.msk [tilespmem:v22+s2+$0x0], $0xffff;
	v10 =	vmin.f32 v10, v18;
	v18 =	vmin.f32 v28, v8;
	v28 =	vmax.f32 v28, v8  }
0x2a8: {  	v46 =	vadd.s32 v17, v25;
	v48 =	vadd.s32 v19, v25;
	v45 =	vadd.f32 v31, v29  }
0x2a9: {  	v26 =	vadd.s32 $0x4, v25;
	v61 =	vmax.f32 v11, v10;
	v62 =	vmax.f32 v12, v18;
	v23 =	vld.idx.msk [tilespmem:v21+s2+$0x0], $0xffff  }
0x2aa: {  	v44 =	vmin.f32 v28, v9;
	v10 =	vmin.f32 v11, v10;
	v21 =	vadd.f32 v60, v45  }
0x2ab: {  	v11 =	vmin.f32 v12, v18;
	v8 =	vmax.f32 v62, v44;
	v18 =	vmin.f32 v62, v44  }
0x2ac: {  	v12 =	vmin.f32 v30, v11;
	v10 =	vmax.f32 v14, v10;
	v47 =	vadd.f32 v63, v21  }
0x2ad: {  	v11 =	vmax.f32 v30, v11;
	v14 =	vmax.f32 v61, v12;
	v12 =	vmin.f32 v61, v12;
	v21 =	vld.idx.msk [tilespmem:v46+s2+$0x0], $0xffff  }
0x2ae: {  	v30 =	vmin.f32 v11, v18;
	v11 =	vmax.f32 v11, v18;
	v18 =	vadd.f32 v23, v47  }
0x2af: {  	v49 =	vmax.f32 v10, v12;
	v12 =	vmax.f32 v28, v9;
	v9 =	vmin.f32 v14, v30  }
0x2b0: {  	v10 =	vmax.f32 v14, v30;
	v28 =	vadd.s32 v22, v25;
	v29 =	vsub.f32 v18, v29  }
0x2b1: {  	v14 =	vmax.f32 v27, v24;
	v24 =	vadd.s32 v22, v26;
	v27 =	vadd.s32 v17, v26  }
0x2b2: {  	v20 =	vld.idx.msk [tilespmem:v48+s2+$0x0], $0xffff;
	v30 =	vmin.f32 v47, $-Inf;
	v18 =	vmin.f32 v47, v29;
	v50 =	vadd.f32 v29, v21  }
0x2b3: {  	v25 =	vadd.s32 v19, v26;
	v9 =	vmax.f32 v49, v9;
	v51 =	vmin.f32 v30, v18  }
0x2b4: {  	v52 =	vmax.f32 v30, v18;
	v53 =	vmin.f32 v30, v51;
	v31 =	vsub.f32 v50, v31  }
0x2b5: {  	v18 =	vld.idx.msk [tilespmem:v28+s2+$0x0], $0xffff;
	v28 =	vmax.f32 v47, v29;
	v36 =	vmax.f32 v30, v51;
	v54 =	vmin.f32 v30, v53  }
0x2b6: {  	v29 =	vmax.f32 v30, v53;
	v55 =	vmin.f32 v30, v54;
	v56 =	vmin.f32 v28, v31  }
0x2b7: {  	v39 =	vadd.f32 v31, v20;
	v40 =	vmax.f32 v30, v54;
	v28 =	vmax.f32 v28, v31  }
0x2b8: {  	v57 =	vmin.f32 v52, v56;
	v37 =	vmax.f32 v52, v56;
	v59 =	vmax.f32 v30, v55  }
0x2b9: {  	v34 =	vmin.f32 v30, v55;
	v58 =	vmin.f32 v36, v57;
	v32 =	vsub.f32 v39, v60  }
0x2ba: {  	v36 =	vmax.f32 v36, v57;
	v60 =	vmin.f32 v30, v34;
	v34 =	vmax.f32 v30, v34  }
0x2bb: {  	v31 =	vmax.f32 v29, v58;
	v38 =	vmin.f32 v29, v58;
	v61 =	vmin.f32 v30, v60  }
0x2bc: {  	v29 =	vmin.f32 v28, v32;
	v41 =	vadd.f32 v32, v18;
	v43 =	vmax.f32 v40, v38  }
0x2bd: {  	v28 =	vmax.f32 v28, v32;
	v38 =	vmin.f32 v40, v38;
	v42 =	vmin.f32 v37, v29  }
0x2be: {  	v32 =	vmax.f32 v37, v29;
	v40 =	vmin.f32 v59, v38;
	v38 =	vmax.f32 v59, v38  }
0x2bf: {  	v44 =	vmin.f32 v36, v42;
	v35 =	vsub.f32 v41, v63;
	v36 =	vmax.f32 v36, v42  }
0x2c0: {  	v41 =	vmax.f32 v30, v60;
	v42 =	vmax.f32 v30, v61;
	v51 =	vmin.f32 v34, v40  }
0x2c1: {  	v46 =	vmax.f32 v34, v40;
	v45 =	vmin.f32 v31, v44;
	v31 =	vmax.f32 v31, v44  }
0x2c2: {  	v44 =	vadd.s32 v16, v26;
	v29 =	vmax.f32 v28, v35;
	v33 =	vmin.f32 v28, v35  }
0x2c3: {  	v63 =	vmax.f32 v43, v45;
	v45 =	vmin.f32 v43, v45;
	v43 =	vmin.f32 v30, v61  }
0x2c4: {  	v62 =	vmin.f32 v32, v33;
	v48 =	vmin.f32 v30, v43;
	v39 =	vmax.f32 v38, v45  }
0x2c5: {  	v50 =	vmin.f32 v38, v45;
	v28 =	vmax.f32 v36, v62;
	v36 =	vmin.f32 v36, v62  }
0x2c6: {  	v45 =	vmax.f32 v41, v51;
	v49 =	vmin.f32 v30, v48;
	v47 =	vmin.f32 v31, v36  }
0x2c7: {  	v37 =	vmovc v30;
	v31 =	vmax.f32 v31, v36;
	v36 =	vmin.f32 v63, v47;
	v34 =	vmax.f32 v63, v47  }
0x2c8: {  	s11 =	simm.s32 $0x3D;
	v38 =	vmovc v30;
	v47 =	vmin.f32 v41, v51;
	v41 =	vmax.f32 v46, v50;
	v40 =	vmin.f32 v39, v36  }
.LBB2_15:
0x2c9: {  	p0 =	sne.s32 s11, $0x1;
	s11 =	sadd.s32 $0xFFFFFFFF, s11;
	v30 =	vmax.f32 v30, v48;
	v38 =	vmax.f32 v38, v49;
	v46 =	vmin.f32 v46, v50  }
0x2ca: {  	v37 =	vmax.f32 v37, v43;
	v43 =	vmin.f32 v42, v47;
	v48 =	vmin.f32 v41, v40  }
0x2cb: {  	v49 =	vmax.f32 v37, v43;
	v37 =	vmin.f32 v37, v43;
	v43 =	vmax.f32 v45, v46;
	v44 =	vld.idx.msk [tilespmem:v44+s2+$0x0], $0xffff  }
0x2cc: {  	v42 =	vmax.f32 v42, v47;
	v45 =	vmin.f32 v45, v46;
	v47 =	vmax.f32 v30, v37  }
0x2cd: {  	v30 =	vmin.f32 v30, v37;
	v37 =	vmax.f32 v42, v45;
	v46 =	vmin.f32 v43, v48  }
0x2ce: {  	v42 =	vmin.f32 v42, v45;
	v45 =	vmax.f32 v37, v46;
	v37 =	vmin.f32 v37, v46  }
0x2cf: {  	v46 =	vld.idx.msk [tilespmem:v27+s2+$0x0], $0xffff;
	v27 =	vmax.f32 v38, v30;
	v30 =	vmax.f32 v49, v42;
	v38 =	vmin.f32 v49, v42  }
0x2d0: {  	v42 =	vmax.f32 v47, v38;
	v38 =	vmin.f32 v47, v38;
	v47 =	vmin.f32 v30, v37  }
0x2d1: {  	v43 =	vmax.f32 v43, v48;
	v35 =	vadd.f32 v44, v35;
	v27 =	vmax.f32 v27, v38  }
0x2d2: {  	v37 =	vmax.f32 v30, v37;
	v30 =	vmax.f32 v42, v47;
	v38 =	vmin.f32 v42, v47  }
0x2d3: {  	v40 =	vmax.f32 v41, v40;
	v35 =	vsub.f32 v35, v23;
	v38 =	vmax.f32 v27, v38;
	v42 =	vld.idx.msk [tilespmem:v25+s2+$0x0], $0xffff  }
0x2d4: {  	v26 =	vadd.s32 $0x4, v26;
	v32 =	vmax.f32 v32, v33;
	v33 =	vmax.f32 v39, v36;
	v23 =	vmovc v44  }
0x2d5: {  	v36 =	vadd.s32 v22, v26;
	v39 =	vmin.f32 v29, v35;
	v41 =	vadd.f32 v35, v46  }
0x2d6: {  	v27 =	vadd.s32 v17, v26;
	v25 =	vadd.s32 v19, v26;
	v44 =	vmin.f32 v32, v39  }
0x2d7: {  	v32 =	vmax.f32 v32, v39;
	v39 =	vmin.f32 v28, v44;
	v41 =	vsub.f32 v41, v21;
	v47 =	vld.idx.msk [tilespmem:v24+s2+$0x0], $0xffff  }
0x2d8: {  	v29 =	vmax.f32 v29, v35;
	v21 =	vmovc v46;
	v35 =	vmax.f32 v31, v39;
	v31 =	vmin.f32 v31, v39  }
0x2d9: {  	v24 =	vmovc v36;
	v39 =	vmin.f32 v34, v31;
	v46 =	vmin.f32 v29, v41;
	v48 =	vadd.f32 v41, v42  }
0x2da: {  	v28 =	vmax.f32 v28, v44;
	v31 =	vmax.f32 v34, v31;
	v34 =	vmin.f32 v32, v46  }
0x2db: {  	v32 =	vmax.f32 v32, v46;
	v36 =	vmin.f32 v28, v34;
	v44 =	vsub.f32 v48, v20;
	v20 =	vmovc v42  }
0x2dc: {  	v29 =	vmax.f32 v29, v41;
	v41 =	vmax.f32 v35, v36;
	v36 =	vmin.f32 v35, v36  }
0x2dd: {  	v46 =	vmax.f32 v33, v39;
	v42 =	vmin.f32 v29, v44;
	v35 =	vadd.f32 v44, v47  }
0x2de: {  	v28 =	vmax.f32 v28, v34;
	v34 =	vmax.f32 v31, v36;
	v48 =	vmin.f32 v32, v42  }
0x2df: {  	v39 =	vmin.f32 v33, v39;
	v49 =	vmin.f32 v28, v48;
	v35 =	vsub.f32 v35, v18;
	v18 =	vmovc v47  }
0x2e0: {  	v33 =	vmax.f32 v29, v44;
	v47 =	vmin.f32 v40, v39;
	v44 =	vmin.f32 v41, v49  }
0x2e1: {  	v32 =	vmax.f32 v32, v42;
	v29 =	vmax.f32 v33, v35;
	v33 =	vmin.f32 v33, v35  }
0x2e2: {  	v42 =	vmax.f32 v28, v48;
	v50 =	vmin.f32 v43, v47;
	v48 =	vmin.f32 v32, v33  }
0x2e3: {  	v41 =	vmax.f32 v41, v49;
	v28 =	vmax.f32 v42, v48;
	v42 =	vmin.f32 v42, v48  }
0x2e4: {  	v47 =	vmax.f32 v43, v47;
	v48 =	vmax.f32 v34, v44;
	v49 =	vmin.f32 v41, v42  }
0x2e5: {  	v43 =	vmin.f32 v31, v36;
	v31 =	vmax.f32 v41, v42;
	v36 =	vmin.f32 v48, v49  }
0x2e6: {  	v39 =	vmax.f32 v40, v39;
	v40 =	vmin.f32 v46, v43;
	v42 =	vmax.f32 v45, v50  }
.Ltmp6:
0x2e7: {  	v52 =	vmin.f32 v34, v44;
	v51 =	vmin.f32 v39, v40;
	v41 =	vmax.f32 v46, v43;
	(pc) =	sbr.rel @p0 .LBB2_15-.Ltmp6, $4  }
0x2e8: {  	v43 =	vmin.f32 v45, v50;
	v46 =	vmax.f32 v39, v40;
	v34 =	vmax.f32 v48, v49  }
0x2e9: {  	v44 =	vadd.s32 v16, v26;
	v48 =	vmin.f32 v37, v43;
	v39 =	vmax.f32 v41, v52  }
0x2ea: {  	v50 =	vmin.f32 v41, v52;
	v49 =	vmin.f32 v30, v48;
	v40 =	vmin.f32 v39, v36  }
0x2eb: {  	v45 =	vmax.f32 v47, v51;
	v47 =	vmin.f32 v47, v51;
	v41 =	vmax.f32 v46, v50  }
0x2ec: {  	_ =	sdelay $0x1  }
0x2ed: {  	v16 =	vmax.f32 v30, v48;
	v17 =	vmax.f32 v38, v49  }
0x2ee: {  	v19 =	vmin.f32 v46, v50;
	v22 =	vmax.f32 v37, v43;
	v26 =	vmin.f32 v42, v47  }
0x2ef: {  	v30 =	vmin.f32 v41, v40;
	v54 =	vld.idx.msk [tilespmem:v44+s2+$0x0], $0xffff;
	v56 =	vmax.f32 v42, v47;
	v55 =	vmax.f32 v22, v26  }
0x2f0: {  	v22 =	vmin.f32 v22, v26;
	v26 =	vmax.f32 v45, v19;
	v19 =	vmin.f32 v45, v19  }
0x2f1: {  	v32 =	vmax.f32 v32, v33;
	v57 =	vmax.f32 v16, v22;
	v58 =	vmax.f32 v56, v19  }
0x2f2: {  	v59 =	vmin.f32 v26, v30;
	v16 =	vmin.f32 v16, v22;
	v19 =	vmin.f32 v56, v19  }
0x2f3: {  	v26 =	vmax.f32 v26, v30;
	v30 =	vmax.f32 v41, v40;
	v60 =	vmin.f32 v58, v59  }
0x2f4: {  	v27 =	vld.idx.msk [tilespmem:v27+s2+$0x0], $0xffff;
	v16 =	vmax.f32 v17, v16;
	v17 =	vmin.f32 v55, v19;
	v35 =	vadd.f32 v54, v35  }
0x2f5: {  	v19 =	vmax.f32 v55, v19;
	v61 =	vmin.f32 v57, v17;
	v17 =	vmax.f32 v57, v17  }
0x2f6: {  	v62 =	vmin.f32 v19, v60;
	v63 =	vmax.f32 v19, v60;
	v19 =	vsub.f32 v35, v23  }
0x2f7: {  	v16 =	vmax.f32 v16, v61;
	v23 =	vmax.f32 v17, v62;
	v17 =	vmin.f32 v17, v62  }
0x2f8: {  	v25 =	vld.idx.msk [tilespmem:v25+s2+$0x0], $0xffff;
	v22 =	vmax.f32 v58, v59;
	v44 =	vmax.f32 v16, v17;
	v43 =	vmin.f32 v29, v19  }
0x2f9: {  	v16 =	vmax.f32 v39, v36;
	v27 =	vadd.f32 v19, v27;
	v17 =	vmin.f32 v32, v43  }
0x2fa: {  	v19 =	vmax.f32 v29, v19;
	v32 =	vmax.f32 v32, v43;
	v45 =	vmin.f32 v28, v17  }
0x2fb: {  	v43 =	vimm.s32 $0x4;
	v21 =	vsub.f32 v27, v21;
	v29 =	vmin.f32 v31, v45  }
0x2fc: {  	v24 =	vld.idx.msk [tilespmem:v24+s2+$0x0], $0xffff;
	v17 =	vmax.f32 v28, v17;
	v27 =	vmax.f32 v31, v45;
	v31 =	vmin.f32 v34, v29  }
0x2fd: {  	v46 =	vmin.f32 v19, v21;
	v25 =	vadd.f32 v21, v25;
	v28 =	vmax.f32 v34, v29  }
0x2fe: {  	v19 =	vmax.f32 v19, v21;
	v29 =	vmin.f32 v32, v46;
	v32 =	vmax.f32 v32, v46  }
0x2ff: {  	v47 =	vmin.f32 v17, v29;
	v20 =	vsub.f32 v25, v20;
	v17 =	vmax.f32 v17, v29  }
0x300: {  	v21 =	vmax.f32 v27, v47;
	v25 =	vmin.f32 v27, v47;
	v27 =	vmax.f32 v16, v31  }
0x301: {  	v31 =	vmin.f32 v16, v31;
	v48 =	vmin.f32 v19, v20;
	v24 =	vadd.f32 v20, v24  }
0x302: {  	v29 =	vmax.f32 v28, v25;
	v19 =	vmax.f32 v19, v20;
	v25 =	vmin.f32 v28, v25  }
0x303: {  	v28 =	vor.u32 $0x7000, v0;
	v49 =	vmin.f32 v32, v48;
	v32 =	vmax.f32 v32, v48  }
0x304: {  	v54 =	vadd.s32 v28, v43;
	v50 =	vmin.f32 v17, v49;
	v18 =	vsub.f32 v24, v18  }
0x305: {  	v24 =	vmin.f32 v30, v31;
	v20 =	vmin.f32 v21, v50;
	v21 =	vmax.f32 v21, v50  }
0x306: {  	v16 =	vmax.f32 v19, v18;
	v37 =	vmin.f32 v19, v18;
	v19 =	vmin.f32 v26, v24  }
0x307: {  	v18 =	vmax.f32 v17, v49;
	v24 =	vmax.f32 v26, v24;
	v26 =	vmax.f32 v29, v20  }
0x308: {  	v20 =	vmin.f32 v29, v20;
	v29 =	vor.u32 $0x7001, v0;
	v33 =	vmin.f32 v32, v37  }
0x309: {  	v60 =	vadd.s32 v29, v43;
	v17 =	vmax.f32 v18, v33;
	v18 =	vmin.f32 v18, v33  }
0x30a: {  	v33 =	vmin.f32 v21, v18;
	v18 =	vmax.f32 v21, v18;
	v21 =	vmax.f32 v30, v31  }
0x30b: {  	v31 =	vmax.f32 v22, v19;
	v30 =	vmin.f32 v27, v25;
	v25 =	vmax.f32 v27, v25  }
0x30c: {  	v22 =	vmin.f32 v22, v19;
	v36 =	vmin.f32 v26, v33;
	v27 =	vmin.f32 v21, v30  }
0x30d: {  	v21 =	vmax.f32 v21, v30;
	v19 =	vmax.f32 v26, v33;
	v30 =	vor.u32 $0x7002, v0  }
0x30e: {  	v26 =	vmin.f32 v63, v22;
	v39 =	vmax.f32 v25, v20;
	v20 =	vmin.f32 v25, v20  }
0x30f: {  	v41 =	vld.idx.msk [tilespmem:v28+s2+$0x0], $0xffff;
	v33 =	vor.u32 $0x7003, v0;
	v22 =	vmax.f32 v63, v22;
	v51 =	vmin.f32 v23, v26  }
0x310: {  	v25 =	vmin.f32 v39, v36;
	v52 =	vmax.f32 v24, v27;
	v24 =	vmin.f32 v24, v27;
	v42 =	vld.idx.msk [tilespmem:v29+s2+$0x0], $0xffff  }
0x311: {  	v27 =	vmax.f32 v21, v20;
	v23 =	vmax.f32 v23, v26;
	v20 =	vmin.f32 v21, v20  }
0x312: {  	v63 =	vadd.s32 v30, v43;
	v26 =	vmax.f32 v44, v51;
	v53 =	vmin.f32 v31, v24;
	v44 =	vld.idx.msk [tilespmem:v30+s2+$0x0], $0xffff  }
0x313: {  	v21 =	vmin.f32 v27, v25;
	v24 =	vmax.f32 v31, v24;
	v31 =	vmin.f32 v52, v20  }
0x314: {  	v55 =	vmax.f32 v52, v20;
	v25 =	vmax.f32 v27, v25;
	v27 =	vmax.f32 v32, v37;
	v46 =	vld.idx.msk [tilespmem:v33+s2+$0x0], $0xffff  }
0x315: {  	v38 =	vmax.f32 v22, v53;
	v22 =	vmin.f32 v22, v53;
	v59 =	vadd.f32 v42, v41  }
0x316: {  	v35 =	vld.idx.msk [tilespmem:v54+s2+$0x0], $0xffff;
	v57 =	vmax.f32 v24, v31;
	v58 =	vmin.f32 v55, v21;
	v56 =	vmax.f32 v23, v22  }
0x317: {  	v22 =	vmin.f32 v23, v22;
	v23 =	vmin.f32 v24, v31;
	v61 =	vadd.f32 v44, v59  }
0x318: {  	v53 =	vadd.s32 v33, v43;
	v31 =	vmin.f32 v57, v58;
	v24 =	vmin.f32 v38, v23  }
0x319: {  	v22 =	vmax.f32 v26, v22;
	v23 =	vmax.f32 v38, v23;
	v62 =	vadd.f32 v46, v61  }
0x31a: {  	v34 =	vld.idx.msk [tilespmem:v60+s2+$0x0], $0xffff;
	v38 =	vadd.s32 $0x4, v43;
	v26 =	vmax.f32 v56, v24;
	v24 =	vmin.f32 v56, v24  }
0x31b: {  	v51 =	vmin.f32 v23, v31;
	v23 =	vmax.f32 v23, v31;
	v31 =	vadd.f32 v35, v62  }
0x31c: {  	v20 =	vmax.f32 v57, v58;
	v37 =	vadd.s32 v30, v38;
	v52 =	vmax.f32 v22, v24  }
0x31d: {  	v24 =	vmax.f32 v55, v21;
	v21 =	vmin.f32 v26, v51;
	v41 =	vsub.f32 v31, v41  }
0x31e: {  	v22 =	vmax.f32 v26, v51;
	v26 =	vmax.f32 v39, v36;
	v36 =	vadd.s32 v33, v38  }
0x31f: {  	v32 =	vld.idx.msk [tilespmem:v63+s2+$0x0], $0xffff;
	v50 =	vmin.f32 v62, $-Inf;
	v31 =	vmin.f32 v62, v41;
	v54 =	vadd.f32 v41, v34  }
0x320: {  	v39 =	vadd.s32 v29, v38;
	v21 =	vmax.f32 v52, v21;
	v55 =	vmin.f32 v50, v31  }
0x321: {  	v40 =	vmax.f32 v62, v41;
	v57 =	vmin.f32 v50, v55;
	v42 =	vsub.f32 v54, v42  }
0x322: {  	v56 =	vmax.f32 v50, v31;
	v47 =	vmax.f32 v50, v55;
	v59 =	vmin.f32 v50, v57  }
0x323: {  	v58 =	vmax.f32 v50, v57;
	v60 =	vmin.f32 v50, v59;
	v61 =	vmin.f32 v40, v42  }
0x324: {  	v31 =	vld.idx.msk [tilespmem:v53+s2+$0x0], $0xffff;
	v51 =	vadd.f32 v42, v32;
	v43 =	vmax.f32 v50, v59;
	v40 =	vmax.f32 v40, v42  }
0x325: {  	v52 =	vmin.f32 v56, v61;
	v48 =	vmax.f32 v56, v61;
	v56 =	vmin.f32 v50, v60  }
0x326: {  	v62 =	vmin.f32 v47, v52;
	v44 =	vsub.f32 v51, v44;
	v51 =	vmax.f32 v50, v60  }
0x327: {  	v52 =	vmax.f32 v47, v52;
	v60 =	vmin.f32 v50, v56;
	v42 =	vmax.f32 v58, v62  }
0x328: {  	v49 =	vmin.f32 v58, v62;
	v58 =	vmin.f32 v50, v60;
	v59 =	vmax.f32 v50, v60  }
0x329: {  	v63 =	vmin.f32 v40, v44;
	v53 =	vadd.f32 v44, v31;
	v55 =	vmax.f32 v43, v49  }
0x32a: {  	v61 =	vmax.f32 v40, v44;
	v49 =	vmin.f32 v43, v49;
	v54 =	vmin.f32 v48, v63  }
0x32b: {  	v44 =	vmax.f32 v48, v63;
	v57 =	vmin.f32 v52, v54;
	v47 =	vsub.f32 v53, v46  }
0x32c: {  	v62 =	vmax.f32 v52, v54;
	v54 =	vmax.f32 v50, v58;
	v53 =	vmin.f32 v42, v57  }
0x32d: {  	v42 =	vmax.f32 v42, v57;
	v57 =	vmin.f32 v51, v49;
	v49 =	vmax.f32 v51, v49  }
0x32e: {  	v45 =	vmin.f32 v61, v47;
	v46 =	vmax.f32 v55, v53;
	v53 =	vmin.f32 v55, v53  }
0x32f: {  	v40 =	vmax.f32 v61, v47;
	v63 =	vmin.f32 v44, v45;
	v51 =	vmax.f32 v49, v53  }
0x330: {  	v41 =	vmax.f32 v62, v63;
	v48 =	vmin.f32 v62, v63;
	v62 =	vmin.f32 v49, v53  }
0x331: {  	v52 =	vmin.f32 v42, v48;
	v43 =	vmax.f32 v42, v48;
	v42 =	vmax.f32 v50, v56  }
0x332: {  	v56 =	vmin.f32 v50, v58;
	v48 =	vmin.f32 v46, v52;
	v63 =	vmin.f32 v42, v57  }
0x333: {  	v55 =	vmax.f32 v42, v57;
	v57 =	vadd.s32 v28, v38;
	v60 =	vmin.f32 v50, v56  }
0x334: {  	v49 =	vmovc v50;
	v46 =	vmax.f32 v46, v52;
	v61 =	vmin.f32 v50, v60;
	v52 =	vmin.f32 v51, v48  }
0x335: {  	s11 =	simm.s32 $0x3D;
	v58 =	vmax.f32 v59, v63;
	v59 =	vmin.f32 v59, v63;
	v53 =	vmax.f32 v55, v62;
	v42 =	vmovc v50  }
.LBB2_17:
0x336: {  	p0 =	sne.s32 s11, $0x1;
	s11 =	sadd.s32 $0xFFFFFFFF, s11;
	v50 =	vmax.f32 v50, v60;
	v49 =	vmax.f32 v49, v61;
	v55 =	vmin.f32 v55, v62  }
0x337: {  	v42 =	vmax.f32 v42, v56;
	v56 =	vmin.f32 v54, v59;
	v60 =	vmin.f32 v53, v52  }
0x338: {  	v61 =	vmax.f32 v42, v56;
	v42 =	vmin.f32 v42, v56;
	v56 =	vmax.f32 v58, v55;
	v57 =	vld.idx.msk [tilespmem:v57+s2+$0x0], $0xffff  }
0x339: {  	v54 =	vmax.f32 v54, v59;
	v55 =	vmin.f32 v58, v55;
	v59 =	vmax.f32 v50, v42  }
0x33a: {  	v42 =	vmin.f32 v50, v42;
	v50 =	vmax.f32 v54, v55;
	v58 =	vmin.f32 v56, v60  }
0x33b: {  	v54 =	vmin.f32 v54, v55;
	v55 =	vmax.f32 v50, v58;
	v50 =	vmin.f32 v50, v58  }
0x33c: {  	v58 =	vld.idx.msk [tilespmem:v39+s2+$0x0], $0xffff;
	v39 =	vmax.f32 v49, v42;
	v42 =	vmax.f32 v61, v54;
	v49 =	vmin.f32 v61, v54  }
0x33d: {  	v54 =	vmax.f32 v59, v49;
	v49 =	vmin.f32 v59, v49;
	v59 =	vmin.f32 v42, v50  }
0x33e: {  	v56 =	vmax.f32 v56, v60;
	v47 =	vadd.f32 v57, v47;
	v39 =	vmax.f32 v39, v49  }
0x33f: {  	v42 =	vmax.f32 v42, v50;
	v50 =	vmax.f32 v54, v59;
	v49 =	vmin.f32 v54, v59  }
0x340: {  	v52 =	vmax.f32 v53, v52;
	v47 =	vsub.f32 v47, v35;
	v49 =	vmax.f32 v39, v49;
	v54 =	vld.idx.msk [tilespmem:v37+s2+$0x0], $0xffff  }
0x341: {  	v38 =	vadd.s32 $0x4, v38;
	v44 =	vmax.f32 v44, v45;
	v45 =	vmax.f32 v51, v48;
	v35 =	vmovc v57  }
0x342: {  	v48 =	vadd.s32 v33, v38;
	v51 =	vmin.f32 v40, v47;
	v53 =	vadd.f32 v47, v58  }
0x343: {  	v39 =	vadd.s32 v29, v38;
	v37 =	vadd.s32 v30, v38;
	v57 =	vmin.f32 v44, v51  }
0x344: {  	v44 =	vmax.f32 v44, v51;
	v51 =	vmin.f32 v41, v57;
	v53 =	vsub.f32 v53, v34;
	v59 =	vld.idx.msk [tilespmem:v36+s2+$0x0], $0xffff  }
0x345: {  	v40 =	vmax.f32 v40, v47;
	v34 =	vmovc v58;
	v47 =	vmax.f32 v43, v51;
	v43 =	vmin.f32 v43, v51  }
0x346: {  	v36 =	vmovc v48;
	v51 =	vmin.f32 v46, v43;
	v58 =	vmin.f32 v40, v53;
	v60 =	vadd.f32 v53, v54  }
0x347: {  	v41 =	vmax.f32 v41, v57;
	v43 =	vmax.f32 v46, v43;
	v46 =	vmin.f32 v44, v58  }
0x348: {  	v44 =	vmax.f32 v44, v58;
	v48 =	vmin.f32 v41, v46;
	v57 =	vsub.f32 v60, v32;
	v32 =	vmovc v54  }
0x349: {  	v40 =	vmax.f32 v40, v53;
	v53 =	vmax.f32 v47, v48;
	v48 =	vmin.f32 v47, v48  }
0x34a: {  	v58 =	vmax.f32 v45, v51;
	v54 =	vmin.f32 v40, v57;
	v47 =	vadd.f32 v57, v59  }
0x34b: {  	v41 =	vmax.f32 v41, v46;
	v46 =	vmax.f32 v43, v48;
	v60 =	vmin.f32 v44, v54  }
0x34c: {  	v51 =	vmin.f32 v45, v51;
	v61 =	vmin.f32 v41, v60;
	v47 =	vsub.f32 v47, v31;
	v31 =	vmovc v59  }
0x34d: {  	v45 =	vmax.f32 v40, v57;
	v59 =	vmin.f32 v52, v51;
	v57 =	vmin.f32 v53, v61  }
0x34e: {  	v44 =	vmax.f32 v44, v54;
	v40 =	vmax.f32 v45, v47;
	v45 =	vmin.f32 v45, v47  }
0x34f: {  	v54 =	vmax.f32 v41, v60;
	v62 =	vmin.f32 v56, v59;
	v60 =	vmin.f32 v44, v45  }
0x350: {  	v53 =	vmax.f32 v53, v61;
	v41 =	vmax.f32 v54, v60;
	v54 =	vmin.f32 v54, v60  }
0x351: {  	v59 =	vmax.f32 v56, v59;
	v60 =	vmax.f32 v46, v57;
	v61 =	vmin.f32 v53, v54  }
0x352: {  	v56 =	vmin.f32 v43, v48;
	v43 =	vmax.f32 v53, v54;
	v48 =	vmin.f32 v60, v61  }
0x353: {  	v51 =	vmax.f32 v52, v51;
	v52 =	vmin.f32 v58, v56;
	v54 =	vmax.f32 v55, v62  }
.Ltmp7:
0x354: {  	v63 =	vmin.f32 v51, v52;
	v53 =	vmax.f32 v58, v56;
	v58 =	vmin.f32 v46, v57;
	(pc) =	sbr.rel @p0 .LBB2_17-.Ltmp7, $4  }
0x355: {  	v56 =	vmin.f32 v55, v62;
	v55 =	vmax.f32 v51, v52;
	v46 =	vmax.f32 v60, v61  }
0x356: {  	v57 =	vadd.s32 v28, v38;
	v60 =	vmin.f32 v42, v56;
	v51 =	vmax.f32 v53, v58  }
0x357: {  	v62 =	vmin.f32 v53, v58;
	v61 =	vmin.f32 v50, v60;
	v52 =	vmin.f32 v51, v48  }
0x358: {  	v58 =	vmax.f32 v59, v63;
	v59 =	vmin.f32 v59, v63;
	v53 =	vmax.f32 v55, v62  }
0x359: {  	_ =	sdelay $0x1  }
0x35a: {  	v28 =	vmax.f32 v50, v60  }
0x35b: {  	v29 =	vmax.f32 v42, v56;
	v33 =	vmin.f32 v54, v59;
	v38 =	vmax.f32 v49, v61  }
0x35c: {  	v30 =	vld.idx.msk [tilespmem:v57+s2+$0x0], $0xffff;
	v61 =	vmin.f32 v55, v62;
	v62 =	vmax.f32 v54, v59;
	v54 =	vmin.f32 v53, v52  }
0x35d: {  	v44 =	vmax.f32 v44, v45;
	v49 =	vmax.f32 v29, v33;
	v29 =	vmin.f32 v29, v33  }
0x35e: {  	v50 =	vmax.f32 v58, v61;
	v42 =	vmin.f32 v58, v61;
	v55 =	vmax.f32 v28, v29  }
0x35f: {  	v28 =	vmin.f32 v28, v29;
	v63 =	vmax.f32 v62, v42;
	v60 =	vmin.f32 v50, v54  }
0x360: {  	v29 =	vld.idx.msk [tilespmem:v39+s2+$0x0], $0xffff;
	v33 =	vmin.f32 v62, v42;
	v42 =	vmax.f32 v63, v60;
	v39 =	vmin.f32 v63, v60  }
0x361: {  	v28 =	vmax.f32 v38, v28;
	v61 =	vmin.f32 v49, v33;
	v30 =	vadd.f32 v30, v47  }
0x362: {  	v33 =	vmax.f32 v49, v33;
	v62 =	vmin.f32 v55, v61;
	v38 =	vmax.f32 v55, v61  }
0x363: {  	v63 =	vmin.f32 v33, v39;
	v33 =	vmax.f32 v33, v39;
	v30 =	vsub.f32 v30, v35  }
0x364: {  	v37 =	vld.idx.msk [tilespmem:v37+s2+$0x0], $0xffff;
	v28 =	vmax.f32 v28, v62;
	v39 =	vmax.f32 v38, v63;
	v38 =	vmin.f32 v38, v63  }
0x365: {  	v47 =	vmax.f32 v53, v52;
	v28 =	vmax.f32 v28, v38;
	v29 =	vadd.f32 v30, v29  }
0x366: {  	v35 =	vmax.f32 v50, v54;
	v50 =	vmax.f32 v51, v48;
	v49 =	vmin.f32 v40, v30  }
0x367: {  	v30 =	vmax.f32 v40, v30;
	v45 =	vmin.f32 v44, v49;
	v29 =	vsub.f32 v29, v34  }
0x368: {  	v34 =	vmax.f32 v44, v49;
	v51 =	vmin.f32 v41, v45;
	v54 =	vmax.f32 v41, v45  }
0x369: {  	v36 =	vld.idx.msk [tilespmem:v36+s2+$0x0], $0xffff;
	v52 =	vmax.f32 v43, v51;
	v53 =	vmin.f32 v43, v51;
	v37 =	vadd.f32 v29, v37  }
0x36a: {  	v55 =	vmin.f32 v30, v29;
	v44 =	vmin.f32 v46, v53;
	v43 =	vmax.f32 v46, v53  }
0x36b: {  	v29 =	vmax.f32 v30, v29;
	v56 =	vmin.f32 v34, v55;
	v34 =	vmax.f32 v34, v55  }
0x36c: {  	v53 =	vld [tilespmem:$0x1FF40];
	v38 =	vmin.f32 v50, v44;
	v32 =	vsub.f32 v37, v32;
	v57 =	vmin.f32 v54, v56  }
0x36d: {  	v59 =	vmax.f32 v54, v56;
	v51 =	vmin.f32 v47, v38;
	v54 =	vld [tilespmem:$0x1FFE0];
	v58 =	vmax.f32 v52, v57  }
0x36e: {  	v56 =	vld [tilespmem:$0x1FF50];
	v37 =	vmin.f32 v52, v57;
	v52 =	vmin.f32 v35, v51;
	v36 =	vadd.f32 v32, v36  }
0x36f: {  	v57 =	vld [tilespmem:$0x1FE80];
	v60 =	vmin.f32 v29, v32;
	v29 =	vmax.f32 v29, v32;
	v55 =	vmax.f32 v43, v37  }
0x370: {  	v37 =	vmin.f32 v43, v37;
	v48 =	vmax.f32 v42, v52;
	v42 =	vmin.f32 v42, v52;
	v52 =	vld [tilespmem:$0x1FF70]  }
0x371: {  	v61 =	vmin.f32 v34, v60;
	v34 =	vmax.f32 v34, v60;
	v60 =	vld [tilespmem:$0x1FF60];
	v31 =	vsub.f32 v36, v31  }
0x372: {  	v36 =	vmax.f32 v50, v44;
	v62 =	vmin.f32 v59, v61;
	v32 =	vmax.f32 v59, v61;
	v61 =	vld [tilespmem:$0x1FE90]  }
0x373: {  	v63 =	vmin.f32 v58, v62;
	v30 =	vmax.f32 v58, v62;
	v58 =	vld [tilespmem:$0x1FF20];
	v59 =	vmin.f32 v36, v37  }
0x374: {  	v36 =	vmax.f32 v36, v37;
	v62 =	vld [tilespmem:$0x1FDC0];
	v41 =	vmax.f32 v29, v31;
	v29 =	vmin.f32 v29, v31  }
0x375: {  	v37 =	vmax.f32 v55, v63;
	v40 =	vmin.f32 v55, v63;
	v63 =	vld [tilespmem:$0x1FE60];
	v50 =	vmin.f32 v34, v29  }
0x376: {  	v55 =	vld [tilespmem:$0x1FD00];
	v44 =	vmax.f32 v32, v50  }
0x377: {  	v31 =	vmin.f32 v32, v50;
	v32 =	vmax.f32 v35, v51;
	v35 =	vadd.f32 v54, v53;
	v53 =	vld [tilespmem:$0x1FEA0]  }
0x378: {  	v54 =	vld [tilespmem:$0x1FDD0]  }
0x379: {  	v50 =	vld [tilespmem:$0x1FDF0]  }
0x37a: {  	v51 =	vld [tilespmem:$0x1FD20]  }
0x37b: {  	v43 =	vmin.f32 v30, v31;
	v30 =	vmax.f32 v30, v31;
	v31 =	vadd.f32 v56, v35;
	v56 =	vld [tilespmem:$0x1FDA0]  }
0x37c: {  	v38 =	vmax.f32 v47, v38;
	v35 =	vadd.f32 v58, v57;
	v58 =	vld [tilespmem:$0x1FFF0]  }
0x37d: {  	v57 =	vmin.f32 v38, v59;
	v38 =	vmax.f32 v38, v59;
	v59 =	vld [tilespmem:$0x1FEB0]  }
0x37e: {  	v46 =	vadd.f32 v63, v62;
	v62 =	vld [tilespmem:$0x1FFC0]  }
0x37f: {  	v63 =	vld [tilespmem:$0x1FF30]  }
0x380: {  	v31 =	vadd.f32 v60, v31;
	v60 =	vld [tilespmem:$0x1FDE0]  }
0x381: {  	v35 =	vadd.f32 v61, v35;
	v61 =	vld [tilespmem:$0x1FD10]  }
0x382: {  	v5 =	vadd.f32 v15, v5;
	v45 =	vadd.f32 v54, v46;
	v54 =	vld [tilespmem:$0x1FE70]  }
0x383: {  	v31 =	vadd.f32 v52, v31;
	v52 =	vld [tilespmem:$0x1FF90]  }
0x384: {  	v5 =	vadd.f32 v6, v5;
	v35 =	vadd.f32 v53, v35;
	v53 =	vld [tilespmem:$0x1FF00]  }
0x385: {  	v16 =	vadd.f32 v27, v16;
	v46 =	vadd.f32 v56, v55;
	v55 =	vld [tilespmem:$0x1FD30]  }
0x386: {  	v4 =	vadd.f32 v4, v5;
	v56 =	vld [tilespmem:$0x1FF80]  }
0x387: {  	v5 =	vadd.f32 v17, v16;
	v31 =	vadd.f32 v58, v31;
	v58 =	vld [tilespmem:$0x1FE40]  }
0x388: {  	v4 =	vadd.f32 v7, v4;
	v35 =	vadd.f32 v59, v35;
	v59 =	vld [tilespmem:$0x1FDB0]  }
0x389: {  	v5 =	vadd.f32 v18, v5;
	v46 =	vadd.f32 v61, v46;
	v61 =	vld [tilespmem:$0x1FFA0]  }
0x38a: {  	v45 =	vadd.f32 v60, v45;
	v60 =	vmin.f32 v33, v42;
	v31 =	vadd.f32 v62, v31;
	v62 =	vld [tilespmem:$0x1FEC0]  }
0x38b: {  	v35 =	vadd.f32 v63, v35;
	v63 =	vmin.f32 v39, v60;
	v39 =	vmax.f32 v39, v60;
	v60 =	vld [tilespmem:$0x1FE20]  }
0x38c: {  	v47 =	vmin.f32 v37, v43;
	v37 =	vmax.f32 v37, v43;
	v43 =	vadd.f32 v50, v45;
	v50 =	vld [tilespmem:$0x1FE30]  }
0x38d: {  	v4 =	vadd.f32 v14, v4;
	v45 =	vadd.f32 v51, v46;
	v46 =	vmax.f32 v36, v40;
	v51 =	vld [tilespmem:$0x1FD60]  }
0x38e: {  	v36 =	vmin.f32 v36, v40;
	v31 =	vadd.f32 v52, v31;
	v52 =	vld [tilespmem:$0x1FE10];
	v40 =	vadd.f32 v54, v43  }
0x38f: {  	v43 =	vadd.f32 v55, v45;
	v45 =	vmax.f32 v32, v57;
	v32 =	vmin.f32 v32, v57;
	v57 =	vld [tilespmem:$0x1FED0]  }
0x390: {  	v5 =	vadd.f32 v19, v5;
	v35 =	vadd.f32 v53, v35;
	v53 =	vld [tilespmem:$0x1FD80]  }
0x391: {  	v4 =	vadd.f32 v13, v4;
	v54 =	vld [tilespmem:$0x1FFB0]  }
0x392: {  	v5 =	vadd.f32 v26, v5;
	v55 =	vld [tilespmem:$0x1FEE0]  }
0x393: {  	v4 =	vadd.f32 v12, v4;
	v31 =	vadd.f32 v56, v31;
	v56 =	vld [tilespmem:$0x1FE00]  }
0x394: {  	v40 =	vadd.f32 v58, v40;
	v58 =	vld [tilespmem:$0x1FFD0];
	v35 =	vadd.f32 v57, v35  }
0x395: {  	v43 =	vadd.f32 v59, v43;
	v59 =	vld [tilespmem:$0x1FEF0];
	v31 =	vadd.f32 v61, v31  }
0x396: {  	v40 =	vadd.f32 v52, v40;
	v52 =	vld [tilespmem:$0x1FC40];
	v35 =	vadd.f32 v62, v35  }
0x397: {  	v5 =	vadd.f32 v25, v5;
	v4 =	vadd.f32 v8, v4;
	v62 =	vld [tilespmem:$0x1FF10]  }
0x398: {  	v31 =	vadd.f32 v54, v31;
	v57 =	vld [tilespmem:$0x1FD50];
	v35 =	vadd.f32 v55, v35  }
0x399: {  	v5 =	vadd.f32 v24, v5;
	v43 =	vadd.f32 v53, v43;
	v53 =	vld [tilespmem:$0x1FCE0]  }
0x39a: {  	v61 =	vld [tilespmem:$0x1FD40];
	v31 =	vadd.f32 v58, v31;
	v35 =	vadd.f32 v59, v35  }
0x39b: {  	v4 =	vadd.f32 v11, v4;
	v33 =	vmax.f32 v33, v42;
	v40 =	vadd.f32 v56, v40;
	v56 =	vld [tilespmem:$0x1FC50]  }
0x39c: {  	v49 =	vmax.f32 v38, v36;
	v54 =	vld [tilespmem:$0x1FE50];
	v31 =	vadd.f32 $0.0e+00, v31;
	v35 =	vadd.f32 v62, v35  }
0x39d: {  	v36 =	vmin.f32 v38, v36;
	v38 =	vadd.f32 v60, v40;
	v43 =	vadd.f32 v57, v43;
	v59 =	vld [tilespmem:$0x1FC60]  }
0x39e: {  	v28 =	vmax.f32 v28, v63;
	v55 =	vld [tilespmem:$0x1FD70];
	v31 =	vadd.f32 v35, v31;
	v35 =	vadd.f32 v53, v52  }
0x39f: {  	v63 =	vmin.f32 v48, v32;
	v38 =	vadd.f32 v50, v38;
	v40 =	vadd.f32 v61, v43;
	v61 =	vld [tilespmem:$0x1FC70]  }
0x3a0: {  	v58 =	vld [tilespmem:$0x1FD90];
	v43 =	vmax.f32 v33, v63;
	v33 =	vmin.f32 v33, v63;
	v35 =	vadd.f32 v56, v35  }
0x3a1: {  	v6 =	vmax.f32 v39, v33;
	v33 =	vmin.f32 v39, v33;
	v39 =	vld [tilespmem:$0x1FCF0];
	v40 =	vadd.f32 v51, v40  }
0x3a2: {  	v5 =	vadd.f32 v20, v5;
	v35 =	vadd.f32 v59, v35  }
0x3a3: {  	v42 =	vld [tilespmem:$0x1FCC0];
	v60 =	vmax.f32 v34, v29;
	v38 =	vadd.f32 v54, v38;
	v40 =	vadd.f32 v55, v40  }
0x3a4: {  	v62 =	vadd.f32 v60, v41;
	v29 =	vadd.f32 v61, v35  }
0x3a5: {  	v32 =	vmax.f32 v48, v32;
	v48 =	vld [tilespmem:$0x1FC90];
	v31 =	vadd.f32 v38, v31;
	v38 =	vadd.f32 v58, v40  }
0x3a6: {  	v40 =	vadd.f32 v44, v62;
	v29 =	vadd.f32 v39, v29  }
0x3a7: {  	v4 =	vadd.f32 v10, v4;
	v5 =	vadd.f32 v23, v5;
	v52 =	vld [tilespmem:$0x1FC80]  }
0x3a8: {  	v7 =	vadd.f32 v30, v40;
	v18 =	vadd.f32 v42, v29  }
0x3a9: {  	v4 =	vadd.f32 v9, v4;
	v5 =	vadd.f32 v22, v5;
	v54 =	vld [tilespmem:$0x1FCA0]  }
0x3aa: {  	v7 =	vadd.f32 v37, v7;
	v18 =	vadd.f32 v48, v18  }
0x3ab: {  	v57 =	vmax.f32 v45, v36;
	v36 =	vmin.f32 v45, v36;
	v51 =	vmax.f32 v46, v47;
	v56 =	vld [tilespmem:$0x1FCB0]  }
0x3ac: {  	v41 =	vmin.f32 v46, v47;
	v7 =	vadd.f32 v51, v7;
	v18 =	vadd.f32 v52, v18  }
0x3ad: {  	v63 =	vmax.f32 v32, v36;
	v16 =	vmax.f32 v49, v41;
	v53 =	vmax.f32 v28, v33;
	v59 =	vld [tilespmem:$0x1FCD0]  }
0x3ae: {  	v44 =	vmin.f32 v49, v41;
	v7 =	vadd.f32 v16, v7;
	v18 =	vadd.f32 v54, v18  }
0x3af: {  	v45 =	vmin.f32 v57, v44;
	v55 =	vmax.f32 v57, v44;
	v31 =	vadd.f32 v38, v31  }
0x3b0: {  	v38 =	vmin.f32 v32, v36;
	v7 =	vadd.f32 v55, v7;
	v14 =	vadd.f32 v56, v18  }
0x3b1: {  	v50 =	vmax.f32 v63, v45;
	v17 =	vmin.f32 v63, v45;
	v57 =	vmax.f32 v43, v38  }
0x3b2: {  	v58 =	vmin.f32 v43, v38;
	v7 =	vadd.f32 v50, v7;
	v8 =	vadd.f32 v59, v14  }
0x3b3: {  	v60 =	vmax.f32 v6, v58;
	v6 =	vmin.f32 v6, v58;
	v61 =	vmax.f32 v57, v17  }
0x3b4: {  	v11 =	vmin.f32 v57, v17;
	v7 =	vadd.f32 v61, v7;
	v8 =	vadd.f32 v8, v31  }
0x3b5: {  	v5 =	vadd.f32 v21, v5;
	v6 =	vmax.f32 v53, v6;
	v62 =	vmax.f32 v60, v11  }
0x3b6: {  	s11 =	sshll.u32 s10, $0x4;
	s10 =	sadd.s32 $0x1, s10;
	v63 =	vmin.f32 v60, v11;
	v7 =	vadd.f32 v62, v7;
	v4 =	vadd.f32 v4, v8  }
0x3b7: {  	p0 =	sne.s32 s10, $0x9;
	v6 =	vmax.f32 v6, v63  }
.Ltmp8:
0x3b8: {  	v4 =	vadd.f32 v5, v4;
	v5 =	vadd.f32 v6, v7;
	(pc) =	sbr.rel @p0 .LBB2_2-.Ltmp8, $4  }
0x3b9: {  	_ = 	snop  }
0x3ba: {  	v4 =	vadd.f32 v5, v4  }
0x3bb: {  	s11 =	sand.u32 $0x3FFFFFF0, s11  }
0x3bc: {  	[tilespmem:s11+$0x8000] =	vst v4  }
0x3bd: {  	s9 =	sadd.s32 $0x1, s9  }
0x3be: {  	p0 =	sne.s32 s9, s6  }
.Ltmp9:
0x3bf: {  	_ = 	snop;
	(pc) =	sbr.rel @p0 .LBB2_1-.Ltmp9, $4  }
0x3c0: {  	[hbm4b:s5+s2] =	stream.linear.scatter [tilespmem:s8], [sflag:$0x1], $0x90, $0x38;
	[tilespmem:$0x8090] =	vst v63  }
0x3c1: {  	_ =	swait.ge [sflag:s7], $0x90  }
0x3c2: {  	[sflag:s7] =	ssyncset.done $0x0  }
0x3c3: {  	[sflag:s7] =	ssyncadd.s32 $0xFFFFFF70  }
0x3c4: {  	_ =	sfence.sel $0x180000  }
0x3c5: {  	[bflag:$0x0] =	sbarrier.arrive $0xFFFF  }
0x3c6: {  	p0 =	sne.s32 s1, $0x0;
	_ =	strace $0x9000004A  }
0x3c7: {  	s0 =	sadd.s32 @!p0 $0x100000, s0;
	[bflag:$0x2] =	sbarrier.arrive $0xFFFF  }
0x3c8: {  	[sflag:s0] =	ssyncadd.tile.s32 @!p0 $0x1;
	_ =	shalt  }
.Lfunc_end2:
_tile_overlayer_lowered:
.L_overlay_start_2:
0x3c9: {  	(tag) =	ssettag $0x2  }
0x3ca: {  	s0 =	rddreg [dreg:$0x0];
	s2 =	stileid.u32  }
0x3cb: {  	s1 =	rddreg [dreg:$0x1];
	p0 =	sne.s32 s2, $0x0  }
0x3cc: {  	s3 =	rddreg [dreg:$0x2];
	[bflag:$0x3] =	sbarrier.arrive $0xFFFF;
	s2 =	simm.s32 @!p0 $0x1C01  }
0x3cd: {  	[timem:s3], [sflag:s2] =	dma.local @!p0 [hbm:s0], s1  }
0x3ce: {  	s0 =	simm.s32 @!p0 $0x1  }
0x3cf: {  	_ =	swait.ge @!p0 [sflag:s0], s1  }
0x3d0: {  	s1 =	ssub.s32 @!p0 $0x0, s1;
	[sflag:s0] =	ssyncset.done @!p0 $0x0  }
0x3d1: {  	[sflag:s0] =	ssyncadd.s32 @!p0 s1  }
0x3d2: {  	[bflag:$0x3] =	sbarrier.arrive $0xFFFF  }
0x3d3: {  	_ =	shalt  }

// kernel: sparse-core-data-format-call.cloned.1.call-start
scs
called_computation_lowered:
.L_overlay_start_0:
0x0: {  	s1 =	sld [smem:$0x3FD9]  }
0x1: {  	s2 =	sld [smem:$0x3FFE];
	_ =	sdelay $0x1  }
0x2: {  	s3 =	srdreg.scid  }
0x3: {  	s0 =	sand.u32 $0x1, s3  }
0x4: {  	s17 =	sshll.u32 s0, $0xA;
	s1 =	sadd.s32 s2, s1  }
0x5: {  	s1 =	sadd.s32 s1, s17  }
0x6: {  	[smem:$0x3FC7] =	sst s1  }
0x7: {  	_ = 	snop  }
0x8: {  	(tm) =	ssettm $0x1  }
0x9: {  	s18 =	sld [smem:$0x3FFB];
	_ =	sdelay $0x3  }
0xa: {  	_ =	strace s18  }
0xb: {  	s1 =	sld [smem:$0x3FFC];
	_ =	sdelay $0x3  }
0xc: {  	_ =	strace s1  }
0xd: {  	s1 =	sld [smem:$0x3FFD];
	_ =	sdelay $0x3  }
0xe: {  	_ =	strace s1  }
0xf: {  	_ =	strace $0x8FFFFFFF  }
0x10: {  	s19 =	sld [smem:$0x3FDB];
	_ =	sdelay $0x1  }
0x11: {  	s20 =	simm.s32 $_scs_section_size  }
0x12: {  	s4 =	simm.s32 $_size__tile_overlayer_lowered;
	s5 =	simm.s32 $_tile_overlayer_lowered  }
0x13: {  	s23 =	simm.s32 $0x1BFF;
	s22 =	sshll.u32 s5, $0x1;
	s1 =	sadd.s32 s20, s19  }
0x14: {  	s6 =	simm.s32 $0x0;
	s21 =	sshll.u32 s4, $0x1;
	s4 =	sadd.s32 s22, s1  }
0x15: {  	[timem:s6], [sflag:s23] =	dma.local [hbm:s4], s21  }
0x16: {  	_ =	swait.ge [sflag:s23], s21  }
0x17: {  	s2 =	ssub.s32 $0x0, s21;
	[sflag:s23] =	ssyncset.done $0x0  }
0x18: {  	[sflag:s23] =	ssyncadd.s32 s2;
	_ =	sdelay $0x1  }
0x19: {  	s24 =	simm.s32 $0x1B8B  }
0x1a: {  	_ =	swait.ge [sflag:s24], $0x1  }
0x1b: {  	[sflag:s24] =	ssyncset.done $0x0  }
0x1c: {  	s26 =	simm.s32 $0x1B8E;
	s25 =	sld [smem:$0x3FFE];
	[sflag:s24] =	ssyncadd.s32 $0xFFFFFFFF  }
0x1d: {  	s27 =	simm.s32 $execute0_lowered;
	[smem:$0x3FD2] =	sst s26  }
0x1e: {  	s4 =	sshll.u32 s27, $0x1;
	_ =	strace $0x80000046;
	[dreg:$0x1] =	wrdreg $0xFFFFFFFF  }
0x1f: {  	s28 =	simm.s32 $_size_execute0_lowered;
	s1 =	sadd.s32 s1, s4;
	[dreg:$0x0] =	wrdreg $0x0  }
0x20: {  	s4 =	sshll.u32 s28, $0x1;
	[dreg:$0x2] =	wrdreg s1  }
0x21: {  	[dreg:$0x3] =	wrdreg s4  }
0x22: {  	[dreg:$0x4] =	wrdreg $0xC0  }
0x23: {  	_ =	task [dreg:s6], $0x5FFFF  }
0x24: {  	[dreg:$0x1] =	wrdreg $0xFFFFFFFF  }
0x25: {  	[dreg:$0x0] =	wrdreg $0x60  }
0x26: {  	[dreg:$0x2] =	wrdreg s25  }
0x27: {  	[dreg:$0x3] =	wrdreg $0x9  }
0x28: {  	_ =	task.clear_ibuf [dreg:s6], $0x4FFFF;
	_ =	strace $0x90000046  }
0x29: {  	s29 =	simm.s32 $0x9;
	_ =	strace $0x80000048  }
0x2a: {  	_ =	swait.ge [sflag:s29], $0x1  }
0x2b: {  	[sflag:s29] =	ssyncadd.s32 $0xFFFFFFFF  }
0x2c: {  	_ =	strace $0x90000048  }
0x2d: {  	_ =	sfence  }
0x2e: {  	s30 =	sld [smem:$0x0];
	_ =	sdelay $0x2  }
0x2f: {  	s31 =	sshll.u32 s3, $0xD;
	s3 =	sshrl.u32 s3, $0x2  }
0x30: {  	s2 =	sand.u32 $0x4000, s31;
	s1 =	sadd.s32 s3, s30  }
0x31: {  	s0 =	sor.u32 s2, s0;
	s1 =	sshll.u32 s1, $0x11  }
0x32: {  	s0 =	sor.u32 s1, s0  }
0x33: {  	s0 =	sadd.s32 $0x8F2B, s0  }
0x34: {  	[sflag:s0] =	ssyncadd.remote.s32 $0x1  }
0x35: {  	_ =	sfence.sel $0xFFFF  }
0x36: {  	[dreg:$0x0] =	wrdreg $0xFFFFFFFF;
	(pc) =	sbr.abs _section_cstart, $3  }
0x37: {  	[dreg:$0x1] =	wrdreg $0xFFFFFFFF  }
0x38: {  	_ =	task.clear_ibuf [dreg:s6], $0x2FFFF;
	_ =	strace $0x9FFFFFFF  }
0x39: {  	(tm) =	ssettm $0x7FFFFFFF  }
tec
execute0_lowered:
.L_overlay_start_1:
0x0: {  	(tag) =	ssettag $0x1  }
0x1: {  	s0 =	srdreg.scid  }
0x2: {  	s1 =	sshll.u32 s0, $0x4  }
0x3: {  	s0 =	stileid.u32;
	s1 =	sand.u32 $0x10, s1  }
0x4: {  	s2 =	rddreg [dreg:$0x0];
	s7 =	simm.s32 $0x1;
	s1 =	sor.u32 s0, s1  }
0x5: {  	s8 =	simm.s32 $0x2;
	s9 =	simm.s32 $0x0;
	s3 =	sshll.u32 s1, $0x3  }
0x6: {  	s12 =	simm.s32 $0x0;
	s11 =	simm.s32 $0x0;
	s6 =	ssub.s32 $0x1200, s3  }
.Ltmp0:
0x7: {  	s4 =	sadd.s32 $0x120000, s2;
	s5 =	sand.u32 $0xF8, s6;
	(pc) =	sbr.rel .LBB1_1-.Ltmp0, $4  }
0x8: {  	s1 =	rddreg [dreg:$0x1];
	_ =	strace $0x80000047;
	p0 =	sne.s32 s5, $0x0  }
0x9: {  	s6 =	sshrl.u32 s6, $0x8;
	s5 =	simm.s32 $0x1;
	s7 =	simm.s32 @!p0 $0x0  }
0xa: {  	s10 =	smov.u32 s3;
	[sflag:s5] =	ssyncpa.u1 $0x0;
	s6 =	sadd.s32 s7, s6  }
0xb: {  	[sflag:s8] =	ssyncpa.u1 $0x0;
	s8 =	simm.s32 $0x0;
	s7 =	sadd.s32 $0x1, s6  }
.LBB1_9:
0xc: {  	s14 =	sadd.s32 $0x100, s10  }
0xd: {  	p1 =	sgt.s32 s14, $0x11FF  }
0xe: {  	s14 =	smov.u32 @p1 s3;
	p1 =	sne.s32 s11, s7  }
.Ltmp1:
0xf: {  	p0 =	slt.u32 s11, $0x2;
	(pc) =	sbr.rel @!p1 .LBB1_10-.Ltmp1, $4  }
0x10: {  	s13 =	simm.s32 @!p0 $0x2  }
0x11: {  	s15 =	sadd.s32 $0x1, s11;
	_ =	swait.ge @!p0 [sflag:s13], $0x4000  }
0x12: {  	s12 =	smov.u32 s10;
	s9 =	sadd.s32 $0x4000, s9;
	[sflag:s13] =	ssyncset.done @!p0 $0x0  }
0x13: {  	s11 =	smov.u32 s15;
	s10 =	smov.u32 s14;
	[sflag:s13] =	ssyncadd.s32 @!p0 $0xFFFFC000  }
.LBB1_1:
0x14: {  	p0 =	sge.u32 s11, s6  }
0x15: {  	s13 =	sxor.u32 @!p0 $0xFFFFFFFF, s11  }
0x16: {  	s31 =	sadd.s32 $0xFFFFFFFF, s11;
	s14 =	sshll.u32 @!p0 s10, $0x8;
	s13 =	sshll.u32 @!p0 s13, $0xE  }
0x17: {  	s15 =	simm.s32 @!p0 $0x0;
	s14 =	sadd.s32 @!p0 s2, s14;
	s13 =	sand.u32 @!p0 $0x4000, s13  }
0x18: {  	[tilespmem:s13], [sflag:$0x1] =	stream.linear.gather @!p0 [hbm4b:s14+s15], $0x4000, $0x38;
	[tilespmem:$0x10000] =	vst v63  }
0x19: {  	p0 =	sge.u32 s31, s6  }
.Ltmp2:
0x1a: {  	_ = 	snop;
	(pc) =	sbr.rel @p0 .LBB1_9-.Ltmp2, $1  }
0x1b: {  	_ =	sdelay $0x3  }
0x1c: {  	s13 =	sshll.u32 s9, $0x2;
	_ =	swait.ge [sflag:s5], $0x4000;
	s14 =	sshll.u32 s11, $0xE  }
0x1d: {  	s16 =	simm.s32 $0x0;
	s17 =	simm.s32 $0x0;
	s15 =	sand.u32 $0x10000, s13  }
0x1e: {  	[sflag:s5] =	ssyncset.done $0x0;
	s31 =	sand.u32 $0x4000, s14;
	s14 =	sshrl.u32 s15, $0x2  }
0x1f: {  	[sflag:s5] =	ssyncadd.s32 $0xFFFFC000;
	s13 =	sor.u32 $0x8000, s31;
	s15 =	sor.u32 $0x8000, s14  }
.LBB1_3:
0x20: {  	s18 =	sshra.s32 s16, $0x2  }
0x21: {  	v0 =	vmov s18;
	_ =	sdelay $0x3  }
0x22: {  	p1 =	por $0x1, $0x1;
	s18 =	simm.s32 $0x0  }
.LBB1_4:
0x23: {  	_ = 	snop  }
0x24: {  	s19 =	sshll.u32 s18, $0xA  }
0x25: {  	s19 =	sand.u32 $0x3FFFFC00, s19  }
0x26: {  	s19 =	sadd.s32 s19, s14  }
0x27: {  	v5 =	vld.idx.msk [tilespmem:v0+s19+$0x70 ss:$0x1], $0xffff  }
0x28: {  	v6 =	vld.idx.msk [tilespmem:v0+s19+$0x10 ss:$0x1], $0xffff  }
0x29: {  	v7 =	vld.idx.msk [tilespmem:v0+s19+$0x20 ss:$0x1], $0xffff  }
0x2a: {  	s31 =	sshll.u32 s18, $0x7;
	v1 =	vld.idx.msk [tilespmem:v0+s19+$0x30 ss:$0x1], $0xffff  }
0x2b: {  	s18 =	sand.u32 $0x3FFFFF80, s31;
	v2 =	vld.idx.msk [tilespmem:v0+s19+$0x40 ss:$0x1], $0xffff  }
0x2c: {  	s18 =	sadd.s32 s18, s15;
	v3 =	vld.idx.msk [tilespmem:v0+s19+$0x50 ss:$0x1], $0xffff  }
0x2d: {  	v4 =	vld.idx.msk [tilespmem:v0+s19+$0x60 ss:$0x1], $0xffff;
	[tilespmem:v0+s18+$0x70 ss:$0x1] =	vst.idx.msk $0xffff, v5  }
0x2e: {  	v5 =	vld.idx.msk [tilespmem:v0+s19+$0x0 ss:$0x1], $0xffff;
	[tilespmem:v0+s18+$0x10 ss:$0x1] =	vst.idx.msk $0xffff, v6;
	s19 =	sadd.s32 $0x80, s19  }
0x2f: {  	p0 =	por p1, p1;
	s20 =	simm.s32 $0x6;
	[tilespmem:v0+s18+$0x20 ss:$0x1] =	vst.idx.msk $0xffff, v7;
	v6 =	vld.idx.msk [tilespmem:v0+s19+$0x70 ss:$0x1], $0xffff  }
.LBB1_5:
0x30: {  	p1 =	sne.s32 s20, $0x1;
	v7 =	vld.idx.msk [tilespmem:v0+s19+$0x10 ss:$0x1], $0xffff;
	[tilespmem:v0+s18+$0x30 ss:$0x1] =	vst.idx.msk $0xffff, v1  }
0x31: {  	v8 =	vld.idx.msk [tilespmem:v0+s19+$0x20 ss:$0x1], $0xffff;
	[tilespmem:v0+s18+$0x40 ss:$0x1] =	vst.idx.msk $0xffff, v2  }
0x32: {  	v1 =	vld.idx.msk [tilespmem:v0+s19+$0x30 ss:$0x1], $0xffff;
	[tilespmem:v0+s18+$0x50 ss:$0x1] =	vst.idx.msk $0xffff, v3  }
.Ltmp3:
0x33: {  	v2 =	vld.idx.msk [tilespmem:v0+s19+$0x40 ss:$0x1], $0xffff;
	[tilespmem:v0+s18+$0x60 ss:$0x1] =	vst.idx.msk $0xffff, v4;
	(pc) =	sbr.rel @p1 .LBB1_5-.Ltmp3, $4  }
0x34: {  	v3 =	vld.idx.msk [tilespmem:v0+s19+$0x50 ss:$0x1], $0xffff;
	[tilespmem:v0+s18+$0x0 ss:$0x1] =	vst.idx.msk $0xffff, v5;
	s18 =	sadd.s32 $0x100, s18  }
0x35: {  	v4 =	vld.idx.msk [tilespmem:v0+s19+$0x60 ss:$0x1], $0xffff;
	[tilespmem:v0+s18+$0x70 ss:$0x1] =	vst.idx.msk $0xffff, v6  }
0x36: {  	v5 =	vld.idx.msk [tilespmem:v0+s19+$0x0 ss:$0x1], $0xffff;
	[tilespmem:v0+s18+$0x10 ss:$0x1] =	vst.idx.msk $0xffff, v7;
	s19 =	sadd.s32 $0x80, s19  }
0x37: {  	s20 =	sadd.s32 $0xFFFFFFFF, s20;
	v6 =	vld.idx.msk [tilespmem:v0+s19+$0x70 ss:$0x1], $0xffff;
	[tilespmem:v0+s18+$0x20 ss:$0x1] =	vst.idx.msk $0xffff, v8  }
0x38: {  	_ =	sdelay $0x3  }
0x39: {  	[tilespmem:v0+s18+$0x30 ss:$0x1] =	vst.idx.msk $0xffff, v1  }
0x3a: {  	v1 =	vld.idx.msk [tilespmem:v0+s19+$0x10 ss:$0x1], $0xffff;
	[tilespmem:v0+s18+$0x40 ss:$0x1] =	vst.idx.msk $0xffff, v2  }
0x3b: {  	v2 =	vld.idx.msk [tilespmem:v0+s19+$0x20 ss:$0x1], $0xffff;
	[tilespmem:v0+s18+$0x50 ss:$0x1] =	vst.idx.msk $0xffff, v3  }
0x3c: {  	v61 =	vld.idx.msk [tilespmem:v0+s19+$0x40 ss:$0x1], $0xffff;
	[tilespmem:v0+s18+$0x60 ss:$0x1] =	vst.idx.msk $0xffff, v4  }
0x3d: {  	s31 =	sadd.s32 $0x100, s18;
	v62 =	vld.idx.msk [tilespmem:v0+s19+$0x50 ss:$0x1], $0xffff;
	[tilespmem:v0+s18+$0x0 ss:$0x1] =	vst.idx.msk $0xffff, v5  }
0x3e: {  	v63 =	vld.idx.msk [tilespmem:v0+s19+$0x60 ss:$0x1], $0xffff;
	[tilespmem:v0+s31+$0x70 ss:$0x1] =	vst.idx.msk $0xffff, v6  }
0x3f: {  	v3 =	vld.idx.msk [tilespmem:v0+s19+$0x30 ss:$0x1], $0xffff;
	[tilespmem:v0+s31+$0x10 ss:$0x1] =	vst.idx.msk $0xffff, v1  }
0x40: {  	v1 =	vld.idx.msk [tilespmem:v0+s19+$0x0 ss:$0x1], $0xffff;
	[tilespmem:v0+s31+$0x20 ss:$0x1] =	vst.idx.msk $0xffff, v2  }
.Ltmp4:
0x41: {  	[tilespmem:v0+s31+$0x40 ss:$0x1] =	vst.idx.msk $0xffff, v61;
	(pc) =	sbr.rel @p0 .LBB1_4-.Ltmp4, $4  }
0x42: {  	[tilespmem:v0+s31+$0x50 ss:$0x1] =	vst.idx.msk $0xffff, v62  }
0x43: {  	[tilespmem:v0+s31+$0x60 ss:$0x1] =	vst.idx.msk $0xffff, v63  }
0x44: {  	[tilespmem:v0+s31+$0x30 ss:$0x1] =	vst.idx.msk $0xffff, v3  }
0x45: {  	p1 =	por $0x0, $0x0;
	s18 =	simm.s32 $0x1;
	[tilespmem:v0+s31+$0x0 ss:$0x1] =	vst.idx.msk $0xffff, v1  }
0x46: {  	s17 =	sadd.s32 $0x1, s17  }
0x47: {  	p0 =	sne.s32 s17, $0x8  }
.Ltmp5:
0x48: {  	_ = 	snop;
	(pc) =	sbr.rel @p0 .LBB1_3-.Ltmp5, $2  }
0x49: {  	_ =	sdelay $0x2  }
0x4a: {  	s16 =	sadd.s32 $0x2000, s16  }
.Ltmp6:
0x4b: {  	(pc) =	sbr.rel .LBB1_9-.Ltmp6, $4  }
0x4c: {  	_ = 	snop  }
0x4d: {  	s12 =	sshll.u32 s12, $0x8  }
0x4e: {  	s12 =	sadd.s32 s4, s12  }
0x4f: {  	[hbm4b:s12+s8] =	stream.linear.scatter [tilespmem:s13], [sflag:$0x2], $0x4000, $0x38;
	[tilespmem:$0x10000] =	vst v63  }
.LBB1_10:
0x50: {  	_ =	sfence.sel $0x180000  }
0x51: {  	s2 =	simm.s32 $0x1;
	[bflag:$0x0] =	sbarrier.arrive $0xFFFF  }
0x52: {  	s31 =	simm.s32 $0x2;
	[sflag:s2] =	ssyncpa.u1 $0x1  }
0x53: {  	[sflag:s31] =	ssyncpa.u1 $0x1  }
0x54: {  	p0 =	sne.s32 s0, $0x0;
	_ =	strace $0x90000047  }
0x55: {  	s0 =	sadd.s32 @!p0 $0x100000, s1;
	[bflag:$0x2] =	sbarrier.arrive $0xFFFF  }
0x56: {  	[sflag:s0] =	ssyncadd.tile.s32 @!p0 $0x1;
	_ =	shalt  }
.Lfunc_end1:
_tile_overlayer_lowered:
.L_overlay_start_2:
0x57: {  	(tag) =	ssettag $0x2  }
0x58: {  	s0 =	rddreg [dreg:$0x0];
	s2 =	stileid.u32  }
0x59: {  	s1 =	rddreg [dreg:$0x1];
	p0 =	sne.s32 s2, $0x0  }
0x5a: {  	s3 =	rddreg [dreg:$0x2];
	[bflag:$0x3] =	sbarrier.arrive $0xFFFF;
	s2 =	simm.s32 @!p0 $0x1C01  }
0x5b: {  	[timem:s3], [sflag:s2] =	dma.local @!p0 [hbm:s0], s1  }
0x5c: {  	s0 =	simm.s32 @!p0 $0x1  }
0x5d: {  	_ =	swait.ge @!p0 [sflag:s0], s1  }
0x5e: {  	s1 =	ssub.s32 @!p0 $0x0, s1;
	[sflag:s0] =	ssyncset.done @!p0 $0x0  }
0x5f: {  	[sflag:s0] =	ssyncadd.s32 @!p0 s1  }
0x60: {  	[bflag:$0x3] =	sbarrier.arrive $0xFFFF  }
0x61: {  	_ =	shalt  }

</sc_bundles>
